<compile_context>
chip_gen: v7x
topology: tpu7x:2x2x1
jax: 0.10.2.dev20260603
libtpu: 0.0.44.dev20260713+nightly
codegen_flags: <defaults>
</compile_context>

<pallas_src>
import functools

import jax
import jax.numpy as jnp
from jax import lax
from jax.experimental import pallas as pl
from jax.experimental.pallas import tpu as pltpu
from jax.experimental.pallas import tpu_sc as plsc

N_NODES = 10000
N_PAD = 10240
N_EDGES = 320000
FEATS = 128
NC = 2
NS = 16
NW = NC * NS

K = 80
CHUNKS = N_EDGES // (NW * K)
ROWS_PER_TILE = N_PAD // NS

_sc_mesh = plsc.VectorSubcoreMesh(
    core_axis_name="c", subcore_axis_name="s", num_cores=NC, num_subcores=NS)


DEG_TILE_E = N_EDGES // NS


@functools.partial(
    pl.kernel,
    out_type=jax.ShapeDtypeStruct((NC, N_PAD), jnp.float32),
    mesh=_sc_mesh,
    compiler_params=pltpu.CompilerParams(needs_layout_passes=False),
    scratch_types=[
        pltpu.VMEM((DEG_TILE_E,), jnp.int32),
        pltpu.VMEM((N_PAD,), jnp.float32),
        pltpu.VMEM((NS, N_PAD // NS), jnp.float32),
        pltpu.VMEM((N_PAD // NS,), jnp.float32),
        pltpu.VMEM_SHARED((NS, N_PAD), jnp.float32),
    ],
)
def _deg_kernel(idx3_hbm, zeros_hbm, deg_hbm, idx_v, hist_v, red_v, res_v,
                hist_sh):
    cid = lax.axis_index("c")
    sid = lax.axis_index("s")
    pltpu.sync_copy(zeros_hbm, hist_v)
    pltpu.sync_copy(idx3_hbm.at[cid, sid], idx_v)
    ones16 = jnp.full((16,), 1.0, jnp.float32)

    def step(i, c):
        idx16 = idx_v[pl.ds(i * 16, 16)]
        plsc.addupdate_scatter(hist_v, [idx16], ones16)
        return c

    lax.fori_loop(0, DEG_TILE_E // 16, step, 0)
    pltpu.sync_copy(hist_v, hist_sh.at[sid])
    plsc.subcore_barrier()
    pltpu.sync_copy(hist_sh.at[:, pl.ds(sid * ROWS_PER_TILE, ROWS_PER_TILE)],
                    red_v)

    def red(g, c):
        acc = jnp.zeros((16,), jnp.float32)
        for r in range(NS):
            acc = acc + red_v[r, pl.ds(g * 16, 16)]
        res_v[pl.ds(g * 16, 16)] = acc
        return c

    lax.fori_loop(0, ROWS_PER_TILE // 16, red, 0)
    pltpu.sync_copy(res_v,
                    deg_hbm.at[cid, pl.ds(sid * ROWS_PER_TILE, ROWS_PER_TILE)])




NB = 4
NPAIR = 8
STEP = 8
MAIN = ((CHUNKS - 5) // STEP) * STEP


@functools.partial(
    pl.kernel,
    out_type=jax.ShapeDtypeStruct((NC, N_PAD, FEATS), jnp.float32),
    mesh=_sc_mesh,
    scratch_types=[
        pltpu.VMEM((NPAIR, 2, K), jnp.int32),
        pltpu.VMEM((NB, K, FEATS), jnp.float32),
        pltpu.VMEM_SHARED((N_PAD, FEATS), jnp.float32),
        [pltpu.SemaphoreType.DMA] * NPAIR,
        [pltpu.SemaphoreType.DMA] * NB,
        [pltpu.SemaphoreType.DMA] * NB,
    ],
)
def _edge_kernel(y_hbm, pairs_hbm, zeros_hbm, z_hbm,
                 pring, rows, z_sh, sp, sg, ss):
    cid = lax.axis_index("c")
    sid = lax.axis_index("s")
    wid = cid * NS + sid

    pltpu.sync_copy(zeros_hbm,
                    z_sh.at[pl.ds(sid * ROWS_PER_TILE, ROWS_PER_TILE)])
    plsc.subcore_barrier()

    def pair_dma(j, p):
        return pltpu.async_copy(pairs_hbm.at[wid, j], pring.at[p], sp[p])

    def wait_pair(j, p):
        pltpu.make_async_copy(pairs_hbm.at[wid, j], pring.at[p], sp[p]).wait()

    def gather(j, p, b):
        del j
        return pltpu.async_copy(y_hbm.at[pring.at[p, 0]], rows.at[b], sg[b])

    def wait_gather(j, p, b):
        del j
        pltpu.make_async_copy(y_hbm.at[pring.at[p, 0]], rows.at[b],
                              sg[b]).wait()

    def scatter(j, p, b):
        del j
        return pltpu.async_copy(rows.at[b], z_sh.at[pring.at[p, 1]], ss[b],
                                add=True)

    def wait_scatter_slot(b):
        pltpu.make_async_copy(rows.at[b], z_sh.at[pring.at[0, 1]], ss[b]).wait()

    for j in range(4):
        pair_dma(j, j)
    for j in range(2):
        wait_pair(j, j)
        gather(j, j, j)

    def slot(j, b, p, i, first):
        wait_gather(j, p, b)
        scatter(j, p, b)
        bn = (b + 2) % NB
        if first:
            @pl.when(i > 0)
            def _():
                wait_scatter_slot(bn)
        else:
            wait_scatter_slot(bn)
        pn = (p + 2) % NPAIR
        wait_pair(j + 2, pn)
        gather(j + 2, pn, bn)
        pair_dma(j + 4, (p + 4) % NPAIR)

    def body(i, carry):
        j0 = i * STEP
        for b in range(STEP):
            slot(j0 + b, b % NB, b, i, first=(b < 2))
        return carry

    lax.fori_loop(0, MAIN // STEP, body, 0)

    for j in range(MAIN, CHUNKS):
        b = j % NB
        p = j % NPAIR
        wait_gather(j, p, b)
        scatter(j, p, b)
        wait_scatter_slot((b + 2) % NB)
        if j + 2 < CHUNKS:
            pn = (p + 2) % NPAIR
            wait_pair(j + 2, pn)
            gather(j + 2, pn, (b + 2) % NB)
        if j + 4 < CHUNKS:
            pair_dma(j + 4, (p + 4) % NPAIR)
    wait_scatter_slot((CHUNKS - 1) % NB)
    wait_scatter_slot((CHUNKS - 2) % NB)
    plsc.subcore_barrier()
    pltpu.sync_copy(z_sh.at[pl.ds(sid * ROWS_PER_TILE, ROWS_PER_TILE)],
                    z_hbm.at[cid, pl.ds(sid * ROWS_PER_TILE, ROWS_PER_TILE)])


_BLK = 1024
_GRID = N_PAD // _BLK


def _norms(degs_blk):
    ns = lax.rsqrt(jnp.maximum(degs_blk[0], 1.0))
    nd = lax.rsqrt(jnp.maximum(degs_blk[1], 1.0))
    return ns, nd


def _mm1_body(x_ref, w_ref, degs_ref, y_ref):
    p = jnp.dot(x_ref[...], w_ref[...], preferred_element_type=jnp.float32)
    ns, _ = _norms(degs_ref)
    y_ref[...] = p * ns[:, None]


def _layer2_body(z_ref, degs_ref, b1_ref, w2_ref, y_ref):
    z = z_ref[0] + z_ref[1]
    ns, nd = _norms(degs_ref)
    x = jnp.maximum(z * nd[:, None] + b1_ref[...], 0.0)
    p = jnp.dot(x, w2_ref[...], preferred_element_type=jnp.float32)
    y_ref[...] = p * ns[:, None]


def _final_body(z_ref, degs_ref, b2_ref, wfc_ref, bfc_ref, out_ref, acc_ref):
    i = pl.program_id(0)
    z = z_ref[0] + z_ref[1]
    _, nd = _norms(degs_ref)
    x = jnp.maximum(z * nd[:, None] + b2_ref[...], 0.0)
    rid = i * _BLK + lax.broadcasted_iota(jnp.int32, (_BLK, 1), 0)
    x = jnp.where(rid < N_NODES, x, 0.0)
    s = jnp.sum(x, axis=0, keepdims=True)

    @pl.when(i == 0)
    def _():
        acc_ref[...] = s

    @pl.when(i > 0)
    def _():
        acc_ref[...] = acc_ref[...] + s

    @pl.when(i == _GRID - 1)
    def _():
        pooled = acc_ref[...] * (1.0 / N_NODES)
        out_ref[...] = (
            jnp.dot(pooled, wfc_ref[...], preferred_element_type=jnp.float32)
            + bfc_ref[...])


_degs_spec = pl.BlockSpec((NC, _BLK), lambda i: (0, i))
_row_spec = pl.BlockSpec((_BLK, FEATS), lambda i: (i, 0))
_z_spec = pl.BlockSpec((NC, _BLK, FEATS), lambda i: (0, i, 0))


def _mm1(features, w1, degs):
    return pl.pallas_call(
        _mm1_body,
        grid=(_GRID,),
        in_specs=[
            _row_spec,
            pl.BlockSpec((FEATS, FEATS), lambda i: (0, 0)),
            _degs_spec,
        ],
        out_specs=_row_spec,
        out_shape=jax.ShapeDtypeStruct((N_PAD, FEATS), jnp.float32),
    )(features, w1, degs)


def _layer2(z, degs, b1, w2):
    return pl.pallas_call(
        _layer2_body,
        grid=(_GRID,),
        in_specs=[
            _z_spec,
            _degs_spec,
            pl.BlockSpec((1, FEATS), lambda i: (0, 0)),
            pl.BlockSpec((FEATS, FEATS), lambda i: (0, 0)),
        ],
        out_specs=_row_spec,
        out_shape=jax.ShapeDtypeStruct((N_PAD, FEATS), jnp.float32),
    )(z, degs, b1, w2)


def _final(z, degs, b2, wfc, bfc):
    ncls = wfc.shape[1]
    return pl.pallas_call(
        _final_body,
        grid=(_GRID,),
        in_specs=[
            _z_spec,
            _degs_spec,
            pl.BlockSpec((1, FEATS), lambda i: (0, 0)),
            pl.BlockSpec((FEATS, ncls), lambda i: (0, 0)),
            pl.BlockSpec((1, ncls), lambda i: (0, 0)),
        ],
        out_specs=pl.BlockSpec((1, ncls), lambda i: (0, 0)),
        out_shape=jax.ShapeDtypeStruct((1, ncls), jnp.float32),
        scratch_shapes=[pltpu.VMEM((1, FEATS), jnp.float32)],
        compiler_params=pltpu.CompilerParams(
            dimension_semantics=("arbitrary",)),
    )(z, degs, b2, wfc, bfc)


def kernel(features, edge_index, W1, b1, W2, b2, Wfc, bfc):
    ei = edge_index.astype(jnp.int32)
    idx3 = ei.reshape(2, NS, DEG_TILE_E)
    pairs = jnp.stack([ei[0].reshape(NW, CHUNKS, K),
                       ei[1].reshape(NW, CHUNKS, K)], axis=2)
    zeros = jnp.zeros((ROWS_PER_TILE, FEATS), jnp.float32)

    degs = _deg_kernel(idx3, jnp.zeros((N_PAD,), jnp.float32))
    features_p = jnp.zeros((N_PAD, FEATS), jnp.float32).at[:N_NODES].set(features)
    y1 = _mm1(features_p, W1, degs)
    z1 = _edge_kernel(y1, pairs, zeros)
    y2 = _layer2(z1, degs, b1.reshape(1, FEATS), W2)
    z2 = _edge_kernel(y2, pairs, zeros)
    out = _final(z2, degs, b2.reshape(1, FEATS), Wfc, bfc.reshape(1, -1))
    return out

# --- scband reference (transcript-rebuilt; emitter-appended) ---
"""Pipeline reference for scband-gnn-41214506172827 (READ-ONLY COPY).

The authoritative reference and input builder live on the scoring server;
editing this copy changes nothing except your own understanding.
"""

import jax, jax.numpy as jnp
import numpy as np

N_NODES = 10000
N_EDGES = 320000
IN_FEATS = 128
HIDDEN = 128
NUM_CLASSES = 40


def setup_inputs(seed: int = 0) -> dict:
    key = jax.random.key(seed)
    k1, k2, k3, k4, k5, k6, k7, k8 = jax.random.split(key, 8)
    features = jax.random.normal(k1, (N_NODES, IN_FEATS), dtype=jnp.float32)
    edge_index = jax.random.randint(k2, (2, N_EDGES), 0, N_NODES, dtype=jnp.int64)
    s1 = 1.0 / np.sqrt(IN_FEATS)
    s2 = 1.0 / np.sqrt(HIDDEN)
    W1 = jax.random.uniform(k3, (IN_FEATS, HIDDEN), jnp.float32, -s1, s1)
    b1 = jnp.zeros((HIDDEN,), jnp.float32)
    W2 = jax.random.uniform(k4, (HIDDEN, HIDDEN), jnp.float32, -s2, s2)
    b2 = jnp.zeros((HIDDEN,), jnp.float32)
    Wfc = jax.random.uniform(k5, (HIDDEN, NUM_CLASSES), jnp.float32, -s2, s2)
    bfc = jax.random.uniform(k6, (NUM_CLASSES,), jnp.float32, -s2, s2)
    return {"features": features, "edge_index": edge_index, "W1": W1, "b1": b1,
            "W2": W2, "b2": b2, "Wfc": Wfc, "bfc": bfc}


def _graph_conv(x, src, dst, W, b):
    # DGL GraphConv with norm='both': h = D_dst^{-1/2} A D_src^{-1/2} x W + b
    n = x.shape[0]
    ones = jnp.ones((src.shape[0],), jnp.float32)
    out_deg = jnp.zeros((n,), jnp.float32).at[src].add(ones)
    in_deg = jnp.zeros((n,), jnp.float32).at[dst].add(ones)
    norm_src = jax.lax.rsqrt(jnp.clip(out_deg, 1.0, None))
    norm_dst = jax.lax.rsqrt(jnp.clip(in_deg, 1.0, None))
    h = x * norm_src[:, None]
    agg = jnp.zeros((n, x.shape[1]), x.dtype).at[dst].add(h[src])
    agg = agg * norm_dst[:, None]
    return agg @ W + b


def reference(features, edge_index, W1, b1, W2, b2, Wfc, bfc):
    src = edge_index[0]
    dst = edge_index[1]
    x = jax.nn.relu(_graph_conv(features, src, dst, W1, b1))
    x = jax.nn.relu(_graph_conv(x, src, dst, W2, b2))
    # dgl.mean_nodes over a single graph -> [1, hidden]
    x = jnp.mean(x, axis=0, keepdims=True)
    out = x @ Wfc + bfc
    return out

if __name__ == "__main__":
    import jax
    _d = setup_inputs()
    print(jax.jit(kernel)(*tuple(_d.values())))

</pallas_src>

<mosaic_0001>
#map = affine_map<(d0, d1) -> (0, 0)>
#map1 = affine_map<(d0, d1) -> (0, 0, 0, 0)>
#map2 = affine_map<(d0, d1) -> (0, 0, 0)>
module attributes {stable_mosaic.version = 14 : i64} {
  func.func @_edge_kernel(%arg0: i32, %arg1: i32, %arg2: memref<10240x128xf32, #tpu.memory_space<hbm>>, %arg3: memref<32x125x2x80xi32, #tpu.memory_space<hbm>>, %arg4: memref<640x128xf32, #tpu.memory_space<hbm>>, %arg5: memref<2x10240x128xf32, #tpu.memory_space<hbm>>, %arg6: memref<8x2x80xi32, #tpu.memory_space<vmem>>, %arg7: memref<4x80x128xf32, #tpu.memory_space<vmem>>, %arg8: memref<10240x128xf32, #tpu.memory_space<vmem_shared>>, %arg9: memref<!tpu.dma_semaphore, #tpu.memory_space<semaphore_mem>>, %arg10: memref<!tpu.dma_semaphore, #tpu.memory_space<semaphore_mem>>, %arg11: memref<!tpu.dma_semaphore, #tpu.memory_space<semaphore_mem>>, %arg12: memref<!tpu.dma_semaphore, #tpu.memory_space<semaphore_mem>>, %arg13: memref<!tpu.dma_semaphore, #tpu.memory_space<semaphore_mem>>, %arg14: memref<!tpu.dma_semaphore, #tpu.memory_space<semaphore_mem>>, %arg15: memref<!tpu.dma_semaphore, #tpu.memory_space<semaphore_mem>>, %arg16: memref<!tpu.dma_semaphore, #tpu.memory_space<semaphore_mem>>, %arg17: memref<!tpu.dma_semaphore, #tpu.memory_space<semaphore_mem>>, %arg18: memref<!tpu.dma_semaphore, #tpu.memory_space<semaphore_mem>>, %arg19: memref<!tpu.dma_semaphore, #tpu.memory_space<semaphore_mem>>, %arg20: memref<!tpu.dma_semaphore, #tpu.memory_space<semaphore_mem>>, %arg21: memref<!tpu.dma_semaphore, #tpu.memory_space<semaphore_mem>>, %arg22: memref<!tpu.dma_semaphore, #tpu.memory_space<semaphore_mem>>, %arg23: memref<!tpu.dma_semaphore, #tpu.memory_space<semaphore_mem>>, %arg24: memref<!tpu.dma_semaphore, #tpu.memory_space<semaphore_mem>>) attributes {dimension_semantics = [#tpu.dimension_semantics<core_parallel>, #tpu.dimension_semantics<subcore_parallel>], iteration_bounds = array<i64: 2, 16>, scalar_prefetch = 0 : i64, scratch_operands = 19 : i64, tpu.core_type = #tpu.core_type<sc_vector_subcore>, window_params = [{transform_indices = #map}, {transform_indices = #map1}, {transform_indices = #map}, {transform_indices = #map2}]} {
    %mul3A = arith.constant 16 : i32
    %mul3A_0 = arith.muli %arg0, %mul3A : i32
    %add3A = arith.addi %mul3A_0, %arg1 : i32
    %mul3A_1 = arith.constant 640 : i32
    %mul3A_2 = arith.muli %arg1, %mul3A_1 : i32
    "tpu.region"() ({
      %run_scoped3A = tpu.sem_alloc : memref<!tpu.dma_semaphore, #tpu.memory_space<semaphore_mem>>
      %dma_start3A_477 = arith.constant 0 : i32
      %dma_start3A_478 = tpu.memref_slice %arg8[%mul3A_2, %dma_start3A_477] : memref<10240x128xf32, #tpu.memory_space<vmem_shared>> -> memref<640x128xf32, #tpu.memory_space<vmem_shared>>
      tpu.enqueue_dma source(%arg4 : memref<640x128xf32, #tpu.memory_space<hbm>>) target(%dma_start3A_478 : memref<640x128xf32, #tpu.memory_space<vmem_shared>>) target_semaphore(%run_scoped3A : memref<!tpu.dma_semaphore, #tpu.memory_space<semaphore_mem>>)
      %dma_wait3A_479 = arith.constant 0 : i32
      %dma_wait3A_480 = tpu.memref_slice %arg8[%mul3A_2, %dma_wait3A_479] : memref<10240x128xf32, #tpu.memory_space<vmem_shared>> -> memref<640x128xf32, #tpu.memory_space<vmem_shared>>
      tpu.wait_dma2 semaphore(%run_scoped3A : memref<!tpu.dma_semaphore, #tpu.memory_space<semaphore_mem>>) src(%arg4 : memref<640x128xf32, #tpu.memory_space<hbm>>) dst(%dma_wait3A_480 : memref<640x128xf32, #tpu.memory_space<vmem_shared>>)
      tpu.yield
    }) : () -> ()
    %barrier3A = arith.constant 0 : index
    tpu.barrier barrier_id(%barrier3A)
    %dma_start3A = arith.constant 0 : i32
    %dma_start3A_3 = arith.constant 0 : i32
    %dma_start3A_4 = arith.constant 0 : i32
    %dma_start3A_5 = arith.constant 0 : i32
    %dma_start3A_6 = tpu.memref_slice %arg6[%dma_start3A_3, %dma_start3A_4, %dma_start3A_5] : memref<8x2x80xi32, #tpu.memory_space<vmem>> -> memref<1x2x80xi32, #tpu.memory_space<vmem>>
    %dma_start3A_7 = tpu.memref_squeeze %dma_start3A_6 : memref<1x2x80xi32, #tpu.memory_space<vmem>> -> memref<2x80xi32, #tpu.memory_space<vmem>>
    %dma_start3A_8 = arith.constant 0 : i32
    %dma_start3A_9 = arith.constant 0 : i32
    %dma_start3A_10 = tpu.memref_slice %arg3[%add3A, %dma_start3A, %dma_start3A_8, %dma_start3A_9] : memref<32x125x2x80xi32, #tpu.memory_space<hbm>> -> memref<1x1x2x80xi32, #tpu.memory_space<hbm>>
    %dma_start3A_11 = tpu.memref_squeeze %dma_start3A_10 : memref<1x1x2x80xi32, #tpu.memory_space<hbm>> -> memref<2x80xi32, #tpu.memory_space<hbm>>
    %dma_start3A_12 = arith.constant 0 : i32
    %dma_start3A_13 = arith.constant 0 : i32
    %dma_start3A_14 = tpu.memref_slice %arg6[%dma_start3A_3, %dma_start3A_12, %dma_start3A_13] : memref<8x2x80xi32, #tpu.memory_space<vmem>> -> memref<1x2x80xi32, #tpu.memory_space<vmem>>
    %dma_start3A_15 = tpu.memref_squeeze %dma_start3A_14 : memref<1x2x80xi32, #tpu.memory_space<vmem>> -> memref<2x80xi32, #tpu.memory_space<vmem>>
    %dma_start3A_16 = arith.constant 0 : i32
    %dma_start3A_17 = arith.constant 0 : i32
    %dma_start3A_18 = tpu.memref_slice %arg3[%add3A, %dma_start3A, %dma_start3A_16, %dma_start3A_17] : memref<32x125x2x80xi32, #tpu.memory_space<hbm>> -> memref<1x1x2x80xi32, #tpu.memory_space<hbm>>
    %dma_start3A_19 = tpu.memref_squeeze %dma_start3A_18 : memref<1x1x2x80xi32, #tpu.memory_space<hbm>> -> memref<2x80xi32, #tpu.memory_space<hbm>>
    tpu.enqueue_dma source(%dma_start3A_19 : memref<2x80xi32, #tpu.memory_space<hbm>>) target(%dma_start3A_15 : memref<2x80xi32, #tpu.memory_space<vmem>>) target_semaphore(%arg9 : memref<!tpu.dma_semaphore, #tpu.memory_space<semaphore_mem>>)
    %dma_start3A_20 = arith.constant 1 : i32
    %dma_start3A_21 = arith.constant 1 : i32
    %dma_start3A_22 = arith.constant 0 : i32
    %dma_start3A_23 = arith.constant 0 : i32
    %dma_start3A_24 = tpu.memref_slice %arg6[%dma_start3A_21, %dma_start3A_22, %dma_start3A_23] : memref<8x2x80xi32, #tpu.memory_space<vmem>> -> memref<1x2x80xi32, #tpu.memory_space<vmem>>
    %dma_start3A_25 = tpu.memref_squeeze %dma_start3A_24 : memref<1x2x80xi32, #tpu.memory_space<vmem>> -> memref<2x80xi32, #tpu.memory_space<vmem>>
    %dma_start3A_26 = arith.constant 0 : i32
    %dma_start3A_27 = arith.constant 0 : i32
    %dma_start3A_28 = tpu.memref_slice %arg3[%add3A, %dma_start3A_20, %dma_start3A_26, %dma_start3A_27] : memref<32x125x2x80xi32, #tpu.memory_space<hbm>> -> memref<1x1x2x80xi32, #tpu.memory_space<hbm>>
    %dma_start3A_29 = tpu.memref_squeeze %dma_start3A_28 : memref<1x1x2x80xi32, #tpu.memory_space<hbm>> -> memref<2x80xi32, #tpu.memory_space<hbm>>
    %dma_start3A_30 = arith.constant 0 : i32
    %dma_start3A_31 = arith.constant 0 : i32
    %dma_start3A_32 = tpu.memref_slice %arg6[%dma_start3A_21, %dma_start3A_30, %dma_start3A_31] : memref<8x2x80xi32, #tpu.memory_space<vmem>> -> memref<1x2x80xi32, #tpu.memory_space<vmem>>
    %dma_start3A_33 = tpu.memref_squeeze %dma_start3A_32 : memref<1x2x80xi32, #tpu.memory_space<vmem>> -> memref<2x80xi32, #tpu.memory_space<vmem>>
    %dma_start3A_34 = arith.constant 0 : i32
    %dma_start3A_35 = arith.constant 0 : i32
    %dma_start3A_36 = tpu.memref_slice %arg3[%add3A, %dma_start3A_20, %dma_start3A_34, %dma_start3A_35] : memref<32x125x2x80xi32, #tpu.memory_space<hbm>> -> memref<1x1x2x80xi32, #tpu.memory_space<hbm>>
    %dma_start3A_37 = tpu.memref_squeeze %dma_start3A_36 : memref<1x1x2x80xi32, #tpu.memory_space<hbm>> -> memref<2x80xi32, #tpu.memory_space<hbm>>
    tpu.enqueue_dma source(%dma_start3A_37 : memref<2x80xi32, #tpu.memory_space<hbm>>) target(%dma_start3A_33 : memref<2x80xi32, #tpu.memory_space<vmem>>) target_semaphore(%arg10 : memref<!tpu.dma_semaphore, #tpu.memory_space<semaphore_mem>>)
    %dma_start3A_38 = arith.constant 2 : i32
    %dma_start3A_39 = arith.constant 2 : i32
    %dma_start3A_40 = arith.constant 0 : i32
    %dma_start3A_41 = arith.constant 0 : i32
    %dma_start3A_42 = tpu.memref_slice %arg6[%dma_start3A_39, %dma_start3A_40, %dma_start3A_41] : memref<8x2x80xi32, #tpu.memory_space<vmem>> -> memref<1x2x80xi32, #tpu.memory_space<vmem>>
    %dma_start3A_43 = tpu.memref_squeeze %dma_start3A_42 : memref<1x2x80xi32, #tpu.memory_space<vmem>> -> memref<2x80xi32, #tpu.memory_space<vmem>>
    %dma_start3A_44 = arith.constant 0 : i32
    %dma_start3A_45 = arith.constant 0 : i32
    %dma_start3A_46 = tpu.memref_slice %arg3[%add3A, %dma_start3A_38, %dma_start3A_44, %dma_start3A_45] : memref<32x125x2x80xi32, #tpu.memory_space<hbm>> -> memref<1x1x2x80xi32, #tpu.memory_space<hbm>>
    %dma_start3A_47 = tpu.memref_squeeze %dma_start3A_46 : memref<1x1x2x80xi32, #tpu.memory_space<hbm>> -> memref<2x80xi32, #tpu.memory_space<hbm>>
    %dma_start3A_48 = arith.constant 0 : i32
    %dma_start3A_49 = arith.constant 0 : i32
    %dma_start3A_50 = tpu.memref_slice %arg6[%dma_start3A_39, %dma_start3A_48, %dma_start3A_49] : memref<8x2x80xi32, #tpu.memory_space<vmem>> -> memref<1x2x80xi32, #tpu.memory_space<vmem>>
    %dma_start3A_51 = tpu.memref_squeeze %dma_start3A_50 : memref<1x2x80xi32, #tpu.memory_space<vmem>> -> memref<2x80xi32, #tpu.memory_space<vmem>>
    %dma_start3A_52 = arith.constant 0 : i32
    %dma_start3A_53 = arith.constant 0 : i32
    %dma_start3A_54 = tpu.memref_slice %arg3[%add3A, %dma_start3A_38, %dma_start3A_52, %dma_start3A_53] : memref<32x125x2x80xi32, #tpu.memory_space<hbm>> -> memref<1x1x2x80xi32, #tpu.memory_space<hbm>>
    %dma_start3A_55 = tpu.memref_squeeze %dma_start3A_54 : memref<1x1x2x80xi32, #tpu.memory_space<hbm>> -> memref<2x80xi32, #tpu.memory_space<hbm>>
    tpu.enqueue_dma source(%dma_start3A_55 : memref<2x80xi32, #tpu.memory_space<hbm>>) target(%dma_start3A_51 : memref<2x80xi32, #tpu.memory_space<vmem>>) target_semaphore(%arg11 : memref<!tpu.dma_semaphore, #tpu.memory_space<semaphore_mem>>)
    %dma_start3A_56 = arith.constant 3 : i32
    %dma_start3A_57 = arith.constant 3 : i32
    %dma_start3A_58 = arith.constant 0 : i32
    %dma_start3A_59 = arith.constant 0 : i32
    %dma_start3A_60 = tpu.memref_slice %arg6[%dma_start3A_57, %dma_start3A_58, %dma_start3A_59] : memref<8x2x80xi32, #tpu.memory_space<vmem>> -> memref<1x2x80xi32, #tpu.memory_space<vmem>>
    %dma_start3A_61 = tpu.memref_squeeze %dma_start3A_60 : memref<1x2x80xi32, #tpu.memory_space<vmem>> -> memref<2x80xi32, #tpu.memory_space<vmem>>
    %dma_start3A_62 = arith.constant 0 : i32
    %dma_start3A_63 = arith.constant 0 : i32
    %dma_start3A_64 = tpu.memref_slice %arg3[%add3A, %dma_start3A_56, %dma_start3A_62, %dma_start3A_63] : memref<32x125x2x80xi32, #tpu.memory_space<hbm>> -> memref<1x1x2x80xi32, #tpu.memory_space<hbm>>
    %dma_start3A_65 = tpu.memref_squeeze %dma_start3A_64 : memref<1x1x2x80xi32, #tpu.memory_space<hbm>> -> memref<2x80xi32, #tpu.memory_space<hbm>>
    %dma_start3A_66 = arith.constant 0 : i32
    %dma_start3A_67 = arith.constant 0 : i32
    %dma_start3A_68 = tpu.memref_slice %arg6[%dma_start3A_57, %dma_start3A_66, %dma_start3A_67] : memref<8x2x80xi32, #tpu.memory_space<vmem>> -> memref<1x2x80xi32, #tpu.memory_space<vmem>>
    %dma_start3A_69 = tpu.memref_squeeze %dma_start3A_68 : memref<1x2x80xi32, #tpu.memory_space<vmem>> -> memref<2x80xi32, #tpu.memory_space<vmem>>
    %dma_start3A_70 = arith.constant 0 : i32
    %dma_start3A_71 = arith.constant 0 : i32
    %dma_start3A_72 = tpu.memref_slice %arg3[%add3A, %dma_start3A_56, %dma_start3A_70, %dma_start3A_71] : memref<32x125x2x80xi32, #tpu.memory_space<hbm>> -> memref<1x1x2x80xi32, #tpu.memory_space<hbm>>
    %dma_start3A_73 = tpu.memref_squeeze %dma_start3A_72 : memref<1x1x2x80xi32, #tpu.memory_space<hbm>> -> memref<2x80xi32, #tpu.memory_space<hbm>>
    tpu.enqueue_dma source(%dma_start3A_73 : memref<2x80xi32, #tpu.memory_space<hbm>>) target(%dma_start3A_69 : memref<2x80xi32, #tpu.memory_space<vmem>>) target_semaphore(%arg12 : memref<!tpu.dma_semaphore, #tpu.memory_space<semaphore_mem>>)
    %dma_wait3A = arith.constant 0 : i32
    %dma_wait3A_74 = arith.constant 0 : i32
    %dma_wait3A_75 = arith.constant 0 : i32
    %dma_wait3A_76 = arith.constant 0 : i32
    %dma_wait3A_77 = tpu.memref_slice %arg6[%dma_wait3A_74, %dma_wait3A_75, %dma_wait3A_76] : memref<8x2x80xi32, #tpu.memory_space<vmem>> -> memref<1x2x80xi32, #tpu.memory_space<vmem>>
    %dma_wait3A_78 = tpu.memref_squeeze %dma_wait3A_77 : memref<1x2x80xi32, #tpu.memory_space<vmem>> -> memref<2x80xi32, #tpu.memory_space<vmem>>
    %dma_wait3A_79 = arith.constant 0 : i32
    %dma_wait3A_80 = arith.constant 0 : i32
    %dma_wait3A_81 = tpu.memref_slice %arg3[%add3A, %dma_wait3A, %dma_wait3A_79, %dma_wait3A_80] : memref<32x125x2x80xi32, #tpu.memory_space<hbm>> -> memref<1x1x2x80xi32, #tpu.memory_space<hbm>>
    %dma_wait3A_82 = tpu.memref_squeeze %dma_wait3A_81 : memref<1x1x2x80xi32, #tpu.memory_space<hbm>> -> memref<2x80xi32, #tpu.memory_space<hbm>>
    %dma_wait3A_83 = arith.constant 0 : i32
    %dma_wait3A_84 = arith.constant 0 : i32
    %dma_wait3A_85 = tpu.memref_slice %arg6[%dma_wait3A_74, %dma_wait3A_83, %dma_wait3A_84] : memref<8x2x80xi32, #tpu.memory_space<vmem>> -> memref<1x2x80xi32, #tpu.memory_space<vmem>>
    %dma_wait3A_86 = tpu.memref_squeeze %dma_wait3A_85 : memref<1x2x80xi32, #tpu.memory_space<vmem>> -> memref<2x80xi32, #tpu.memory_space<vmem>>
    %dma_wait3A_87 = arith.constant 0 : i32
    %dma_wait3A_88 = arith.constant 0 : i32
    %dma_wait3A_89 = tpu.memref_slice %arg3[%add3A, %dma_wait3A, %dma_wait3A_87, %dma_wait3A_88] : memref<32x125x2x80xi32, #tpu.memory_space<hbm>> -> memref<1x1x2x80xi32, #tpu.memory_space<hbm>>
    %dma_wait3A_90 = tpu.memref_squeeze %dma_wait3A_89 : memref<1x1x2x80xi32, #tpu.memory_space<hbm>> -> memref<2x80xi32, #tpu.memory_space<hbm>>
    tpu.wait_dma2 semaphore(%arg9 : memref<!tpu.dma_semaphore, #tpu.memory_space<semaphore_mem>>) src(%dma_wait3A_90 : memref<2x80xi32, #tpu.memory_space<hbm>>) dst(%dma_wait3A_86 : memref<2x80xi32, #tpu.memory_space<vmem>>)
    %dma_start3A_91 = arith.constant 0 : i32
    %dma_start3A_92 = arith.constant 0 : i32
    %dma_start3A_93 = arith.constant 0 : i32
    %dma_start3A_94 = arith.constant 0 : i32
    %dma_start3A_95 = arith.constant 0 : i32
    %dma_start3A_96 = tpu.memref_slice %arg7[%dma_start3A_93, %dma_start3A_94, %dma_start3A_95] : memref<4x80x128xf32, #tpu.memory_space<vmem>> -> memref<1x80x128xf32, #tpu.memory_space<vmem>>
    %dma_start3A_97 = tpu.memref_squeeze %dma_start3A_96 : memref<1x80x128xf32, #tpu.memory_space<vmem>> -> memref<80x128xf32, #tpu.memory_space<vmem>>
    %dma_start3A_98 = arith.constant 0 : i32
    %dma_start3A_99 = tpu.memref_slice %arg6[%dma_start3A_91, %dma_start3A_92, %dma_start3A_98] : memref<8x2x80xi32, #tpu.memory_space<vmem>> -> memref<1x1x80xi32, #tpu.memory_space<vmem>>
    %dma_start3A_100 = tpu.memref_squeeze %dma_start3A_99 : memref<1x1x80xi32, #tpu.memory_space<vmem>> -> memref<80xi32, #tpu.memory_space<vmem>>
    %dma_start3A_101 = arith.constant 0 : i32
    %dma_start3A_102 = arith.constant 0 : i32
    %dma_start3A_103 = tpu.memref_slice %arg2[%dma_start3A_101, %dma_start3A_102] : memref<10240x128xf32, #tpu.memory_space<hbm>> -> memref<10240x128xf32, #tpu.memory_space<hbm>>
    tpu.enqueue_indirect_dma source(%dma_start3A_103 : memref<10240x128xf32, #tpu.memory_space<hbm>>) target(%dma_start3A_97 : memref<80x128xf32, #tpu.memory_space<vmem>>) offsets(%dma_start3A_100 : memref<80xi32, #tpu.memory_space<vmem>>) semaphore(%arg17 : memref<!tpu.dma_semaphore, #tpu.memory_space<semaphore_mem>>)
    %dma_wait3A_104 = arith.constant 1 : i32
    %dma_wait3A_105 = arith.constant 1 : i32
    %dma_wait3A_106 = arith.constant 0 : i32
    %dma_wait3A_107 = arith.constant 0 : i32
    %dma_wait3A_108 = tpu.memref_slice %arg6[%dma_wait3A_105, %dma_wait3A_106, %dma_wait3A_107] : memref<8x2x80xi32, #tpu.memory_space<vmem>> -> memref<1x2x80xi32, #tpu.memory_space<vmem>>
    %dma_wait3A_109 = tpu.memref_squeeze %dma_wait3A_108 : memref<1x2x80xi32, #tpu.memory_space<vmem>> -> memref<2x80xi32, #tpu.memory_space<vmem>>
    %dma_wait3A_110 = arith.constant 0 : i32
    %dma_wait3A_111 = arith.constant 0 : i32
    %dma_wait3A_112 = tpu.memref_slice %arg3[%add3A, %dma_wait3A_104, %dma_wait3A_110, %dma_wait3A_111] : memref<32x125x2x80xi32, #tpu.memory_space<hbm>> -> memref<1x1x2x80xi32, #tpu.memory_space<hbm>>
    %dma_wait3A_113 = tpu.memref_squeeze %dma_wait3A_112 : memref<1x1x2x80xi32, #tpu.memory_space<hbm>> -> memref<2x80xi32, #tpu.memory_space<hbm>>
    %dma_wait3A_114 = arith.constant 0 : i32
    %dma_wait3A_115 = arith.constant 0 : i32
    %dma_wait3A_116 = tpu.memref_slice %arg6[%dma_wait3A_105, %dma_wait3A_114, %dma_wait3A_115] : memref<8x2x80xi32, #tpu.memory_space<vmem>> -> memref<1x2x80xi32, #tpu.memory_space<vmem>>
    %dma_wait3A_117 = tpu.memref_squeeze %dma_wait3A_116 : memref<1x2x80xi32, #tpu.memory_space<vmem>> -> memref<2x80xi32, #tpu.memory_space<vmem>>
    %dma_wait3A_118 = arith.constant 0 : i32
    %dma_wait3A_119 = arith.constant 0 : i32
    %dma_wait3A_120 = tpu.memref_slice %arg3[%add3A, %dma_wait3A_104, %dma_wait3A_118, %dma_wait3A_119] : memref<32x125x2x80xi32, #tpu.memory_space<hbm>> -> memref<1x1x2x80xi32, #tpu.memory_space<hbm>>
    %dma_wait3A_121 = tpu.memref_squeeze %dma_wait3A_120 : memref<1x1x2x80xi32, #tpu.memory_space<hbm>> -> memref<2x80xi32, #tpu.memory_space<hbm>>
    tpu.wait_dma2 semaphore(%arg10 : memref<!tpu.dma_semaphore, #tpu.memory_space<semaphore_mem>>) src(%dma_wait3A_121 : memref<2x80xi32, #tpu.memory_space<hbm>>) dst(%dma_wait3A_117 : memref<2x80xi32, #tpu.memory_space<vmem>>)
    %dma_start3A_122 = arith.constant 1 : i32
    %dma_start3A_123 = arith.constant 0 : i32
    %dma_start3A_124 = arith.constant 1 : i32
    %dma_start3A_125 = arith.constant 0 : i32
    %dma_start3A_126 = arith.constant 0 : i32
    %dma_start3A_127 = tpu.memref_slice %arg7[%dma_start3A_124, %dma_start3A_125, %dma_start3A_126] : memref<4x80x128xf32, #tpu.memory_space<vmem>> -> memref<1x80x128xf32, #tpu.memory_space<vmem>>
    %dma_start3A_128 = tpu.memref_squeeze %dma_start3A_127 : memref<1x80x128xf32, #tpu.memory_space<vmem>> -> memref<80x128xf32, #tpu.memory_space<vmem>>
    %dma_start3A_129 = arith.constant 0 : i32
    %dma_start3A_130 = tpu.memref_slice %arg6[%dma_start3A_122, %dma_start3A_123, %dma_start3A_129] : memref<8x2x80xi32, #tpu.memory_space<vmem>> -> memref<1x1x80xi32, #tpu.memory_space<vmem>>
    %dma_start3A_131 = tpu.memref_squeeze %dma_start3A_130 : memref<1x1x80xi32, #tpu.memory_space<vmem>> -> memref<80xi32, #tpu.memory_space<vmem>>
    %dma_start3A_132 = arith.constant 0 : i32
    %dma_start3A_133 = arith.constant 0 : i32
    %dma_start3A_134 = tpu.memref_slice %arg2[%dma_start3A_132, %dma_start3A_133] : memref<10240x128xf32, #tpu.memory_space<hbm>> -> memref<10240x128xf32, #tpu.memory_space<hbm>>
    tpu.enqueue_indirect_dma source(%dma_start3A_134 : memref<10240x128xf32, #tpu.memory_space<hbm>>) target(%dma_start3A_128 : memref<80x128xf32, #tpu.memory_space<vmem>>) offsets(%dma_start3A_131 : memref<80xi32, #tpu.memory_space<vmem>>) semaphore(%arg18 : memref<!tpu.dma_semaphore, #tpu.memory_space<semaphore_mem>>)
    %scan3A = arith.constant 0 : i32
    %scan3A_135 = arith.constant 0 : i32
    %scan3A_136 = arith.constant 15 : i32
    %scan3A_137 = arith.addi %scan3A_135, %scan3A_136 : i32
    %scan3A_138 = arith.constant 1 : i32
    scf.for %scan3A_477 = %scan3A_135 to %scan3A_137 step %scan3A_138  : i32 {
      %mul3A_478 = arith.constant 8 : i32
      %mul3A_479 = arith.muli %scan3A_477, %mul3A_478 : i32
      %add3A_480 = arith.constant 0 : i32
      %add3A_481 = arith.addi %mul3A_479, %add3A_480 : i32
      %dma_wait3A_482 = arith.constant 0 : i32
      %dma_wait3A_483 = arith.constant 0 : i32
      %dma_wait3A_484 = arith.constant 0 : i32
      %dma_wait3A_485 = arith.constant 0 : i32
      %dma_wait3A_486 = arith.constant 0 : i32
      %dma_wait3A_487 = tpu.memref_slice %arg7[%dma_wait3A_484, %dma_wait3A_485, %dma_wait3A_486] : memref<4x80x128xf32, #tpu.memory_space<vmem>> -> memref<1x80x128xf32, #tpu.memory_space<vmem>>
      %dma_wait3A_488 = tpu.memref_squeeze %dma_wait3A_487 : memref<1x80x128xf32, #tpu.memory_space<vmem>> -> memref<80x128xf32, #tpu.memory_space<vmem>>
      %dma_wait3A_489 = arith.constant 0 : i32
      %dma_wait3A_490 = tpu.memref_slice %arg6[%dma_wait3A_482, %dma_wait3A_483, %dma_wait3A_489] : memref<8x2x80xi32, #tpu.memory_space<vmem>> -> memref<1x1x80xi32, #tpu.memory_space<vmem>>
      %dma_wait3A_491 = tpu.memref_squeeze %dma_wait3A_490 : memref<1x1x80xi32, #tpu.memory_space<vmem>> -> memref<80xi32, #tpu.memory_space<vmem>>
      %dma_wait3A_492 = arith.constant 0 : i32
      %dma_wait3A_493 = arith.constant 0 : i32
      %dma_wait3A_494 = tpu.memref_slice %arg2[%dma_wait3A_492, %dma_wait3A_493] : memref<10240x128xf32, #tpu.memory_space<hbm>> -> memref<10240x128xf32, #tpu.memory_space<hbm>>
      tpu.wait_indirect_dma semaphore(%arg17 : memref<!tpu.dma_semaphore, #tpu.memory_space<semaphore_mem>>) src(%dma_wait3A_494 : memref<10240x128xf32, #tpu.memory_space<hbm>>) dst(%dma_wait3A_488 : memref<80x128xf32, #tpu.memory_space<vmem>>)
      %dma_start3A_495 = arith.constant 0 : i32
      %dma_start3A_496 = arith.constant 0 : i32
      %dma_start3A_497 = arith.constant 1 : i32
      %dma_start3A_498 = arith.constant 0 : i32
      %dma_start3A_499 = arith.constant 0 : i32
      %dma_start3A_500 = tpu.memref_slice %arg7[%dma_start3A_495, %dma_start3A_498, %dma_start3A_499] : memref<4x80x128xf32, #tpu.memory_space<vmem>> -> memref<1x80x128xf32, #tpu.memory_space<vmem>>
      %dma_start3A_501 = tpu.memref_squeeze %dma_start3A_500 : memref<1x80x128xf32, #tpu.memory_space<vmem>> -> memref<80x128xf32, #tpu.memory_space<vmem>>
      %dma_start3A_502 = arith.constant 0 : i32
      %dma_start3A_503 = tpu.memref_slice %arg6[%dma_start3A_496, %dma_start3A_497, %dma_start3A_502] : memref<8x2x80xi32, #tpu.memory_space<vmem>> -> memref<1x1x80xi32, #tpu.memory_space<vmem>>
      %dma_start3A_504 = tpu.memref_squeeze %dma_start3A_503 : memref<1x1x80xi32, #tpu.memory_space<vmem>> -> memref<80xi32, #tpu.memory_space<vmem>>
      %dma_start3A_505 = arith.constant 0 : i32
      %dma_start3A_506 = arith.constant 0 : i32
      %dma_start3A_507 = tpu.memref_slice %arg8[%dma_start3A_505, %dma_start3A_506] : memref<10240x128xf32, #tpu.memory_space<vmem_shared>> -> memref<10240x128xf32, #tpu.memory_space<vmem_shared>>
      tpu.enqueue_indirect_dma source(%dma_start3A_501 : memref<80x128xf32, #tpu.memory_space<vmem>>) target(%dma_start3A_507 : memref<10240x128xf32, #tpu.memory_space<vmem_shared>>) offsets(%dma_start3A_504 : memref<80xi32, #tpu.memory_space<vmem>>) semaphore(%arg21 : memref<!tpu.dma_semaphore, #tpu.memory_space<semaphore_mem>>) {add = true}
      %gt3A = arith.constant 0 : i32
      %gt3A_508 = arith.cmpi sgt, %scan3A_477, %gt3A : i32
      %convert_element_type3A = arith.extui %gt3A_508 : i1 to i32
      %cond3A = arith.constant 0 : i32
      %cond3A_509 = arith.cmpi ne, %convert_element_type3A, %cond3A : i32
      scf.if %cond3A_509 {
        %dma_wait3A_1213 = arith.constant 2 : i32
        %dma_wait3A_1214 = arith.constant 0 : i32
        %dma_wait3A_1215 = arith.constant 1 : i32
        %dma_wait3A_1216 = arith.constant 0 : i32
        %dma_wait3A_1217 = arith.constant 0 : i32
        %dma_wait3A_1218 = tpu.memref_slice %arg7[%dma_wait3A_1213, %dma_wait3A_1216, %dma_wait3A_1217] : memref<4x80x128xf32, #tpu.memory_space<vmem>> -> memref<1x80x128xf32, #tpu.memory_space<vmem>>
        %dma_wait3A_1219 = tpu.memref_squeeze %dma_wait3A_1218 : memref<1x80x128xf32, #tpu.memory_space<vmem>> -> memref<80x128xf32, #tpu.memory_space<vmem>>
        %dma_wait3A_1220 = arith.constant 0 : i32
        %dma_wait3A_1221 = tpu.memref_slice %arg6[%dma_wait3A_1214, %dma_wait3A_1215, %dma_wait3A_1220] : memref<8x2x80xi32, #tpu.memory_space<vmem>> -> memref<1x1x80xi32, #tpu.memory_space<vmem>>
        %dma_wait3A_1222 = tpu.memref_squeeze %dma_wait3A_1221 : memref<1x1x80xi32, #tpu.memory_space<vmem>> -> memref<80xi32, #tpu.memory_space<vmem>>
        %dma_wait3A_1223 = arith.constant 0 : i32
        %dma_wait3A_1224 = arith.constant 0 : i32
        %dma_wait3A_1225 = tpu.memref_slice %arg8[%dma_wait3A_1223, %dma_wait3A_1224] : memref<10240x128xf32, #tpu.memory_space<vmem_shared>> -> memref<10240x128xf32, #tpu.memory_space<vmem_shared>>
        tpu.wait_indirect_dma semaphore(%arg23 : memref<!tpu.dma_semaphore, #tpu.memory_space<semaphore_mem>>) src(%dma_wait3A_1219 : memref<80x128xf32, #tpu.memory_space<vmem>>) dst(%dma_wait3A_1225 : memref<10240x128xf32, #tpu.memory_space<vmem_shared>>)
      } else {
      }
      %add3A_510 = arith.constant 2 : i32
      %add3A_511 = arith.addi %add3A_481, %add3A_510 : i32
      %dma_wait3A_512 = arith.constant 2 : i32
      %dma_wait3A_513 = arith.constant 0 : i32
      %dma_wait3A_514 = arith.constant 0 : i32
      %dma_wait3A_515 = tpu.memref_slice %arg6[%dma_wait3A_512, %dma_wait3A_513, %dma_wait3A_514] : memref<8x2x80xi32, #tpu.memory_space<vmem>> -> memref<1x2x80xi32, #tpu.memory_space<vmem>>
      %dma_wait3A_516 = tpu.memref_squeeze %dma_wait3A_515 : memref<1x2x80xi32, #tpu.memory_space<vmem>> -> memref<2x80xi32, #tpu.memory_space<vmem>>
      %dma_wait3A_517 = arith.constant 0 : i32
      %dma_wait3A_518 = arith.constant 0 : i32
      %dma_wait3A_519 = tpu.memref_slice %arg3[%add3A, %add3A_511, %dma_wait3A_517, %dma_wait3A_518] : memref<32x125x2x80xi32, #tpu.memory_space<hbm>> -> memref<1x1x2x80xi32, #tpu.memory_space<hbm>>
      %dma_wait3A_520 = tpu.memref_squeeze %dma_wait3A_519 : memref<1x1x2x80xi32, #tpu.memory_space<hbm>> -> memref<2x80xi32, #tpu.memory_space<hbm>>
      %dma_wait3A_521 = arith.constant 0 : i32
      %dma_wait3A_522 = arith.constant 0 : i32
      %dma_wait3A_523 = tpu.memref_slice %arg6[%dma_wait3A_512, %dma_wait3A_521, %dma_wait3A_522] : memref<8x2x80xi32, #tpu.memory_space<vmem>> -> memref<1x2x80xi32, #tpu.memory_space<vmem>>
      %dma_wait3A_524 = tpu.memref_squeeze %dma_wait3A_523 : memref<1x2x80xi32, #tpu.memory_space<vmem>> -> memref<2x80xi32, #tpu.memory_space<vmem>>
      %dma_wait3A_525 = arith.constant 0 : i32
      %dma_wait3A_526 = arith.constant 0 : i32
      %dma_wait3A_527 = tpu.memref_slice %arg3[%add3A, %add3A_511, %dma_wait3A_525, %dma_wait3A_526] : memref<32x125x2x80xi32, #tpu.memory_space<hbm>> -> memref<1x1x2x80xi32, #tpu.memory_space<hbm>>
      %dma_wait3A_528 = tpu.memref_squeeze %dma_wait3A_527 : memref<1x1x2x80xi32, #tpu.memory_space<hbm>> -> memref<2x80xi32, #tpu.memory_space<hbm>>
      tpu.wait_dma2 semaphore(%arg11 : memref<!tpu.dma_semaphore, #tpu.memory_space<semaphore_mem>>) src(%dma_wait3A_528 : memref<2x80xi32, #tpu.memory_space<hbm>>) dst(%dma_wait3A_524 : memref<2x80xi32, #tpu.memory_space<vmem>>)
      %add3A_529 = arith.constant 2 : i32
      %add3A_530 = arith.addi %add3A_481, %add3A_529 : i32
      %dma_start3A_531 = arith.constant 2 : i32
      %dma_start3A_532 = arith.constant 0 : i32
      %dma_start3A_533 = arith.constant 2 : i32
      %dma_start3A_534 = arith.constant 0 : i32
      %dma_start3A_535 = arith.constant 0 : i32
      %dma_start3A_536 = tpu.memref_slice %arg7[%dma_start3A_533, %dma_start3A_534, %dma_start3A_535] : memref<4x80x128xf32, #tpu.memory_space<vmem>> -> memref<1x80x128xf32, #tpu.memory_space<vmem>>
      %dma_start3A_537 = tpu.memref_squeeze %dma_start3A_536 : memref<1x80x128xf32, #tpu.memory_space<vmem>> -> memref<80x128xf32, #tpu.memory_space<vmem>>
      %dma_start3A_538 = arith.constant 0 : i32
      %dma_start3A_539 = tpu.memref_slice %arg6[%dma_start3A_531, %dma_start3A_532, %dma_start3A_538] : memref<8x2x80xi32, #tpu.memory_space<vmem>> -> memref<1x1x80xi32, #tpu.memory_space<vmem>>
      %dma_start3A_540 = tpu.memref_squeeze %dma_start3A_539 : memref<1x1x80xi32, #tpu.memory_space<vmem>> -> memref<80xi32, #tpu.memory_space<vmem>>
      %dma_start3A_541 = arith.constant 0 : i32
      %dma_start3A_542 = arith.constant 0 : i32
      %dma_start3A_543 = tpu.memref_slice %arg2[%dma_start3A_541, %dma_start3A_542] : memref<10240x128xf32, #tpu.memory_space<hbm>> -> memref<10240x128xf32, #tpu.memory_space<hbm>>
      tpu.enqueue_indirect_dma source(%dma_start3A_543 : memref<10240x128xf32, #tpu.memory_space<hbm>>) target(%dma_start3A_537 : memref<80x128xf32, #tpu.memory_space<vmem>>) offsets(%dma_start3A_540 : memref<80xi32, #tpu.memory_space<vmem>>) semaphore(%arg19 : memref<!tpu.dma_semaphore, #tpu.memory_space<semaphore_mem>>)
      %add3A_544 = arith.constant 4 : i32
      %add3A_545 = arith.addi %add3A_481, %add3A_544 : i32
      %dma_start3A_546 = arith.constant 4 : i32
      %dma_start3A_547 = arith.constant 0 : i32
      %dma_start3A_548 = arith.constant 0 : i32
      %dma_start3A_549 = tpu.memref_slice %arg6[%dma_start3A_546, %dma_start3A_547, %dma_start3A_548] : memref<8x2x80xi32, #tpu.memory_space<vmem>> -> memref<1x2x80xi32, #tpu.memory_space<vmem>>
      %dma_start3A_550 = tpu.memref_squeeze %dma_start3A_549 : memref<1x2x80xi32, #tpu.memory_space<vmem>> -> memref<2x80xi32, #tpu.memory_space<vmem>>
      %dma_start3A_551 = arith.constant 0 : i32
      %dma_start3A_552 = arith.constant 0 : i32
      %dma_start3A_553 = tpu.memref_slice %arg3[%add3A, %add3A_545, %dma_start3A_551, %dma_start3A_552] : memref<32x125x2x80xi32, #tpu.memory_space<hbm>> -> memref<1x1x2x80xi32, #tpu.memory_space<hbm>>
      %dma_start3A_554 = tpu.memref_squeeze %dma_start3A_553 : memref<1x1x2x80xi32, #tpu.memory_space<hbm>> -> memref<2x80xi32, #tpu.memory_space<hbm>>
      %dma_start3A_555 = arith.constant 0 : i32
      %dma_start3A_556 = arith.constant 0 : i32
      %dma_start3A_557 = tpu.memref_slice %arg6[%dma_start3A_546, %dma_start3A_555, %dma_start3A_556] : memref<8x2x80xi32, #tpu.memory_space<vmem>> -> memref<1x2x80xi32, #tpu.memory_space<vmem>>
      %dma_start3A_558 = tpu.memref_squeeze %dma_start3A_557 : memref<1x2x80xi32, #tpu.memory_space<vmem>> -> memref<2x80xi32, #tpu.memory_space<vmem>>
      %dma_start3A_559 = arith.constant 0 : i32
      %dma_start3A_560 = arith.constant 0 : i32
      %dma_start3A_561 = tpu.memref_slice %arg3[%add3A, %add3A_545, %dma_start3A_559, %dma_start3A_560] : memref<32x125x2x80xi32, #tpu.memory_space<hbm>> -> memref<1x1x2x80xi32, #tpu.memory_space<hbm>>
      %dma_start3A_562 = tpu.memref_squeeze %dma_start3A_561 : memref<1x1x2x80xi32, #tpu.memory_space<hbm>> -> memref<2x80xi32, #tpu.memory_space<hbm>>
      tpu.enqueue_dma source(%dma_start3A_562 : memref<2x80xi32, #tpu.memory_space<hbm>>) target(%dma_start3A_558 : memref<2x80xi32, #tpu.memory_space<vmem>>) target_semaphore(%arg13 : memref<!tpu.dma_semaphore, #tpu.memory_space<semaphore_mem>>)
      %add3A_563 = arith.constant 1 : i32
      %add3A_564 = arith.addi %mul3A_479, %add3A_563 : i32
      %dma_wait3A_565 = arith.constant 1 : i32
      %dma_wait3A_566 = arith.constant 0 : i32
      %dma_wait3A_567 = arith.constant 1 : i32
      %dma_wait3A_568 = arith.constant 0 : i32
      %dma_wait3A_569 = arith.constant 0 : i32
      %dma_wait3A_570 = tpu.memref_slice %arg7[%dma_wait3A_567, %dma_wait3A_568, %dma_wait3A_569] : memref<4x80x128xf32, #tpu.memory_space<vmem>> -> memref<1x80x128xf32, #tpu.memory_space<vmem>>
      %dma_wait3A_571 = tpu.memref_squeeze %dma_wait3A_570 : memref<1x80x128xf32, #tpu.memory_space<vmem>> -> memref<80x128xf32, #tpu.memory_space<vmem>>
      %dma_wait3A_572 = arith.constant 0 : i32
      %dma_wait3A_573 = tpu.memref_slice %arg6[%dma_wait3A_565, %dma_wait3A_566, %dma_wait3A_572] : memref<8x2x80xi32, #tpu.memory_space<vmem>> -> memref<1x1x80xi32, #tpu.memory_space<vmem>>
      %dma_wait3A_574 = tpu.memref_squeeze %dma_wait3A_573 : memref<1x1x80xi32, #tpu.memory_space<vmem>> -> memref<80xi32, #tpu.memory_space<vmem>>
      %dma_wait3A_575 = arith.constant 0 : i32
      %dma_wait3A_576 = arith.constant 0 : i32
      %dma_wait3A_577 = tpu.memref_slice %arg2[%dma_wait3A_575, %dma_wait3A_576] : memref<10240x128xf32, #tpu.memory_space<hbm>> -> memref<10240x128xf32, #tpu.memory_space<hbm>>
      tpu.wait_indirect_dma semaphore(%arg18 : memref<!tpu.dma_semaphore, #tpu.memory_space<semaphore_mem>>) src(%dma_wait3A_577 : memref<10240x128xf32, #tpu.memory_space<hbm>>) dst(%dma_wait3A_571 : memref<80x128xf32, #tpu.memory_space<vmem>>)
      %dma_start3A_578 = arith.constant 1 : i32
      %dma_start3A_579 = arith.constant 1 : i32
      %dma_start3A_580 = arith.constant 1 : i32
      %dma_start3A_581 = arith.constant 0 : i32
      %dma_start3A_582 = arith.constant 0 : i32
      %dma_start3A_583 = tpu.memref_slice %arg7[%dma_start3A_578, %dma_start3A_581, %dma_start3A_582] : memref<4x80x128xf32, #tpu.memory_space<vmem>> -> memref<1x80x128xf32, #tpu.memory_space<vmem>>
      %dma_start3A_584 = tpu.memref_squeeze %dma_start3A_583 : memref<1x80x128xf32, #tpu.memory_space<vmem>> -> memref<80x128xf32, #tpu.memory_space<vmem>>
      %dma_start3A_585 = arith.constant 0 : i32
      %dma_start3A_586 = tpu.memref_slice %arg6[%dma_start3A_579, %dma_start3A_580, %dma_start3A_585] : memref<8x2x80xi32, #tpu.memory_space<vmem>> -> memref<1x1x80xi32, #tpu.memory_space<vmem>>
      %dma_start3A_587 = tpu.memref_squeeze %dma_start3A_586 : memref<1x1x80xi32, #tpu.memory_space<vmem>> -> memref<80xi32, #tpu.memory_space<vmem>>
      %dma_start3A_588 = arith.constant 0 : i32
      %dma_start3A_589 = arith.constant 0 : i32
      %dma_start3A_590 = tpu.memref_slice %arg8[%dma_start3A_588, %dma_start3A_589] : memref<10240x128xf32, #tpu.memory_space<vmem_shared>> -> memref<10240x128xf32, #tpu.memory_space<vmem_shared>>
      tpu.enqueue_indirect_dma source(%dma_start3A_584 : memref<80x128xf32, #tpu.memory_space<vmem>>) target(%dma_start3A_590 : memref<10240x128xf32, #tpu.memory_space<vmem_shared>>) offsets(%dma_start3A_587 : memref<80xi32, #tpu.memory_space<vmem>>) semaphore(%arg22 : memref<!tpu.dma_semaphore, #tpu.memory_space<semaphore_mem>>) {add = true}
      %gt3A_591 = arith.constant 0 : i32
      %gt3A_592 = arith.cmpi sgt, %scan3A_477, %gt3A_591 : i32
      %convert_element_type3A_593 = arith.extui %gt3A_592 : i1 to i32
      %cond3A_594 = arith.constant 0 : i32
      %cond3A_595 = arith.cmpi ne, %convert_element_type3A_593, %cond3A_594 : i32
      scf.if %cond3A_595 {
        %dma_wait3A_1213 = arith.constant 3 : i32
        %dma_wait3A_1214 = arith.constant 0 : i32
        %dma_wait3A_1215 = arith.constant 1 : i32
        %dma_wait3A_1216 = arith.constant 0 : i32
        %dma_wait3A_1217 = arith.constant 0 : i32
        %dma_wait3A_1218 = tpu.memref_slice %arg7[%dma_wait3A_1213, %dma_wait3A_1216, %dma_wait3A_1217] : memref<4x80x128xf32, #tpu.memory_space<vmem>> -> memref<1x80x128xf32, #tpu.memory_space<vmem>>
        %dma_wait3A_1219 = tpu.memref_squeeze %dma_wait3A_1218 : memref<1x80x128xf32, #tpu.memory_space<vmem>> -> memref<80x128xf32, #tpu.memory_space<vmem>>
        %dma_wait3A_1220 = arith.constant 0 : i32
        %dma_wait3A_1221 = tpu.memref_slice %arg6[%dma_wait3A_1214, %dma_wait3A_1215, %dma_wait3A_1220] : memref<8x2x80xi32, #tpu.memory_space<vmem>> -> memref<1x1x80xi32, #tpu.memory_space<vmem>>
        %dma_wait3A_1222 = tpu.memref_squeeze %dma_wait3A_1221 : memref<1x1x80xi32, #tpu.memory_space<vmem>> -> memref<80xi32, #tpu.memory_space<vmem>>
        %dma_wait3A_1223 = arith.constant 0 : i32
        %dma_wait3A_1224 = arith.constant 0 : i32
        %dma_wait3A_1225 = tpu.memref_slice %arg8[%dma_wait3A_1223, %dma_wait3A_1224] : memref<10240x128xf32, #tpu.memory_space<vmem_shared>> -> memref<10240x128xf32, #tpu.memory_space<vmem_shared>>
        tpu.wait_indirect_dma semaphore(%arg24 : memref<!tpu.dma_semaphore, #tpu.memory_space<semaphore_mem>>) src(%dma_wait3A_1219 : memref<80x128xf32, #tpu.memory_space<vmem>>) dst(%dma_wait3A_1225 : memref<10240x128xf32, #tpu.memory_space<vmem_shared>>)
      } else {
      }
      %add3A_596 = arith.constant 2 : i32
      %add3A_597 = arith.addi %add3A_564, %add3A_596 : i32
      %dma_wait3A_598 = arith.constant 3 : i32
      %dma_wait3A_599 = arith.constant 0 : i32
      %dma_wait3A_600 = arith.constant 0 : i32
      %dma_wait3A_601 = tpu.memref_slice %arg6[%dma_wait3A_598, %dma_wait3A_599, %dma_wait3A_600] : memref<8x2x80xi32, #tpu.memory_space<vmem>> -> memref<1x2x80xi32, #tpu.memory_space<vmem>>
      %dma_wait3A_602 = tpu.memref_squeeze %dma_wait3A_601 : memref<1x2x80xi32, #tpu.memory_space<vmem>> -> memref<2x80xi32, #tpu.memory_space<vmem>>
      %dma_wait3A_603 = arith.constant 0 : i32
      %dma_wait3A_604 = arith.constant 0 : i32
      %dma_wait3A_605 = tpu.memref_slice %arg3[%add3A, %add3A_597, %dma_wait3A_603, %dma_wait3A_604] : memref<32x125x2x80xi32, #tpu.memory_space<hbm>> -> memref<1x1x2x80xi32, #tpu.memory_space<hbm>>
      %dma_wait3A_606 = tpu.memref_squeeze %dma_wait3A_605 : memref<1x1x2x80xi32, #tpu.memory_space<hbm>> -> memref<2x80xi32, #tpu.memory_space<hbm>>
      %dma_wait3A_607 = arith.constant 0 : i32
      %dma_wait3A_608 = arith.constant 0 : i32
      %dma_wait3A_609 = tpu.memref_slice %arg6[%dma_wait3A_598, %dma_wait3A_607, %dma_wait3A_608] : memref<8x2x80xi32, #tpu.memory_space<vmem>> -> memref<1x2x80xi32, #tpu.memory_space<vmem>>
      %dma_wait3A_610 = tpu.memref_squeeze %dma_wait3A_609 : memref<1x2x80xi32, #tpu.memory_space<vmem>> -> memref<2x80xi32, #tpu.memory_space<vmem>>
      %dma_wait3A_611 = arith.constant 0 : i32
      %dma_wait3A_612 = arith.constant 0 : i32
      %dma_wait3A_613 = tpu.memref_slice %arg3[%add3A, %add3A_597, %dma_wait3A_611, %dma_wait3A_612] : memref<32x125x2x80xi32, #tpu.memory_space<hbm>> -> memref<1x1x2x80xi32, #tpu.memory_space<hbm>>
      %dma_wait3A_614 = tpu.memref_squeeze %dma_wait3A_613 : memref<1x1x2x80xi32, #tpu.memory_space<hbm>> -> memref<2x80xi32, #tpu.memory_space<hbm>>
      tpu.wait_dma2 semaphore(%arg12 : memref<!tpu.dma_semaphore, #tpu.memory_space<semaphore_mem>>) src(%dma_wait3A_614 : memref<2x80xi32, #tpu.memory_space<hbm>>) dst(%dma_wait3A_610 : memref<2x80xi32, #tpu.memory_space<vmem>>)
      %add3A_615 = arith.constant 2 : i32
      %add3A_616 = arith.addi %add3A_564, %add3A_615 : i32
      %dma_start3A_617 = arith.constant 3 : i32
      %dma_start3A_618 = arith.constant 0 : i32
      %dma_start3A_619 = arith.constant 3 : i32
      %dma_start3A_620 = arith.constant 0 : i32
      %dma_start3A_621 = arith.constant 0 : i32
      %dma_start3A_622 = tpu.memref_slice %arg7[%dma_start3A_619, %dma_start3A_620, %dma_start3A_621] : memref<4x80x128xf32, #tpu.memory_space<vmem>> -> memref<1x80x128xf32, #tpu.memory_space<vmem>>
      %dma_start3A_623 = tpu.memref_squeeze %dma_start3A_622 : memref<1x80x128xf32, #tpu.memory_space<vmem>> -> memref<80x128xf32, #tpu.memory_space<vmem>>
      %dma_start3A_624 = arith.constant 0 : i32
      %dma_start3A_625 = tpu.memref_slice %arg6[%dma_start3A_617, %dma_start3A_618, %dma_start3A_624] : memref<8x2x80xi32, #tpu.memory_space<vmem>> -> memref<1x1x80xi32, #tpu.memory_space<vmem>>
      %dma_start3A_626 = tpu.memref_squeeze %dma_start3A_625 : memref<1x1x80xi32, #tpu.memory_space<vmem>> -> memref<80xi32, #tpu.memory_space<vmem>>
      %dma_start3A_627 = arith.constant 0 : i32
      %dma_start3A_628 = arith.constant 0 : i32
      %dma_start3A_629 = tpu.memref_slice %arg2[%dma_start3A_627, %dma_start3A_628] : memref<10240x128xf32, #tpu.memory_space<hbm>> -> memref<10240x128xf32, #tpu.memory_space<hbm>>
      tpu.enqueue_indirect_dma source(%dma_start3A_629 : memref<10240x128xf32, #tpu.memory_space<hbm>>) target(%dma_start3A_623 : memref<80x128xf32, #tpu.memory_space<vmem>>) offsets(%dma_start3A_626 : memref<80xi32, #tpu.memory_space<vmem>>) semaphore(%arg20 : memref<!tpu.dma_semaphore, #tpu.memory_space<semaphore_mem>>)
      %add3A_630 = arith.constant 4 : i32
      %add3A_631 = arith.addi %add3A_564, %add3A_630 : i32
      %dma_start3A_632 = arith.constant 5 : i32
      %dma_start3A_633 = arith.constant 0 : i32
      %dma_start3A_634 = arith.constant 0 : i32
      %dma_start3A_635 = tpu.memref_slice %arg6[%dma_start3A_632, %dma_start3A_633, %dma_start3A_634] : memref<8x2x80xi32, #tpu.memory_space<vmem>> -> memref<1x2x80xi32, #tpu.memory_space<vmem>>
      %dma_start3A_636 = tpu.memref_squeeze %dma_start3A_635 : memref<1x2x80xi32, #tpu.memory_space<vmem>> -> memref<2x80xi32, #tpu.memory_space<vmem>>
      %dma_start3A_637 = arith.constant 0 : i32
      %dma_start3A_638 = arith.constant 0 : i32
      %dma_start3A_639 = tpu.memref_slice %arg3[%add3A, %add3A_631, %dma_start3A_637, %dma_start3A_638] : memref<32x125x2x80xi32, #tpu.memory_space<hbm>> -> memref<1x1x2x80xi32, #tpu.memory_space<hbm>>
      %dma_start3A_640 = tpu.memref_squeeze %dma_start3A_639 : memref<1x1x2x80xi32, #tpu.memory_space<hbm>> -> memref<2x80xi32, #tpu.memory_space<hbm>>
      %dma_start3A_641 = arith.constant 0 : i32
      %dma_start3A_642 = arith.constant 0 : i32
      %dma_start3A_643 = tpu.memref_slice %arg6[%dma_start3A_632, %dma_start3A_641, %dma_start3A_642] : memref<8x2x80xi32, #tpu.memory_space<vmem>> -> memref<1x2x80xi32, #tpu.memory_space<vmem>>
      %dma_start3A_644 = tpu.memref_squeeze %dma_start3A_643 : memref<1x2x80xi32, #tpu.memory_space<vmem>> -> memref<2x80xi32, #tpu.memory_space<vmem>>
      %dma_start3A_645 = arith.constant 0 : i32
      %dma_start3A_646 = arith.constant 0 : i32
      %dma_start3A_647 = tpu.memref_slice %arg3[%add3A, %add3A_631, %dma_start3A_645, %dma_start3A_646] : memref<32x125x2x80xi32, #tpu.memory_space<hbm>> -> memref<1x1x2x80xi32, #tpu.memory_space<hbm>>
      %dma_start3A_648 = tpu.memref_squeeze %dma_start3A_647 : memref<1x1x2x80xi32, #tpu.memory_space<hbm>> -> memref<2x80xi32, #tpu.memory_space<hbm>>
      tpu.enqueue_dma source(%dma_start3A_648 : memref<2x80xi32, #tpu.memory_space<hbm>>) target(%dma_start3A_644 : memref<2x80xi32, #tpu.memory_space<vmem>>) target_semaphore(%arg14 : memref<!tpu.dma_semaphore, #tpu.memory_space<semaphore_mem>>)
      %add3A_649 = arith.constant 2 : i32
      %add3A_650 = arith.addi %mul3A_479, %add3A_649 : i32
      %dma_wait3A_651 = arith.constant 2 : i32
      %dma_wait3A_652 = arith.constant 0 : i32
      %dma_wait3A_653 = arith.constant 2 : i32
      %dma_wait3A_654 = arith.constant 0 : i32
      %dma_wait3A_655 = arith.constant 0 : i32
      %dma_wait3A_656 = tpu.memref_slice %arg7[%dma_wait3A_653, %dma_wait3A_654, %dma_wait3A_655] : memref<4x80x128xf32, #tpu.memory_space<vmem>> -> memref<1x80x128xf32, #tpu.memory_space<vmem>>
      %dma_wait3A_657 = tpu.memref_squeeze %dma_wait3A_656 : memref<1x80x128xf32, #tpu.memory_space<vmem>> -> memref<80x128xf32, #tpu.memory_space<vmem>>
      %dma_wait3A_658 = arith.constant 0 : i32
      %dma_wait3A_659 = tpu.memref_slice %arg6[%dma_wait3A_651, %dma_wait3A_652, %dma_wait3A_658] : memref<8x2x80xi32, #tpu.memory_space<vmem>> -> memref<1x1x80xi32, #tpu.memory_space<vmem>>
      %dma_wait3A_660 = tpu.memref_squeeze %dma_wait3A_659 : memref<1x1x80xi32, #tpu.memory_space<vmem>> -> memref<80xi32, #tpu.memory_space<vmem>>
      %dma_wait3A_661 = arith.constant 0 : i32
      %dma_wait3A_662 = arith.constant 0 : i32
      %dma_wait3A_663 = tpu.memref_slice %arg2[%dma_wait3A_661, %dma_wait3A_662] : memref<10240x128xf32, #tpu.memory_space<hbm>> -> memref<10240x128xf32, #tpu.memory_space<hbm>>
      tpu.wait_indirect_dma semaphore(%arg19 : memref<!tpu.dma_semaphore, #tpu.memory_space<semaphore_mem>>) src(%dma_wait3A_663 : memref<10240x128xf32, #tpu.memory_space<hbm>>) dst(%dma_wait3A_657 : memref<80x128xf32, #tpu.memory_space<vmem>>)
      %dma_start3A_664 = arith.constant 2 : i32
      %dma_start3A_665 = arith.constant 2 : i32
      %dma_start3A_666 = arith.constant 1 : i32
      %dma_start3A_667 = arith.constant 0 : i32
      %dma_start3A_668 = arith.constant 0 : i32
      %dma_start3A_669 = tpu.memref_slice %arg7[%dma_start3A_664, %dma_start3A_667, %dma_start3A_668] : memref<4x80x128xf32, #tpu.memory_space<vmem>> -> memref<1x80x128xf32, #tpu.memory_space<vmem>>
      %dma_start3A_670 = tpu.memref_squeeze %dma_start3A_669 : memref<1x80x128xf32, #tpu.memory_space<vmem>> -> memref<80x128xf32, #tpu.memory_space<vmem>>
      %dma_start3A_671 = arith.constant 0 : i32
      %dma_start3A_672 = tpu.memref_slice %arg6[%dma_start3A_665, %dma_start3A_666, %dma_start3A_671] : memref<8x2x80xi32, #tpu.memory_space<vmem>> -> memref<1x1x80xi32, #tpu.memory_space<vmem>>
      %dma_start3A_673 = tpu.memref_squeeze %dma_start3A_672 : memref<1x1x80xi32, #tpu.memory_space<vmem>> -> memref<80xi32, #tpu.memory_space<vmem>>
      %dma_start3A_674 = arith.constant 0 : i32
      %dma_start3A_675 = arith.constant 0 : i32
      %dma_start3A_676 = tpu.memref_slice %arg8[%dma_start3A_674, %dma_start3A_675] : memref<10240x128xf32, #tpu.memory_space<vmem_shared>> -> memref<10240x128xf32, #tpu.memory_space<vmem_shared>>
      tpu.enqueue_indirect_dma source(%dma_start3A_670 : memref<80x128xf32, #tpu.memory_space<vmem>>) target(%dma_start3A_676 : memref<10240x128xf32, #tpu.memory_space<vmem_shared>>) offsets(%dma_start3A_673 : memref<80xi32, #tpu.memory_space<vmem>>) semaphore(%arg23 : memref<!tpu.dma_semaphore, #tpu.memory_space<semaphore_mem>>) {add = true}
      %dma_wait3A_677 = arith.constant 0 : i32
      %dma_wait3A_678 = arith.constant 0 : i32
      %dma_wait3A_679 = arith.constant 1 : i32
      %dma_wait3A_680 = arith.constant 0 : i32
      %dma_wait3A_681 = arith.constant 0 : i32
      %dma_wait3A_682 = tpu.memref_slice %arg7[%dma_wait3A_677, %dma_wait3A_680, %dma_wait3A_681] : memref<4x80x128xf32, #tpu.memory_space<vmem>> -> memref<1x80x128xf32, #tpu.memory_space<vmem>>
      %dma_wait3A_683 = tpu.memref_squeeze %dma_wait3A_682 : memref<1x80x128xf32, #tpu.memory_space<vmem>> -> memref<80x128xf32, #tpu.memory_space<vmem>>
      %dma_wait3A_684 = arith.constant 0 : i32
      %dma_wait3A_685 = tpu.memref_slice %arg6[%dma_wait3A_678, %dma_wait3A_679, %dma_wait3A_684] : memref<8x2x80xi32, #tpu.memory_space<vmem>> -> memref<1x1x80xi32, #tpu.memory_space<vmem>>
      %dma_wait3A_686 = tpu.memref_squeeze %dma_wait3A_685 : memref<1x1x80xi32, #tpu.memory_space<vmem>> -> memref<80xi32, #tpu.memory_space<vmem>>
      %dma_wait3A_687 = arith.constant 0 : i32
      %dma_wait3A_688 = arith.constant 0 : i32
      %dma_wait3A_689 = tpu.memref_slice %arg8[%dma_wait3A_687, %dma_wait3A_688] : memref<10240x128xf32, #tpu.memory_space<vmem_shared>> -> memref<10240x128xf32, #tpu.memory_space<vmem_shared>>
      tpu.wait_indirect_dma semaphore(%arg21 : memref<!tpu.dma_semaphore, #tpu.memory_space<semaphore_mem>>) src(%dma_wait3A_683 : memref<80x128xf32, #tpu.memory_space<vmem>>) dst(%dma_wait3A_689 : memref<10240x128xf32, #tpu.memory_space<vmem_shared>>)
      %add3A_690 = arith.constant 2 : i32
      %add3A_691 = arith.addi %add3A_650, %add3A_690 : i32
      %dma_wait3A_692 = arith.constant 4 : i32
      %dma_wait3A_693 = arith.constant 0 : i32
      %dma_wait3A_694 = arith.constant 0 : i32
      %dma_wait3A_695 = tpu.memref_slice %arg6[%dma_wait3A_692, %dma_wait3A_693, %dma_wait3A_694] : memref<8x2x80xi32, #tpu.memory_space<vmem>> -> memref<1x2x80xi32, #tpu.memory_space<vmem>>
      %dma_wait3A_696 = tpu.memref_squeeze %dma_wait3A_695 : memref<1x2x80xi32, #tpu.memory_space<vmem>> -> memref<2x80xi32, #tpu.memory_space<vmem>>
      %dma_wait3A_697 = arith.constant 0 : i32
      %dma_wait3A_698 = arith.constant 0 : i32
      %dma_wait3A_699 = tpu.memref_slice %arg3[%add3A, %add3A_691, %dma_wait3A_697, %dma_wait3A_698] : memref<32x125x2x80xi32, #tpu.memory_space<hbm>> -> memref<1x1x2x80xi32, #tpu.memory_space<hbm>>
      %dma_wait3A_700 = tpu.memref_squeeze %dma_wait3A_699 : memref<1x1x2x80xi32, #tpu.memory_space<hbm>> -> memref<2x80xi32, #tpu.memory_space<hbm>>
      %dma_wait3A_701 = arith.constant 0 : i32
      %dma_wait3A_702 = arith.constant 0 : i32
      %dma_wait3A_703 = tpu.memref_slice %arg6[%dma_wait3A_692, %dma_wait3A_701, %dma_wait3A_702] : memref<8x2x80xi32, #tpu.memory_space<vmem>> -> memref<1x2x80xi32, #tpu.memory_space<vmem>>
      %dma_wait3A_704 = tpu.memref_squeeze %dma_wait3A_703 : memref<1x2x80xi32, #tpu.memory_space<vmem>> -> memref<2x80xi32, #tpu.memory_space<vmem>>
      %dma_wait3A_705 = arith.constant 0 : i32
      %dma_wait3A_706 = arith.constant 0 : i32
      %dma_wait3A_707 = tpu.memref_slice %arg3[%add3A, %add3A_691, %dma_wait3A_705, %dma_wait3A_706] : memref<32x125x2x80xi32, #tpu.memory_space<hbm>> -> memref<1x1x2x80xi32, #tpu.memory_space<hbm>>
      %dma_wait3A_708 = tpu.memref_squeeze %dma_wait3A_707 : memref<1x1x2x80xi32, #tpu.memory_space<hbm>> -> memref<2x80xi32, #tpu.memory_space<hbm>>
      tpu.wait_dma2 semaphore(%arg13 : memref<!tpu.dma_semaphore, #tpu.memory_space<semaphore_mem>>) src(%dma_wait3A_708 : memref<2x80xi32, #tpu.memory_space<hbm>>) dst(%dma_wait3A_704 : memref<2x80xi32, #tpu.memory_space<vmem>>)
      %add3A_709 = arith.constant 2 : i32
      %add3A_710 = arith.addi %add3A_650, %add3A_709 : i32
      %dma_start3A_711 = arith.constant 4 : i32
      %dma_start3A_712 = arith.constant 0 : i32
      %dma_start3A_713 = arith.constant 0 : i32
      %dma_start3A_714 = arith.constant 0 : i32
      %dma_start3A_715 = arith.constant 0 : i32
      %dma_start3A_716 = tpu.memref_slice %arg7[%dma_start3A_713, %dma_start3A_714, %dma_start3A_715] : memref<4x80x128xf32, #tpu.memory_space<vmem>> -> memref<1x80x128xf32, #tpu.memory_space<vmem>>
      %dma_start3A_717 = tpu.memref_squeeze %dma_start3A_716 : memref<1x80x128xf32, #tpu.memory_space<vmem>> -> memref<80x128xf32, #tpu.memory_space<vmem>>
      %dma_start3A_718 = arith.constant 0 : i32
      %dma_start3A_719 = tpu.memref_slice %arg6[%dma_start3A_711, %dma_start3A_712, %dma_start3A_718] : memref<8x2x80xi32, #tpu.memory_space<vmem>> -> memref<1x1x80xi32, #tpu.memory_space<vmem>>
      %dma_start3A_720 = tpu.memref_squeeze %dma_start3A_719 : memref<1x1x80xi32, #tpu.memory_space<vmem>> -> memref<80xi32, #tpu.memory_space<vmem>>
      %dma_start3A_721 = arith.constant 0 : i32
      %dma_start3A_722 = arith.constant 0 : i32
      %dma_start3A_723 = tpu.memref_slice %arg2[%dma_start3A_721, %dma_start3A_722] : memref<10240x128xf32, #tpu.memory_space<hbm>> -> memref<10240x128xf32, #tpu.memory_space<hbm>>
      tpu.enqueue_indirect_dma source(%dma_start3A_723 : memref<10240x128xf32, #tpu.memory_space<hbm>>) target(%dma_start3A_717 : memref<80x128xf32, #tpu.memory_space<vmem>>) offsets(%dma_start3A_720 : memref<80xi32, #tpu.memory_space<vmem>>) semaphore(%arg17 : memref<!tpu.dma_semaphore, #tpu.memory_space<semaphore_mem>>)
      %add3A_724 = arith.constant 4 : i32
      %add3A_725 = arith.addi %add3A_650, %add3A_724 : i32
      %dma_start3A_726 = arith.constant 6 : i32
      %dma_start3A_727 = arith.constant 0 : i32
      %dma_start3A_728 = arith.constant 0 : i32
      %dma_start3A_729 = tpu.memref_slice %arg6[%dma_start3A_726, %dma_start3A_727, %dma_start3A_728] : memref<8x2x80xi32, #tpu.memory_space<vmem>> -> memref<1x2x80xi32, #tpu.memory_space<vmem>>
      %dma_start3A_730 = tpu.memref_squeeze %dma_start3A_729 : memref<1x2x80xi32, #tpu.memory_space<vmem>> -> memref<2x80xi32, #tpu.memory_space<vmem>>
      %dma_start3A_731 = arith.constant 0 : i32
      %dma_start3A_732 = arith.constant 0 : i32
      %dma_start3A_733 = tpu.memref_slice %arg3[%add3A, %add3A_725, %dma_start3A_731, %dma_start3A_732] : memref<32x125x2x80xi32, #tpu.memory_space<hbm>> -> memref<1x1x2x80xi32, #tpu.memory_space<hbm>>
      %dma_start3A_734 = tpu.memref_squeeze %dma_start3A_733 : memref<1x1x2x80xi32, #tpu.memory_space<hbm>> -> memref<2x80xi32, #tpu.memory_space<hbm>>
      %dma_start3A_735 = arith.constant 0 : i32
      %dma_start3A_736 = arith.constant 0 : i32
      %dma_start3A_737 = tpu.memref_slice %arg6[%dma_start3A_726, %dma_start3A_735, %dma_start3A_736] : memref<8x2x80xi32, #tpu.memory_space<vmem>> -> memref<1x2x80xi32, #tpu.memory_space<vmem>>
      %dma_start3A_738 = tpu.memref_squeeze %dma_start3A_737 : memref<1x2x80xi32, #tpu.memory_space<vmem>> -> memref<2x80xi32, #tpu.memory_space<vmem>>
      %dma_start3A_739 = arith.constant 0 : i32
      %dma_start3A_740 = arith.constant 0 : i32
      %dma_start3A_741 = tpu.memref_slice %arg3[%add3A, %add3A_725, %dma_start3A_739, %dma_start3A_740] : memref<32x125x2x80xi32, #tpu.memory_space<hbm>> -> memref<1x1x2x80xi32, #tpu.memory_space<hbm>>
      %dma_start3A_742 = tpu.memref_squeeze %dma_start3A_741 : memref<1x1x2x80xi32, #tpu.memory_space<hbm>> -> memref<2x80xi32, #tpu.memory_space<hbm>>
      tpu.enqueue_dma source(%dma_start3A_742 : memref<2x80xi32, #tpu.memory_space<hbm>>) target(%dma_start3A_738 : memref<2x80xi32, #tpu.memory_space<vmem>>) target_semaphore(%arg15 : memref<!tpu.dma_semaphore, #tpu.memory_space<semaphore_mem>>)
      %add3A_743 = arith.constant 3 : i32
      %add3A_744 = arith.addi %mul3A_479, %add3A_743 : i32
      %dma_wait3A_745 = arith.constant 3 : i32
      %dma_wait3A_746 = arith.constant 0 : i32
      %dma_wait3A_747 = arith.constant 3 : i32
      %dma_wait3A_748 = arith.constant 0 : i32
      %dma_wait3A_749 = arith.constant 0 : i32
      %dma_wait3A_750 = tpu.memref_slice %arg7[%dma_wait3A_747, %dma_wait3A_748, %dma_wait3A_749] : memref<4x80x128xf32, #tpu.memory_space<vmem>> -> memref<1x80x128xf32, #tpu.memory_space<vmem>>
      %dma_wait3A_751 = tpu.memref_squeeze %dma_wait3A_750 : memref<1x80x128xf32, #tpu.memory_space<vmem>> -> memref<80x128xf32, #tpu.memory_space<vmem>>
      %dma_wait3A_752 = arith.constant 0 : i32
      %dma_wait3A_753 = tpu.memref_slice %arg6[%dma_wait3A_745, %dma_wait3A_746, %dma_wait3A_752] : memref<8x2x80xi32, #tpu.memory_space<vmem>> -> memref<1x1x80xi32, #tpu.memory_space<vmem>>
      %dma_wait3A_754 = tpu.memref_squeeze %dma_wait3A_753 : memref<1x1x80xi32, #tpu.memory_space<vmem>> -> memref<80xi32, #tpu.memory_space<vmem>>
      %dma_wait3A_755 = arith.constant 0 : i32
      %dma_wait3A_756 = arith.constant 0 : i32
      %dma_wait3A_757 = tpu.memref_slice %arg2[%dma_wait3A_755, %dma_wait3A_756] : memref<10240x128xf32, #tpu.memory_space<hbm>> -> memref<10240x128xf32, #tpu.memory_space<hbm>>
      tpu.wait_indirect_dma semaphore(%arg20 : memref<!tpu.dma_semaphore, #tpu.memory_space<semaphore_mem>>) src(%dma_wait3A_757 : memref<10240x128xf32, #tpu.memory_space<hbm>>) dst(%dma_wait3A_751 : memref<80x128xf32, #tpu.memory_space<vmem>>)
      %dma_start3A_758 = arith.constant 3 : i32
      %dma_start3A_759 = arith.constant 3 : i32
      %dma_start3A_760 = arith.constant 1 : i32
      %dma_start3A_761 = arith.constant 0 : i32
      %dma_start3A_762 = arith.constant 0 : i32
      %dma_start3A_763 = tpu.memref_slice %arg7[%dma_start3A_758, %dma_start3A_761, %dma_start3A_762] : memref<4x80x128xf32, #tpu.memory_space<vmem>> -> memref<1x80x128xf32, #tpu.memory_space<vmem>>
      %dma_start3A_764 = tpu.memref_squeeze %dma_start3A_763 : memref<1x80x128xf32, #tpu.memory_space<vmem>> -> memref<80x128xf32, #tpu.memory_space<vmem>>
      %dma_start3A_765 = arith.constant 0 : i32
      %dma_start3A_766 = tpu.memref_slice %arg6[%dma_start3A_759, %dma_start3A_760, %dma_start3A_765] : memref<8x2x80xi32, #tpu.memory_space<vmem>> -> memref<1x1x80xi32, #tpu.memory_space<vmem>>
      %dma_start3A_767 = tpu.memref_squeeze %dma_start3A_766 : memref<1x1x80xi32, #tpu.memory_space<vmem>> -> memref<80xi32, #tpu.memory_space<vmem>>
      %dma_start3A_768 = arith.constant 0 : i32
      %dma_start3A_769 = arith.constant 0 : i32
      %dma_start3A_770 = tpu.memref_slice %arg8[%dma_start3A_768, %dma_start3A_769] : memref<10240x128xf32, #tpu.memory_space<vmem_shared>> -> memref<10240x128xf32, #tpu.memory_space<vmem_shared>>
      tpu.enqueue_indirect_dma source(%dma_start3A_764 : memref<80x128xf32, #tpu.memory_space<vmem>>) target(%dma_start3A_770 : memref<10240x128xf32, #tpu.memory_space<vmem_shared>>) offsets(%dma_start3A_767 : memref<80xi32, #tpu.memory_space<vmem>>) semaphore(%arg24 : memref<!tpu.dma_semaphore, #tpu.memory_space<semaphore_mem>>) {add = true}
      %dma_wait3A_771 = arith.constant 1 : i32
      %dma_wait3A_772 = arith.constant 0 : i32
      %dma_wait3A_773 = arith.constant 1 : i32
      %dma_wait3A_774 = arith.constant 0 : i32
      %dma_wait3A_775 = arith.constant 0 : i32
      %dma_wait3A_776 = tpu.memref_slice %arg7[%dma_wait3A_771, %dma_wait3A_774, %dma_wait3A_775] : memref<4x80x128xf32, #tpu.memory_space<vmem>> -> memref<1x80x128xf32, #tpu.memory_space<vmem>>
      %dma_wait3A_777 = tpu.memref_squeeze %dma_wait3A_776 : memref<1x80x128xf32, #tpu.memory_space<vmem>> -> memref<80x128xf32, #tpu.memory_space<vmem>>
      %dma_wait3A_778 = arith.constant 0 : i32
      %dma_wait3A_779 = tpu.memref_slice %arg6[%dma_wait3A_772, %dma_wait3A_773, %dma_wait3A_778] : memref<8x2x80xi32, #tpu.memory_space<vmem>> -> memref<1x1x80xi32, #tpu.memory_space<vmem>>
      %dma_wait3A_780 = tpu.memref_squeeze %dma_wait3A_779 : memref<1x1x80xi32, #tpu.memory_space<vmem>> -> memref<80xi32, #tpu.memory_space<vmem>>
      %dma_wait3A_781 = arith.constant 0 : i32
      %dma_wait3A_782 = arith.constant 0 : i32
      %dma_wait3A_783 = tpu.memref_slice %arg8[%dma_wait3A_781, %dma_wait3A_782] : memref<10240x128xf32, #tpu.memory_space<vmem_shared>> -> memref<10240x128xf32, #tpu.memory_space<vmem_shared>>
      tpu.wait_indirect_dma semaphore(%arg22 : memref<!tpu.dma_semaphore, #tpu.memory_space<semaphore_mem>>) src(%dma_wait3A_777 : memref<80x128xf32, #tpu.memory_space<vmem>>) dst(%dma_wait3A_783 : memref<10240x128xf32, #tpu.memory_space<vmem_shared>>)
      %add3A_784 = arith.constant 2 : i32
      %add3A_785 = arith.addi %add3A_744, %add3A_784 : i32
      %dma_wait3A_786 = arith.constant 5 : i32
      %dma_wait3A_787 = arith.constant 0 : i32
      %dma_wait3A_788 = arith.constant 0 : i32
      %dma_wait3A_789 = tpu.memref_slice %arg6[%dma_wait3A_786, %dma_wait3A_787, %dma_wait3A_788] : memref<8x2x80xi32, #tpu.memory_space<vmem>> -> memref<1x2x80xi32, #tpu.memory_space<vmem>>
      %dma_wait3A_790 = tpu.memref_squeeze %dma_wait3A_789 : memref<1x2x80xi32, #tpu.memory_space<vmem>> -> memref<2x80xi32, #tpu.memory_space<vmem>>
      %dma_wait3A_791 = arith.constant 0 : i32
      %dma_wait3A_792 = arith.constant 0 : i32
      %dma_wait3A_793 = tpu.memref_slice %arg3[%add3A, %add3A_785, %dma_wait3A_791, %dma_wait3A_792] : memref<32x125x2x80xi32, #tpu.memory_space<hbm>> -> memref<1x1x2x80xi32, #tpu.memory_space<hbm>>
      %dma_wait3A_794 = tpu.memref_squeeze %dma_wait3A_793 : memref<1x1x2x80xi32, #tpu.memory_space<hbm>> -> memref<2x80xi32, #tpu.memory_space<hbm>>
      %dma_wait3A_795 = arith.constant 0 : i32
      %dma_wait3A_796 = arith.constant 0 : i32
      %dma_wait3A_797 = tpu.memref_slice %arg6[%dma_wait3A_786, %dma_wait3A_795, %dma_wait3A_796] : memref<8x2x80xi32, #tpu.memory_space<vmem>> -> memref<1x2x80xi32, #tpu.memory_space<vmem>>
      %dma_wait3A_798 = tpu.memref_squeeze %dma_wait3A_797 : memref<1x2x80xi32, #tpu.memory_space<vmem>> -> memref<2x80xi32, #tpu.memory_space<vmem>>
      %dma_wait3A_799 = arith.constant 0 : i32
      %dma_wait3A_800 = arith.constant 0 : i32
      %dma_wait3A_801 = tpu.memref_slice %arg3[%add3A, %add3A_785, %dma_wait3A_799, %dma_wait3A_800] : memref<32x125x2x80xi32, #tpu.memory_space<hbm>> -> memref<1x1x2x80xi32, #tpu.memory_space<hbm>>
      %dma_wait3A_802 = tpu.memref_squeeze %dma_wait3A_801 : memref<1x1x2x80xi32, #tpu.memory_space<hbm>> -> memref<2x80xi32, #tpu.memory_space<hbm>>
      tpu.wait_dma2 semaphore(%arg14 : memref<!tpu.dma_semaphore, #tpu.memory_space<semaphore_mem>>) src(%dma_wait3A_802 : memref<2x80xi32, #tpu.memory_space<hbm>>) dst(%dma_wait3A_798 : memref<2x80xi32, #tpu.memory_space<vmem>>)
      %add3A_803 = arith.constant 2 : i32
      %add3A_804 = arith.addi %add3A_744, %add3A_803 : i32
      %dma_start3A_805 = arith.constant 5 : i32
      %dma_start3A_806 = arith.constant 0 : i32
      %dma_start3A_807 = arith.constant 1 : i32
      %dma_start3A_808 = arith.constant 0 : i32
      %dma_start3A_809 = arith.constant 0 : i32
      %dma_start3A_810 = tpu.memref_slice %arg7[%dma_start3A_807, %dma_start3A_808, %dma_start3A_809] : memref<4x80x128xf32, #tpu.memory_space<vmem>> -> memref<1x80x128xf32, #tpu.memory_space<vmem>>
      %dma_start3A_811 = tpu.memref_squeeze %dma_start3A_810 : memref<1x80x128xf32, #tpu.memory_space<vmem>> -> memref<80x128xf32, #tpu.memory_space<vmem>>
      %dma_start3A_812 = arith.constant 0 : i32
      %dma_start3A_813 = tpu.memref_slice %arg6[%dma_start3A_805, %dma_start3A_806, %dma_start3A_812] : memref<8x2x80xi32, #tpu.memory_space<vmem>> -> memref<1x1x80xi32, #tpu.memory_space<vmem>>
      %dma_start3A_814 = tpu.memref_squeeze %dma_start3A_813 : memref<1x1x80xi32, #tpu.memory_space<vmem>> -> memref<80xi32, #tpu.memory_space<vmem>>
      %dma_start3A_815 = arith.constant 0 : i32
      %dma_start3A_816 = arith.constant 0 : i32
      %dma_start3A_817 = tpu.memref_slice %arg2[%dma_start3A_815, %dma_start3A_816] : memref<10240x128xf32, #tpu.memory_space<hbm>> -> memref<10240x128xf32, #tpu.memory_space<hbm>>
      tpu.enqueue_indirect_dma source(%dma_start3A_817 : memref<10240x128xf32, #tpu.memory_space<hbm>>) target(%dma_start3A_811 : memref<80x128xf32, #tpu.memory_space<vmem>>) offsets(%dma_start3A_814 : memref<80xi32, #tpu.memory_space<vmem>>) semaphore(%arg18 : memref<!tpu.dma_semaphore, #tpu.memory_space<semaphore_mem>>)
      %add3A_818 = arith.constant 4 : i32
      %add3A_819 = arith.addi %add3A_744, %add3A_818 : i32
      %dma_start3A_820 = arith.constant 7 : i32
      %dma_start3A_821 = arith.constant 0 : i32
      %dma_start3A_822 = arith.constant 0 : i32
      %dma_start3A_823 = tpu.memref_slice %arg6[%dma_start3A_820, %dma_start3A_821, %dma_start3A_822] : memref<8x2x80xi32, #tpu.memory_space<vmem>> -> memref<1x2x80xi32, #tpu.memory_space<vmem>>
      %dma_start3A_824 = tpu.memref_squeeze %dma_start3A_823 : memref<1x2x80xi32, #tpu.memory_space<vmem>> -> memref<2x80xi32, #tpu.memory_space<vmem>>
      %dma_start3A_825 = arith.constant 0 : i32
      %dma_start3A_826 = arith.constant 0 : i32
      %dma_start3A_827 = tpu.memref_slice %arg3[%add3A, %add3A_819, %dma_start3A_825, %dma_start3A_826] : memref<32x125x2x80xi32, #tpu.memory_space<hbm>> -> memref<1x1x2x80xi32, #tpu.memory_space<hbm>>
      %dma_start3A_828 = tpu.memref_squeeze %dma_start3A_827 : memref<1x1x2x80xi32, #tpu.memory_space<hbm>> -> memref<2x80xi32, #tpu.memory_space<hbm>>
      %dma_start3A_829 = arith.constant 0 : i32
      %dma_start3A_830 = arith.constant 0 : i32
      %dma_start3A_831 = tpu.memref_slice %arg6[%dma_start3A_820, %dma_start3A_829, %dma_start3A_830] : memref<8x2x80xi32, #tpu.memory_space<vmem>> -> memref<1x2x80xi32, #tpu.memory_space<vmem>>
      %dma_start3A_832 = tpu.memref_squeeze %dma_start3A_831 : memref<1x2x80xi32, #tpu.memory_space<vmem>> -> memref<2x80xi32, #tpu.memory_space<vmem>>
      %dma_start3A_833 = arith.constant 0 : i32
      %dma_start3A_834 = arith.constant 0 : i32
      %dma_start3A_835 = tpu.memref_slice %arg3[%add3A, %add3A_819, %dma_start3A_833, %dma_start3A_834] : memref<32x125x2x80xi32, #tpu.memory_space<hbm>> -> memref<1x1x2x80xi32, #tpu.memory_space<hbm>>
      %dma_start3A_836 = tpu.memref_squeeze %dma_start3A_835 : memref<1x1x2x80xi32, #tpu.memory_space<hbm>> -> memref<2x80xi32, #tpu.memory_space<hbm>>
      tpu.enqueue_dma source(%dma_start3A_836 : memref<2x80xi32, #tpu.memory_space<hbm>>) target(%dma_start3A_832 : memref<2x80xi32, #tpu.memory_space<vmem>>) target_semaphore(%arg16 : memref<!tpu.dma_semaphore, #tpu.memory_space<semaphore_mem>>)
      %add3A_837 = arith.constant 4 : i32
      %add3A_838 = arith.addi %mul3A_479, %add3A_837 : i32
      %dma_wait3A_839 = arith.constant 4 : i32
      %dma_wait3A_840 = arith.constant 0 : i32
      %dma_wait3A_841 = arith.constant 0 : i32
      %dma_wait3A_842 = arith.constant 0 : i32
      %dma_wait3A_843 = arith.constant 0 : i32
      %dma_wait3A_844 = tpu.memref_slice %arg7[%dma_wait3A_841, %dma_wait3A_842, %dma_wait3A_843] : memref<4x80x128xf32, #tpu.memory_space<vmem>> -> memref<1x80x128xf32, #tpu.memory_space<vmem>>
      %dma_wait3A_845 = tpu.memref_squeeze %dma_wait3A_844 : memref<1x80x128xf32, #tpu.memory_space<vmem>> -> memref<80x128xf32, #tpu.memory_space<vmem>>
      %dma_wait3A_846 = arith.constant 0 : i32
      %dma_wait3A_847 = tpu.memref_slice %arg6[%dma_wait3A_839, %dma_wait3A_840, %dma_wait3A_846] : memref<8x2x80xi32, #tpu.memory_space<vmem>> -> memref<1x1x80xi32, #tpu.memory_space<vmem>>
      %dma_wait3A_848 = tpu.memref_squeeze %dma_wait3A_847 : memref<1x1x80xi32, #tpu.memory_space<vmem>> -> memref<80xi32, #tpu.memory_space<vmem>>
      %dma_wait3A_849 = arith.constant 0 : i32
      %dma_wait3A_850 = arith.constant 0 : i32
      %dma_wait3A_851 = tpu.memref_slice %arg2[%dma_wait3A_849, %dma_wait3A_850] : memref<10240x128xf32, #tpu.memory_space<hbm>> -> memref<10240x128xf32, #tpu.memory_space<hbm>>
      tpu.wait_indirect_dma semaphore(%arg17 : memref<!tpu.dma_semaphore, #tpu.memory_space<semaphore_mem>>) src(%dma_wait3A_851 : memref<10240x128xf32, #tpu.memory_space<hbm>>) dst(%dma_wait3A_845 : memref<80x128xf32, #tpu.memory_space<vmem>>)
      %dma_start3A_852 = arith.constant 0 : i32
      %dma_start3A_853 = arith.constant 4 : i32
      %dma_start3A_854 = arith.constant 1 : i32
      %dma_start3A_855 = arith.constant 0 : i32
      %dma_start3A_856 = arith.constant 0 : i32
      %dma_start3A_857 = tpu.memref_slice %arg7[%dma_start3A_852, %dma_start3A_855, %dma_start3A_856] : memref<4x80x128xf32, #tpu.memory_space<vmem>> -> memref<1x80x128xf32, #tpu.memory_space<vmem>>
      %dma_start3A_858 = tpu.memref_squeeze %dma_start3A_857 : memref<1x80x128xf32, #tpu.memory_space<vmem>> -> memref<80x128xf32, #tpu.memory_space<vmem>>
      %dma_start3A_859 = arith.constant 0 : i32
      %dma_start3A_860 = tpu.memref_slice %arg6[%dma_start3A_853, %dma_start3A_854, %dma_start3A_859] : memref<8x2x80xi32, #tpu.memory_space<vmem>> -> memref<1x1x80xi32, #tpu.memory_space<vmem>>
      %dma_start3A_861 = tpu.memref_squeeze %dma_start3A_860 : memref<1x1x80xi32, #tpu.memory_space<vmem>> -> memref<80xi32, #tpu.memory_space<vmem>>
      %dma_start3A_862 = arith.constant 0 : i32
      %dma_start3A_863 = arith.constant 0 : i32
      %dma_start3A_864 = tpu.memref_slice %arg8[%dma_start3A_862, %dma_start3A_863] : memref<10240x128xf32, #tpu.memory_space<vmem_shared>> -> memref<10240x128xf32, #tpu.memory_space<vmem_shared>>
      tpu.enqueue_indirect_dma source(%dma_start3A_858 : memref<80x128xf32, #tpu.memory_space<vmem>>) target(%dma_start3A_864 : memref<10240x128xf32, #tpu.memory_space<vmem_shared>>) offsets(%dma_start3A_861 : memref<80xi32, #tpu.memory_space<vmem>>) semaphore(%arg21 : memref<!tpu.dma_semaphore, #tpu.memory_space<semaphore_mem>>) {add = true}
      %dma_wait3A_865 = arith.constant 2 : i32
      %dma_wait3A_866 = arith.constant 0 : i32
      %dma_wait3A_867 = arith.constant 1 : i32
      %dma_wait3A_868 = arith.constant 0 : i32
      %dma_wait3A_869 = arith.constant 0 : i32
      %dma_wait3A_870 = tpu.memref_slice %arg7[%dma_wait3A_865, %dma_wait3A_868, %dma_wait3A_869] : memref<4x80x128xf32, #tpu.memory_space<vmem>> -> memref<1x80x128xf32, #tpu.memory_space<vmem>>
      %dma_wait3A_871 = tpu.memref_squeeze %dma_wait3A_870 : memref<1x80x128xf32, #tpu.memory_space<vmem>> -> memref<80x128xf32, #tpu.memory_space<vmem>>
      %dma_wait3A_872 = arith.constant 0 : i32
      %dma_wait3A_873 = tpu.memref_slice %arg6[%dma_wait3A_866, %dma_wait3A_867, %dma_wait3A_872] : memref<8x2x80xi32, #tpu.memory_space<vmem>> -> memref<1x1x80xi32, #tpu.memory_space<vmem>>
      %dma_wait3A_874 = tpu.memref_squeeze %dma_wait3A_873 : memref<1x1x80xi32, #tpu.memory_space<vmem>> -> memref<80xi32, #tpu.memory_space<vmem>>
      %dma_wait3A_875 = arith.constant 0 : i32
      %dma_wait3A_876 = arith.constant 0 : i32
      %dma_wait3A_877 = tpu.memref_slice %arg8[%dma_wait3A_875, %dma_wait3A_876] : memref<10240x128xf32, #tpu.memory_space<vmem_shared>> -> memref<10240x128xf32, #tpu.memory_space<vmem_shared>>
      tpu.wait_indirect_dma semaphore(%arg23 : memref<!tpu.dma_semaphore, #tpu.memory_space<semaphore_mem>>) src(%dma_wait3A_871 : memref<80x128xf32, #tpu.memory_space<vmem>>) dst(%dma_wait3A_877 : memref<10240x128xf32, #tpu.memory_space<vmem_shared>>)
      %add3A_878 = arith.constant 2 : i32
      %add3A_879 = arith.addi %add3A_838, %add3A_878 : i32
      %dma_wait3A_880 = arith.constant 6 : i32
      %dma_wait3A_881 = arith.constant 0 : i32
      %dma_wait3A_882 = arith.constant 0 : i32
      %dma_wait3A_883 = tpu.memref_slice %arg6[%dma_wait3A_880, %dma_wait3A_881, %dma_wait3A_882] : memref<8x2x80xi32, #tpu.memory_space<vmem>> -> memref<1x2x80xi32, #tpu.memory_space<vmem>>
      %dma_wait3A_884 = tpu.memref_squeeze %dma_wait3A_883 : memref<1x2x80xi32, #tpu.memory_space<vmem>> -> memref<2x80xi32, #tpu.memory_space<vmem>>
      %dma_wait3A_885 = arith.constant 0 : i32
      %dma_wait3A_886 = arith.constant 0 : i32
      %dma_wait3A_887 = tpu.memref_slice %arg3[%add3A, %add3A_879, %dma_wait3A_885, %dma_wait3A_886] : memref<32x125x2x80xi32, #tpu.memory_space<hbm>> -> memref<1x1x2x80xi32, #tpu.memory_space<hbm>>
      %dma_wait3A_888 = tpu.memref_squeeze %dma_wait3A_887 : memref<1x1x2x80xi32, #tpu.memory_space<hbm>> -> memref<2x80xi32, #tpu.memory_space<hbm>>
      %dma_wait3A_889 = arith.constant 0 : i32
      %dma_wait3A_890 = arith.constant 0 : i32
      %dma_wait3A_891 = tpu.memref_slice %arg6[%dma_wait3A_880, %dma_wait3A_889, %dma_wait3A_890] : memref<8x2x80xi32, #tpu.memory_space<vmem>> -> memref<1x2x80xi32, #tpu.memory_space<vmem>>
      %dma_wait3A_892 = tpu.memref_squeeze %dma_wait3A_891 : memref<1x2x80xi32, #tpu.memory_space<vmem>> -> memref<2x80xi32, #tpu.memory_space<vmem>>
      %dma_wait3A_893 = arith.constant 0 : i32
      %dma_wait3A_894 = arith.constant 0 : i32
      %dma_wait3A_895 = tpu.memref_slice %arg3[%add3A, %add3A_879, %dma_wait3A_893, %dma_wait3A_894] : memref<32x125x2x80xi32, #tpu.memory_space<hbm>> -> memref<1x1x2x80xi32, #tpu.memory_space<hbm>>
      %dma_wait3A_896 = tpu.memref_squeeze %dma_wait3A_895 : memref<1x1x2x80xi32, #tpu.memory_space<hbm>> -> memref<2x80xi32, #tpu.memory_space<hbm>>
      tpu.wait_dma2 semaphore(%arg15 : memref<!tpu.dma_semaphore, #tpu.memory_space<semaphore_mem>>) src(%dma_wait3A_896 : memref<2x80xi32, #tpu.memory_space<hbm>>) dst(%dma_wait3A_892 : memref<2x80xi32, #tpu.memory_space<vmem>>)
      %add3A_897 = arith.constant 2 : i32
      %add3A_898 = arith.addi %add3A_838, %add3A_897 : i32
      %dma_start3A_899 = arith.constant 6 : i32
      %dma_start3A_900 = arith.constant 0 : i32
      %dma_start3A_901 = arith.constant 2 : i32
      %dma_start3A_902 = arith.constant 0 : i32
      %dma_start3A_903 = arith.constant 0 : i32
      %dma_start3A_904 = tpu.memref_slice %arg7[%dma_start3A_901, %dma_start3A_902, %dma_start3A_903] : memref<4x80x128xf32, #tpu.memory_space<vmem>> -> memref<1x80x128xf32, #tpu.memory_space<vmem>>
      %dma_start3A_905 = tpu.memref_squeeze %dma_start3A_904 : memref<1x80x128xf32, #tpu.memory_space<vmem>> -> memref<80x128xf32, #tpu.memory_space<vmem>>
      %dma_start3A_906 = arith.constant 0 : i32
      %dma_start3A_907 = tpu.memref_slice %arg6[%dma_start3A_899, %dma_start3A_900, %dma_start3A_906] : memref<8x2x80xi32, #tpu.memory_space<vmem>> -> memref<1x1x80xi32, #tpu.memory_space<vmem>>
      %dma_start3A_908 = tpu.memref_squeeze %dma_start3A_907 : memref<1x1x80xi32, #tpu.memory_space<vmem>> -> memref<80xi32, #tpu.memory_space<vmem>>
      %dma_start3A_909 = arith.constant 0 : i32
      %dma_start3A_910 = arith.constant 0 : i32
      %dma_start3A_911 = tpu.memref_slice %arg2[%dma_start3A_909, %dma_start3A_910] : memref<10240x128xf32, #tpu.memory_space<hbm>> -> memref<10240x128xf32, #tpu.memory_space<hbm>>
      tpu.enqueue_indirect_dma source(%dma_start3A_911 : memref<10240x128xf32, #tpu.memory_space<hbm>>) target(%dma_start3A_905 : memref<80x128xf32, #tpu.memory_space<vmem>>) offsets(%dma_start3A_908 : memref<80xi32, #tpu.memory_space<vmem>>) semaphore(%arg19 : memref<!tpu.dma_semaphore, #tpu.memory_space<semaphore_mem>>)
      %add3A_912 = arith.constant 4 : i32
      %add3A_913 = arith.addi %add3A_838, %add3A_912 : i32
      %dma_start3A_914 = arith.constant 0 : i32
      %dma_start3A_915 = arith.constant 0 : i32
      %dma_start3A_916 = arith.constant 0 : i32
      %dma_start3A_917 = tpu.memref_slice %arg6[%dma_start3A_914, %dma_start3A_915, %dma_start3A_916] : memref<8x2x80xi32, #tpu.memory_space<vmem>> -> memref<1x2x80xi32, #tpu.memory_space<vmem>>
      %dma_start3A_918 = tpu.memref_squeeze %dma_start3A_917 : memref<1x2x80xi32, #tpu.memory_space<vmem>> -> memref<2x80xi32, #tpu.memory_space<vmem>>
      %dma_start3A_919 = arith.constant 0 : i32
      %dma_start3A_920 = arith.constant 0 : i32
      %dma_start3A_921 = tpu.memref_slice %arg3[%add3A, %add3A_913, %dma_start3A_919, %dma_start3A_920] : memref<32x125x2x80xi32, #tpu.memory_space<hbm>> -> memref<1x1x2x80xi32, #tpu.memory_space<hbm>>
      %dma_start3A_922 = tpu.memref_squeeze %dma_start3A_921 : memref<1x1x2x80xi32, #tpu.memory_space<hbm>> -> memref<2x80xi32, #tpu.memory_space<hbm>>
      %dma_start3A_923 = arith.constant 0 : i32
      %dma_start3A_924 = arith.constant 0 : i32
      %dma_start3A_925 = tpu.memref_slice %arg6[%dma_start3A_914, %dma_start3A_923, %dma_start3A_924] : memref<8x2x80xi32, #tpu.memory_space<vmem>> -> memref<1x2x80xi32, #tpu.memory_space<vmem>>
      %dma_start3A_926 = tpu.memref_squeeze %dma_start3A_925 : memref<1x2x80xi32, #tpu.memory_space<vmem>> -> memref<2x80xi32, #tpu.memory_space<vmem>>
      %dma_start3A_927 = arith.constant 0 : i32
      %dma_start3A_928 = arith.constant 0 : i32
      %dma_start3A_929 = tpu.memref_slice %arg3[%add3A, %add3A_913, %dma_start3A_927, %dma_start3A_928] : memref<32x125x2x80xi32, #tpu.memory_space<hbm>> -> memref<1x1x2x80xi32, #tpu.memory_space<hbm>>
      %dma_start3A_930 = tpu.memref_squeeze %dma_start3A_929 : memref<1x1x2x80xi32, #tpu.memory_space<hbm>> -> memref<2x80xi32, #tpu.memory_space<hbm>>
      tpu.enqueue_dma source(%dma_start3A_930 : memref<2x80xi32, #tpu.memory_space<hbm>>) target(%dma_start3A_926 : memref<2x80xi32, #tpu.memory_space<vmem>>) target_semaphore(%arg9 : memref<!tpu.dma_semaphore, #tpu.memory_space<semaphore_mem>>)
      %add3A_931 = arith.constant 5 : i32
      %add3A_932 = arith.addi %mul3A_479, %add3A_931 : i32
      %dma_wait3A_933 = arith.constant 5 : i32
      %dma_wait3A_934 = arith.constant 0 : i32
      %dma_wait3A_935 = arith.constant 1 : i32
      %dma_wait3A_936 = arith.constant 0 : i32
      %dma_wait3A_937 = arith.constant 0 : i32
      %dma_wait3A_938 = tpu.memref_slice %arg7[%dma_wait3A_935, %dma_wait3A_936, %dma_wait3A_937] : memref<4x80x128xf32, #tpu.memory_space<vmem>> -> memref<1x80x128xf32, #tpu.memory_space<vmem>>
      %dma_wait3A_939 = tpu.memref_squeeze %dma_wait3A_938 : memref<1x80x128xf32, #tpu.memory_space<vmem>> -> memref<80x128xf32, #tpu.memory_space<vmem>>
      %dma_wait3A_940 = arith.constant 0 : i32
      %dma_wait3A_941 = tpu.memref_slice %arg6[%dma_wait3A_933, %dma_wait3A_934, %dma_wait3A_940] : memref<8x2x80xi32, #tpu.memory_space<vmem>> -> memref<1x1x80xi32, #tpu.memory_space<vmem>>
      %dma_wait3A_942 = tpu.memref_squeeze %dma_wait3A_941 : memref<1x1x80xi32, #tpu.memory_space<vmem>> -> memref<80xi32, #tpu.memory_space<vmem>>
      %dma_wait3A_943 = arith.constant 0 : i32
      %dma_wait3A_944 = arith.constant 0 : i32
      %dma_wait3A_945 = tpu.memref_slice %arg2[%dma_wait3A_943, %dma_wait3A_944] : memref<10240x128xf32, #tpu.memory_space<hbm>> -> memref<10240x128xf32, #tpu.memory_space<hbm>>
      tpu.wait_indirect_dma semaphore(%arg18 : memref<!tpu.dma_semaphore, #tpu.memory_space<semaphore_mem>>) src(%dma_wait3A_945 : memref<10240x128xf32, #tpu.memory_space<hbm>>) dst(%dma_wait3A_939 : memref<80x128xf32, #tpu.memory_space<vmem>>)
      %dma_start3A_946 = arith.constant 1 : i32
      %dma_start3A_947 = arith.constant 5 : i32
      %dma_start3A_948 = arith.constant 1 : i32
      %dma_start3A_949 = arith.constant 0 : i32
      %dma_start3A_950 = arith.constant 0 : i32
      %dma_start3A_951 = tpu.memref_slice %arg7[%dma_start3A_946, %dma_start3A_949, %dma_start3A_950] : memref<4x80x128xf32, #tpu.memory_space<vmem>> -> memref<1x80x128xf32, #tpu.memory_space<vmem>>
      %dma_start3A_952 = tpu.memref_squeeze %dma_start3A_951 : memref<1x80x128xf32, #tpu.memory_space<vmem>> -> memref<80x128xf32, #tpu.memory_space<vmem>>
      %dma_start3A_953 = arith.constant 0 : i32
      %dma_start3A_954 = tpu.memref_slice %arg6[%dma_start3A_947, %dma_start3A_948, %dma_start3A_953] : memref<8x2x80xi32, #tpu.memory_space<vmem>> -> memref<1x1x80xi32, #tpu.memory_space<vmem>>
      %dma_start3A_955 = tpu.memref_squeeze %dma_start3A_954 : memref<1x1x80xi32, #tpu.memory_space<vmem>> -> memref<80xi32, #tpu.memory_space<vmem>>
      %dma_start3A_956 = arith.constant 0 : i32
      %dma_start3A_957 = arith.constant 0 : i32
      %dma_start3A_958 = tpu.memref_slice %arg8[%dma_start3A_956, %dma_start3A_957] : memref<10240x128xf32, #tpu.memory_space<vmem_shared>> -> memref<10240x128xf32, #tpu.memory_space<vmem_shared>>
      tpu.enqueue_indirect_dma source(%dma_start3A_952 : memref<80x128xf32, #tpu.memory_space<vmem>>) target(%dma_start3A_958 : memref<10240x128xf32, #tpu.memory_space<vmem_shared>>) offsets(%dma_start3A_955 : memref<80xi32, #tpu.memory_space<vmem>>) semaphore(%arg22 : memref<!tpu.dma_semaphore, #tpu.memory_space<semaphore_mem>>) {add = true}
      %dma_wait3A_959 = arith.constant 3 : i32
      %dma_wait3A_960 = arith.constant 0 : i32
      %dma_wait3A_961 = arith.constant 1 : i32
      %dma_wait3A_962 = arith.constant 0 : i32
      %dma_wait3A_963 = arith.constant 0 : i32
      %dma_wait3A_964 = tpu.memref_slice %arg7[%dma_wait3A_959, %dma_wait3A_962, %dma_wait3A_963] : memref<4x80x128xf32, #tpu.memory_space<vmem>> -> memref<1x80x128xf32, #tpu.memory_space<vmem>>
      %dma_wait3A_965 = tpu.memref_squeeze %dma_wait3A_964 : memref<1x80x128xf32, #tpu.memory_space<vmem>> -> memref<80x128xf32, #tpu.memory_space<vmem>>
      %dma_wait3A_966 = arith.constant 0 : i32
      %dma_wait3A_967 = tpu.memref_slice %arg6[%dma_wait3A_960, %dma_wait3A_961, %dma_wait3A_966] : memref<8x2x80xi32, #tpu.memory_space<vmem>> -> memref<1x1x80xi32, #tpu.memory_space<vmem>>
      %dma_wait3A_968 = tpu.memref_squeeze %dma_wait3A_967 : memref<1x1x80xi32, #tpu.memory_space<vmem>> -> memref<80xi32, #tpu.memory_space<vmem>>
      %dma_wait3A_969 = arith.constant 0 : i32
      %dma_wait3A_970 = arith.constant 0 : i32
      %dma_wait3A_971 = tpu.memref_slice %arg8[%dma_wait3A_969, %dma_wait3A_970] : memref<10240x128xf32, #tpu.memory_space<vmem_shared>> -> memref<10240x128xf32, #tpu.memory_space<vmem_shared>>
      tpu.wait_indirect_dma semaphore(%arg24 : memref<!tpu.dma_semaphore, #tpu.memory_space<semaphore_mem>>) src(%dma_wait3A_965 : memref<80x128xf32, #tpu.memory_space<vmem>>) dst(%dma_wait3A_971 : memref<10240x128xf32, #tpu.memory_space<vmem_shared>>)
      %add3A_972 = arith.constant 2 : i32
      %add3A_973 = arith.addi %add3A_932, %add3A_972 : i32
      %dma_wait3A_974 = arith.constant 7 : i32
      %dma_wait3A_975 = arith.constant 0 : i32
      %dma_wait3A_976 = arith.constant 0 : i32
      %dma_wait3A_977 = tpu.memref_slice %arg6[%dma_wait3A_974, %dma_wait3A_975, %dma_wait3A_976] : memref<8x2x80xi32, #tpu.memory_space<vmem>> -> memref<1x2x80xi32, #tpu.memory_space<vmem>>
      %dma_wait3A_978 = tpu.memref_squeeze %dma_wait3A_977 : memref<1x2x80xi32, #tpu.memory_space<vmem>> -> memref<2x80xi32, #tpu.memory_space<vmem>>
      %dma_wait3A_979 = arith.constant 0 : i32
      %dma_wait3A_980 = arith.constant 0 : i32
      %dma_wait3A_981 = tpu.memref_slice %arg3[%add3A, %add3A_973, %dma_wait3A_979, %dma_wait3A_980] : memref<32x125x2x80xi32, #tpu.memory_space<hbm>> -> memref<1x1x2x80xi32, #tpu.memory_space<hbm>>
      %dma_wait3A_982 = tpu.memref_squeeze %dma_wait3A_981 : memref<1x1x2x80xi32, #tpu.memory_space<hbm>> -> memref<2x80xi32, #tpu.memory_space<hbm>>
      %dma_wait3A_983 = arith.constant 0 : i32
      %dma_wait3A_984 = arith.constant 0 : i32
      %dma_wait3A_985 = tpu.memref_slice %arg6[%dma_wait3A_974, %dma_wait3A_983, %dma_wait3A_984] : memref<8x2x80xi32, #tpu.memory_space<vmem>> -> memref<1x2x80xi32, #tpu.memory_space<vmem>>
      %dma_wait3A_986 = tpu.memref_squeeze %dma_wait3A_985 : memref<1x2x80xi32, #tpu.memory_space<vmem>> -> memref<2x80xi32, #tpu.memory_space<vmem>>
      %dma_wait3A_987 = arith.constant 0 : i32
      %dma_wait3A_988 = arith.constant 0 : i32
      %dma_wait3A_989 = tpu.memref_slice %arg3[%add3A, %add3A_973, %dma_wait3A_987, %dma_wait3A_988] : memref<32x125x2x80xi32, #tpu.memory_space<hbm>> -> memref<1x1x2x80xi32, #tpu.memory_space<hbm>>
      %dma_wait3A_990 = tpu.memref_squeeze %dma_wait3A_989 : memref<1x1x2x80xi32, #tpu.memory_space<hbm>> -> memref<2x80xi32, #tpu.memory_space<hbm>>
      tpu.wait_dma2 semaphore(%arg16 : memref<!tpu.dma_semaphore, #tpu.memory_space<semaphore_mem>>) src(%dma_wait3A_990 : memref<2x80xi32, #tpu.memory_space<hbm>>) dst(%dma_wait3A_986 : memref<2x80xi32, #tpu.memory_space<vmem>>)
      %add3A_991 = arith.constant 2 : i32
      %add3A_992 = arith.addi %add3A_932, %add3A_991 : i32
      %dma_start3A_993 = arith.constant 7 : i32
      %dma_start3A_994 = arith.constant 0 : i32
      %dma_start3A_995 = arith.constant 3 : i32
      %dma_start3A_996 = arith.constant 0 : i32
      %dma_start3A_997 = arith.constant 0 : i32
      %dma_start3A_998 = tpu.memref_slice %arg7[%dma_start3A_995, %dma_start3A_996, %dma_start3A_997] : memref<4x80x128xf32, #tpu.memory_space<vmem>> -> memref<1x80x128xf32, #tpu.memory_space<vmem>>
      %dma_start3A_999 = tpu.memref_squeeze %dma_start3A_998 : memref<1x80x128xf32, #tpu.memory_space<vmem>> -> memref<80x128xf32, #tpu.memory_space<vmem>>
      %dma_start3A_1000 = arith.constant 0 : i32
      %dma_start3A_1001 = tpu.memref_slice %arg6[%dma_start3A_993, %dma_start3A_994, %dma_start3A_1000] : memref<8x2x80xi32, #tpu.memory_space<vmem>> -> memref<1x1x80xi32, #tpu.memory_space<vmem>>
      %dma_start3A_1002 = tpu.memref_squeeze %dma_start3A_1001 : memref<1x1x80xi32, #tpu.memory_space<vmem>> -> memref<80xi32, #tpu.memory_space<vmem>>
      %dma_start3A_1003 = arith.constant 0 : i32
      %dma_start3A_1004 = arith.constant 0 : i32
      %dma_start3A_1005 = tpu.memref_slice %arg2[%dma_start3A_1003, %dma_start3A_1004] : memref<10240x128xf32, #tpu.memory_space<hbm>> -> memref<10240x128xf32, #tpu.memory_space<hbm>>
      tpu.enqueue_indirect_dma source(%dma_start3A_1005 : memref<10240x128xf32, #tpu.memory_space<hbm>>) target(%dma_start3A_999 : memref<80x128xf32, #tpu.memory_space<vmem>>) offsets(%dma_start3A_1002 : memref<80xi32, #tpu.memory_space<vmem>>) semaphore(%arg20 : memref<!tpu.dma_semaphore, #tpu.memory_space<semaphore_mem>>)
      %add3A_1006 = arith.constant 4 : i32
      %add3A_1007 = arith.addi %add3A_932, %add3A_1006 : i32
      %dma_start3A_1008 = arith.constant 1 : i32
      %dma_start3A_1009 = arith.constant 0 : i32
      %dma_start3A_1010 = arith.constant 0 : i32
      %dma_start3A_1011 = tpu.memref_slice %arg6[%dma_start3A_1008, %dma_start3A_1009, %dma_start3A_1010] : memref<8x2x80xi32, #tpu.memory_space<vmem>> -> memref<1x2x80xi32, #tpu.memory_space<vmem>>
      %dma_start3A_1012 = tpu.memref_squeeze %dma_start3A_1011 : memref<1x2x80xi32, #tpu.memory_space<vmem>> -> memref<2x80xi32, #tpu.memory_space<vmem>>
      %dma_start3A_1013 = arith.constant 0 : i32
      %dma_start3A_1014 = arith.constant 0 : i32
      %dma_start3A_1015 = tpu.memref_slice %arg3[%add3A, %add3A_1007, %dma_start3A_1013, %dma_start3A_1014] : memref<32x125x2x80xi32, #tpu.memory_space<hbm>> -> memref<1x1x2x80xi32, #tpu.memory_space<hbm>>
      %dma_start3A_1016 = tpu.memref_squeeze %dma_start3A_1015 : memref<1x1x2x80xi32, #tpu.memory_space<hbm>> -> memref<2x80xi32, #tpu.memory_space<hbm>>
      %dma_start3A_1017 = arith.constant 0 : i32
      %dma_start3A_1018 = arith.constant 0 : i32
      %dma_start3A_1019 = tpu.memref_slice %arg6[%dma_start3A_1008, %dma_start3A_1017, %dma_start3A_1018] : memref<8x2x80xi32, #tpu.memory_space<vmem>> -> memref<1x2x80xi32, #tpu.memory_space<vmem>>
      %dma_start3A_1020 = tpu.memref_squeeze %dma_start3A_1019 : memref<1x2x80xi32, #tpu.memory_space<vmem>> -> memref<2x80xi32, #tpu.memory_space<vmem>>
      %dma_start3A_1021 = arith.constant 0 : i32
      %dma_start3A_1022 = arith.constant 0 : i32
      %dma_start3A_1023 = tpu.memref_slice %arg3[%add3A, %add3A_1007, %dma_start3A_1021, %dma_start3A_1022] : memref<32x125x2x80xi32, #tpu.memory_space<hbm>> -> memref<1x1x2x80xi32, #tpu.memory_space<hbm>>
      %dma_start3A_1024 = tpu.memref_squeeze %dma_start3A_1023 : memref<1x1x2x80xi32, #tpu.memory_space<hbm>> -> memref<2x80xi32, #tpu.memory_space<hbm>>
      tpu.enqueue_dma source(%dma_start3A_1024 : memref<2x80xi32, #tpu.memory_space<hbm>>) target(%dma_start3A_1020 : memref<2x80xi32, #tpu.memory_space<vmem>>) target_semaphore(%arg10 : memref<!tpu.dma_semaphore, #tpu.memory_space<semaphore_mem>>)
      %add3A_1025 = arith.constant 6 : i32
      %add3A_1026 = arith.addi %mul3A_479, %add3A_1025 : i32
      %dma_wait3A_1027 = arith.constant 6 : i32
      %dma_wait3A_1028 = arith.constant 0 : i32
      %dma_wait3A_1029 = arith.constant 2 : i32
      %dma_wait3A_1030 = arith.constant 0 : i32
      %dma_wait3A_1031 = arith.constant 0 : i32
      %dma_wait3A_1032 = tpu.memref_slice %arg7[%dma_wait3A_1029, %dma_wait3A_1030, %dma_wait3A_1031] : memref<4x80x128xf32, #tpu.memory_space<vmem>> -> memref<1x80x128xf32, #tpu.memory_space<vmem>>
      %dma_wait3A_1033 = tpu.memref_squeeze %dma_wait3A_1032 : memref<1x80x128xf32, #tpu.memory_space<vmem>> -> memref<80x128xf32, #tpu.memory_space<vmem>>
      %dma_wait3A_1034 = arith.constant 0 : i32
      %dma_wait3A_1035 = tpu.memref_slice %arg6[%dma_wait3A_1027, %dma_wait3A_1028, %dma_wait3A_1034] : memref<8x2x80xi32, #tpu.memory_space<vmem>> -> memref<1x1x80xi32, #tpu.memory_space<vmem>>
      %dma_wait3A_1036 = tpu.memref_squeeze %dma_wait3A_1035 : memref<1x1x80xi32, #tpu.memory_space<vmem>> -> memref<80xi32, #tpu.memory_space<vmem>>
      %dma_wait3A_1037 = arith.constant 0 : i32
      %dma_wait3A_1038 = arith.constant 0 : i32
      %dma_wait3A_1039 = tpu.memref_slice %arg2[%dma_wait3A_1037, %dma_wait3A_1038] : memref<10240x128xf32, #tpu.memory_space<hbm>> -> memref<10240x128xf32, #tpu.memory_space<hbm>>
      tpu.wait_indirect_dma semaphore(%arg19 : memref<!tpu.dma_semaphore, #tpu.memory_space<semaphore_mem>>) src(%dma_wait3A_1039 : memref<10240x128xf32, #tpu.memory_space<hbm>>) dst(%dma_wait3A_1033 : memref<80x128xf32, #tpu.memory_space<vmem>>)
      %dma_start3A_1040 = arith.constant 2 : i32
      %dma_start3A_1041 = arith.constant 6 : i32
      %dma_start3A_1042 = arith.constant 1 : i32
      %dma_start3A_1043 = arith.constant 0 : i32
      %dma_start3A_1044 = arith.constant 0 : i32
      %dma_start3A_1045 = tpu.memref_slice %arg7[%dma_start3A_1040, %dma_start3A_1043, %dma_start3A_1044] : memref<4x80x128xf32, #tpu.memory_space<vmem>> -> memref<1x80x128xf32, #tpu.memory_space<vmem>>
      %dma_start3A_1046 = tpu.memref_squeeze %dma_start3A_1045 : memref<1x80x128xf32, #tpu.memory_space<vmem>> -> memref<80x128xf32, #tpu.memory_space<vmem>>
      %dma_start3A_1047 = arith.constant 0 : i32
      %dma_start3A_1048 = tpu.memref_slice %arg6[%dma_start3A_1041, %dma_start3A_1042, %dma_start3A_1047] : memref<8x2x80xi32, #tpu.memory_space<vmem>> -> memref<1x1x80xi32, #tpu.memory_space<vmem>>
      %dma_start3A_1049 = tpu.memref_squeeze %dma_start3A_1048 : memref<1x1x80xi32, #tpu.memory_space<vmem>> -> memref<80xi32, #tpu.memory_space<vmem>>
      %dma_start3A_1050 = arith.constant 0 : i32
      %dma_start3A_1051 = arith.constant 0 : i32
      %dma_start3A_1052 = tpu.memref_slice %arg8[%dma_start3A_1050, %dma_start3A_1051] : memref<10240x128xf32, #tpu.memory_space<vmem_shared>> -> memref<10240x128xf32, #tpu.memory_space<vmem_shared>>
      tpu.enqueue_indirect_dma source(%dma_start3A_1046 : memref<80x128xf32, #tpu.memory_space<vmem>>) target(%dma_start3A_1052 : memref<10240x128xf32, #tpu.memory_space<vmem_shared>>) offsets(%dma_start3A_1049 : memref<80xi32, #tpu.memory_space<vmem>>) semaphore(%arg23 : memref<!tpu.dma_semaphore, #tpu.memory_space<semaphore_mem>>) {add = true}
      %dma_wait3A_1053 = arith.constant 0 : i32
      %dma_wait3A_1054 = arith.constant 0 : i32
      %dma_wait3A_1055 = arith.constant 1 : i32
      %dma_wait3A_1056 = arith.constant 0 : i32
      %dma_wait3A_1057 = arith.constant 0 : i32
      %dma_wait3A_1058 = tpu.memref_slice %arg7[%dma_wait3A_1053, %dma_wait3A_1056, %dma_wait3A_1057] : memref<4x80x128xf32, #tpu.memory_space<vmem>> -> memref<1x80x128xf32, #tpu.memory_space<vmem>>
      %dma_wait3A_1059 = tpu.memref_squeeze %dma_wait3A_1058 : memref<1x80x128xf32, #tpu.memory_space<vmem>> -> memref<80x128xf32, #tpu.memory_space<vmem>>
      %dma_wait3A_1060 = arith.constant 0 : i32
      %dma_wait3A_1061 = tpu.memref_slice %arg6[%dma_wait3A_1054, %dma_wait3A_1055, %dma_wait3A_1060] : memref<8x2x80xi32, #tpu.memory_space<vmem>> -> memref<1x1x80xi32, #tpu.memory_space<vmem>>
      %dma_wait3A_1062 = tpu.memref_squeeze %dma_wait3A_1061 : memref<1x1x80xi32, #tpu.memory_space<vmem>> -> memref<80xi32, #tpu.memory_space<vmem>>
      %dma_wait3A_1063 = arith.constant 0 : i32
      %dma_wait3A_1064 = arith.constant 0 : i32
      %dma_wait3A_1065 = tpu.memref_slice %arg8[%dma_wait3A_1063, %dma_wait3A_1064] : memref<10240x128xf32, #tpu.memory_space<vmem_shared>> -> memref<10240x128xf32, #tpu.memory_space<vmem_shared>>
      tpu.wait_indirect_dma semaphore(%arg21 : memref<!tpu.dma_semaphore, #tpu.memory_space<semaphore_mem>>) src(%dma_wait3A_1059 : memref<80x128xf32, #tpu.memory_space<vmem>>) dst(%dma_wait3A_1065 : memref<10240x128xf32, #tpu.memory_space<vmem_shared>>)
      %add3A_1066 = arith.constant 2 : i32
      %add3A_1067 = arith.addi %add3A_1026, %add3A_1066 : i32
      %dma_wait3A_1068 = arith.constant 0 : i32
      %dma_wait3A_1069 = arith.constant 0 : i32
      %dma_wait3A_1070 = arith.constant 0 : i32
      %dma_wait3A_1071 = tpu.memref_slice %arg6[%dma_wait3A_1068, %dma_wait3A_1069, %dma_wait3A_1070] : memref<8x2x80xi32, #tpu.memory_space<vmem>> -> memref<1x2x80xi32, #tpu.memory_space<vmem>>
      %dma_wait3A_1072 = tpu.memref_squeeze %dma_wait3A_1071 : memref<1x2x80xi32, #tpu.memory_space<vmem>> -> memref<2x80xi32, #tpu.memory_space<vmem>>
      %dma_wait3A_1073 = arith.constant 0 : i32
      %dma_wait3A_1074 = arith.constant 0 : i32
      %dma_wait3A_1075 = tpu.memref_slice %arg3[%add3A, %add3A_1067, %dma_wait3A_1073, %dma_wait3A_1074] : memref<32x125x2x80xi32, #tpu.memory_space<hbm>> -> memref<1x1x2x80xi32, #tpu.memory_space<hbm>>
      %dma_wait3A_1076 = tpu.memref_squeeze %dma_wait3A_1075 : memref<1x1x2x80xi32, #tpu.memory_space<hbm>> -> memref<2x80xi32, #tpu.memory_space<hbm>>
      %dma_wait3A_1077 = arith.constant 0 : i32
      %dma_wait3A_1078 = arith.constant 0 : i32
      %dma_wait3A_1079 = tpu.memref_slice %arg6[%dma_wait3A_1068, %dma_wait3A_1077, %dma_wait3A_1078] : memref<8x2x80xi32, #tpu.memory_space<vmem>> -> memref<1x2x80xi32, #tpu.memory_space<vmem>>
      %dma_wait3A_1080 = tpu.memref_squeeze %dma_wait3A_1079 : memref<1x2x80xi32, #tpu.memory_space<vmem>> -> memref<2x80xi32, #tpu.memory_space<vmem>>
      %dma_wait3A_1081 = arith.constant 0 : i32
      %dma_wait3A_1082 = arith.constant 0 : i32
      %dma_wait3A_1083 = tpu.memref_slice %arg3[%add3A, %add3A_1067, %dma_wait3A_1081, %dma_wait3A_1082] : memref<32x125x2x80xi32, #tpu.memory_space<hbm>> -> memref<1x1x2x80xi32, #tpu.memory_space<hbm>>
      %dma_wait3A_1084 = tpu.memref_squeeze %dma_wait3A_1083 : memref<1x1x2x80xi32, #tpu.memory_space<hbm>> -> memref<2x80xi32, #tpu.memory_space<hbm>>
      tpu.wait_dma2 semaphore(%arg9 : memref<!tpu.dma_semaphore, #tpu.memory_space<semaphore_mem>>) src(%dma_wait3A_1084 : memref<2x80xi32, #tpu.memory_space<hbm>>) dst(%dma_wait3A_1080 : memref<2x80xi32, #tpu.memory_space<vmem>>)
      %add3A_1085 = arith.constant 2 : i32
      %add3A_1086 = arith.addi %add3A_1026, %add3A_1085 : i32
      %dma_start3A_1087 = arith.constant 0 : i32
      %dma_start3A_1088 = arith.constant 0 : i32
      %dma_start3A_1089 = arith.constant 0 : i32
      %dma_start3A_1090 = arith.constant 0 : i32
      %dma_start3A_1091 = arith.constant 0 : i32
      %dma_start3A_1092 = tpu.memref_slice %arg7[%dma_start3A_1089, %dma_start3A_1090, %dma_start3A_1091] : memref<4x80x128xf32, #tpu.memory_space<vmem>> -> memref<1x80x128xf32, #tpu.memory_space<vmem>>
      %dma_start3A_1093 = tpu.memref_squeeze %dma_start3A_1092 : memref<1x80x128xf32, #tpu.memory_space<vmem>> -> memref<80x128xf32, #tpu.memory_space<vmem>>
      %dma_start3A_1094 = arith.constant 0 : i32
      %dma_start3A_1095 = tpu.memref_slice %arg6[%dma_start3A_1087, %dma_start3A_1088, %dma_start3A_1094] : memref<8x2x80xi32, #tpu.memory_space<vmem>> -> memref<1x1x80xi32, #tpu.memory_space<vmem>>
      %dma_start3A_1096 = tpu.memref_squeeze %dma_start3A_1095 : memref<1x1x80xi32, #tpu.memory_space<vmem>> -> memref<80xi32, #tpu.memory_space<vmem>>
      %dma_start3A_1097 = arith.constant 0 : i32
      %dma_start3A_1098 = arith.constant 0 : i32
      %dma_start3A_1099 = tpu.memref_slice %arg2[%dma_start3A_1097, %dma_start3A_1098] : memref<10240x128xf32, #tpu.memory_space<hbm>> -> memref<10240x128xf32, #tpu.memory_space<hbm>>
      tpu.enqueue_indirect_dma source(%dma_start3A_1099 : memref<10240x128xf32, #tpu.memory_space<hbm>>) target(%dma_start3A_1093 : memref<80x128xf32, #tpu.memory_space<vmem>>) offsets(%dma_start3A_1096 : memref<80xi32, #tpu.memory_space<vmem>>) semaphore(%arg17 : memref<!tpu.dma_semaphore, #tpu.memory_space<semaphore_mem>>)
      %add3A_1100 = arith.constant 4 : i32
      %add3A_1101 = arith.addi %add3A_1026, %add3A_1100 : i32
      %dma_start3A_1102 = arith.constant 2 : i32
      %dma_start3A_1103 = arith.constant 0 : i32
      %dma_start3A_1104 = arith.constant 0 : i32
      %dma_start3A_1105 = tpu.memref_slice %arg6[%dma_start3A_1102, %dma_start3A_1103, %dma_start3A_1104] : memref<8x2x80xi32, #tpu.memory_space<vmem>> -> memref<1x2x80xi32, #tpu.memory_space<vmem>>
      %dma_start3A_1106 = tpu.memref_squeeze %dma_start3A_1105 : memref<1x2x80xi32, #tpu.memory_space<vmem>> -> memref<2x80xi32, #tpu.memory_space<vmem>>
      %dma_start3A_1107 = arith.constant 0 : i32
      %dma_start3A_1108 = arith.constant 0 : i32
      %dma_start3A_1109 = tpu.memref_slice %arg3[%add3A, %add3A_1101, %dma_start3A_1107, %dma_start3A_1108] : memref<32x125x2x80xi32, #tpu.memory_space<hbm>> -> memref<1x1x2x80xi32, #tpu.memory_space<hbm>>
      %dma_start3A_1110 = tpu.memref_squeeze %dma_start3A_1109 : memref<1x1x2x80xi32, #tpu.memory_space<hbm>> -> memref<2x80xi32, #tpu.memory_space<hbm>>
      %dma_start3A_1111 = arith.constant 0 : i32
      %dma_start3A_1112 = arith.constant 0 : i32
      %dma_start3A_1113 = tpu.memref_slice %arg6[%dma_start3A_1102, %dma_start3A_1111, %dma_start3A_1112] : memref<8x2x80xi32, #tpu.memory_space<vmem>> -> memref<1x2x80xi32, #tpu.memory_space<vmem>>
      %dma_start3A_1114 = tpu.memref_squeeze %dma_start3A_1113 : memref<1x2x80xi32, #tpu.memory_space<vmem>> -> memref<2x80xi32, #tpu.memory_space<vmem>>
      %dma_start3A_1115 = arith.constant 0 : i32
      %dma_start3A_1116 = arith.constant 0 : i32
      %dma_start3A_1117 = tpu.memref_slice %arg3[%add3A, %add3A_1101, %dma_start3A_1115, %dma_start3A_1116] : memref<32x125x2x80xi32, #tpu.memory_space<hbm>> -> memref<1x1x2x80xi32, #tpu.memory_space<hbm>>
      %dma_start3A_1118 = tpu.memref_squeeze %dma_start3A_1117 : memref<1x1x2x80xi32, #tpu.memory_space<hbm>> -> memref<2x80xi32, #tpu.memory_space<hbm>>
      tpu.enqueue_dma source(%dma_start3A_1118 : memref<2x80xi32, #tpu.memory_space<hbm>>) target(%dma_start3A_1114 : memref<2x80xi32, #tpu.memory_space<vmem>>) target_semaphore(%arg11 : memref<!tpu.dma_semaphore, #tpu.memory_space<semaphore_mem>>)
      %add3A_1119 = arith.constant 7 : i32
      %add3A_1120 = arith.addi %mul3A_479, %add3A_1119 : i32
      %dma_wait3A_1121 = arith.constant 7 : i32
      %dma_wait3A_1122 = arith.constant 0 : i32
      %dma_wait3A_1123 = arith.constant 3 : i32
      %dma_wait3A_1124 = arith.constant 0 : i32
      %dma_wait3A_1125 = arith.constant 0 : i32
      %dma_wait3A_1126 = tpu.memref_slice %arg7[%dma_wait3A_1123, %dma_wait3A_1124, %dma_wait3A_1125] : memref<4x80x128xf32, #tpu.memory_space<vmem>> -> memref<1x80x128xf32, #tpu.memory_space<vmem>>
      %dma_wait3A_1127 = tpu.memref_squeeze %dma_wait3A_1126 : memref<1x80x128xf32, #tpu.memory_space<vmem>> -> memref<80x128xf32, #tpu.memory_space<vmem>>
      %dma_wait3A_1128 = arith.constant 0 : i32
      %dma_wait3A_1129 = tpu.memref_slice %arg6[%dma_wait3A_1121, %dma_wait3A_1122, %dma_wait3A_1128] : memref<8x2x80xi32, #tpu.memory_space<vmem>> -> memref<1x1x80xi32, #tpu.memory_space<vmem>>
      %dma_wait3A_1130 = tpu.memref_squeeze %dma_wait3A_1129 : memref<1x1x80xi32, #tpu.memory_space<vmem>> -> memref<80xi32, #tpu.memory_space<vmem>>
      %dma_wait3A_1131 = arith.constant 0 : i32
      %dma_wait3A_1132 = arith.constant 0 : i32
      %dma_wait3A_1133 = tpu.memref_slice %arg2[%dma_wait3A_1131, %dma_wait3A_1132] : memref<10240x128xf32, #tpu.memory_space<hbm>> -> memref<10240x128xf32, #tpu.memory_space<hbm>>
      tpu.wait_indirect_dma semaphore(%arg20 : memref<!tpu.dma_semaphore, #tpu.memory_space<semaphore_mem>>) src(%dma_wait3A_1133 : memref<10240x128xf32, #tpu.memory_space<hbm>>) dst(%dma_wait3A_1127 : memref<80x128xf32, #tpu.memory_space<vmem>>)
      %dma_start3A_1134 = arith.constant 3 : i32
      %dma_start3A_1135 = arith.constant 7 : i32
      %dma_start3A_1136 = arith.constant 1 : i32
      %dma_start3A_1137 = arith.constant 0 : i32
      %dma_start3A_1138 = arith.constant 0 : i32
      %dma_start3A_1139 = tpu.memref_slice %arg7[%dma_start3A_1134, %dma_start3A_1137, %dma_start3A_1138] : memref<4x80x128xf32, #tpu.memory_space<vmem>> -> memref<1x80x128xf32, #tpu.memory_space<vmem>>
      %dma_start3A_1140 = tpu.memref_squeeze %dma_start3A_1139 : memref<1x80x128xf32, #tpu.memory_space<vmem>> -> memref<80x128xf32, #tpu.memory_space<vmem>>
      %dma_start3A_1141 = arith.constant 0 : i32
      %dma_start3A_1142 = tpu.memref_slice %arg6[%dma_start3A_1135, %dma_start3A_1136, %dma_start3A_1141] : memref<8x2x80xi32, #tpu.memory_space<vmem>> -> memref<1x1x80xi32, #tpu.memory_space<vmem>>
      %dma_start3A_1143 = tpu.memref_squeeze %dma_start3A_1142 : memref<1x1x80xi32, #tpu.memory_space<vmem>> -> memref<80xi32, #tpu.memory_space<vmem>>
      %dma_start3A_1144 = arith.constant 0 : i32
      %dma_start3A_1145 = arith.constant 0 : i32
      %dma_start3A_1146 = tpu.memref_slice %arg8[%dma_start3A_1144, %dma_start3A_1145] : memref<10240x128xf32, #tpu.memory_space<vmem_shared>> -> memref<10240x128xf32, #tpu.memory_space<vmem_shared>>
      tpu.enqueue_indirect_dma source(%dma_start3A_1140 : memref<80x128xf32, #tpu.memory_space<vmem>>) target(%dma_start3A_1146 : memref<10240x128xf32, #tpu.memory_space<vmem_shared>>) offsets(%dma_start3A_1143 : memref<80xi32, #tpu.memory_space<vmem>>) semaphore(%arg24 : memref<!tpu.dma_semaphore, #tpu.memory_space<semaphore_mem>>) {add = true}
      %dma_wait3A_1147 = arith.constant 1 : i32
      %dma_wait3A_1148 = arith.constant 0 : i32
      %dma_wait3A_1149 = arith.constant 1 : i32
      %dma_wait3A_1150 = arith.constant 0 : i32
      %dma_wait3A_1151 = arith.constant 0 : i32
      %dma_wait3A_1152 = tpu.memref_slice %arg7[%dma_wait3A_1147, %dma_wait3A_1150, %dma_wait3A_1151] : memref<4x80x128xf32, #tpu.memory_space<vmem>> -> memref<1x80x128xf32, #tpu.memory_space<vmem>>
      %dma_wait3A_1153 = tpu.memref_squeeze %dma_wait3A_1152 : memref<1x80x128xf32, #tpu.memory_space<vmem>> -> memref<80x128xf32, #tpu.memory_space<vmem>>
      %dma_wait3A_1154 = arith.constant 0 : i32
      %dma_wait3A_1155 = tpu.memref_slice %arg6[%dma_wait3A_1148, %dma_wait3A_1149, %dma_wait3A_1154] : memref<8x2x80xi32, #tpu.memory_space<vmem>> -> memref<1x1x80xi32, #tpu.memory_space<vmem>>
      %dma_wait3A_1156 = tpu.memref_squeeze %dma_wait3A_1155 : memref<1x1x80xi32, #tpu.memory_space<vmem>> -> memref<80xi32, #tpu.memory_space<vmem>>
      %dma_wait3A_1157 = arith.constant 0 : i32
      %dma_wait3A_1158 = arith.constant 0 : i32
      %dma_wait3A_1159 = tpu.memref_slice %arg8[%dma_wait3A_1157, %dma_wait3A_1158] : memref<10240x128xf32, #tpu.memory_space<vmem_shared>> -> memref<10240x128xf32, #tpu.memory_space<vmem_shared>>
      tpu.wait_indirect_dma semaphore(%arg22 : memref<!tpu.dma_semaphore, #tpu.memory_space<semaphore_mem>>) src(%dma_wait3A_1153 : memref<80x128xf32, #tpu.memory_space<vmem>>) dst(%dma_wait3A_1159 : memref<10240x128xf32, #tpu.memory_space<vmem_shared>>)
      %add3A_1160 = arith.constant 2 : i32
      %add3A_1161 = arith.addi %add3A_1120, %add3A_1160 : i32
      %dma_wait3A_1162 = arith.constant 1 : i32
      %dma_wait3A_1163 = arith.constant 0 : i32
      %dma_wait3A_1164 = arith.constant 0 : i32
      %dma_wait3A_1165 = tpu.memref_slice %arg6[%dma_wait3A_1162, %dma_wait3A_1163, %dma_wait3A_1164] : memref<8x2x80xi32, #tpu.memory_space<vmem>> -> memref<1x2x80xi32, #tpu.memory_space<vmem>>
      %dma_wait3A_1166 = tpu.memref_squeeze %dma_wait3A_1165 : memref<1x2x80xi32, #tpu.memory_space<vmem>> -> memref<2x80xi32, #tpu.memory_space<vmem>>
      %dma_wait3A_1167 = arith.constant 0 : i32
      %dma_wait3A_1168 = arith.constant 0 : i32
      %dma_wait3A_1169 = tpu.memref_slice %arg3[%add3A, %add3A_1161, %dma_wait3A_1167, %dma_wait3A_1168] : memref<32x125x2x80xi32, #tpu.memory_space<hbm>> -> memref<1x1x2x80xi32, #tpu.memory_space<hbm>>
      %dma_wait3A_1170 = tpu.memref_squeeze %dma_wait3A_1169 : memref<1x1x2x80xi32, #tpu.memory_space<hbm>> -> memref<2x80xi32, #tpu.memory_space<hbm>>
      %dma_wait3A_1171 = arith.constant 0 : i32
      %dma_wait3A_1172 = arith.constant 0 : i32
      %dma_wait3A_1173 = tpu.memref_slice %arg6[%dma_wait3A_1162, %dma_wait3A_1171, %dma_wait3A_1172] : memref<8x2x80xi32, #tpu.memory_space<vmem>> -> memref<1x2x80xi32, #tpu.memory_space<vmem>>
      %dma_wait3A_1174 = tpu.memref_squeeze %dma_wait3A_1173 : memref<1x2x80xi32, #tpu.memory_space<vmem>> -> memref<2x80xi32, #tpu.memory_space<vmem>>
      %dma_wait3A_1175 = arith.constant 0 : i32
      %dma_wait3A_1176 = arith.constant 0 : i32
      %dma_wait3A_1177 = tpu.memref_slice %arg3[%add3A, %add3A_1161, %dma_wait3A_1175, %dma_wait3A_1176] : memref<32x125x2x80xi32, #tpu.memory_space<hbm>> -> memref<1x1x2x80xi32, #tpu.memory_space<hbm>>
      %dma_wait3A_1178 = tpu.memref_squeeze %dma_wait3A_1177 : memref<1x1x2x80xi32, #tpu.memory_space<hbm>> -> memref<2x80xi32, #tpu.memory_space<hbm>>
      tpu.wait_dma2 semaphore(%arg10 : memref<!tpu.dma_semaphore, #tpu.memory_space<semaphore_mem>>) src(%dma_wait3A_1178 : memref<2x80xi32, #tpu.memory_space<hbm>>) dst(%dma_wait3A_1174 : memref<2x80xi32, #tpu.memory_space<vmem>>)
      %add3A_1179 = arith.constant 2 : i32
      %add3A_1180 = arith.addi %add3A_1120, %add3A_1179 : i32
      %dma_start3A_1181 = arith.constant 1 : i32
      %dma_start3A_1182 = arith.constant 0 : i32
      %dma_start3A_1183 = arith.constant 1 : i32
      %dma_start3A_1184 = arith.constant 0 : i32
      %dma_start3A_1185 = arith.constant 0 : i32
      %dma_start3A_1186 = tpu.memref_slice %arg7[%dma_start3A_1183, %dma_start3A_1184, %dma_start3A_1185] : memref<4x80x128xf32, #tpu.memory_space<vmem>> -> memref<1x80x128xf32, #tpu.memory_space<vmem>>
      %dma_start3A_1187 = tpu.memref_squeeze %dma_start3A_1186 : memref<1x80x128xf32, #tpu.memory_space<vmem>> -> memref<80x128xf32, #tpu.memory_space<vmem>>
      %dma_start3A_1188 = arith.constant 0 : i32
      %dma_start3A_1189 = tpu.memref_slice %arg6[%dma_start3A_1181, %dma_start3A_1182, %dma_start3A_1188] : memref<8x2x80xi32, #tpu.memory_space<vmem>> -> memref<1x1x80xi32, #tpu.memory_space<vmem>>
      %dma_start3A_1190 = tpu.memref_squeeze %dma_start3A_1189 : memref<1x1x80xi32, #tpu.memory_space<vmem>> -> memref<80xi32, #tpu.memory_space<vmem>>
      %dma_start3A_1191 = arith.constant 0 : i32
      %dma_start3A_1192 = arith.constant 0 : i32
      %dma_start3A_1193 = tpu.memref_slice %arg2[%dma_start3A_1191, %dma_start3A_1192] : memref<10240x128xf32, #tpu.memory_space<hbm>> -> memref<10240x128xf32, #tpu.memory_space<hbm>>
      tpu.enqueue_indirect_dma source(%dma_start3A_1193 : memref<10240x128xf32, #tpu.memory_space<hbm>>) target(%dma_start3A_1187 : memref<80x128xf32, #tpu.memory_space<vmem>>) offsets(%dma_start3A_1190 : memref<80xi32, #tpu.memory_space<vmem>>) semaphore(%arg18 : memref<!tpu.dma_semaphore, #tpu.memory_space<semaphore_mem>>)
      %add3A_1194 = arith.constant 4 : i32
      %add3A_1195 = arith.addi %add3A_1120, %add3A_1194 : i32
      %dma_start3A_1196 = arith.constant 3 : i32
      %dma_start3A_1197 = arith.constant 0 : i32
      %dma_start3A_1198 = arith.constant 0 : i32
      %dma_start3A_1199 = tpu.memref_slice %arg6[%dma_start3A_1196, %dma_start3A_1197, %dma_start3A_1198] : memref<8x2x80xi32, #tpu.memory_space<vmem>> -> memref<1x2x80xi32, #tpu.memory_space<vmem>>
      %dma_start3A_1200 = tpu.memref_squeeze %dma_start3A_1199 : memref<1x2x80xi32, #tpu.memory_space<vmem>> -> memref<2x80xi32, #tpu.memory_space<vmem>>
      %dma_start3A_1201 = arith.constant 0 : i32
      %dma_start3A_1202 = arith.constant 0 : i32
      %dma_start3A_1203 = tpu.memref_slice %arg3[%add3A, %add3A_1195, %dma_start3A_1201, %dma_start3A_1202] : memref<32x125x2x80xi32, #tpu.memory_space<hbm>> -> memref<1x1x2x80xi32, #tpu.memory_space<hbm>>
      %dma_start3A_1204 = tpu.memref_squeeze %dma_start3A_1203 : memref<1x1x2x80xi32, #tpu.memory_space<hbm>> -> memref<2x80xi32, #tpu.memory_space<hbm>>
      %dma_start3A_1205 = arith.constant 0 : i32
      %dma_start3A_1206 = arith.constant 0 : i32
      %dma_start3A_1207 = tpu.memref_slice %arg6[%dma_start3A_1196, %dma_start3A_1205, %dma_start3A_1206] : memref<8x2x80xi32, #tpu.memory_space<vmem>> -> memref<1x2x80xi32, #tpu.memory_space<vmem>>
      %dma_start3A_1208 = tpu.memref_squeeze %dma_start3A_1207 : memref<1x2x80xi32, #tpu.memory_space<vmem>> -> memref<2x80xi32, #tpu.memory_space<vmem>>
      %dma_start3A_1209 = arith.constant 0 : i32
      %dma_start3A_1210 = arith.constant 0 : i32
      %dma_start3A_1211 = tpu.memref_slice %arg3[%add3A, %add3A_1195, %dma_start3A_1209, %dma_start3A_1210] : memref<32x125x2x80xi32, #tpu.memory_space<hbm>> -> memref<1x1x2x80xi32, #tpu.memory_space<hbm>>
      %dma_start3A_1212 = tpu.memref_squeeze %dma_start3A_1211 : memref<1x1x2x80xi32, #tpu.memory_space<hbm>> -> memref<2x80xi32, #tpu.memory_space<hbm>>
      tpu.enqueue_dma source(%dma_start3A_1212 : memref<2x80xi32, #tpu.memory_space<hbm>>) target(%dma_start3A_1208 : memref<2x80xi32, #tpu.memory_space<vmem>>) target_semaphore(%arg12 : memref<!tpu.dma_semaphore, #tpu.memory_space<semaphore_mem>>)
    }
    %scan3A_139 = arith.constant 15 : i32
    %dma_wait3A_140 = arith.constant 0 : i32
    %dma_wait3A_141 = arith.constant 0 : i32
    %dma_wait3A_142 = arith.constant 0 : i32
    %dma_wait3A_143 = arith.constant 0 : i32
    %dma_wait3A_144 = arith.constant 0 : i32
    %dma_wait3A_145 = tpu.memref_slice %arg7[%dma_wait3A_142, %dma_wait3A_143, %dma_wait3A_144] : memref<4x80x128xf32, #tpu.memory_space<vmem>> -> memref<1x80x128xf32, #tpu.memory_space<vmem>>
    %dma_wait3A_146 = tpu.memref_squeeze %dma_wait3A_145 : memref<1x80x128xf32, #tpu.memory_space<vmem>> -> memref<80x128xf32, #tpu.memory_space<vmem>>
    %dma_wait3A_147 = arith.constant 0 : i32
    %dma_wait3A_148 = tpu.memref_slice %arg6[%dma_wait3A_140, %dma_wait3A_141, %dma_wait3A_147] : memref<8x2x80xi32, #tpu.memory_space<vmem>> -> memref<1x1x80xi32, #tpu.memory_space<vmem>>
    %dma_wait3A_149 = tpu.memref_squeeze %dma_wait3A_148 : memref<1x1x80xi32, #tpu.memory_space<vmem>> -> memref<80xi32, #tpu.memory_space<vmem>>
    %dma_wait3A_150 = arith.constant 0 : i32
    %dma_wait3A_151 = arith.constant 0 : i32
    %dma_wait3A_152 = tpu.memref_slice %arg2[%dma_wait3A_150, %dma_wait3A_151] : memref<10240x128xf32, #tpu.memory_space<hbm>> -> memref<10240x128xf32, #tpu.memory_space<hbm>>
    tpu.wait_indirect_dma semaphore(%arg17 : memref<!tpu.dma_semaphore, #tpu.memory_space<semaphore_mem>>) src(%dma_wait3A_152 : memref<10240x128xf32, #tpu.memory_space<hbm>>) dst(%dma_wait3A_146 : memref<80x128xf32, #tpu.memory_space<vmem>>)
    %dma_start3A_153 = arith.constant 0 : i32
    %dma_start3A_154 = arith.constant 0 : i32
    %dma_start3A_155 = arith.constant 1 : i32
    %dma_start3A_156 = arith.constant 0 : i32
    %dma_start3A_157 = arith.constant 0 : i32
    %dma_start3A_158 = tpu.memref_slice %arg7[%dma_start3A_153, %dma_start3A_156, %dma_start3A_157] : memref<4x80x128xf32, #tpu.memory_space<vmem>> -> memref<1x80x128xf32, #tpu.memory_space<vmem>>
    %dma_start3A_159 = tpu.memref_squeeze %dma_start3A_158 : memref<1x80x128xf32, #tpu.memory_space<vmem>> -> memref<80x128xf32, #tpu.memory_space<vmem>>
    %dma_start3A_160 = arith.constant 0 : i32
    %dma_start3A_161 = tpu.memref_slice %arg6[%dma_start3A_154, %dma_start3A_155, %dma_start3A_160] : memref<8x2x80xi32, #tpu.memory_space<vmem>> -> memref<1x1x80xi32, #tpu.memory_space<vmem>>
    %dma_start3A_162 = tpu.memref_squeeze %dma_start3A_161 : memref<1x1x80xi32, #tpu.memory_space<vmem>> -> memref<80xi32, #tpu.memory_space<vmem>>
    %dma_start3A_163 = arith.constant 0 : i32
    %dma_start3A_164 = arith.constant 0 : i32
    %dma_start3A_165 = tpu.memref_slice %arg8[%dma_start3A_163, %dma_start3A_164] : memref<10240x128xf32, #tpu.memory_space<vmem_shared>> -> memref<10240x128xf32, #tpu.memory_space<vmem_shared>>
    tpu.enqueue_indirect_dma source(%dma_start3A_159 : memref<80x128xf32, #tpu.memory_space<vmem>>) target(%dma_start3A_165 : memref<10240x128xf32, #tpu.memory_space<vmem_shared>>) offsets(%dma_start3A_162 : memref<80xi32, #tpu.memory_space<vmem>>) semaphore(%arg21 : memref<!tpu.dma_semaphore, #tpu.memory_space<semaphore_mem>>) {add = true}
    %dma_wait3A_166 = arith.constant 2 : i32
    %dma_wait3A_167 = arith.constant 0 : i32
    %dma_wait3A_168 = arith.constant 1 : i32
    %dma_wait3A_169 = arith.constant 0 : i32
    %dma_wait3A_170 = arith.constant 0 : i32
    %dma_wait3A_171 = tpu.memref_slice %arg7[%dma_wait3A_166, %dma_wait3A_169, %dma_wait3A_170] : memref<4x80x128xf32, #tpu.memory_space<vmem>> -> memref<1x80x128xf32, #tpu.memory_space<vmem>>
    %dma_wait3A_172 = tpu.memref_squeeze %dma_wait3A_171 : memref<1x80x128xf32, #tpu.memory_space<vmem>> -> memref<80x128xf32, #tpu.memory_space<vmem>>
    %dma_wait3A_173 = arith.constant 0 : i32
    %dma_wait3A_174 = tpu.memref_slice %arg6[%dma_wait3A_167, %dma_wait3A_168, %dma_wait3A_173] : memref<8x2x80xi32, #tpu.memory_space<vmem>> -> memref<1x1x80xi32, #tpu.memory_space<vmem>>
    %dma_wait3A_175 = tpu.memref_squeeze %dma_wait3A_174 : memref<1x1x80xi32, #tpu.memory_space<vmem>> -> memref<80xi32, #tpu.memory_space<vmem>>
    %dma_wait3A_176 = arith.constant 0 : i32
    %dma_wait3A_177 = arith.constant 0 : i32
    %dma_wait3A_178 = tpu.memref_slice %arg8[%dma_wait3A_176, %dma_wait3A_177] : memref<10240x128xf32, #tpu.memory_space<vmem_shared>> -> memref<10240x128xf32, #tpu.memory_space<vmem_shared>>
    tpu.wait_indirect_dma semaphore(%arg23 : memref<!tpu.dma_semaphore, #tpu.memory_space<semaphore_mem>>) src(%dma_wait3A_172 : memref<80x128xf32, #tpu.memory_space<vmem>>) dst(%dma_wait3A_178 : memref<10240x128xf32, #tpu.memory_space<vmem_shared>>)
    %dma_wait3A_179 = arith.constant 122 : i32
    %dma_wait3A_180 = arith.constant 2 : i32
    %dma_wait3A_181 = arith.constant 0 : i32
    %dma_wait3A_182 = arith.constant 0 : i32
    %dma_wait3A_183 = tpu.memref_slice %arg6[%dma_wait3A_180, %dma_wait3A_181, %dma_wait3A_182] : memref<8x2x80xi32, #tpu.memory_space<vmem>> -> memref<1x2x80xi32, #tpu.memory_space<vmem>>
    %dma_wait3A_184 = tpu.memref_squeeze %dma_wait3A_183 : memref<1x2x80xi32, #tpu.memory_space<vmem>> -> memref<2x80xi32, #tpu.memory_space<vmem>>
    %dma_wait3A_185 = arith.constant 0 : i32
    %dma_wait3A_186 = arith.constant 0 : i32
    %dma_wait3A_187 = tpu.memref_slice %arg3[%add3A, %dma_wait3A_179, %dma_wait3A_185, %dma_wait3A_186] : memref<32x125x2x80xi32, #tpu.memory_space<hbm>> -> memref<1x1x2x80xi32, #tpu.memory_space<hbm>>
    %dma_wait3A_188 = tpu.memref_squeeze %dma_wait3A_187 : memref<1x1x2x80xi32, #tpu.memory_space<hbm>> -> memref<2x80xi32, #tpu.memory_space<hbm>>
    %dma_wait3A_189 = arith.constant 0 : i32
    %dma_wait3A_190 = arith.constant 0 : i32
    %dma_wait3A_191 = tpu.memref_slice %arg6[%dma_wait3A_180, %dma_wait3A_189, %dma_wait3A_190] : memref<8x2x80xi32, #tpu.memory_space<vmem>> -> memref<1x2x80xi32, #tpu.memory_space<vmem>>
    %dma_wait3A_192 = tpu.memref_squeeze %dma_wait3A_191 : memref<1x2x80xi32, #tpu.memory_space<vmem>> -> memref<2x80xi32, #tpu.memory_space<vmem>>
    %dma_wait3A_193 = arith.constant 0 : i32
    %dma_wait3A_194 = arith.constant 0 : i32
    %dma_wait3A_195 = tpu.memref_slice %arg3[%add3A, %dma_wait3A_179, %dma_wait3A_193, %dma_wait3A_194] : memref<32x125x2x80xi32, #tpu.memory_space<hbm>> -> memref<1x1x2x80xi32, #tpu.memory_space<hbm>>
    %dma_wait3A_196 = tpu.memref_squeeze %dma_wait3A_195 : memref<1x1x2x80xi32, #tpu.memory_space<hbm>> -> memref<2x80xi32, #tpu.memory_space<hbm>>
    tpu.wait_dma2 semaphore(%arg11 : memref<!tpu.dma_semaphore, #tpu.memory_space<semaphore_mem>>) src(%dma_wait3A_196 : memref<2x80xi32, #tpu.memory_space<hbm>>) dst(%dma_wait3A_192 : memref<2x80xi32, #tpu.memory_space<vmem>>)
    %dma_start3A_197 = arith.constant 2 : i32
    %dma_start3A_198 = arith.constant 0 : i32
    %dma_start3A_199 = arith.constant 2 : i32
    %dma_start3A_200 = arith.constant 0 : i32
    %dma_start3A_201 = arith.constant 0 : i32
    %dma_start3A_202 = tpu.memref_slice %arg7[%dma_start3A_199, %dma_start3A_200, %dma_start3A_201] : memref<4x80x128xf32, #tpu.memory_space<vmem>> -> memref<1x80x128xf32, #tpu.memory_space<vmem>>
    %dma_start3A_203 = tpu.memref_squeeze %dma_start3A_202 : memref<1x80x128xf32, #tpu.memory_space<vmem>> -> memref<80x128xf32, #tpu.memory_space<vmem>>
    %dma_start3A_204 = arith.constant 0 : i32
    %dma_start3A_205 = tpu.memref_slice %arg6[%dma_start3A_197, %dma_start3A_198, %dma_start3A_204] : memref<8x2x80xi32, #tpu.memory_space<vmem>> -> memref<1x1x80xi32, #tpu.memory_space<vmem>>
    %dma_start3A_206 = tpu.memref_squeeze %dma_start3A_205 : memref<1x1x80xi32, #tpu.memory_space<vmem>> -> memref<80xi32, #tpu.memory_space<vmem>>
    %dma_start3A_207 = arith.constant 0 : i32
    %dma_start3A_208 = arith.constant 0 : i32
    %dma_start3A_209 = tpu.memref_slice %arg2[%dma_start3A_207, %dma_start3A_208] : memref<10240x128xf32, #tpu.memory_space<hbm>> -> memref<10240x128xf32, #tpu.memory_space<hbm>>
    tpu.enqueue_indirect_dma source(%dma_start3A_209 : memref<10240x128xf32, #tpu.memory_space<hbm>>) target(%dma_start3A_203 : memref<80x128xf32, #tpu.memory_space<vmem>>) offsets(%dma_start3A_206 : memref<80xi32, #tpu.memory_space<vmem>>) semaphore(%arg19 : memref<!tpu.dma_semaphore, #tpu.memory_space<semaphore_mem>>)
    %dma_start3A_210 = arith.constant 124 : i32
    %dma_start3A_211 = arith.constant 4 : i32
    %dma_start3A_212 = arith.constant 0 : i32
    %dma_start3A_213 = arith.constant 0 : i32
    %dma_start3A_214 = tpu.memref_slice %arg6[%dma_start3A_211, %dma_start3A_212, %dma_start3A_213] : memref<8x2x80xi32, #tpu.memory_space<vmem>> -> memref<1x2x80xi32, #tpu.memory_space<vmem>>
    %dma_start3A_215 = tpu.memref_squeeze %dma_start3A_214 : memref<1x2x80xi32, #tpu.memory_space<vmem>> -> memref<2x80xi32, #tpu.memory_space<vmem>>
    %dma_start3A_216 = arith.constant 0 : i32
    %dma_start3A_217 = arith.constant 0 : i32
    %dma_start3A_218 = tpu.memref_slice %arg3[%add3A, %dma_start3A_210, %dma_start3A_216, %dma_start3A_217] : memref<32x125x2x80xi32, #tpu.memory_space<hbm>> -> memref<1x1x2x80xi32, #tpu.memory_space<hbm>>
    %dma_start3A_219 = tpu.memref_squeeze %dma_start3A_218 : memref<1x1x2x80xi32, #tpu.memory_space<hbm>> -> memref<2x80xi32, #tpu.memory_space<hbm>>
    %dma_start3A_220 = arith.constant 0 : i32
    %dma_start3A_221 = arith.constant 0 : i32
    %dma_start3A_222 = tpu.memref_slice %arg6[%dma_start3A_211, %dma_start3A_220, %dma_start3A_221] : memref<8x2x80xi32, #tpu.memory_space<vmem>> -> memref<1x2x80xi32, #tpu.memory_space<vmem>>
    %dma_start3A_223 = tpu.memref_squeeze %dma_start3A_222 : memref<1x2x80xi32, #tpu.memory_space<vmem>> -> memref<2x80xi32, #tpu.memory_space<vmem>>
    %dma_start3A_224 = arith.constant 0 : i32
    %dma_start3A_225 = arith.constant 0 : i32
    %dma_start3A_226 = tpu.memref_slice %arg3[%add3A, %dma_start3A_210, %dma_start3A_224, %dma_start3A_225] : memref<32x125x2x80xi32, #tpu.memory_space<hbm>> -> memref<1x1x2x80xi32, #tpu.memory_space<hbm>>
    %dma_start3A_227 = tpu.memref_squeeze %dma_start3A_226 : memref<1x1x2x80xi32, #tpu.memory_space<hbm>> -> memref<2x80xi32, #tpu.memory_space<hbm>>
    tpu.enqueue_dma source(%dma_start3A_227 : memref<2x80xi32, #tpu.memory_space<hbm>>) target(%dma_start3A_223 : memref<2x80xi32, #tpu.memory_space<vmem>>) target_semaphore(%arg13 : memref<!tpu.dma_semaphore, #tpu.memory_space<semaphore_mem>>)
    %dma_wait3A_228 = arith.constant 1 : i32
    %dma_wait3A_229 = arith.constant 0 : i32
    %dma_wait3A_230 = arith.constant 1 : i32
    %dma_wait3A_231 = arith.constant 0 : i32
    %dma_wait3A_232 = arith.constant 0 : i32
    %dma_wait3A_233 = tpu.memref_slice %arg7[%dma_wait3A_230, %dma_wait3A_231, %dma_wait3A_232] : memref<4x80x128xf32, #tpu.memory_space<vmem>> -> memref<1x80x128xf32, #tpu.memory_space<vmem>>
    %dma_wait3A_234 = tpu.memref_squeeze %dma_wait3A_233 : memref<1x80x128xf32, #tpu.memory_space<vmem>> -> memref<80x128xf32, #tpu.memory_space<vmem>>
    %dma_wait3A_235 = arith.constant 0 : i32
    %dma_wait3A_236 = tpu.memref_slice %arg6[%dma_wait3A_228, %dma_wait3A_229, %dma_wait3A_235] : memref<8x2x80xi32, #tpu.memory_space<vmem>> -> memref<1x1x80xi32, #tpu.memory_space<vmem>>
    %dma_wait3A_237 = tpu.memref_squeeze %dma_wait3A_236 : memref<1x1x80xi32, #tpu.memory_space<vmem>> -> memref<80xi32, #tpu.memory_space<vmem>>
    %dma_wait3A_238 = arith.constant 0 : i32
    %dma_wait3A_239 = arith.constant 0 : i32
    %dma_wait3A_240 = tpu.memref_slice %arg2[%dma_wait3A_238, %dma_wait3A_239] : memref<10240x128xf32, #tpu.memory_space<hbm>> -> memref<10240x128xf32, #tpu.memory_space<hbm>>
    tpu.wait_indirect_dma semaphore(%arg18 : memref<!tpu.dma_semaphore, #tpu.memory_space<semaphore_mem>>) src(%dma_wait3A_240 : memref<10240x128xf32, #tpu.memory_space<hbm>>) dst(%dma_wait3A_234 : memref<80x128xf32, #tpu.memory_space<vmem>>)
    %dma_start3A_241 = arith.constant 1 : i32
    %dma_start3A_242 = arith.constant 1 : i32
    %dma_start3A_243 = arith.constant 1 : i32
    %dma_start3A_244 = arith.constant 0 : i32
    %dma_start3A_245 = arith.constant 0 : i32
    %dma_start3A_246 = tpu.memref_slice %arg7[%dma_start3A_241, %dma_start3A_244, %dma_start3A_245] : memref<4x80x128xf32, #tpu.memory_space<vmem>> -> memref<1x80x128xf32, #tpu.memory_space<vmem>>
    %dma_start3A_247 = tpu.memref_squeeze %dma_start3A_246 : memref<1x80x128xf32, #tpu.memory_space<vmem>> -> memref<80x128xf32, #tpu.memory_space<vmem>>
    %dma_start3A_248 = arith.constant 0 : i32
    %dma_start3A_249 = tpu.memref_slice %arg6[%dma_start3A_242, %dma_start3A_243, %dma_start3A_248] : memref<8x2x80xi32, #tpu.memory_space<vmem>> -> memref<1x1x80xi32, #tpu.memory_space<vmem>>
    %dma_start3A_250 = tpu.memref_squeeze %dma_start3A_249 : memref<1x1x80xi32, #tpu.memory_space<vmem>> -> memref<80xi32, #tpu.memory_space<vmem>>
    %dma_start3A_251 = arith.constant 0 : i32
    %dma_start3A_252 = arith.constant 0 : i32
    %dma_start3A_253 = tpu.memref_slice %arg8[%dma_start3A_251, %dma_start3A_252] : memref<10240x128xf32, #tpu.memory_space<vmem_shared>> -> memref<10240x128xf32, #tpu.memory_space<vmem_shared>>
    tpu.enqueue_indirect_dma source(%dma_start3A_247 : memref<80x128xf32, #tpu.memory_space<vmem>>) target(%dma_start3A_253 : memref<10240x128xf32, #tpu.memory_space<vmem_shared>>) offsets(%dma_start3A_250 : memref<80xi32, #tpu.memory_space<vmem>>) semaphore(%arg22 : memref<!tpu.dma_semaphore, #tpu.memory_space<semaphore_mem>>) {add = true}
    %dma_wait3A_254 = arith.constant 3 : i32
    %dma_wait3A_255 = arith.constant 0 : i32
    %dma_wait3A_256 = arith.constant 1 : i32
    %dma_wait3A_257 = arith.constant 0 : i32
    %dma_wait3A_258 = arith.constant 0 : i32
    %dma_wait3A_259 = tpu.memref_slice %arg7[%dma_wait3A_254, %dma_wait3A_257, %dma_wait3A_258] : memref<4x80x128xf32, #tpu.memory_space<vmem>> -> memref<1x80x128xf32, #tpu.memory_space<vmem>>
    %dma_wait3A_260 = tpu.memref_squeeze %dma_wait3A_259 : memref<1x80x128xf32, #tpu.memory_space<vmem>> -> memref<80x128xf32, #tpu.memory_space<vmem>>
    %dma_wait3A_261 = arith.constant 0 : i32
    %dma_wait3A_262 = tpu.memref_slice %arg6[%dma_wait3A_255, %dma_wait3A_256, %dma_wait3A_261] : memref<8x2x80xi32, #tpu.memory_space<vmem>> -> memref<1x1x80xi32, #tpu.memory_space<vmem>>
    %dma_wait3A_263 = tpu.memref_squeeze %dma_wait3A_262 : memref<1x1x80xi32, #tpu.memory_space<vmem>> -> memref<80xi32, #tpu.memory_space<vmem>>
    %dma_wait3A_264 = arith.constant 0 : i32
    %dma_wait3A_265 = arith.constant 0 : i32
    %dma_wait3A_266 = tpu.memref_slice %arg8[%dma_wait3A_264, %dma_wait3A_265] : memref<10240x128xf32, #tpu.memory_space<vmem_shared>> -> memref<10240x128xf32, #tpu.memory_space<vmem_shared>>
    tpu.wait_indirect_dma semaphore(%arg24 : memref<!tpu.dma_semaphore, #tpu.memory_space<semaphore_mem>>) src(%dma_wait3A_260 : memref<80x128xf32, #tpu.memory_space<vmem>>) dst(%dma_wait3A_266 : memref<10240x128xf32, #tpu.memory_space<vmem_shared>>)
    %dma_wait3A_267 = arith.constant 123 : i32
    %dma_wait3A_268 = arith.constant 3 : i32
    %dma_wait3A_269 = arith.constant 0 : i32
    %dma_wait3A_270 = arith.constant 0 : i32
    %dma_wait3A_271 = tpu.memref_slice %arg6[%dma_wait3A_268, %dma_wait3A_269, %dma_wait3A_270] : memref<8x2x80xi32, #tpu.memory_space<vmem>> -> memref<1x2x80xi32, #tpu.memory_space<vmem>>
    %dma_wait3A_272 = tpu.memref_squeeze %dma_wait3A_271 : memref<1x2x80xi32, #tpu.memory_space<vmem>> -> memref<2x80xi32, #tpu.memory_space<vmem>>
    %dma_wait3A_273 = arith.constant 0 : i32
    %dma_wait3A_274 = arith.constant 0 : i32
    %dma_wait3A_275 = tpu.memref_slice %arg3[%add3A, %dma_wait3A_267, %dma_wait3A_273, %dma_wait3A_274] : memref<32x125x2x80xi32, #tpu.memory_space<hbm>> -> memref<1x1x2x80xi32, #tpu.memory_space<hbm>>
    %dma_wait3A_276 = tpu.memref_squeeze %dma_wait3A_275 : memref<1x1x2x80xi32, #tpu.memory_space<hbm>> -> memref<2x80xi32, #tpu.memory_space<hbm>>
    %dma_wait3A_277 = arith.constant 0 : i32
    %dma_wait3A_278 = arith.constant 0 : i32
    %dma_wait3A_279 = tpu.memref_slice %arg6[%dma_wait3A_268, %dma_wait3A_277, %dma_wait3A_278] : memref<8x2x80xi32, #tpu.memory_space<vmem>> -> memref<1x2x80xi32, #tpu.memory_space<vmem>>
    %dma_wait3A_280 = tpu.memref_squeeze %dma_wait3A_279 : memref<1x2x80xi32, #tpu.memory_space<vmem>> -> memref<2x80xi32, #tpu.memory_space<vmem>>
    %dma_wait3A_281 = arith.constant 0 : i32
    %dma_wait3A_282 = arith.constant 0 : i32
    %dma_wait3A_283 = tpu.memref_slice %arg3[%add3A, %dma_wait3A_267, %dma_wait3A_281, %dma_wait3A_282] : memref<32x125x2x80xi32, #tpu.memory_space<hbm>> -> memref<1x1x2x80xi32, #tpu.memory_space<hbm>>
    %dma_wait3A_284 = tpu.memref_squeeze %dma_wait3A_283 : memref<1x1x2x80xi32, #tpu.memory_space<hbm>> -> memref<2x80xi32, #tpu.memory_space<hbm>>
    tpu.wait_dma2 semaphore(%arg12 : memref<!tpu.dma_semaphore, #tpu.memory_space<semaphore_mem>>) src(%dma_wait3A_284 : memref<2x80xi32, #tpu.memory_space<hbm>>) dst(%dma_wait3A_280 : memref<2x80xi32, #tpu.memory_space<vmem>>)
    %dma_start3A_285 = arith.constant 3 : i32
    %dma_start3A_286 = arith.constant 0 : i32
    %dma_start3A_287 = arith.constant 3 : i32
    %dma_start3A_288 = arith.constant 0 : i32
    %dma_start3A_289 = arith.constant 0 : i32
    %dma_start3A_290 = tpu.memref_slice %arg7[%dma_start3A_287, %dma_start3A_288, %dma_start3A_289] : memref<4x80x128xf32, #tpu.memory_space<vmem>> -> memref<1x80x128xf32, #tpu.memory_space<vmem>>
    %dma_start3A_291 = tpu.memref_squeeze %dma_start3A_290 : memref<1x80x128xf32, #tpu.memory_space<vmem>> -> memref<80x128xf32, #tpu.memory_space<vmem>>
    %dma_start3A_292 = arith.constant 0 : i32
    %dma_start3A_293 = tpu.memref_slice %arg6[%dma_start3A_285, %dma_start3A_286, %dma_start3A_292] : memref<8x2x80xi32, #tpu.memory_space<vmem>> -> memref<1x1x80xi32, #tpu.memory_space<vmem>>
    %dma_start3A_294 = tpu.memref_squeeze %dma_start3A_293 : memref<1x1x80xi32, #tpu.memory_space<vmem>> -> memref<80xi32, #tpu.memory_space<vmem>>
    %dma_start3A_295 = arith.constant 0 : i32
    %dma_start3A_296 = arith.constant 0 : i32
    %dma_start3A_297 = tpu.memref_slice %arg2[%dma_start3A_295, %dma_start3A_296] : memref<10240x128xf32, #tpu.memory_space<hbm>> -> memref<10240x128xf32, #tpu.memory_space<hbm>>
    tpu.enqueue_indirect_dma source(%dma_start3A_297 : memref<10240x128xf32, #tpu.memory_space<hbm>>) target(%dma_start3A_291 : memref<80x128xf32, #tpu.memory_space<vmem>>) offsets(%dma_start3A_294 : memref<80xi32, #tpu.memory_space<vmem>>) semaphore(%arg20 : memref<!tpu.dma_semaphore, #tpu.memory_space<semaphore_mem>>)
    %dma_wait3A_298 = arith.constant 2 : i32
    %dma_wait3A_299 = arith.constant 0 : i32
    %dma_wait3A_300 = arith.constant 2 : i32
    %dma_wait3A_301 = arith.constant 0 : i32
    %dma_wait3A_302 = arith.constant 0 : i32
    %dma_wait3A_303 = tpu.memref_slice %arg7[%dma_wait3A_300, %dma_wait3A_301, %dma_wait3A_302] : memref<4x80x128xf32, #tpu.memory_space<vmem>> -> memref<1x80x128xf32, #tpu.memory_space<vmem>>
    %dma_wait3A_304 = tpu.memref_squeeze %dma_wait3A_303 : memref<1x80x128xf32, #tpu.memory_space<vmem>> -> memref<80x128xf32, #tpu.memory_space<vmem>>
    %dma_wait3A_305 = arith.constant 0 : i32
    %dma_wait3A_306 = tpu.memref_slice %arg6[%dma_wait3A_298, %dma_wait3A_299, %dma_wait3A_305] : memref<8x2x80xi32, #tpu.memory_space<vmem>> -> memref<1x1x80xi32, #tpu.memory_space<vmem>>
    %dma_wait3A_307 = tpu.memref_squeeze %dma_wait3A_306 : memref<1x1x80xi32, #tpu.memory_space<vmem>> -> memref<80xi32, #tpu.memory_space<vmem>>
    %dma_wait3A_308 = arith.constant 0 : i32
    %dma_wait3A_309 = arith.constant 0 : i32
    %dma_wait3A_310 = tpu.memref_slice %arg2[%dma_wait3A_308, %dma_wait3A_309] : memref<10240x128xf32, #tpu.memory_space<hbm>> -> memref<10240x128xf32, #tpu.memory_space<hbm>>
    tpu.wait_indirect_dma semaphore(%arg19 : memref<!tpu.dma_semaphore, #tpu.memory_space<semaphore_mem>>) src(%dma_wait3A_310 : memref<10240x128xf32, #tpu.memory_space<hbm>>) dst(%dma_wait3A_304 : memref<80x128xf32, #tpu.memory_space<vmem>>)
    %dma_start3A_311 = arith.constant 2 : i32
    %dma_start3A_312 = arith.constant 2 : i32
    %dma_start3A_313 = arith.constant 1 : i32
    %dma_start3A_314 = arith.constant 0 : i32
    %dma_start3A_315 = arith.constant 0 : i32
    %dma_start3A_316 = tpu.memref_slice %arg7[%dma_start3A_311, %dma_start3A_314, %dma_start3A_315] : memref<4x80x128xf32, #tpu.memory_space<vmem>> -> memref<1x80x128xf32, #tpu.memory_space<vmem>>
    %dma_start3A_317 = tpu.memref_squeeze %dma_start3A_316 : memref<1x80x128xf32, #tpu.memory_space<vmem>> -> memref<80x128xf32, #tpu.memory_space<vmem>>
    %dma_start3A_318 = arith.constant 0 : i32
    %dma_start3A_319 = tpu.memref_slice %arg6[%dma_start3A_312, %dma_start3A_313, %dma_start3A_318] : memref<8x2x80xi32, #tpu.memory_space<vmem>> -> memref<1x1x80xi32, #tpu.memory_space<vmem>>
    %dma_start3A_320 = tpu.memref_squeeze %dma_start3A_319 : memref<1x1x80xi32, #tpu.memory_space<vmem>> -> memref<80xi32, #tpu.memory_space<vmem>>
    %dma_start3A_321 = arith.constant 0 : i32
    %dma_start3A_322 = arith.constant 0 : i32
    %dma_start3A_323 = tpu.memref_slice %arg8[%dma_start3A_321, %dma_start3A_322] : memref<10240x128xf32, #tpu.memory_space<vmem_shared>> -> memref<10240x128xf32, #tpu.memory_space<vmem_shared>>
    tpu.enqueue_indirect_dma source(%dma_start3A_317 : memref<80x128xf32, #tpu.memory_space<vmem>>) target(%dma_start3A_323 : memref<10240x128xf32, #tpu.memory_space<vmem_shared>>) offsets(%dma_start3A_320 : memref<80xi32, #tpu.memory_space<vmem>>) semaphore(%arg23 : memref<!tpu.dma_semaphore, #tpu.memory_space<semaphore_mem>>) {add = true}
    %dma_wait3A_324 = arith.constant 0 : i32
    %dma_wait3A_325 = arith.constant 0 : i32
    %dma_wait3A_326 = arith.constant 1 : i32
    %dma_wait3A_327 = arith.constant 0 : i32
    %dma_wait3A_328 = arith.constant 0 : i32
    %dma_wait3A_329 = tpu.memref_slice %arg7[%dma_wait3A_324, %dma_wait3A_327, %dma_wait3A_328] : memref<4x80x128xf32, #tpu.memory_space<vmem>> -> memref<1x80x128xf32, #tpu.memory_space<vmem>>
    %dma_wait3A_330 = tpu.memref_squeeze %dma_wait3A_329 : memref<1x80x128xf32, #tpu.memory_space<vmem>> -> memref<80x128xf32, #tpu.memory_space<vmem>>
    %dma_wait3A_331 = arith.constant 0 : i32
    %dma_wait3A_332 = tpu.memref_slice %arg6[%dma_wait3A_325, %dma_wait3A_326, %dma_wait3A_331] : memref<8x2x80xi32, #tpu.memory_space<vmem>> -> memref<1x1x80xi32, #tpu.memory_space<vmem>>
    %dma_wait3A_333 = tpu.memref_squeeze %dma_wait3A_332 : memref<1x1x80xi32, #tpu.memory_space<vmem>> -> memref<80xi32, #tpu.memory_space<vmem>>
    %dma_wait3A_334 = arith.constant 0 : i32
    %dma_wait3A_335 = arith.constant 0 : i32
    %dma_wait3A_336 = tpu.memref_slice %arg8[%dma_wait3A_334, %dma_wait3A_335] : memref<10240x128xf32, #tpu.memory_space<vmem_shared>> -> memref<10240x128xf32, #tpu.memory_space<vmem_shared>>
    tpu.wait_indirect_dma semaphore(%arg21 : memref<!tpu.dma_semaphore, #tpu.memory_space<semaphore_mem>>) src(%dma_wait3A_330 : memref<80x128xf32, #tpu.memory_space<vmem>>) dst(%dma_wait3A_336 : memref<10240x128xf32, #tpu.memory_space<vmem_shared>>)
    %dma_wait3A_337 = arith.constant 124 : i32
    %dma_wait3A_338 = arith.constant 4 : i32
    %dma_wait3A_339 = arith.constant 0 : i32
    %dma_wait3A_340 = arith.constant 0 : i32
    %dma_wait3A_341 = tpu.memref_slice %arg6[%dma_wait3A_338, %dma_wait3A_339, %dma_wait3A_340] : memref<8x2x80xi32, #tpu.memory_space<vmem>> -> memref<1x2x80xi32, #tpu.memory_space<vmem>>
    %dma_wait3A_342 = tpu.memref_squeeze %dma_wait3A_341 : memref<1x2x80xi32, #tpu.memory_space<vmem>> -> memref<2x80xi32, #tpu.memory_space<vmem>>
    %dma_wait3A_343 = arith.constant 0 : i32
    %dma_wait3A_344 = arith.constant 0 : i32
    %dma_wait3A_345 = tpu.memref_slice %arg3[%add3A, %dma_wait3A_337, %dma_wait3A_343, %dma_wait3A_344] : memref<32x125x2x80xi32, #tpu.memory_space<hbm>> -> memref<1x1x2x80xi32, #tpu.memory_space<hbm>>
    %dma_wait3A_346 = tpu.memref_squeeze %dma_wait3A_345 : memref<1x1x2x80xi32, #tpu.memory_space<hbm>> -> memref<2x80xi32, #tpu.memory_space<hbm>>
    %dma_wait3A_347 = arith.constant 0 : i32
    %dma_wait3A_348 = arith.constant 0 : i32
    %dma_wait3A_349 = tpu.memref_slice %arg6[%dma_wait3A_338, %dma_wait3A_347, %dma_wait3A_348] : memref<8x2x80xi32, #tpu.memory_space<vmem>> -> memref<1x2x80xi32, #tpu.memory_space<vmem>>
    %dma_wait3A_350 = tpu.memref_squeeze %dma_wait3A_349 : memref<1x2x80xi32, #tpu.memory_space<vmem>> -> memref<2x80xi32, #tpu.memory_space<vmem>>
    %dma_wait3A_351 = arith.constant 0 : i32
    %dma_wait3A_352 = arith.constant 0 : i32
    %dma_wait3A_353 = tpu.memref_slice %arg3[%add3A, %dma_wait3A_337, %dma_wait3A_351, %dma_wait3A_352] : memref<32x125x2x80xi32, #tpu.memory_space<hbm>> -> memref<1x1x2x80xi32, #tpu.memory_space<hbm>>
    %dma_wait3A_354 = tpu.memref_squeeze %dma_wait3A_353 : memref<1x1x2x80xi32, #tpu.memory_space<hbm>> -> memref<2x80xi32, #tpu.memory_space<hbm>>
    tpu.wait_dma2 semaphore(%arg13 : memref<!tpu.dma_semaphore, #tpu.memory_space<semaphore_mem>>) src(%dma_wait3A_354 : memref<2x80xi32, #tpu.memory_space<hbm>>) dst(%dma_wait3A_350 : memref<2x80xi32, #tpu.memory_space<vmem>>)
    %dma_start3A_355 = arith.constant 4 : i32
    %dma_start3A_356 = arith.constant 0 : i32
    %dma_start3A_357 = arith.constant 0 : i32
    %dma_start3A_358 = arith.constant 0 : i32
    %dma_start3A_359 = arith.constant 0 : i32
    %dma_start3A_360 = tpu.memref_slice %arg7[%dma_start3A_357, %dma_start3A_358, %dma_start3A_359] : memref<4x80x128xf32, #tpu.memory_space<vmem>> -> memref<1x80x128xf32, #tpu.memory_space<vmem>>
    %dma_start3A_361 = tpu.memref_squeeze %dma_start3A_360 : memref<1x80x128xf32, #tpu.memory_space<vmem>> -> memref<80x128xf32, #tpu.memory_space<vmem>>
    %dma_start3A_362 = arith.constant 0 : i32
    %dma_start3A_363 = tpu.memref_slice %arg6[%dma_start3A_355, %dma_start3A_356, %dma_start3A_362] : memref<8x2x80xi32, #tpu.memory_space<vmem>> -> memref<1x1x80xi32, #tpu.memory_space<vmem>>
    %dma_start3A_364 = tpu.memref_squeeze %dma_start3A_363 : memref<1x1x80xi32, #tpu.memory_space<vmem>> -> memref<80xi32, #tpu.memory_space<vmem>>
    %dma_start3A_365 = arith.constant 0 : i32
    %dma_start3A_366 = arith.constant 0 : i32
    %dma_start3A_367 = tpu.memref_slice %arg2[%dma_start3A_365, %dma_start3A_366] : memref<10240x128xf32, #tpu.memory_space<hbm>> -> memref<10240x128xf32, #tpu.memory_space<hbm>>
    tpu.enqueue_indirect_dma source(%dma_start3A_367 : memref<10240x128xf32, #tpu.memory_space<hbm>>) target(%dma_start3A_361 : memref<80x128xf32, #tpu.memory_space<vmem>>) offsets(%dma_start3A_364 : memref<80xi32, #tpu.memory_space<vmem>>) semaphore(%arg17 : memref<!tpu.dma_semaphore, #tpu.memory_space<semaphore_mem>>)
    %dma_wait3A_368 = arith.constant 3 : i32
    %dma_wait3A_369 = arith.constant 0 : i32
    %dma_wait3A_370 = arith.constant 3 : i32
    %dma_wait3A_371 = arith.constant 0 : i32
    %dma_wait3A_372 = arith.constant 0 : i32
    %dma_wait3A_373 = tpu.memref_slice %arg7[%dma_wait3A_370, %dma_wait3A_371, %dma_wait3A_372] : memref<4x80x128xf32, #tpu.memory_space<vmem>> -> memref<1x80x128xf32, #tpu.memory_space<vmem>>
    %dma_wait3A_374 = tpu.memref_squeeze %dma_wait3A_373 : memref<1x80x128xf32, #tpu.memory_space<vmem>> -> memref<80x128xf32, #tpu.memory_space<vmem>>
    %dma_wait3A_375 = arith.constant 0 : i32
    %dma_wait3A_376 = tpu.memref_slice %arg6[%dma_wait3A_368, %dma_wait3A_369, %dma_wait3A_375] : memref<8x2x80xi32, #tpu.memory_space<vmem>> -> memref<1x1x80xi32, #tpu.memory_space<vmem>>
    %dma_wait3A_377 = tpu.memref_squeeze %dma_wait3A_376 : memref<1x1x80xi32, #tpu.memory_space<vmem>> -> memref<80xi32, #tpu.memory_space<vmem>>
    %dma_wait3A_378 = arith.constant 0 : i32
    %dma_wait3A_379 = arith.constant 0 : i32
    %dma_wait3A_380 = tpu.memref_slice %arg2[%dma_wait3A_378, %dma_wait3A_379] : memref<10240x128xf32, #tpu.memory_space<hbm>> -> memref<10240x128xf32, #tpu.memory_space<hbm>>
    tpu.wait_indirect_dma semaphore(%arg20 : memref<!tpu.dma_semaphore, #tpu.memory_space<semaphore_mem>>) src(%dma_wait3A_380 : memref<10240x128xf32, #tpu.memory_space<hbm>>) dst(%dma_wait3A_374 : memref<80x128xf32, #tpu.memory_space<vmem>>)
    %dma_start3A_381 = arith.constant 3 : i32
    %dma_start3A_382 = arith.constant 3 : i32
    %dma_start3A_383 = arith.constant 1 : i32
    %dma_start3A_384 = arith.constant 0 : i32
    %dma_start3A_385 = arith.constant 0 : i32
    %dma_start3A_386 = tpu.memref_slice %arg7[%dma_start3A_381, %dma_start3A_384, %dma_start3A_385] : memref<4x80x128xf32, #tpu.memory_space<vmem>> -> memref<1x80x128xf32, #tpu.memory_space<vmem>>
    %dma_start3A_387 = tpu.memref_squeeze %dma_start3A_386 : memref<1x80x128xf32, #tpu.memory_space<vmem>> -> memref<80x128xf32, #tpu.memory_space<vmem>>
    %dma_start3A_388 = arith.constant 0 : i32
    %dma_start3A_389 = tpu.memref_slice %arg6[%dma_start3A_382, %dma_start3A_383, %dma_start3A_388] : memref<8x2x80xi32, #tpu.memory_space<vmem>> -> memref<1x1x80xi32, #tpu.memory_space<vmem>>
    %dma_start3A_390 = tpu.memref_squeeze %dma_start3A_389 : memref<1x1x80xi32, #tpu.memory_space<vmem>> -> memref<80xi32, #tpu.memory_space<vmem>>
    %dma_start3A_391 = arith.constant 0 : i32
    %dma_start3A_392 = arith.constant 0 : i32
    %dma_start3A_393 = tpu.memref_slice %arg8[%dma_start3A_391, %dma_start3A_392] : memref<10240x128xf32, #tpu.memory_space<vmem_shared>> -> memref<10240x128xf32, #tpu.memory_space<vmem_shared>>
    tpu.enqueue_indirect_dma source(%dma_start3A_387 : memref<80x128xf32, #tpu.memory_space<vmem>>) target(%dma_start3A_393 : memref<10240x128xf32, #tpu.memory_space<vmem_shared>>) offsets(%dma_start3A_390 : memref<80xi32, #tpu.memory_space<vmem>>) semaphore(%arg24 : memref<!tpu.dma_semaphore, #tpu.memory_space<semaphore_mem>>) {add = true}
    %dma_wait3A_394 = arith.constant 1 : i32
    %dma_wait3A_395 = arith.constant 0 : i32
    %dma_wait3A_396 = arith.constant 1 : i32
    %dma_wait3A_397 = arith.constant 0 : i32
    %dma_wait3A_398 = arith.constant 0 : i32
    %dma_wait3A_399 = tpu.memref_slice %arg7[%dma_wait3A_394, %dma_wait3A_397, %dma_wait3A_398] : memref<4x80x128xf32, #tpu.memory_space<vmem>> -> memref<1x80x128xf32, #tpu.memory_space<vmem>>
    %dma_wait3A_400 = tpu.memref_squeeze %dma_wait3A_399 : memref<1x80x128xf32, #tpu.memory_space<vmem>> -> memref<80x128xf32, #tpu.memory_space<vmem>>
    %dma_wait3A_401 = arith.constant 0 : i32
    %dma_wait3A_402 = tpu.memref_slice %arg6[%dma_wait3A_395, %dma_wait3A_396, %dma_wait3A_401] : memref<8x2x80xi32, #tpu.memory_space<vmem>> -> memref<1x1x80xi32, #tpu.memory_space<vmem>>
    %dma_wait3A_403 = tpu.memref_squeeze %dma_wait3A_402 : memref<1x1x80xi32, #tpu.memory_space<vmem>> -> memref<80xi32, #tpu.memory_space<vmem>>
    %dma_wait3A_404 = arith.constant 0 : i32
    %dma_wait3A_405 = arith.constant 0 : i32
    %dma_wait3A_406 = tpu.memref_slice %arg8[%dma_wait3A_404, %dma_wait3A_405] : memref<10240x128xf32, #tpu.memory_space<vmem_shared>> -> memref<10240x128xf32, #tpu.memory_space<vmem_shared>>
    tpu.wait_indirect_dma semaphore(%arg22 : memref<!tpu.dma_semaphore, #tpu.memory_space<semaphore_mem>>) src(%dma_wait3A_400 : memref<80x128xf32, #tpu.memory_space<vmem>>) dst(%dma_wait3A_406 : memref<10240x128xf32, #tpu.memory_space<vmem_shared>>)
    %dma_wait3A_407 = arith.constant 4 : i32
    %dma_wait3A_408 = arith.constant 0 : i32
    %dma_wait3A_409 = arith.constant 0 : i32
    %dma_wait3A_410 = arith.constant 0 : i32
    %dma_wait3A_411 = arith.constant 0 : i32
    %dma_wait3A_412 = tpu.memref_slice %arg7[%dma_wait3A_409, %dma_wait3A_410, %dma_wait3A_411] : memref<4x80x128xf32, #tpu.memory_space<vmem>> -> memref<1x80x128xf32, #tpu.memory_space<vmem>>
    %dma_wait3A_413 = tpu.memref_squeeze %dma_wait3A_412 : memref<1x80x128xf32, #tpu.memory_space<vmem>> -> memref<80x128xf32, #tpu.memory_space<vmem>>
    %dma_wait3A_414 = arith.constant 0 : i32
    %dma_wait3A_415 = tpu.memref_slice %arg6[%dma_wait3A_407, %dma_wait3A_408, %dma_wait3A_414] : memref<8x2x80xi32, #tpu.memory_space<vmem>> -> memref<1x1x80xi32, #tpu.memory_space<vmem>>
    %dma_wait3A_416 = tpu.memref_squeeze %dma_wait3A_415 : memref<1x1x80xi32, #tpu.memory_space<vmem>> -> memref<80xi32, #tpu.memory_space<vmem>>
    %dma_wait3A_417 = arith.constant 0 : i32
    %dma_wait3A_418 = arith.constant 0 : i32
    %dma_wait3A_419 = tpu.memref_slice %arg2[%dma_wait3A_417, %dma_wait3A_418] : memref<10240x128xf32, #tpu.memory_space<hbm>> -> memref<10240x128xf32, #tpu.memory_space<hbm>>
    tpu.wait_indirect_dma semaphore(%arg17 : memref<!tpu.dma_semaphore, #tpu.memory_space<semaphore_mem>>) src(%dma_wait3A_419 : memref<10240x128xf32, #tpu.memory_space<hbm>>) dst(%dma_wait3A_413 : memref<80x128xf32, #tpu.memory_space<vmem>>)
    %dma_start3A_420 = arith.constant 0 : i32
    %dma_start3A_421 = arith.constant 4 : i32
    %dma_start3A_422 = arith.constant 1 : i32
    %dma_start3A_423 = arith.constant 0 : i32
    %dma_start3A_424 = arith.constant 0 : i32
    %dma_start3A_425 = tpu.memref_slice %arg7[%dma_start3A_420, %dma_start3A_423, %dma_start3A_424] : memref<4x80x128xf32, #tpu.memory_space<vmem>> -> memref<1x80x128xf32, #tpu.memory_space<vmem>>
    %dma_start3A_426 = tpu.memref_squeeze %dma_start3A_425 : memref<1x80x128xf32, #tpu.memory_space<vmem>> -> memref<80x128xf32, #tpu.memory_space<vmem>>
    %dma_start3A_427 = arith.constant 0 : i32
    %dma_start3A_428 = tpu.memref_slice %arg6[%dma_start3A_421, %dma_start3A_422, %dma_start3A_427] : memref<8x2x80xi32, #tpu.memory_space<vmem>> -> memref<1x1x80xi32, #tpu.memory_space<vmem>>
    %dma_start3A_429 = tpu.memref_squeeze %dma_start3A_428 : memref<1x1x80xi32, #tpu.memory_space<vmem>> -> memref<80xi32, #tpu.memory_space<vmem>>
    %dma_start3A_430 = arith.constant 0 : i32
    %dma_start3A_431 = arith.constant 0 : i32
    %dma_start3A_432 = tpu.memref_slice %arg8[%dma_start3A_430, %dma_start3A_431] : memref<10240x128xf32, #tpu.memory_space<vmem_shared>> -> memref<10240x128xf32, #tpu.memory_space<vmem_shared>>
    tpu.enqueue_indirect_dma source(%dma_start3A_426 : memref<80x128xf32, #tpu.memory_space<vmem>>) target(%dma_start3A_432 : memref<10240x128xf32, #tpu.memory_space<vmem_shared>>) offsets(%dma_start3A_429 : memref<80xi32, #tpu.memory_space<vmem>>) semaphore(%arg21 : memref<!tpu.dma_semaphore, #tpu.memory_space<semaphore_mem>>) {add = true}
    %dma_wait3A_433 = arith.constant 2 : i32
    %dma_wait3A_434 = arith.constant 0 : i32
    %dma_wait3A_435 = arith.constant 1 : i32
    %dma_wait3A_436 = arith.constant 0 : i32
    %dma_wait3A_437 = arith.constant 0 : i32
    %dma_wait3A_438 = tpu.memref_slice %arg7[%dma_wait3A_433, %dma_wait3A_436, %dma_wait3A_437] : memref<4x80x128xf32, #tpu.memory_space<vmem>> -> memref<1x80x128xf32, #tpu.memory_space<vmem>>
    %dma_wait3A_439 = tpu.memref_squeeze %dma_wait3A_438 : memref<1x80x128xf32, #tpu.memory_space<vmem>> -> memref<80x128xf32, #tpu.memory_space<vmem>>
    %dma_wait3A_440 = arith.constant 0 : i32
    %dma_wait3A_441 = tpu.memref_slice %arg6[%dma_wait3A_434, %dma_wait3A_435, %dma_wait3A_440] : memref<8x2x80xi32, #tpu.memory_space<vmem>> -> memref<1x1x80xi32, #tpu.memory_space<vmem>>
    %dma_wait3A_442 = tpu.memref_squeeze %dma_wait3A_441 : memref<1x1x80xi32, #tpu.memory_space<vmem>> -> memref<80xi32, #tpu.memory_space<vmem>>
    %dma_wait3A_443 = arith.constant 0 : i32
    %dma_wait3A_444 = arith.constant 0 : i32
    %dma_wait3A_445 = tpu.memref_slice %arg8[%dma_wait3A_443, %dma_wait3A_444] : memref<10240x128xf32, #tpu.memory_space<vmem_shared>> -> memref<10240x128xf32, #tpu.memory_space<vmem_shared>>
    tpu.wait_indirect_dma semaphore(%arg23 : memref<!tpu.dma_semaphore, #tpu.memory_space<semaphore_mem>>) src(%dma_wait3A_439 : memref<80x128xf32, #tpu.memory_space<vmem>>) dst(%dma_wait3A_445 : memref<10240x128xf32, #tpu.memory_space<vmem_shared>>)
    %dma_wait3A_446 = arith.constant 0 : i32
    %dma_wait3A_447 = arith.constant 0 : i32
    %dma_wait3A_448 = arith.constant 1 : i32
    %dma_wait3A_449 = arith.constant 0 : i32
    %dma_wait3A_450 = arith.constant 0 : i32
    %dma_wait3A_451 = tpu.memref_slice %arg7[%dma_wait3A_446, %dma_wait3A_449, %dma_wait3A_450] : memref<4x80x128xf32, #tpu.memory_space<vmem>> -> memref<1x80x128xf32, #tpu.memory_space<vmem>>
    %dma_wait3A_452 = tpu.memref_squeeze %dma_wait3A_451 : memref<1x80x128xf32, #tpu.memory_space<vmem>> -> memref<80x128xf32, #tpu.memory_space<vmem>>
    %dma_wait3A_453 = arith.constant 0 : i32
    %dma_wait3A_454 = tpu.memref_slice %arg6[%dma_wait3A_447, %dma_wait3A_448, %dma_wait3A_453] : memref<8x2x80xi32, #tpu.memory_space<vmem>> -> memref<1x1x80xi32, #tpu.memory_space<vmem>>
    %dma_wait3A_455 = tpu.memref_squeeze %dma_wait3A_454 : memref<1x1x80xi32, #tpu.memory_space<vmem>> -> memref<80xi32, #tpu.memory_space<vmem>>
    %dma_wait3A_456 = arith.constant 0 : i32
    %dma_wait3A_457 = arith.constant 0 : i32
    %dma_wait3A_458 = tpu.memref_slice %arg8[%dma_wait3A_456, %dma_wait3A_457] : memref<10240x128xf32, #tpu.memory_space<vmem_shared>> -> memref<10240x128xf32, #tpu.memory_space<vmem_shared>>
    tpu.wait_indirect_dma semaphore(%arg21 : memref<!tpu.dma_semaphore, #tpu.memory_space<semaphore_mem>>) src(%dma_wait3A_452 : memref<80x128xf32, #tpu.memory_space<vmem>>) dst(%dma_wait3A_458 : memref<10240x128xf32, #tpu.memory_space<vmem_shared>>)
    %dma_wait3A_459 = arith.constant 3 : i32
    %dma_wait3A_460 = arith.constant 0 : i32
    %dma_wait3A_461 = arith.constant 1 : i32
    %dma_wait3A_462 = arith.constant 0 : i32
    %dma_wait3A_463 = arith.constant 0 : i32
    %dma_wait3A_464 = tpu.memref_slice %arg7[%dma_wait3A_459, %dma_wait3A_462, %dma_wait3A_463] : memref<4x80x128xf32, #tpu.memory_space<vmem>> -> memref<1x80x128xf32, #tpu.memory_space<vmem>>
    %dma_wait3A_465 = tpu.memref_squeeze %dma_wait3A_464 : memref<1x80x128xf32, #tpu.memory_space<vmem>> -> memref<80x128xf32, #tpu.memory_space<vmem>>
    %dma_wait3A_466 = arith.constant 0 : i32
    %dma_wait3A_467 = tpu.memref_slice %arg6[%dma_wait3A_460, %dma_wait3A_461, %dma_wait3A_466] : memref<8x2x80xi32, #tpu.memory_space<vmem>> -> memref<1x1x80xi32, #tpu.memory_space<vmem>>
    %dma_wait3A_468 = tpu.memref_squeeze %dma_wait3A_467 : memref<1x1x80xi32, #tpu.memory_space<vmem>> -> memref<80xi32, #tpu.memory_space<vmem>>
    %dma_wait3A_469 = arith.constant 0 : i32
    %dma_wait3A_470 = arith.constant 0 : i32
    %dma_wait3A_471 = tpu.memref_slice %arg8[%dma_wait3A_469, %dma_wait3A_470] : memref<10240x128xf32, #tpu.memory_space<vmem_shared>> -> memref<10240x128xf32, #tpu.memory_space<vmem_shared>>
    tpu.wait_indirect_dma semaphore(%arg24 : memref<!tpu.dma_semaphore, #tpu.memory_space<semaphore_mem>>) src(%dma_wait3A_465 : memref<80x128xf32, #tpu.memory_space<vmem>>) dst(%dma_wait3A_471 : memref<10240x128xf32, #tpu.memory_space<vmem_shared>>)
    %barrier3A_472 = arith.constant 0 : index
    tpu.barrier barrier_id(%barrier3A_472)
    %mul3A_473 = arith.constant 640 : i32
    %mul3A_474 = arith.muli %arg1, %mul3A_473 : i32
    %mul3A_475 = arith.constant 640 : i32
    %mul3A_476 = arith.muli %arg1, %mul3A_475 : i32
    "tpu.region"() ({
      %run_scoped3A = tpu.sem_alloc : memref<!tpu.dma_semaphore, #tpu.memory_space<semaphore_mem>>
      %dma_start3A_477 = arith.constant 0 : i32
      %dma_start3A_478 = tpu.memref_slice %arg5[%arg0, %mul3A_476, %dma_start3A_477] : memref<2x10240x128xf32, #tpu.memory_space<hbm>> -> memref<1x640x128xf32, #tpu.memory_space<hbm>>
      %dma_start3A_479 = tpu.memref_squeeze %dma_start3A_478 : memref<1x640x128xf32, #tpu.memory_space<hbm>> -> memref<640x128xf32, #tpu.memory_space<hbm>>
      %dma_start3A_480 = arith.constant 0 : i32
      %dma_start3A_481 = tpu.memref_slice %arg8[%mul3A_474, %dma_start3A_480] : memref<10240x128xf32, #tpu.memory_space<vmem_shared>> -> memref<640x128xf32, #tpu.memory_space<vmem_shared>>
      tpu.enqueue_dma source(%dma_start3A_481 : memref<640x128xf32, #tpu.memory_space<vmem_shared>>) target(%dma_start3A_479 : memref<640x128xf32, #tpu.memory_space<hbm>>) target_semaphore(%run_scoped3A : memref<!tpu.dma_semaphore, #tpu.memory_space<semaphore_mem>>)
      %dma_wait3A_482 = arith.constant 0 : i32
      %dma_wait3A_483 = tpu.memref_slice %arg5[%arg0, %mul3A_476, %dma_wait3A_482] : memref<2x10240x128xf32, #tpu.memory_space<hbm>> -> memref<1x640x128xf32, #tpu.memory_space<hbm>>
      %dma_wait3A_484 = tpu.memref_squeeze %dma_wait3A_483 : memref<1x640x128xf32, #tpu.memory_space<hbm>> -> memref<640x128xf32, #tpu.memory_space<hbm>>
      %dma_wait3A_485 = arith.constant 0 : i32
      %dma_wait3A_486 = tpu.memref_slice %arg8[%mul3A_474, %dma_wait3A_485] : memref<10240x128xf32, #tpu.memory_space<vmem_shared>> -> memref<640x128xf32, #tpu.memory_space<vmem_shared>>
      tpu.wait_dma2 semaphore(%run_scoped3A : memref<!tpu.dma_semaphore, #tpu.memory_space<semaphore_mem>>) src(%dma_wait3A_486 : memref<640x128xf32, #tpu.memory_space<vmem_shared>>) dst(%dma_wait3A_484 : memref<640x128xf32, #tpu.memory_space<hbm>>)
      tpu.yield
    }) : () -> ()
    return
  }
}

#map = affine_map<(d0, d1) -> (0, 0, 0)>
#map1 = affine_map<(d0, d1) -> (0)>
#map2 = affine_map<(d0, d1) -> (0, 0)>
module attributes {stable_mosaic.version = 14 : i64} {
  func.func @_deg_kernel(%arg0: i32, %arg1: i32, %arg2: memref<2x16x20000xi32, #tpu.memory_space<hbm>>, %arg3: memref<10240xf32, #tpu.memory_space<hbm>>, %arg4: memref<2x10240xf32, #tpu.memory_space<hbm>>, %arg5: memref<20000xi32, #tpu.memory_space<vmem>>, %arg6: memref<10240xf32, #tpu.memory_space<vmem>>, %arg7: memref<16x640xf32, #tpu.memory_space<vmem>>, %arg8: memref<640xf32, #tpu.memory_space<vmem>>, %arg9: memref<16x10240xf32, #tpu.memory_space<vmem_shared>>) attributes {dimension_semantics = [#tpu.dimension_semantics<core_parallel>, #tpu.dimension_semantics<subcore_parallel>], iteration_bounds = array<i64: 2, 16>, scalar_prefetch = 0 : i64, scratch_operands = 5 : i64, tpu.core_type = #tpu.core_type<sc_vector_subcore>, window_params = [{transform_indices = #map}, {transform_indices = #map1}, {transform_indices = #map2}]} {
    "tpu.region"() ({
      %run_scoped3A = tpu.sem_alloc : memref<!tpu.dma_semaphore, #tpu.memory_space<semaphore_mem>>
      tpu.enqueue_dma source(%arg3 : memref<10240xf32, #tpu.memory_space<hbm>>) target(%arg6 : memref<10240xf32, #tpu.memory_space<vmem>>) target_semaphore(%run_scoped3A : memref<!tpu.dma_semaphore, #tpu.memory_space<semaphore_mem>>)
      tpu.wait_dma2 semaphore(%run_scoped3A : memref<!tpu.dma_semaphore, #tpu.memory_space<semaphore_mem>>) src(%arg3 : memref<10240xf32, #tpu.memory_space<hbm>>) dst(%arg6 : memref<10240xf32, #tpu.memory_space<vmem>>)
      tpu.yield
    }) : () -> ()
    "tpu.region"() ({
      %run_scoped3A = tpu.sem_alloc : memref<!tpu.dma_semaphore, #tpu.memory_space<semaphore_mem>>
      %dma_start3A = arith.constant 0 : i32
      %dma_start3A_15 = tpu.memref_slice %arg2[%arg0, %arg1, %dma_start3A] : memref<2x16x20000xi32, #tpu.memory_space<hbm>> -> memref<1x1x20000xi32, #tpu.memory_space<hbm>>
      %dma_start3A_16 = tpu.memref_squeeze %dma_start3A_15 : memref<1x1x20000xi32, #tpu.memory_space<hbm>> -> memref<20000xi32, #tpu.memory_space<hbm>>
      %dma_start3A_17 = arith.constant 0 : i32
      %dma_start3A_18 = tpu.memref_slice %arg2[%arg0, %arg1, %dma_start3A_17] : memref<2x16x20000xi32, #tpu.memory_space<hbm>> -> memref<1x1x20000xi32, #tpu.memory_space<hbm>>
      %dma_start3A_19 = tpu.memref_squeeze %dma_start3A_18 : memref<1x1x20000xi32, #tpu.memory_space<hbm>> -> memref<20000xi32, #tpu.memory_space<hbm>>
      tpu.enqueue_dma source(%dma_start3A_19 : memref<20000xi32, #tpu.memory_space<hbm>>) target(%arg5 : memref<20000xi32, #tpu.memory_space<vmem>>) target_semaphore(%run_scoped3A : memref<!tpu.dma_semaphore, #tpu.memory_space<semaphore_mem>>)
      %dma_wait3A = arith.constant 0 : i32
      %dma_wait3A_20 = tpu.memref_slice %arg2[%arg0, %arg1, %dma_wait3A] : memref<2x16x20000xi32, #tpu.memory_space<hbm>> -> memref<1x1x20000xi32, #tpu.memory_space<hbm>>
      %dma_wait3A_21 = tpu.memref_squeeze %dma_wait3A_20 : memref<1x1x20000xi32, #tpu.memory_space<hbm>> -> memref<20000xi32, #tpu.memory_space<hbm>>
      %dma_wait3A_22 = arith.constant 0 : i32
      %dma_wait3A_23 = tpu.memref_slice %arg2[%arg0, %arg1, %dma_wait3A_22] : memref<2x16x20000xi32, #tpu.memory_space<hbm>> -> memref<1x1x20000xi32, #tpu.memory_space<hbm>>
      %dma_wait3A_24 = tpu.memref_squeeze %dma_wait3A_23 : memref<1x1x20000xi32, #tpu.memory_space<hbm>> -> memref<20000xi32, #tpu.memory_space<hbm>>
      tpu.wait_dma2 semaphore(%run_scoped3A : memref<!tpu.dma_semaphore, #tpu.memory_space<semaphore_mem>>) src(%dma_wait3A_24 : memref<20000xi32, #tpu.memory_space<hbm>>) dst(%arg5 : memref<20000xi32, #tpu.memory_space<vmem>>)
      tpu.yield
    }) : () -> ()
    %broadcast_in_dim3A = arith.constant 1.000000e+00 : f32
    %broadcast_in_dim3A_0 = vector.broadcast %broadcast_in_dim3A : f32 to vector<16xf32>
    %scan3A = arith.constant 0 : i32
    %scan3A_1 = arith.constant 0 : i32
    %scan3A_2 = arith.constant 1250 : i32
    %scan3A_3 = arith.addi %scan3A_1, %scan3A_2 : i32
    %scan3A_4 = arith.constant 1 : i32
    scf.for %scan3A_15 = %scan3A_1 to %scan3A_3 step %scan3A_4  : i32 {
      %mul3A_16 = arith.constant 16 : i32
      %mul3A_17 = arith.muli %scan3A_15, %mul3A_16 : i32
      %get3A = arith.index_cast %mul3A_17 : i32 to index
      %get3A_18 = tpu.vector_load %arg5[%get3A] {strides = array<i32>} : memref<20000xi32, #tpu.memory_space<vmem>>, vector<16xi32>,
      tpu.vector_store_idx %arg6[%get3A_18], %broadcast_in_dim3A_0 {add = true} : memref<10240xf32, #tpu.memory_space<vmem>>[vector<16xi32>], vector<16xf32>,
    }
    %scan3A_5 = arith.constant 1250 : i32
    "tpu.region"() ({
      %run_scoped3A = tpu.sem_alloc : memref<!tpu.dma_semaphore, #tpu.memory_space<semaphore_mem>>
      %dma_start3A = arith.constant 0 : i32
      %dma_start3A_15 = tpu.memref_slice %arg9[%arg1, %dma_start3A] : memref<16x10240xf32, #tpu.memory_space<vmem_shared>> -> memref<1x10240xf32, #tpu.memory_space<vmem_shared>>
      %dma_start3A_16 = tpu.memref_squeeze %dma_start3A_15 : memref<1x10240xf32, #tpu.memory_space<vmem_shared>> -> memref<10240xf32, #tpu.memory_space<vmem_shared>>
      %dma_start3A_17 = arith.constant 0 : i32
      %dma_start3A_18 = tpu.memref_slice %arg9[%arg1, %dma_start3A_17] : memref<16x10240xf32, #tpu.memory_space<vmem_shared>> -> memref<1x10240xf32, #tpu.memory_space<vmem_shared>>
      %dma_start3A_19 = tpu.memref_squeeze %dma_start3A_18 : memref<1x10240xf32, #tpu.memory_space<vmem_shared>> -> memref<10240xf32, #tpu.memory_space<vmem_shared>>
      tpu.enqueue_dma source(%arg6 : memref<10240xf32, #tpu.memory_space<vmem>>) target(%dma_start3A_19 : memref<10240xf32, #tpu.memory_space<vmem_shared>>) target_semaphore(%run_scoped3A : memref<!tpu.dma_semaphore, #tpu.memory_space<semaphore_mem>>)
      %dma_wait3A = arith.constant 0 : i32
      %dma_wait3A_20 = tpu.memref_slice %arg9[%arg1, %dma_wait3A] : memref<16x10240xf32, #tpu.memory_space<vmem_shared>> -> memref<1x10240xf32, #tpu.memory_space<vmem_shared>>
      %dma_wait3A_21 = tpu.memref_squeeze %dma_wait3A_20 : memref<1x10240xf32, #tpu.memory_space<vmem_shared>> -> memref<10240xf32, #tpu.memory_space<vmem_shared>>
      %dma_wait3A_22 = arith.constant 0 : i32
      %dma_wait3A_23 = tpu.memref_slice %arg9[%arg1, %dma_wait3A_22] : memref<16x10240xf32, #tpu.memory_space<vmem_shared>> -> memref<1x10240xf32, #tpu.memory_space<vmem_shared>>
      %dma_wait3A_24 = tpu.memref_squeeze %dma_wait3A_23 : memref<1x10240xf32, #tpu.memory_space<vmem_shared>> -> memref<10240xf32, #tpu.memory_space<vmem_shared>>
      tpu.wait_dma2 semaphore(%run_scoped3A : memref<!tpu.dma_semaphore, #tpu.memory_space<semaphore_mem>>) src(%arg6 : memref<10240xf32, #tpu.memory_space<vmem>>) dst(%dma_wait3A_24 : memref<10240xf32, #tpu.memory_space<vmem_shared>>)
      tpu.yield
    }) : () -> ()
    %barrier3A = arith.constant 0 : index
    tpu.barrier barrier_id(%barrier3A)
    %mul3A = arith.constant 640 : i32
    %mul3A_6 = arith.muli %arg1, %mul3A : i32
    "tpu.region"() ({
      %run_scoped3A = tpu.sem_alloc : memref<!tpu.dma_semaphore, #tpu.memory_space<semaphore_mem>>
      %dma_start3A = arith.constant 0 : i32
      %dma_start3A_15 = tpu.memref_slice %arg9[%dma_start3A, %mul3A_6] : memref<16x10240xf32, #tpu.memory_space<vmem_shared>> -> memref<16x640xf32, #tpu.memory_space<vmem_shared>>
      %dma_start3A_16 = arith.constant 0 : i32
      %dma_start3A_17 = tpu.memref_slice %arg9[%dma_start3A_16, %mul3A_6] : memref<16x10240xf32, #tpu.memory_space<vmem_shared>> -> memref<16x640xf32, #tpu.memory_space<vmem_shared>>
      tpu.enqueue_dma source(%dma_start3A_17 : memref<16x640xf32, #tpu.memory_space<vmem_shared>>) target(%arg7 : memref<16x640xf32, #tpu.memory_space<vmem>>) target_semaphore(%run_scoped3A : memref<!tpu.dma_semaphore, #tpu.memory_space<semaphore_mem>>)
      %dma_wait3A = arith.constant 0 : i32
      %dma_wait3A_18 = tpu.memref_slice %arg9[%dma_wait3A, %mul3A_6] : memref<16x10240xf32, #tpu.memory_space<vmem_shared>> -> memref<16x640xf32, #tpu.memory_space<vmem_shared>>
      %dma_wait3A_19 = arith.constant 0 : i32
      %dma_wait3A_20 = tpu.memref_slice %arg9[%dma_wait3A_19, %mul3A_6] : memref<16x10240xf32, #tpu.memory_space<vmem_shared>> -> memref<16x640xf32, #tpu.memory_space<vmem_shared>>
      tpu.wait_dma2 semaphore(%run_scoped3A : memref<!tpu.dma_semaphore, #tpu.memory_space<semaphore_mem>>) src(%dma_wait3A_20 : memref<16x640xf32, #tpu.memory_space<vmem_shared>>) dst(%arg7 : memref<16x640xf32, #tpu.memory_space<vmem>>)
      tpu.yield
    }) : () -> ()
    %scan3A_7 = arith.constant 0 : i32
    %scan3A_8 = arith.constant 0 : i32
    %scan3A_9 = arith.constant 40 : i32
    %scan3A_10 = arith.addi %scan3A_8, %scan3A_9 : i32
    %scan3A_11 = arith.constant 1 : i32
    scf.for %scan3A_15 = %scan3A_8 to %scan3A_10 step %scan3A_11  : i32 {
      %broadcast_in_dim3A_16 = arith.constant 0.000000e+00 : f32
      %broadcast_in_dim3A_17 = vector.broadcast %broadcast_in_dim3A_16 : f32 to vector<16xf32>
      %mul3A_18 = arith.constant 16 : i32
      %mul3A_19 = arith.muli %scan3A_15, %mul3A_18 : i32
      %get3A = arith.constant 0 : i32
      %get3A_20 = arith.index_cast %get3A : i32 to index
      %get3A_21 = arith.index_cast %mul3A_19 : i32 to index
      %get3A_22 = tpu.vector_load %arg7[%get3A_20, %get3A_21] {strides = array<i32>} : memref<16x640xf32, #tpu.memory_space<vmem>>, vector<16xf32>,
      %add3A = arith.addf %broadcast_in_dim3A_17, %get3A_22 : vector<16xf32>
      %mul3A_23 = arith.constant 16 : i32
      %mul3A_24 = arith.muli %scan3A_15, %mul3A_23 : i32
      %get3A_25 = arith.constant 1 : i32
      %get3A_26 = arith.index_cast %get3A_25 : i32 to index
      %get3A_27 = arith.index_cast %mul3A_24 : i32 to index
      %get3A_28 = tpu.vector_load %arg7[%get3A_26, %get3A_27] {strides = array<i32>} : memref<16x640xf32, #tpu.memory_space<vmem>>, vector<16xf32>,
      %add3A_29 = arith.addf %add3A, %get3A_28 : vector<16xf32>
      %mul3A_30 = arith.constant 16 : i32
      %mul3A_31 = arith.muli %scan3A_15, %mul3A_30 : i32
      %get3A_32 = arith.constant 2 : i32
      %get3A_33 = arith.index_cast %get3A_32 : i32 to index
      %get3A_34 = arith.index_cast %mul3A_31 : i32 to index
      %get3A_35 = tpu.vector_load %arg7[%get3A_33, %get3A_34] {strides = array<i32>} : memref<16x640xf32, #tpu.memory_space<vmem>>, vector<16xf32>,
      %add3A_36 = arith.addf %add3A_29, %get3A_35 : vector<16xf32>
      %mul3A_37 = arith.constant 16 : i32
      %mul3A_38 = arith.muli %scan3A_15, %mul3A_37 : i32
      %get3A_39 = arith.constant 3 : i32
      %get3A_40 = arith.index_cast %get3A_39 : i32 to index
      %get3A_41 = arith.index_cast %mul3A_38 : i32 to index
      %get3A_42 = tpu.vector_load %arg7[%get3A_40, %get3A_41] {strides = array<i32>} : memref<16x640xf32, #tpu.memory_space<vmem>>, vector<16xf32>,
      %add3A_43 = arith.addf %add3A_36, %get3A_42 : vector<16xf32>
      %mul3A_44 = arith.constant 16 : i32
      %mul3A_45 = arith.muli %scan3A_15, %mul3A_44 : i32
      %get3A_46 = arith.constant 4 : i32
      %get3A_47 = arith.index_cast %get3A_46 : i32 to index
      %get3A_48 = arith.index_cast %mul3A_45 : i32 to index
      %get3A_49 = tpu.vector_load %arg7[%get3A_47, %get3A_48] {strides = array<i32>} : memref<16x640xf32, #tpu.memory_space<vmem>>, vector<16xf32>,
      %add3A_50 = arith.addf %add3A_43, %get3A_49 : vector<16xf32>
      %mul3A_51 = arith.constant 16 : i32
      %mul3A_52 = arith.muli %scan3A_15, %mul3A_51 : i32
      %get3A_53 = arith.constant 5 : i32
      %get3A_54 = arith.index_cast %get3A_53 : i32 to index
      %get3A_55 = arith.index_cast %mul3A_52 : i32 to index
      %get3A_56 = tpu.vector_load %arg7[%get3A_54, %get3A_55] {strides = array<i32>} : memref<16x640xf32, #tpu.memory_space<vmem>>, vector<16xf32>,
      %add3A_57 = arith.addf %add3A_50, %get3A_56 : vector<16xf32>
      %mul3A_58 = arith.constant 16 : i32
      %mul3A_59 = arith.muli %scan3A_15, %mul3A_58 : i32
      %get3A_60 = arith.constant 6 : i32
      %get3A_61 = arith.index_cast %get3A_60 : i32 to index
      %get3A_62 = arith.index_cast %mul3A_59 : i32 to index
      %get3A_63 = tpu.vector_load %arg7[%get3A_61, %get3A_62] {strides = array<i32>} : memref<16x640xf32, #tpu.memory_space<vmem>>, vector<16xf32>,
      %add3A_64 = arith.addf %add3A_57, %get3A_63 : vector<16xf32>
      %mul3A_65 = arith.constant 16 : i32
      %mul3A_66 = arith.muli %scan3A_15, %mul3A_65 : i32
      %get3A_67 = arith.constant 7 : i32
      %get3A_68 = arith.index_cast %get3A_67 : i32 to index
      %get3A_69 = arith.index_cast %mul3A_66 : i32 to index
      %get3A_70 = tpu.vector_load %arg7[%get3A_68, %get3A_69] {strides = array<i32>} : memref<16x640xf32, #tpu.memory_space<vmem>>, vector<16xf32>,
      %add3A_71 = arith.addf %add3A_64, %get3A_70 : vector<16xf32>
      %mul3A_72 = arith.constant 16 : i32
      %mul3A_73 = arith.muli %scan3A_15, %mul3A_72 : i32
      %get3A_74 = arith.constant 8 : i32
      %get3A_75 = arith.index_cast %get3A_74 : i32 to index
      %get3A_76 = arith.index_cast %mul3A_73 : i32 to index
      %get3A_77 = tpu.vector_load %arg7[%get3A_75, %get3A_76] {strides = array<i32>} : memref<16x640xf32, #tpu.memory_space<vmem>>, vector<16xf32>,
      %add3A_78 = arith.addf %add3A_71, %get3A_77 : vector<16xf32>
      %mul3A_79 = arith.constant 16 : i32
      %mul3A_80 = arith.muli %scan3A_15, %mul3A_79 : i32
      %get3A_81 = arith.constant 9 : i32
      %get3A_82 = arith.index_cast %get3A_81 : i32 to index
      %get3A_83 = arith.index_cast %mul3A_80 : i32 to index
      %get3A_84 = tpu.vector_load %arg7[%get3A_82, %get3A_83] {strides = array<i32>} : memref<16x640xf32, #tpu.memory_space<vmem>>, vector<16xf32>,
      %add3A_85 = arith.addf %add3A_78, %get3A_84 : vector<16xf32>
      %mul3A_86 = arith.constant 16 : i32
      %mul3A_87 = arith.muli %scan3A_15, %mul3A_86 : i32
      %get3A_88 = arith.constant 10 : i32
      %get3A_89 = arith.index_cast %get3A_88 : i32 to index
      %get3A_90 = arith.index_cast %mul3A_87 : i32 to index
      %get3A_91 = tpu.vector_load %arg7[%get3A_89, %get3A_90] {strides = array<i32>} : memref<16x640xf32, #tpu.memory_space<vmem>>, vector<16xf32>,
      %add3A_92 = arith.addf %add3A_85, %get3A_91 : vector<16xf32>
      %mul3A_93 = arith.constant 16 : i32
      %mul3A_94 = arith.muli %scan3A_15, %mul3A_93 : i32
      %get3A_95 = arith.constant 11 : i32
      %get3A_96 = arith.index_cast %get3A_95 : i32 to index
      %get3A_97 = arith.index_cast %mul3A_94 : i32 to index
      %get3A_98 = tpu.vector_load %arg7[%get3A_96, %get3A_97] {strides = array<i32>} : memref<16x640xf32, #tpu.memory_space<vmem>>, vector<16xf32>,
      %add3A_99 = arith.addf %add3A_92, %get3A_98 : vector<16xf32>
      %mul3A_100 = arith.constant 16 : i32
      %mul3A_101 = arith.muli %scan3A_15, %mul3A_100 : i32
      %get3A_102 = arith.constant 12 : i32
      %get3A_103 = arith.index_cast %get3A_102 : i32 to index
      %get3A_104 = arith.index_cast %mul3A_101 : i32 to index
      %get3A_105 = tpu.vector_load %arg7[%get3A_103, %get3A_104] {strides = array<i32>} : memref<16x640xf32, #tpu.memory_space<vmem>>, vector<16xf32>,
      %add3A_106 = arith.addf %add3A_99, %get3A_105 : vector<16xf32>
      %mul3A_107 = arith.constant 16 : i32
      %mul3A_108 = arith.muli %scan3A_15, %mul3A_107 : i32
      %get3A_109 = arith.constant 13 : i32
      %get3A_110 = arith.index_cast %get3A_109 : i32 to index
      %get3A_111 = arith.index_cast %mul3A_108 : i32 to index
      %get3A_112 = tpu.vector_load %arg7[%get3A_110, %get3A_111] {strides = array<i32>} : memref<16x640xf32, #tpu.memory_space<vmem>>, vector<16xf32>,
      %add3A_113 = arith.addf %add3A_106, %get3A_112 : vector<16xf32>
      %mul3A_114 = arith.constant 16 : i32
      %mul3A_115 = arith.muli %scan3A_15, %mul3A_114 : i32
      %get3A_116 = arith.constant 14 : i32
      %get3A_117 = arith.index_cast %get3A_116 : i32 to index
      %get3A_118 = arith.index_cast %mul3A_115 : i32 to index
      %get3A_119 = tpu.vector_load %arg7[%get3A_117, %get3A_118] {strides = array<i32>} : memref<16x640xf32, #tpu.memory_space<vmem>>, vector<16xf32>,
      %add3A_120 = arith.addf %add3A_113, %get3A_119 : vector<16xf32>
      %mul3A_121 = arith.constant 16 : i32
      %mul3A_122 = arith.muli %scan3A_15, %mul3A_121 : i32
      %get3A_123 = arith.constant 15 : i32
      %get3A_124 = arith.index_cast %get3A_123 : i32 to index
      %get3A_125 = arith.index_cast %mul3A_122 : i32 to index
      %get3A_126 = tpu.vector_load %arg7[%get3A_124, %get3A_125] {strides = array<i32>} : memref<16x640xf32, #tpu.memory_space<vmem>>, vector<16xf32>,
      %add3A_127 = arith.addf %add3A_120, %get3A_126 : vector<16xf32>
      %mul3A_128 = arith.constant 16 : i32
      %mul3A_129 = arith.muli %scan3A_15, %mul3A_128 : i32
      %swap3A = arith.index_cast %mul3A_129 : i32 to index
      %swap3A_130 = tpu.vector_load %arg8[%swap3A] {strides = array<i32>} : memref<640xf32, #tpu.memory_space<vmem>>, vector<16xf32>,
      tpu.vector_store %arg8[%swap3A], %add3A_127 {strides = array<i32>} : memref<640xf32, #tpu.memory_space<vmem>>, vector<16xf32>,
    }
    %scan3A_12 = arith.constant 40 : i32
    %mul3A_13 = arith.constant 640 : i32
    %mul3A_14 = arith.muli %arg1, %mul3A_13 : i32
    "tpu.region"() ({
      %run_scoped3A = tpu.sem_alloc : memref<!tpu.dma_semaphore, #tpu.memory_space<semaphore_mem>>
      %dma_start3A = tpu.memref_slice %arg4[%arg0, %mul3A_14] : memref<2x10240xf32, #tpu.memory_space<hbm>> -> memref<1x640xf32, #tpu.memory_space<hbm>>
      %dma_start3A_15 = tpu.memref_squeeze %dma_start3A : memref<1x640xf32, #tpu.memory_space<hbm>> -> memref<640xf32, #tpu.memory_space<hbm>>
      %dma_start3A_16 = tpu.memref_slice %arg4[%arg0, %mul3A_14] : memref<2x10240xf32, #tpu.memory_space<hbm>> -> memref<1x640xf32, #tpu.memory_space<hbm>>
      %dma_start3A_17 = tpu.memref_squeeze %dma_start3A_16 : memref<1x640xf32, #tpu.memory_space<hbm>> -> memref<640xf32, #tpu.memory_space<hbm>>
      tpu.enqueue_dma source(%arg8 : memref<640xf32, #tpu.memory_space<vmem>>) target(%dma_start3A_17 : memref<640xf32, #tpu.memory_space<hbm>>) target_semaphore(%run_scoped3A : memref<!tpu.dma_semaphore, #tpu.memory_space<semaphore_mem>>)
      %dma_wait3A = tpu.memref_slice %arg4[%arg0, %mul3A_14] : memref<2x10240xf32, #tpu.memory_space<hbm>> -> memref<1x640xf32, #tpu.memory_space<hbm>>
      %dma_wait3A_18 = tpu.memref_squeeze %dma_wait3A : memref<1x640xf32, #tpu.memory_space<hbm>> -> memref<640xf32, #tpu.memory_space<hbm>>
      %dma_wait3A_19 = tpu.memref_slice %arg4[%arg0, %mul3A_14] : memref<2x10240xf32, #tpu.memory_space<hbm>> -> memref<1x640xf32, #tpu.memory_space<hbm>>
      %dma_wait3A_20 = tpu.memref_squeeze %dma_wait3A_19 : memref<1x640xf32, #tpu.memory_space<hbm>> -> memref<640xf32, #tpu.memory_space<hbm>>
      tpu.wait_dma2 semaphore(%run_scoped3A : memref<!tpu.dma_semaphore, #tpu.memory_space<semaphore_mem>>) src(%arg8 : memref<640xf32, #tpu.memory_space<vmem>>) dst(%dma_wait3A_20 : memref<640xf32, #tpu.memory_space<hbm>>)
      tpu.yield
    }) : () -> ()
    return
  }
}

#map = affine_map<(d0, d1) -> (0, 0)>
#map1 = affine_map<(d0, d1) -> (0, 0, 0, 0)>
#map2 = affine_map<(d0, d1) -> (0, 0, 0)>
module attributes {stable_mosaic.version = 14 : i64} {
  func.func @_edge_kernel(%arg0: i32, %arg1: i32, %arg2: memref<10240x128xf32, #tpu.memory_space<hbm>>, %arg3: memref<32x125x2x80xi32, #tpu.memory_space<hbm>>, %arg4: memref<640x128xf32, #tpu.memory_space<hbm>>, %arg5: memref<2x10240x128xf32, #tpu.memory_space<hbm>>, %arg6: memref<8x2x80xi32, #tpu.memory_space<vmem>>, %arg7: memref<4x80x128xf32, #tpu.memory_space<vmem>>, %arg8: memref<10240x128xf32, #tpu.memory_space<vmem_shared>>, %arg9: memref<!tpu.dma_semaphore, #tpu.memory_space<semaphore_mem>>, %arg10: memref<!tpu.dma_semaphore, #tpu.memory_space<semaphore_mem>>, %arg11: memref<!tpu.dma_semaphore, #tpu.memory_space<semaphore_mem>>, %arg12: memref<!tpu.dma_semaphore, #tpu.memory_space<semaphore_mem>>, %arg13: memref<!tpu.dma_semaphore, #tpu.memory_space<semaphore_mem>>, %arg14: memref<!tpu.dma_semaphore, #tpu.memory_space<semaphore_mem>>, %arg15: memref<!tpu.dma_semaphore, #tpu.memory_space<semaphore_mem>>, %arg16: memref<!tpu.dma_semaphore, #tpu.memory_space<semaphore_mem>>, %arg17: memref<!tpu.dma_semaphore, #tpu.memory_space<semaphore_mem>>, %arg18: memref<!tpu.dma_semaphore, #tpu.memory_space<semaphore_mem>>, %arg19: memref<!tpu.dma_semaphore, #tpu.memory_space<semaphore_mem>>, %arg20: memref<!tpu.dma_semaphore, #tpu.memory_space<semaphore_mem>>, %arg21: memref<!tpu.dma_semaphore, #tpu.memory_space<semaphore_mem>>, %arg22: memref<!tpu.dma_semaphore, #tpu.memory_space<semaphore_mem>>, %arg23: memref<!tpu.dma_semaphore, #tpu.memory_space<semaphore_mem>>, %arg24: memref<!tpu.dma_semaphore, #tpu.memory_space<semaphore_mem>>) attributes {dimension_semantics = [#tpu.dimension_semantics<core_parallel>, #tpu.dimension_semantics<subcore_parallel>], iteration_bounds = array<i64: 2, 16>, scalar_prefetch = 0 : i64, scratch_operands = 19 : i64, tpu.core_type = #tpu.core_type<sc_vector_subcore>, window_params = [{transform_indices = #map}, {transform_indices = #map1}, {transform_indices = #map}, {transform_indices = #map2}]} {
    %mul3A = arith.constant 16 : i32
    %mul3A_0 = arith.muli %arg0, %mul3A : i32
    %add3A = arith.addi %mul3A_0, %arg1 : i32
    %mul3A_1 = arith.constant 640 : i32
    %mul3A_2 = arith.muli %arg1, %mul3A_1 : i32
    "tpu.region"() ({
      %run_scoped3A = tpu.sem_alloc : memref<!tpu.dma_semaphore, #tpu.memory_space<semaphore_mem>>
      %dma_start3A_477 = arith.constant 0 : i32
      %dma_start3A_478 = tpu.memref_slice %arg8[%mul3A_2, %dma_start3A_477] : memref<10240x128xf32, #tpu.memory_space<vmem_shared>> -> memref<640x128xf32, #tpu.memory_space<vmem_shared>>
      tpu.enqueue_dma source(%arg4 : memref<640x128xf32, #tpu.memory_space<hbm>>) target(%dma_start3A_478 : memref<640x128xf32, #tpu.memory_space<vmem_shared>>) target_semaphore(%run_scoped3A : memref<!tpu.dma_semaphore, #tpu.memory_space<semaphore_mem>>)
      %dma_wait3A_479 = arith.constant 0 : i32
      %dma_wait3A_480 = tpu.memref_slice %arg8[%mul3A_2, %dma_wait3A_479] : memref<10240x128xf32, #tpu.memory_space<vmem_shared>> -> memref<640x128xf32, #tpu.memory_space<vmem_shared>>
      tpu.wait_dma2 semaphore(%run_scoped3A : memref<!tpu.dma_semaphore, #tpu.memory_space<semaphore_mem>>) src(%arg4 : memref<640x128xf32, #tpu.memory_space<hbm>>) dst(%dma_wait3A_480 : memref<640x128xf32, #tpu.memory_space<vmem_shared>>)
      tpu.yield
    }) : () -> ()
    %barrier3A = arith.constant 0 : index
    tpu.barrier barrier_id(%barrier3A)
    %dma_start3A = arith.constant 0 : i32
    %dma_start3A_3 = arith.constant 0 : i32
    %dma_start3A_4 = arith.constant 0 : i32
    %dma_start3A_5 = arith.constant 0 : i32
    %dma_start3A_6 = tpu.memref_slice %arg6[%dma_start3A_3, %dma_start3A_4, %dma_start3A_5] : memref<8x2x80xi32, #tpu.memory_space<vmem>> -> memref<1x2x80xi32, #tpu.memory_space<vmem>>
    %dma_start3A_7 = tpu.memref_squeeze %dma_start3A_6 : memref<1x2x80xi32, #tpu.memory_space<vmem>> -> memref<2x80xi32, #tpu.memory_space<vmem>>
    %dma_start3A_8 = arith.constant 0 : i32
    %dma_start3A_9 = arith.constant 0 : i32
    %dma_start3A_10 = tpu.memref_slice %arg3[%add3A, %dma_start3A, %dma_start3A_8, %dma_start3A_9] : memref<32x125x2x80xi32, #tpu.memory_space<hbm>> -> memref<1x1x2x80xi32, #tpu.memory_space<hbm>>
    %dma_start3A_11 = tpu.memref_squeeze %dma_start3A_10 : memref<1x1x2x80xi32, #tpu.memory_space<hbm>> -> memref<2x80xi32, #tpu.memory_space<hbm>>
    %dma_start3A_12 = arith.constant 0 : i32
    %dma_start3A_13 = arith.constant 0 : i32
    %dma_start3A_14 = tpu.memref_slice %arg6[%dma_start3A_3, %dma_start3A_12, %dma_start3A_13] : memref<8x2x80xi32, #tpu.memory_space<vmem>> -> memref<1x2x80xi32, #tpu.memory_space<vmem>>
    %dma_start3A_15 = tpu.memref_squeeze %dma_start3A_14 : memref<1x2x80xi32, #tpu.memory_space<vmem>> -> memref<2x80xi32, #tpu.memory_space<vmem>>
    %dma_start3A_16 = arith.constant 0 : i32
    %dma_start3A_17 = arith.constant 0 : i32
    %dma_start3A_18 = tpu.memref_slice %arg3[%add3A, %dma_start3A, %dma_start3A_16, %dma_start3A_17] : memref<32x125x2x80xi32, #tpu.memory_space<hbm>> -> memref<1x1x2x80xi32, #tpu.memory_space<hbm>>
    %dma_start3A_19 = tpu.memref_squeeze %dma_start3A_18 : memref<1x1x2x80xi32, #tpu.memory_space<hbm>> -> memref<2x80xi32, #tpu.memory_space<hbm>>
    tpu.enqueue_dma source(%dma_start3A_19 : memref<2x80xi32, #tpu.memory_space<hbm>>) target(%dma_start3A_15 : memref<2x80xi32, #tpu.memory_space<vmem>>) target_semaphore(%arg9 : memref<!tpu.dma_semaphore, #tpu.memory_space<semaphore_mem>>)
    %dma_start3A_20 = arith.constant 1 : i32
    %dma_start3A_21 = arith.constant 1 : i32
    %dma_start3A_22 = arith.constant 0 : i32
    %dma_start3A_23 = arith.constant 0 : i32
    %dma_start3A_24 = tpu.memref_slice %arg6[%dma_start3A_21, %dma_start3A_22, %dma_start3A_23] : memref<8x2x80xi32, #tpu.memory_space<vmem>> -> memref<1x2x80xi32, #tpu.memory_space<vmem>>
    %dma_start3A_25 = tpu.memref_squeeze %dma_start3A_24 : memref<1x2x80xi32, #tpu.memory_space<vmem>> -> memref<2x80xi32, #tpu.memory_space<vmem>>
    %dma_start3A_26 = arith.constant 0 : i32
    %dma_start3A_27 = arith.constant 0 : i32
    %dma_start3A_28 = tpu.memref_slice %arg3[%add3A, %dma_start3A_20, %dma_start3A_26, %dma_start3A_27] : memref<32x125x2x80xi32, #tpu.memory_space<hbm>> -> memref<1x1x2x80xi32, #tpu.memory_space<hbm>>
    %dma_start3A_29 = tpu.memref_squeeze %dma_start3A_28 : memref<1x1x2x80xi32, #tpu.memory_space<hbm>> -> memref<2x80xi32, #tpu.memory_space<hbm>>
    %dma_start3A_30 = arith.constant 0 : i32
    %dma_start3A_31 = arith.constant 0 : i32
    %dma_start3A_32 = tpu.memref_slice %arg6[%dma_start3A_21, %dma_start3A_30, %dma_start3A_31] : memref<8x2x80xi32, #tpu.memory_space<vmem>> -> memref<1x2x80xi32, #tpu.memory_space<vmem>>
    %dma_start3A_33 = tpu.memref_squeeze %dma_start3A_32 : memref<1x2x80xi32, #tpu.memory_space<vmem>> -> memref<2x80xi32, #tpu.memory_space<vmem>>
    %dma_start3A_34 = arith.constant 0 : i32
    %dma_start3A_35 = arith.constant 0 : i32
    %dma_start3A_36 = tpu.memref_slice %arg3[%add3A, %dma_start3A_20, %dma_start3A_34, %dma_start3A_35] : memref<32x125x2x80xi32, #tpu.memory_space<hbm>> -> memref<1x1x2x80xi32, #tpu.memory_space<hbm>>
    %dma_start3A_37 = tpu.memref_squeeze %dma_start3A_36 : memref<1x1x2x80xi32, #tpu.memory_space<hbm>> -> memref<2x80xi32, #tpu.memory_space<hbm>>
    tpu.enqueue_dma source(%dma_start3A_37 : memref<2x80xi32, #tpu.memory_space<hbm>>) target(%dma_start3A_33 : memref<2x80xi32, #tpu.memory_space<vmem>>) target_semaphore(%arg10 : memref<!tpu.dma_semaphore, #tpu.memory_space<semaphore_mem>>)
    %dma_start3A_38 = arith.constant 2 : i32
    %dma_start3A_39 = arith.constant 2 : i32
    %dma_start3A_40 = arith.constant 0 : i32
    %dma_start3A_41 = arith.constant 0 : i32
    %dma_start3A_42 = tpu.memref_slice %arg6[%dma_start3A_39, %dma_start3A_40, %dma_start3A_41] : memref<8x2x80xi32, #tpu.memory_space<vmem>> -> memref<1x2x80xi32, #tpu.memory_space<vmem>>
    %dma_start3A_43 = tpu.memref_squeeze %dma_start3A_42 : memref<1x2x80xi32, #tpu.memory_space<vmem>> -> memref<2x80xi32, #tpu.memory_space<vmem>>
    %dma_start3A_44 = arith.constant 0 : i32
    %dma_start3A_45 = arith.constant 0 : i32
    %dma_start3A_46 = tpu.memref_slice %arg3[%add3A, %dma_start3A_38, %dma_start3A_44, %dma_start3A_45] : memref<32x125x2x80xi32, #tpu.memory_space<hbm>> -> memref<1x1x2x80xi32, #tpu.memory_space<hbm>>
    %dma_start3A_47 = tpu.memref_squeeze %dma_start3A_46 : memref<1x1x2x80xi32, #tpu.memory_space<hbm>> -> memref<2x80xi32, #tpu.memory_space<hbm>>
    %dma_start3A_48 = arith.constant 0 : i32
    %dma_start3A_49 = arith.constant 0 : i32
    %dma_start3A_50 = tpu.memref_slice %arg6[%dma_start3A_39, %dma_start3A_48, %dma_start3A_49] : memref<8x2x80xi32, #tpu.memory_space<vmem>> -> memref<1x2x80xi32, #tpu.memory_space<vmem>>
    %dma_start3A_51 = tpu.memref_squeeze %dma_start3A_50 : memref<1x2x80xi32, #tpu.memory_space<vmem>> -> memref<2x80xi32, #tpu.memory_space<vmem>>
    %dma_start3A_52 = arith.constant 0 : i32
    %dma_start3A_53 = arith.constant 0 : i32
    %dma_start3A_54 = tpu.memref_slice %arg3[%add3A, %dma_start3A_38, %dma_start3A_52, %dma_start3A_53] : memref<32x125x2x80xi32, #tpu.memory_space<hbm>> -> memref<1x1x2x80xi32, #tpu.memory_space<hbm>>
    %dma_start3A_55 = tpu.memref_squeeze %dma_start3A_54 : memref<1x1x2x80xi32, #tpu.memory_space<hbm>> -> memref<2x80xi32, #tpu.memory_space<hbm>>
    tpu.enqueue_dma source(%dma_start3A_55 : memref<2x80xi32, #tpu.memory_space<hbm>>) target(%dma_start3A_51 : memref<2x80xi32, #tpu.memory_space<vmem>>) target_semaphore(%arg11 : memref<!tpu.dma_semaphore, #tpu.memory_space<semaphore_mem>>)
    %dma_start3A_56 = arith.constant 3 : i32
    %dma_start3A_57 = arith.constant 3 : i32
    %dma_start3A_58 = arith.constant 0 : i32
    %dma_start3A_59 = arith.constant 0 : i32
    %dma_start3A_60 = tpu.memref_slice %arg6[%dma_start3A_57, %dma_start3A_58, %dma_start3A_59] : memref<8x2x80xi32, #tpu.memory_space<vmem>> -> memref<1x2x80xi32, #tpu.memory_space<vmem>>
    %dma_start3A_61 = tpu.memref_squeeze %dma_start3A_60 : memref<1x2x80xi32, #tpu.memory_space<vmem>> -> memref<2x80xi32, #tpu.memory_space<vmem>>
    %dma_start3A_62 = arith.constant 0 : i32
    %dma_start3A_63 = arith.constant 0 : i32
    %dma_start3A_64 = tpu.memref_slice %arg3[%add3A, %dma_start3A_56, %dma_start3A_62, %dma_start3A_63] : memref<32x125x2x80xi32, #tpu.memory_space<hbm>> -> memref<1x1x2x80xi32, #tpu.memory_space<hbm>>
    %dma_start3A_65 = tpu.memref_squeeze %dma_start3A_64 : memref<1x1x2x80xi32, #tpu.memory_space<hbm>> -> memref<2x80xi32, #tpu.memory_space<hbm>>
    %dma_start3A_66 = arith.constant 0 : i32
    %dma_start3A_67 = arith.constant 0 : i32
    %dma_start3A_68 = tpu.memref_slice %arg6[%dma_start3A_57, %dma_start3A_66, %dma_start3A_67] : memref<8x2x80xi32, #tpu.memory_space<vmem>> -> memref<1x2x80xi32, #tpu.memory_space<vmem>>
    %dma_start3A_69 = tpu.memref_squeeze %dma_start3A_68 : memref<1x2x80xi32, #tpu.memory_space<vmem>> -> memref<2x80xi32, #tpu.memory_space<vmem>>
    %dma_start3A_70 = arith.constant 0 : i32
    %dma_start3A_71 = arith.constant 0 : i32
    %dma_start3A_72 = tpu.memref_slice %arg3[%add3A, %dma_start3A_56, %dma_start3A_70, %dma_start3A_71] : memref<32x125x2x80xi32, #tpu.memory_space<hbm>> -> memref<1x1x2x80xi32, #tpu.memory_space<hbm>>
    %dma_start3A_73 = tpu.memref_squeeze %dma_start3A_72 : memref<1x1x2x80xi32, #tpu.memory_space<hbm>> -> memref<2x80xi32, #tpu.memory_space<hbm>>
    tpu.enqueue_dma source(%dma_start3A_73 : memref<2x80xi32, #tpu.memory_space<hbm>>) target(%dma_start3A_69 : memref<2x80xi32, #tpu.memory_space<vmem>>) target_semaphore(%arg12 : memref<!tpu.dma_semaphore, #tpu.memory_space<semaphore_mem>>)
    %dma_wait3A = arith.constant 0 : i32
    %dma_wait3A_74 = arith.constant 0 : i32
    %dma_wait3A_75 = arith.constant 0 : i32
    %dma_wait3A_76 = arith.constant 0 : i32
    %dma_wait3A_77 = tpu.memref_slice %arg6[%dma_wait3A_74, %dma_wait3A_75, %dma_wait3A_76] : memref<8x2x80xi32, #tpu.memory_space<vmem>> -> memref<1x2x80xi32, #tpu.memory_space<vmem>>
    %dma_wait3A_78 = tpu.memref_squeeze %dma_wait3A_77 : memref<1x2x80xi32, #tpu.memory_space<vmem>> -> memref<2x80xi32, #tpu.memory_space<vmem>>
    %dma_wait3A_79 = arith.constant 0 : i32
    %dma_wait3A_80 = arith.constant 0 : i32
    %dma_wait3A_81 = tpu.memref_slice %arg3[%add3A, %dma_wait3A, %dma_wait3A_79, %dma_wait3A_80] : memref<32x125x2x80xi32, #tpu.memory_space<hbm>> -> memref<1x1x2x80xi32, #tpu.memory_space<hbm>>
    %dma_wait3A_82 = tpu.memref_squeeze %dma_wait3A_81 : memref<1x1x2x80xi32, #tpu.memory_space<hbm>> -> memref<2x80xi32, #tpu.memory_space<hbm>>
    %dma_wait3A_83 = arith.constant 0 : i32
    %dma_wait3A_84 = arith.constant 0 : i32
    %dma_wait3A_85 = tpu.memref_slice %arg6[%dma_wait3A_74, %dma_wait3A_83, %dma_wait3A_84] : memref<8x2x80xi32, #tpu.memory_space<vmem>> -> memref<1x2x80xi32, #tpu.memory_space<vmem>>
    %dma_wait3A_86 = tpu.memref_squeeze %dma_wait3A_85 : memref<1x2x80xi32, #tpu.memory_space<vmem>> -> memref<2x80xi32, #tpu.memory_space<vmem>>
    %dma_wait3A_87 = arith.constant 0 : i32
    %dma_wait3A_88 = arith.constant 0 : i32
    %dma_wait3A_89 = tpu.memref_slice %arg3[%add3A, %dma_wait3A, %dma_wait3A_87, %dma_wait3A_88] : memref<32x125x2x80xi32, #tpu.memory_space<hbm>> -> memref<1x1x2x80xi32, #tpu.memory_space<hbm>>
    %dma_wait3A_90 = tpu.memref_squeeze %dma_wait3A_89 : memref<1x1x2x80xi32, #tpu.memory_space<hbm>> -> memref<2x80xi32, #tpu.memory_space<hbm>>
    tpu.wait_dma2 semaphore(%arg9 : memref<!tpu.dma_semaphore, #tpu.memory_space<semaphore_mem>>) src(%dma_wait3A_90 : memref<2x80xi32, #tpu.memory_space<hbm>>) dst(%dma_wait3A_86 : memref<2x80xi32, #tpu.memory_space<vmem>>)
    %dma_start3A_91 = arith.constant 0 : i32
    %dma_start3A_92 = arith.constant 0 : i32
    %dma_start3A_93 = arith.constant 0 : i32
    %dma_start3A_94 = arith.constant 0 : i32
    %dma_start3A_95 = arith.constant 0 : i32
    %dma_start3A_96 = tpu.memref_slice %arg7[%dma_start3A_93, %dma_start3A_94, %dma_start3A_95] : memref<4x80x128xf32, #tpu.memory_space<vmem>> -> memref<1x80x128xf32, #tpu.memory_space<vmem>>
    %dma_start3A_97 = tpu.memref_squeeze %dma_start3A_96 : memref<1x80x128xf32, #tpu.memory_space<vmem>> -> memref<80x128xf32, #tpu.memory_space<vmem>>
    %dma_start3A_98 = arith.constant 0 : i32
    %dma_start3A_99 = tpu.memref_slice %arg6[%dma_start3A_91, %dma_start3A_92, %dma_start3A_98] : memref<8x2x80xi32, #tpu.memory_space<vmem>> -> memref<1x1x80xi32, #tpu.memory_space<vmem>>
    %dma_start3A_100 = tpu.memref_squeeze %dma_start3A_99 : memref<1x1x80xi32, #tpu.memory_space<vmem>> -> memref<80xi32, #tpu.memory_space<vmem>>
    %dma_start3A_101 = arith.constant 0 : i32
    %dma_start3A_102 = arith.constant 0 : i32
    %dma_start3A_103 = tpu.memref_slice %arg2[%dma_start3A_101, %dma_start3A_102] : memref<10240x128xf32, #tpu.memory_space<hbm>> -> memref<10240x128xf32, #tpu.memory_space<hbm>>
    tpu.enqueue_indirect_dma source(%dma_start3A_103 : memref<10240x128xf32, #tpu.memory_space<hbm>>) target(%dma_start3A_97 : memref<80x128xf32, #tpu.memory_space<vmem>>) offsets(%dma_start3A_100 : memref<80xi32, #tpu.memory_space<vmem>>) semaphore(%arg17 : memref<!tpu.dma_semaphore, #tpu.memory_space<semaphore_mem>>)
    %dma_wait3A_104 = arith.constant 1 : i32
    %dma_wait3A_105 = arith.constant 1 : i32
    %dma_wait3A_106 = arith.constant 0 : i32
    %dma_wait3A_107 = arith.constant 0 : i32
    %dma_wait3A_108 = tpu.memref_slice %arg6[%dma_wait3A_105, %dma_wait3A_106, %dma_wait3A_107] : memref<8x2x80xi32, #tpu.memory_space<vmem>> -> memref<1x2x80xi32, #tpu.memory_space<vmem>>
    %dma_wait3A_109 = tpu.memref_squeeze %dma_wait3A_108 : memref<1x2x80xi32, #tpu.memory_space<vmem>> -> memref<2x80xi32, #tpu.memory_space<vmem>>
    %dma_wait3A_110 = arith.constant 0 : i32
    %dma_wait3A_111 = arith.constant 0 : i32
    %dma_wait3A_112 = tpu.memref_slice %arg3[%add3A, %dma_wait3A_104, %dma_wait3A_110, %dma_wait3A_111] : memref<32x125x2x80xi32, #tpu.memory_space<hbm>> -> memref<1x1x2x80xi32, #tpu.memory_space<hbm>>
    %dma_wait3A_113 = tpu.memref_squeeze %dma_wait3A_112 : memref<1x1x2x80xi32, #tpu.memory_space<hbm>> -> memref<2x80xi32, #tpu.memory_space<hbm>>
    %dma_wait3A_114 = arith.constant 0 : i32
    %dma_wait3A_115 = arith.constant 0 : i32
    %dma_wait3A_116 = tpu.memref_slice %arg6[%dma_wait3A_105, %dma_wait3A_114, %dma_wait3A_115] : memref<8x2x80xi32, #tpu.memory_space<vmem>> -> memref<1x2x80xi32, #tpu.memory_space<vmem>>
    %dma_wait3A_117 = tpu.memref_squeeze %dma_wait3A_116 : memref<1x2x80xi32, #tpu.memory_space<vmem>> -> memref<2x80xi32, #tpu.memory_space<vmem>>
    %dma_wait3A_118 = arith.constant 0 : i32
    %dma_wait3A_119 = arith.constant 0 : i32
    %dma_wait3A_120 = tpu.memref_slice %arg3[%add3A, %dma_wait3A_104, %dma_wait3A_118, %dma_wait3A_119] : memref<32x125x2x80xi32, #tpu.memory_space<hbm>> -> memref<1x1x2x80xi32, #tpu.memory_space<hbm>>
    %dma_wait3A_121 = tpu.memref_squeeze %dma_wait3A_120 : memref<1x1x2x80xi32, #tpu.memory_space<hbm>> -> memref<2x80xi32, #tpu.memory_space<hbm>>
    tpu.wait_dma2 semaphore(%arg10 : memref<!tpu.dma_semaphore, #tpu.memory_space<semaphore_mem>>) src(%dma_wait3A_121 : memref<2x80xi32, #tpu.memory_space<hbm>>) dst(%dma_wait3A_117 : memref<2x80xi32, #tpu.memory_space<vmem>>)
    %dma_start3A_122 = arith.constant 1 : i32
    %dma_start3A_123 = arith.constant 0 : i32
    %dma_start3A_124 = arith.constant 1 : i32
    %dma_start3A_125 = arith.constant 0 : i32
    %dma_start3A_126 = arith.constant 0 : i32
    %dma_start3A_127 = tpu.memref_slice %arg7[%dma_start3A_124, %dma_start3A_125, %dma_start3A_126] : memref<4x80x128xf32, #tpu.memory_space<vmem>> -> memref<1x80x128xf32, #tpu.memory_space<vmem>>
    %dma_start3A_128 = tpu.memref_squeeze %dma_start3A_127 : memref<1x80x128xf32, #tpu.memory_space<vmem>> -> memref<80x128xf32, #tpu.memory_space<vmem>>
    %dma_start3A_129 = arith.constant 0 : i32
    %dma_start3A_130 = tpu.memref_slice %arg6[%dma_start3A_122, %dma_start3A_123, %dma_start3A_129] : memref<8x2x80xi32, #tpu.memory_space<vmem>> -> memref<1x1x80xi32, #tpu.memory_space<vmem>>
    %dma_start3A_131 = tpu.memref_squeeze %dma_start3A_130 : memref<1x1x80xi32, #tpu.memory_space<vmem>> -> memref<80xi32, #tpu.memory_space<vmem>>
    %dma_start3A_132 = arith.constant 0 : i32
    %dma_start3A_133 = arith.constant 0 : i32
    %dma_start3A_134 = tpu.memref_slice %arg2[%dma_start3A_132, %dma_start3A_133] : memref<10240x128xf32, #tpu.memory_space<hbm>> -> memref<10240x128xf32, #tpu.memory_space<hbm>>
    tpu.enqueue_indirect_dma source(%dma_start3A_134 : memref<10240x128xf32, #tpu.memory_space<hbm>>) target(%dma_start3A_128 : memref<80x128xf32, #tpu.memory_space<vmem>>) offsets(%dma_start3A_131 : memref<80xi32, #tpu.memory_space<vmem>>) semaphore(%arg18 : memref<!tpu.dma_semaphore, #tpu.memory_space<semaphore_mem>>)
    %scan3A = arith.constant 0 : i32
    %scan3A_135 = arith.constant 0 : i32
    %scan3A_136 = arith.constant 15 : i32
    %scan3A_137 = arith.addi %scan3A_135, %scan3A_136 : i32
    %scan3A_138 = arith.constant 1 : i32
    scf.for %scan3A_477 = %scan3A_135 to %scan3A_137 step %scan3A_138  : i32 {
      %mul3A_478 = arith.constant 8 : i32
      %mul3A_479 = arith.muli %scan3A_477, %mul3A_478 : i32
      %add3A_480 = arith.constant 0 : i32
      %add3A_481 = arith.addi %mul3A_479, %add3A_480 : i32
      %dma_wait3A_482 = arith.constant 0 : i32
      %dma_wait3A_483 = arith.constant 0 : i32
      %dma_wait3A_484 = arith.constant 0 : i32
      %dma_wait3A_485 = arith.constant 0 : i32
      %dma_wait3A_486 = arith.constant 0 : i32
      %dma_wait3A_487 = tpu.memref_slice %arg7[%dma_wait3A_484, %dma_wait3A_485, %dma_wait3A_486] : memref<4x80x128xf32, #tpu.memory_space<vmem>> -> memref<1x80x128xf32, #tpu.memory_space<vmem>>
      %dma_wait3A_488 = tpu.memref_squeeze %dma_wait3A_487 : memref<1x80x128xf32, #tpu.memory_space<vmem>> -> memref<80x128xf32, #tpu.memory_space<vmem>>
      %dma_wait3A_489 = arith.constant 0 : i32
      %dma_wait3A_490 = tpu.memref_slice %arg6[%dma_wait3A_482, %dma_wait3A_483, %dma_wait3A_489] : memref<8x2x80xi32, #tpu.memory_space<vmem>> -> memref<1x1x80xi32, #tpu.memory_space<vmem>>
      %dma_wait3A_491 = tpu.memref_squeeze %dma_wait3A_490 : memref<1x1x80xi32, #tpu.memory_space<vmem>> -> memref<80xi32, #tpu.memory_space<vmem>>
      %dma_wait3A_492 = arith.constant 0 : i32
      %dma_wait3A_493 = arith.constant 0 : i32
      %dma_wait3A_494 = tpu.memref_slice %arg2[%dma_wait3A_492, %dma_wait3A_493] : memref<10240x128xf32, #tpu.memory_space<hbm>> -> memref<10240x128xf32, #tpu.memory_space<hbm>>
      tpu.wait_indirect_dma semaphore(%arg17 : memref<!tpu.dma_semaphore, #tpu.memory_space<semaphore_mem>>) src(%dma_wait3A_494 : memref<10240x128xf32, #tpu.memory_space<hbm>>) dst(%dma_wait3A_488 : memref<80x128xf32, #tpu.memory_space<vmem>>)
      %dma_start3A_495 = arith.constant 0 : i32
      %dma_start3A_496 = arith.constant 0 : i32
      %dma_start3A_497 = arith.constant 1 : i32
      %dma_start3A_498 = arith.constant 0 : i32
      %dma_start3A_499 = arith.constant 0 : i32
      %dma_start3A_500 = tpu.memref_slice %arg7[%dma_start3A_495, %dma_start3A_498, %dma_start3A_499] : memref<4x80x128xf32, #tpu.memory_space<vmem>> -> memref<1x80x128xf32, #tpu.memory_space<vmem>>
      %dma_start3A_501 = tpu.memref_squeeze %dma_start3A_500 : memref<1x80x128xf32, #tpu.memory_space<vmem>> -> memref<80x128xf32, #tpu.memory_space<vmem>>
      %dma_start3A_502 = arith.constant 0 : i32
      %dma_start3A_503 = tpu.memref_slice %arg6[%dma_start3A_496, %dma_start3A_497, %dma_start3A_502] : memref<8x2x80xi32, #tpu.memory_space<vmem>> -> memref<1x1x80xi32, #tpu.memory_space<vmem>>
      %dma_start3A_504 = tpu.memref_squeeze %dma_start3A_503 : memref<1x1x80xi32, #tpu.memory_space<vmem>> -> memref<80xi32, #tpu.memory_space<vmem>>
      %dma_start3A_505 = arith.constant 0 : i32
      %dma_start3A_506 = arith.constant 0 : i32
      %dma_start3A_507 = tpu.memref_slice %arg8[%dma_start3A_505, %dma_start3A_506] : memref<10240x128xf32, #tpu.memory_space<vmem_shared>> -> memref<10240x128xf32, #tpu.memory_space<vmem_shared>>
      tpu.enqueue_indirect_dma source(%dma_start3A_501 : memref<80x128xf32, #tpu.memory_space<vmem>>) target(%dma_start3A_507 : memref<10240x128xf32, #tpu.memory_space<vmem_shared>>) offsets(%dma_start3A_504 : memref<80xi32, #tpu.memory_space<vmem>>) semaphore(%arg21 : memref<!tpu.dma_semaphore, #tpu.memory_space<semaphore_mem>>) {add = true}
      %gt3A = arith.constant 0 : i32
      %gt3A_508 = arith.cmpi sgt, %scan3A_477, %gt3A : i32
      %convert_element_type3A = arith.extui %gt3A_508 : i1 to i32
      %cond3A = arith.constant 0 : i32
      %cond3A_509 = arith.cmpi ne, %convert_element_type3A, %cond3A : i32
      scf.if %cond3A_509 {
        %dma_wait3A_1213 = arith.constant 2 : i32
        %dma_wait3A_1214 = arith.constant 0 : i32
        %dma_wait3A_1215 = arith.constant 1 : i32
        %dma_wait3A_1216 = arith.constant 0 : i32
        %dma_wait3A_1217 = arith.constant 0 : i32
        %dma_wait3A_1218 = tpu.memref_slice %arg7[%dma_wait3A_1213, %dma_wait3A_1216, %dma_wait3A_1217] : memref<4x80x128xf32, #tpu.memory_space<vmem>> -> memref<1x80x128xf32, #tpu.memory_space<vmem>>
        %dma_wait3A_1219 = tpu.memref_squeeze %dma_wait3A_1218 : memref<1x80x128xf32, #tpu.memory_space<vmem>> -> memref<80x128xf32, #tpu.memory_space<vmem>>
        %dma_wait3A_1220 = arith.constant 0 : i32
        %dma_wait3A_1221 = tpu.memref_slice %arg6[%dma_wait3A_1214, %dma_wait3A_1215, %dma_wait3A_1220] : memref<8x2x80xi32, #tpu.memory_space<vmem>> -> memref<1x1x80xi32, #tpu.memory_space<vmem>>
        %dma_wait3A_1222 = tpu.memref_squeeze %dma_wait3A_1221 : memref<1x1x80xi32, #tpu.memory_space<vmem>> -> memref<80xi32, #tpu.memory_space<vmem>>
        %dma_wait3A_1223 = arith.constant 0 : i32
        %dma_wait3A_1224 = arith.constant 0 : i32
        %dma_wait3A_1225 = tpu.memref_slice %arg8[%dma_wait3A_1223, %dma_wait3A_1224] : memref<10240x128xf32, #tpu.memory_space<vmem_shared>> -> memref<10240x128xf32, #tpu.memory_space<vmem_shared>>
        tpu.wait_indirect_dma semaphore(%arg23 : memref<!tpu.dma_semaphore, #tpu.memory_space<semaphore_mem>>) src(%dma_wait3A_1219 : memref<80x128xf32, #tpu.memory_space<vmem>>) dst(%dma_wait3A_1225 : memref<10240x128xf32, #tpu.memory_space<vmem_shared>>)
      } else {
      }
      %add3A_510 = arith.constant 2 : i32
      %add3A_511 = arith.addi %add3A_481, %add3A_510 : i32
      %dma_wait3A_512 = arith.constant 2 : i32
      %dma_wait3A_513 = arith.constant 0 : i32
      %dma_wait3A_514 = arith.constant 0 : i32
      %dma_wait3A_515 = tpu.memref_slice %arg6[%dma_wait3A_512, %dma_wait3A_513, %dma_wait3A_514] : memref<8x2x80xi32, #tpu.memory_space<vmem>> -> memref<1x2x80xi32, #tpu.memory_space<vmem>>
      %dma_wait3A_516 = tpu.memref_squeeze %dma_wait3A_515 : memref<1x2x80xi32, #tpu.memory_space<vmem>> -> memref<2x80xi32, #tpu.memory_space<vmem>>
      %dma_wait3A_517 = arith.constant 0 : i32
      %dma_wait3A_518 = arith.constant 0 : i32
      %dma_wait3A_519 = tpu.memref_slice %arg3[%add3A, %add3A_511, %dma_wait3A_517, %dma_wait3A_518] : memref<32x125x2x80xi32, #tpu.memory_space<hbm>> -> memref<1x1x2x80xi32, #tpu.memory_space<hbm>>
      %dma_wait3A_520 = tpu.memref_squeeze %dma_wait3A_519 : memref<1x1x2x80xi32, #tpu.memory_space<hbm>> -> memref<2x80xi32, #tpu.memory_space<hbm>>
      %dma_wait3A_521 = arith.constant 0 : i32
      %dma_wait3A_522 = arith.constant 0 : i32
      %dma_wait3A_523 = tpu.memref_slice %arg6[%dma_wait3A_512, %dma_wait3A_521, %dma_wait3A_522] : memref<8x2x80xi32, #tpu.memory_space<vmem>> -> memref<1x2x80xi32, #tpu.memory_space<vmem>>
      %dma_wait3A_524 = tpu.memref_squeeze %dma_wait3A_523 : memref<1x2x80xi32, #tpu.memory_space<vmem>> -> memref<2x80xi32, #tpu.memory_space<vmem>>
      %dma_wait3A_525 = arith.constant 0 : i32
      %dma_wait3A_526 = arith.constant 0 : i32
      %dma_wait3A_527 = tpu.memref_slice %arg3[%add3A, %add3A_511, %dma_wait3A_525, %dma_wait3A_526] : memref<32x125x2x80xi32, #tpu.memory_space<hbm>> -> memref<1x1x2x80xi32, #tpu.memory_space<hbm>>
      %dma_wait3A_528 = tpu.memref_squeeze %dma_wait3A_527 : memref<1x1x2x80xi32, #tpu.memory_space<hbm>> -> memref<2x80xi32, #tpu.memory_space<hbm>>
      tpu.wait_dma2 semaphore(%arg11 : memref<!tpu.dma_semaphore, #tpu.memory_space<semaphore_mem>>) src(%dma_wait3A_528 : memref<2x80xi32, #tpu.memory_space<hbm>>) dst(%dma_wait3A_524 : memref<2x80xi32, #tpu.memory_space<vmem>>)
      %add3A_529 = arith.constant 2 : i32
      %add3A_530 = arith.addi %add3A_481, %add3A_529 : i32
      %dma_start3A_531 = arith.constant 2 : i32
      %dma_start3A_532 = arith.constant 0 : i32
      %dma_start3A_533 = arith.constant 2 : i32
      %dma_start3A_534 = arith.constant 0 : i32
      %dma_start3A_535 = arith.constant 0 : i32
      %dma_start3A_536 = tpu.memref_slice %arg7[%dma_start3A_533, %dma_start3A_534, %dma_start3A_535] : memref<4x80x128xf32, #tpu.memory_space<vmem>> -> memref<1x80x128xf32, #tpu.memory_space<vmem>>
      %dma_start3A_537 = tpu.memref_squeeze %dma_start3A_536 : memref<1x80x128xf32, #tpu.memory_space<vmem>> -> memref<80x128xf32, #tpu.memory_space<vmem>>
      %dma_start3A_538 = arith.constant 0 : i32
      %dma_start3A_539 = tpu.memref_slice %arg6[%dma_start3A_531, %dma_start3A_532, %dma_start3A_538] : memref<8x2x80xi32, #tpu.memory_space<vmem>> -> memref<1x1x80xi32, #tpu.memory_space<vmem>>
      %dma_start3A_540 = tpu.memref_squeeze %dma_start3A_539 : memref<1x1x80xi32, #tpu.memory_space<vmem>> -> memref<80xi32, #tpu.memory_space<vmem>>
      %dma_start3A_541 = arith.constant 0 : i32
      %dma_start3A_542 = arith.constant 0 : i32
      %dma_start3A_543 = tpu.memref_slice %arg2[%dma_start3A_541, %dma_start3A_542] : memref<10240x128xf32, #tpu.memory_space<hbm>> -> memref<10240x128xf32, #tpu.memory_space<hbm>>
      tpu.enqueue_indirect_dma source(%dma_start3A_543 : memref<10240x128xf32, #tpu.memory_space<hbm>>) target(%dma_start3A_537 : memref<80x128xf32, #tpu.memory_space<vmem>>) offsets(%dma_start3A_540 : memref<80xi32, #tpu.memory_space<vmem>>) semaphore(%arg19 : memref<!tpu.dma_semaphore, #tpu.memory_space<semaphore_mem>>)
      %add3A_544 = arith.constant 4 : i32
      %add3A_545 = arith.addi %add3A_481, %add3A_544 : i32
      %dma_start3A_546 = arith.constant 4 : i32
      %dma_start3A_547 = arith.constant 0 : i32
      %dma_start3A_548 = arith.constant 0 : i32
      %dma_start3A_549 = tpu.memref_slice %arg6[%dma_start3A_546, %dma_start3A_547, %dma_start3A_548] : memref<8x2x80xi32, #tpu.memory_space<vmem>> -> memref<1x2x80xi32, #tpu.memory_space<vmem>>
      %dma_start3A_550 = tpu.memref_squeeze %dma_start3A_549 : memref<1x2x80xi32, #tpu.memory_space<vmem>> -> memref<2x80xi32, #tpu.memory_space<vmem>>
      %dma_start3A_551 = arith.constant 0 : i32
      %dma_start3A_552 = arith.constant 0 : i32
      %dma_start3A_553 = tpu.memref_slice %arg3[%add3A, %add3A_545, %dma_start3A_551, %dma_start3A_552] : memref<32x125x2x80xi32, #tpu.memory_space<hbm>> -> memref<1x1x2x80xi32, #tpu.memory_space<hbm>>
      %dma_start3A_554 = tpu.memref_squeeze %dma_start3A_553 : memref<1x1x2x80xi32, #tpu.memory_space<hbm>> -> memref<2x80xi32, #tpu.memory_space<hbm>>
      %dma_start3A_555 = arith.constant 0 : i32
      %dma_start3A_556 = arith.constant 0 : i32
      %dma_start3A_557 = tpu.memref_slice %arg6[%dma_start3A_546, %dma_start3A_555, %dma_start3A_556] : memref<8x2x80xi32, #tpu.memory_space<vmem>> -> memref<1x2x80xi32, #tpu.memory_space<vmem>>
      %dma_start3A_558 = tpu.memref_squeeze %dma_start3A_557 : memref<1x2x80xi32, #tpu.memory_space<vmem>> -> memref<2x80xi32, #tpu.memory_space<vmem>>
      %dma_start3A_559 = arith.constant 0 : i32
      %dma_start3A_560 = arith.constant 0 : i32
      %dma_start3A_561 = tpu.memref_slice %arg3[%add3A, %add3A_545, %dma_start3A_559, %dma_start3A_560] : memref<32x125x2x80xi32, #tpu.memory_space<hbm>> -> memref<1x1x2x80xi32, #tpu.memory_space<hbm>>
      %dma_start3A_562 = tpu.memref_squeeze %dma_start3A_561 : memref<1x1x2x80xi32, #tpu.memory_space<hbm>> -> memref<2x80xi32, #tpu.memory_space<hbm>>
      tpu.enqueue_dma source(%dma_start3A_562 : memref<2x80xi32, #tpu.memory_space<hbm>>) target(%dma_start3A_558 : memref<2x80xi32, #tpu.memory_space<vmem>>) target_semaphore(%arg13 : memref<!tpu.dma_semaphore, #tpu.memory_space<semaphore_mem>>)
      %add3A_563 = arith.constant 1 : i32
      %add3A_564 = arith.addi %mul3A_479, %add3A_563 : i32
      %dma_wait3A_565 = arith.constant 1 : i32
      %dma_wait3A_566 = arith.constant 0 : i32
      %dma_wait3A_567 = arith.constant 1 : i32
      %dma_wait3A_568 = arith.constant 0 : i32
      %dma_wait3A_569 = arith.constant 0 : i32
      %dma_wait3A_570 = tpu.memref_slice %arg7[%dma_wait3A_567, %dma_wait3A_568, %dma_wait3A_569] : memref<4x80x128xf32, #tpu.memory_space<vmem>> -> memref<1x80x128xf32, #tpu.memory_space<vmem>>
      %dma_wait3A_571 = tpu.memref_squeeze %dma_wait3A_570 : memref<1x80x128xf32, #tpu.memory_space<vmem>> -> memref<80x128xf32, #tpu.memory_space<vmem>>
      %dma_wait3A_572 = arith.constant 0 : i32
      %dma_wait3A_573 = tpu.memref_slice %arg6[%dma_wait3A_565, %dma_wait3A_566, %dma_wait3A_572] : memref<8x2x80xi32, #tpu.memory_space<vmem>> -> memref<1x1x80xi32, #tpu.memory_space<vmem>>
      %dma_wait3A_574 = tpu.memref_squeeze %dma_wait3A_573 : memref<1x1x80xi32, #tpu.memory_space<vmem>> -> memref<80xi32, #tpu.memory_space<vmem>>
      %dma_wait3A_575 = arith.constant 0 : i32
      %dma_wait3A_576 = arith.constant 0 : i32
      %dma_wait3A_577 = tpu.memref_slice %arg2[%dma_wait3A_575, %dma_wait3A_576] : memref<10240x128xf32, #tpu.memory_space<hbm>> -> memref<10240x128xf32, #tpu.memory_space<hbm>>
      tpu.wait_indirect_dma semaphore(%arg18 : memref<!tpu.dma_semaphore, #tpu.memory_space<semaphore_mem>>) src(%dma_wait3A_577 : memref<10240x128xf32, #tpu.memory_space<hbm>>) dst(%dma_wait3A_571 : memref<80x128xf32, #tpu.memory_space<vmem>>)
      %dma_start3A_578 = arith.constant 1 : i32
      %dma_start3A_579 = arith.constant 1 : i32
      %dma_start3A_580 = arith.constant 1 : i32
      %dma_start3A_581 = arith.constant 0 : i32
      %dma_start3A_582 = arith.constant 0 : i32
      %dma_start3A_583 = tpu.memref_slice %arg7[%dma_start3A_578, %dma_start3A_581, %dma_start3A_582] : memref<4x80x128xf32, #tpu.memory_space<vmem>> -> memref<1x80x128xf32, #tpu.memory_space<vmem>>
      %dma_start3A_584 = tpu.memref_squeeze %dma_start3A_583 : memref<1x80x128xf32, #tpu.memory_space<vmem>> -> memref<80x128xf32, #tpu.memory_space<vmem>>
      %dma_start3A_585 = arith.constant 0 : i32
      %dma_start3A_586 = tpu.memref_slice %arg6[%dma_start3A_579, %dma_start3A_580, %dma_start3A_585] : memref<8x2x80xi32, #tpu.memory_space<vmem>> -> memref<1x1x80xi32, #tpu.memory_space<vmem>>
      %dma_start3A_587 = tpu.memref_squeeze %dma_start3A_586 : memref<1x1x80xi32, #tpu.memory_space<vmem>> -> memref<80xi32, #tpu.memory_space<vmem>>
      %dma_start3A_588 = arith.constant 0 : i32
      %dma_start3A_589 = arith.constant 0 : i32
      %dma_start3A_590 = tpu.memref_slice %arg8[%dma_start3A_588, %dma_start3A_589] : memref<10240x128xf32, #tpu.memory_space<vmem_shared>> -> memref<10240x128xf32, #tpu.memory_space<vmem_shared>>
      tpu.enqueue_indirect_dma source(%dma_start3A_584 : memref<80x128xf32, #tpu.memory_space<vmem>>) target(%dma_start3A_590 : memref<10240x128xf32, #tpu.memory_space<vmem_shared>>) offsets(%dma_start3A_587 : memref<80xi32, #tpu.memory_space<vmem>>) semaphore(%arg22 : memref<!tpu.dma_semaphore, #tpu.memory_space<semaphore_mem>>) {add = true}
      %gt3A_591 = arith.constant 0 : i32
      %gt3A_592 = arith.cmpi sgt, %scan3A_477, %gt3A_591 : i32
      %convert_element_type3A_593 = arith.extui %gt3A_592 : i1 to i32
      %cond3A_594 = arith.constant 0 : i32
      %cond3A_595 = arith.cmpi ne, %convert_element_type3A_593, %cond3A_594 : i32
      scf.if %cond3A_595 {
        %dma_wait3A_1213 = arith.constant 3 : i32
        %dma_wait3A_1214 = arith.constant 0 : i32
        %dma_wait3A_1215 = arith.constant 1 : i32
        %dma_wait3A_1216 = arith.constant 0 : i32
        %dma_wait3A_1217 = arith.constant 0 : i32
        %dma_wait3A_1218 = tpu.memref_slice %arg7[%dma_wait3A_1213, %dma_wait3A_1216, %dma_wait3A_1217] : memref<4x80x128xf32, #tpu.memory_space<vmem>> -> memref<1x80x128xf32, #tpu.memory_space<vmem>>
        %dma_wait3A_1219 = tpu.memref_squeeze %dma_wait3A_1218 : memref<1x80x128xf32, #tpu.memory_space<vmem>> -> memref<80x128xf32, #tpu.memory_space<vmem>>
        %dma_wait3A_1220 = arith.constant 0 : i32
        %dma_wait3A_1221 = tpu.memref_slice %arg6[%dma_wait3A_1214, %dma_wait3A_1215, %dma_wait3A_1220] : memref<8x2x80xi32, #tpu.memory_space<vmem>> -> memref<1x1x80xi32, #tpu.memory_space<vmem>>
        %dma_wait3A_1222 = tpu.memref_squeeze %dma_wait3A_1221 : memref<1x1x80xi32, #tpu.memory_space<vmem>> -> memref<80xi32, #tpu.memory_space<vmem>>
        %dma_wait3A_1223 = arith.constant 0 : i32
        %dma_wait3A_1224 = arith.constant 0 : i32
        %dma_wait3A_1225 = tpu.memref_slice %arg8[%dma_wait3A_1223, %dma_wait3A_1224] : memref<10240x128xf32, #tpu.memory_space<vmem_shared>> -> memref<10240x128xf32, #tpu.memory_space<vmem_shared>>
        tpu.wait_indirect_dma semaphore(%arg24 : memref<!tpu.dma_semaphore, #tpu.memory_space<semaphore_mem>>) src(%dma_wait3A_1219 : memref<80x128xf32, #tpu.memory_space<vmem>>) dst(%dma_wait3A_1225 : memref<10240x128xf32, #tpu.memory_space<vmem_shared>>)
      } else {
      }
      %add3A_596 = arith.constant 2 : i32
      %add3A_597 = arith.addi %add3A_564, %add3A_596 : i32
      %dma_wait3A_598 = arith.constant 3 : i32
      %dma_wait3A_599 = arith.constant 0 : i32
      %dma_wait3A_600 = arith.constant 0 : i32
      %dma_wait3A_601 = tpu.memref_slice %arg6[%dma_wait3A_598, %dma_wait3A_599, %dma_wait3A_600] : memref<8x2x80xi32, #tpu.memory_space<vmem>> -> memref<1x2x80xi32, #tpu.memory_space<vmem>>
      %dma_wait3A_602 = tpu.memref_squeeze %dma_wait3A_601 : memref<1x2x80xi32, #tpu.memory_space<vmem>> -> memref<2x80xi32, #tpu.memory_space<vmem>>
      %dma_wait3A_603 = arith.constant 0 : i32
      %dma_wait3A_604 = arith.constant 0 : i32
      %dma_wait3A_605 = tpu.memref_slice %arg3[%add3A, %add3A_597, %dma_wait3A_603, %dma_wait3A_604] : memref<32x125x2x80xi32, #tpu.memory_space<hbm>> -> memref<1x1x2x80xi32, #tpu.memory_space<hbm>>
      %dma_wait3A_606 = tpu.memref_squeeze %dma_wait3A_605 : memref<1x1x2x80xi32, #tpu.memory_space<hbm>> -> memref<2x80xi32, #tpu.memory_space<hbm>>
      %dma_wait3A_607 = arith.constant 0 : i32
      %dma_wait3A_608 = arith.constant 0 : i32
      %dma_wait3A_609 = tpu.memref_slice %arg6[%dma_wait3A_598, %dma_wait3A_607, %dma_wait3A_608] : memref<8x2x80xi32, #tpu.memory_space<vmem>> -> memref<1x2x80xi32, #tpu.memory_space<vmem>>
      %dma_wait3A_610 = tpu.memref_squeeze %dma_wait3A_609 : memref<1x2x80xi32, #tpu.memory_space<vmem>> -> memref<2x80xi32, #tpu.memory_space<vmem>>
      %dma_wait3A_611 = arith.constant 0 : i32
      %dma_wait3A_612 = arith.constant 0 : i32
      %dma_wait3A_613 = tpu.memref_slice %arg3[%add3A, %add3A_597, %dma_wait3A_611, %dma_wait3A_612] : memref<32x125x2x80xi32, #tpu.memory_space<hbm>> -> memref<1x1x2x80xi32, #tpu.memory_space<hbm>>
      %dma_wait3A_614 = tpu.memref_squeeze %dma_wait3A_613 : memref<1x1x2x80xi32, #tpu.memory_space<hbm>> -> memref<2x80xi32, #tpu.memory_space<hbm>>
      tpu.wait_dma2 semaphore(%arg12 : memref<!tpu.dma_semaphore, #tpu.memory_space<semaphore_mem>>) src(%dma_wait3A_614 : memref<2x80xi32, #tpu.memory_space<hbm>>) dst(%dma_wait3A_610 : memref<2x80xi32, #tpu.memory_space<vmem>>)
      %add3A_615 = arith.constant 2 : i32
      %add3A_616 = arith.addi %add3A_564, %add3A_615 : i32
      %dma_start3A_617 = arith.constant 3 : i32
      %dma_start3A_618 = arith.constant 0 : i32
      %dma_start3A_619 = arith.constant 3 : i32
      %dma_start3A_620 = arith.constant 0 : i32
      %dma_start3A_621 = arith.constant 0 : i32
      %dma_start3A_622 = tpu.memref_slice %arg7[%dma_start3A_619, %dma_start3A_620, %dma_start3A_621] : memref<4x80x128xf32, #tpu.memory_space<vmem>> -> memref<1x80x128xf32, #tpu.memory_space<vmem>>
      %dma_start3A_623 = tpu.memref_squeeze %dma_start3A_622 : memref<1x80x128xf32, #tpu.memory_space<vmem>> -> memref<80x128xf32, #tpu.memory_space<vmem>>
      %dma_start3A_624 = arith.constant 0 : i32
      %dma_start3A_625 = tpu.memref_slice %arg6[%dma_start3A_617, %dma_start3A_618, %dma_start3A_624] : memref<8x2x80xi32, #tpu.memory_space<vmem>> -> memref<1x1x80xi32, #tpu.memory_space<vmem>>
      %dma_start3A_626 = tpu.memref_squeeze %dma_start3A_625 : memref<1x1x80xi32, #tpu.memory_space<vmem>> -> memref<80xi32, #tpu.memory_space<vmem>>
      %dma_start3A_627 = arith.constant 0 : i32
      %dma_start3A_628 = arith.constant 0 : i32
      %dma_start3A_629 = tpu.memref_slice %arg2[%dma_start3A_627, %dma_start3A_628] : memref<10240x128xf32, #tpu.memory_space<hbm>> -> memref<10240x128xf32, #tpu.memory_space<hbm>>
      tpu.enqueue_indirect_dma source(%dma_start3A_629 : memref<10240x128xf32, #tpu.memory_space<hbm>>) target(%dma_start3A_623 : memref<80x128xf32, #tpu.memory_space<vmem>>) offsets(%dma_start3A_626 : memref<80xi32, #tpu.memory_space<vmem>>) semaphore(%arg20 : memref<!tpu.dma_semaphore, #tpu.memory_space<semaphore_mem>>)
      %add3A_630 = arith.constant 4 : i32
      %add3A_631 = arith.addi %add3A_564, %add3A_630 : i32
      %dma_start3A_632 = arith.constant 5 : i32
      %dma_start3A_633 = arith.constant 0 : i32
      %dma_start3A_634 = arith.constant 0 : i32
      %dma_start3A_635 = tpu.memref_slice %arg6[%dma_start3A_632, %dma_start3A_633, %dma_start3A_634] : memref<8x2x80xi32, #tpu.memory_space<vmem>> -> memref<1x2x80xi32, #tpu.memory_space<vmem>>
      %dma_start3A_636 = tpu.memref_squeeze %dma_start3A_635 : memref<1x2x80xi32, #tpu.memory_space<vmem>> -> memref<2x80xi32, #tpu.memory_space<vmem>>
      %dma_start3A_637 = arith.constant 0 : i32
      %dma_start3A_638 = arith.constant 0 : i32
      %dma_start3A_639 = tpu.memref_slice %arg3[%add3A, %add3A_631, %dma_start3A_637, %dma_start3A_638] : memref<32x125x2x80xi32, #tpu.memory_space<hbm>> -> memref<1x1x2x80xi32, #tpu.memory_space<hbm>>
      %dma_start3A_640 = tpu.memref_squeeze %dma_start3A_639 : memref<1x1x2x80xi32, #tpu.memory_space<hbm>> -> memref<2x80xi32, #tpu.memory_space<hbm>>
      %dma_start3A_641 = arith.constant 0 : i32
      %dma_start3A_642 = arith.constant 0 : i32
      %dma_start3A_643 = tpu.memref_slice %arg6[%dma_start3A_632, %dma_start3A_641, %dma_start3A_642] : memref<8x2x80xi32, #tpu.memory_space<vmem>> -> memref<1x2x80xi32, #tpu.memory_space<vmem>>
      %dma_start3A_644 = tpu.memref_squeeze %dma_start3A_643 : memref<1x2x80xi32, #tpu.memory_space<vmem>> -> memref<2x80xi32, #tpu.memory_space<vmem>>
      %dma_start3A_645 = arith.constant 0 : i32
      %dma_start3A_646 = arith.constant 0 : i32
      %dma_start3A_647 = tpu.memref_slice %arg3[%add3A, %add3A_631, %dma_start3A_645, %dma_start3A_646] : memref<32x125x2x80xi32, #tpu.memory_space<hbm>> -> memref<1x1x2x80xi32, #tpu.memory_space<hbm>>
      %dma_start3A_648 = tpu.memref_squeeze %dma_start3A_647 : memref<1x1x2x80xi32, #tpu.memory_space<hbm>> -> memref<2x80xi32, #tpu.memory_space<hbm>>
      tpu.enqueue_dma source(%dma_start3A_648 : memref<2x80xi32, #tpu.memory_space<hbm>>) target(%dma_start3A_644 : memref<2x80xi32, #tpu.memory_space<vmem>>) target_semaphore(%arg14 : memref<!tpu.dma_semaphore, #tpu.memory_space<semaphore_mem>>)
      %add3A_649 = arith.constant 2 : i32
      %add3A_650 = arith.addi %mul3A_479, %add3A_649 : i32
      %dma_wait3A_651 = arith.constant 2 : i32
      %dma_wait3A_652 = arith.constant 0 : i32
      %dma_wait3A_653 = arith.constant 2 : i32
      %dma_wait3A_654 = arith.constant 0 : i32
      %dma_wait3A_655 = arith.constant 0 : i32
      %dma_wait3A_656 = tpu.memref_slice %arg7[%dma_wait3A_653, %dma_wait3A_654, %dma_wait3A_655] : memref<4x80x128xf32, #tpu.memory_space<vmem>> -> memref<1x80x128xf32, #tpu.memory_space<vmem>>
      %dma_wait3A_657 = tpu.memref_squeeze %dma_wait3A_656 : memref<1x80x128xf32, #tpu.memory_space<vmem>> -> memref<80x128xf32, #tpu.memory_space<vmem>>
      %dma_wait3A_658 = arith.constant 0 : i32
      %dma_wait3A_659 = tpu.memref_slice %arg6[%dma_wait3A_651, %dma_wait3A_652, %dma_wait3A_658] : memref<8x2x80xi32, #tpu.memory_space<vmem>> -> memref<1x1x80xi32, #tpu.memory_space<vmem>>
      %dma_wait3A_660 = tpu.memref_squeeze %dma_wait3A_659 : memref<1x1x80xi32, #tpu.memory_space<vmem>> -> memref<80xi32, #tpu.memory_space<vmem>>
      %dma_wait3A_661 = arith.constant 0 : i32
      %dma_wait3A_662 = arith.constant 0 : i32
      %dma_wait3A_663 = tpu.memref_slice %arg2[%dma_wait3A_661, %dma_wait3A_662] : memref<10240x128xf32, #tpu.memory_space<hbm>> -> memref<10240x128xf32, #tpu.memory_space<hbm>>
      tpu.wait_indirect_dma semaphore(%arg19 : memref<!tpu.dma_semaphore, #tpu.memory_space<semaphore_mem>>) src(%dma_wait3A_663 : memref<10240x128xf32, #tpu.memory_space<hbm>>) dst(%dma_wait3A_657 : memref<80x128xf32, #tpu.memory_space<vmem>>)
      %dma_start3A_664 = arith.constant 2 : i32
      %dma_start3A_665 = arith.constant 2 : i32
      %dma_start3A_666 = arith.constant 1 : i32
      %dma_start3A_667 = arith.constant 0 : i32
      %dma_start3A_668 = arith.constant 0 : i32
      %dma_start3A_669 = tpu.memref_slice %arg7[%dma_start3A_664, %dma_start3A_667, %dma_start3A_668] : memref<4x80x128xf32, #tpu.memory_space<vmem>> -> memref<1x80x128xf32, #tpu.memory_space<vmem>>
      %dma_start3A_670 = tpu.memref_squeeze %dma_start3A_669 : memref<1x80x128xf32, #tpu.memory_space<vmem>> -> memref<80x128xf32, #tpu.memory_space<vmem>>
      %dma_start3A_671 = arith.constant 0 : i32
      %dma_start3A_672 = tpu.memref_slice %arg6[%dma_start3A_665, %dma_start3A_666, %dma_start3A_671] : memref<8x2x80xi32, #tpu.memory_space<vmem>> -> memref<1x1x80xi32, #tpu.memory_space<vmem>>
      %dma_start3A_673 = tpu.memref_squeeze %dma_start3A_672 : memref<1x1x80xi32, #tpu.memory_space<vmem>> -> memref<80xi32, #tpu.memory_space<vmem>>
      %dma_start3A_674 = arith.constant 0 : i32
      %dma_start3A_675 = arith.constant 0 : i32
      %dma_start3A_676 = tpu.memref_slice %arg8[%dma_start3A_674, %dma_start3A_675] : memref<10240x128xf32, #tpu.memory_space<vmem_shared>> -> memref<10240x128xf32, #tpu.memory_space<vmem_shared>>
      tpu.enqueue_indirect_dma source(%dma_start3A_670 : memref<80x128xf32, #tpu.memory_space<vmem>>) target(%dma_start3A_676 : memref<10240x128xf32, #tpu.memory_space<vmem_shared>>) offsets(%dma_start3A_673 : memref<80xi32, #tpu.memory_space<vmem>>) semaphore(%arg23 : memref<!tpu.dma_semaphore, #tpu.memory_space<semaphore_mem>>) {add = true}
      %dma_wait3A_677 = arith.constant 0 : i32
      %dma_wait3A_678 = arith.constant 0 : i32
      %dma_wait3A_679 = arith.constant 1 : i32
      %dma_wait3A_680 = arith.constant 0 : i32
      %dma_wait3A_681 = arith.constant 0 : i32
      %dma_wait3A_682 = tpu.memref_slice %arg7[%dma_wait3A_677, %dma_wait3A_680, %dma_wait3A_681] : memref<4x80x128xf32, #tpu.memory_space<vmem>> -> memref<1x80x128xf32, #tpu.memory_space<vmem>>
      %dma_wait3A_683 = tpu.memref_squeeze %dma_wait3A_682 : memref<1x80x128xf32, #tpu.memory_space<vmem>> -> memref<80x128xf32, #tpu.memory_space<vmem>>
      %dma_wait3A_684 = arith.constant 0 : i32
      %dma_wait3A_685 = tpu.memref_slice %arg6[%dma_wait3A_678, %dma_wait3A_679, %dma_wait3A_684] : memref<8x2x80xi32, #tpu.memory_space<vmem>> -> memref<1x1x80xi32, #tpu.memory_space<vmem>>
      %dma_wait3A_686 = tpu.memref_squeeze %dma_wait3A_685 : memref<1x1x80xi32, #tpu.memory_space<vmem>> -> memref<80xi32, #tpu.memory_space<vmem>>
      %dma_wait3A_687 = arith.constant 0 : i32
      %dma_wait3A_688 = arith.constant 0 : i32
      %dma_wait3A_689 = tpu.memref_slice %arg8[%dma_wait3A_687, %dma_wait3A_688] : memref<10240x128xf32, #tpu.memory_space<vmem_shared>> -> memref<10240x128xf32, #tpu.memory_space<vmem_shared>>
      tpu.wait_indirect_dma semaphore(%arg21 : memref<!tpu.dma_semaphore, #tpu.memory_space<semaphore_mem>>) src(%dma_wait3A_683 : memref<80x128xf32, #tpu.memory_space<vmem>>) dst(%dma_wait3A_689 : memref<10240x128xf32, #tpu.memory_space<vmem_shared>>)
      %add3A_690 = arith.constant 2 : i32
      %add3A_691 = arith.addi %add3A_650, %add3A_690 : i32
      %dma_wait3A_692 = arith.constant 4 : i32
      %dma_wait3A_693 = arith.constant 0 : i32
      %dma_wait3A_694 = arith.constant 0 : i32
      %dma_wait3A_695 = tpu.memref_slice %arg6[%dma_wait3A_692, %dma_wait3A_693, %dma_wait3A_694] : memref<8x2x80xi32, #tpu.memory_space<vmem>> -> memref<1x2x80xi32, #tpu.memory_space<vmem>>
      %dma_wait3A_696 = tpu.memref_squeeze %dma_wait3A_695 : memref<1x2x80xi32, #tpu.memory_space<vmem>> -> memref<2x80xi32, #tpu.memory_space<vmem>>
      %dma_wait3A_697 = arith.constant 0 : i32
      %dma_wait3A_698 = arith.constant 0 : i32
      %dma_wait3A_699 = tpu.memref_slice %arg3[%add3A, %add3A_691, %dma_wait3A_697, %dma_wait3A_698] : memref<32x125x2x80xi32, #tpu.memory_space<hbm>> -> memref<1x1x2x80xi32, #tpu.memory_space<hbm>>
      %dma_wait3A_700 = tpu.memref_squeeze %dma_wait3A_699 : memref<1x1x2x80xi32, #tpu.memory_space<hbm>> -> memref<2x80xi32, #tpu.memory_space<hbm>>
      %dma_wait3A_701 = arith.constant 0 : i32
      %dma_wait3A_702 = arith.constant 0 : i32
      %dma_wait3A_703 = tpu.memref_slice %arg6[%dma_wait3A_692, %dma_wait3A_701, %dma_wait3A_702] : memref<8x2x80xi32, #tpu.memory_space<vmem>> -> memref<1x2x80xi32, #tpu.memory_space<vmem>>
      %dma_wait3A_704 = tpu.memref_squeeze %dma_wait3A_703 : memref<1x2x80xi32, #tpu.memory_space<vmem>> -> memref<2x80xi32, #tpu.memory_space<vmem>>
      %dma_wait3A_705 = arith.constant 0 : i32
      %dma_wait3A_706 = arith.constant 0 : i32
      %dma_wait3A_707 = tpu.memref_slice %arg3[%add3A, %add3A_691, %dma_wait3A_705, %dma_wait3A_706] : memref<32x125x2x80xi32, #tpu.memory_space<hbm>> -> memref<1x1x2x80xi32, #tpu.memory_space<hbm>>
      %dma_wait3A_708 = tpu.memref_squeeze %dma_wait3A_707 : memref<1x1x2x80xi32, #tpu.memory_space<hbm>> -> memref<2x80xi32, #tpu.memory_space<hbm>>
      tpu.wait_dma2 semaphore(%arg13 : memref<!tpu.dma_semaphore, #tpu.memory_space<semaphore_mem>>) src(%dma_wait3A_708 : memref<2x80xi32, #tpu.memory_space<hbm>>) dst(%dma_wait3A_704 : memref<2x80xi32, #tpu.memory_space<vmem>>)
      %add3A_709 = arith.constant 2 : i32
      %add3A_710 = arith.addi %add3A_650, %add3A_709 : i32
      %dma_start3A_711 = arith.constant 4 : i32
      %dma_start3A_712 = arith.constant 0 : i32
      %dma_start3A_713 = arith.constant 0 : i32
      %dma_start3A_714 = arith.constant 0 : i32
      %dma_start3A_715 = arith.constant 0 : i32
      %dma_start3A_716 = tpu.memref_slice %arg7[%dma_start3A_713, %dma_start3A_714, %dma_start3A_715] : memref<4x80x128xf32, #tpu.memory_space<vmem>> -> memref<1x80x128xf32, #tpu.memory_space<vmem>>
      %dma_start3A_717 = tpu.memref_squeeze %dma_start3A_716 : memref<1x80x128xf32, #tpu.memory_space<vmem>> -> memref<80x128xf32, #tpu.memory_space<vmem>>
      %dma_start3A_718 = arith.constant 0 : i32
      %dma_start3A_719 = tpu.memref_slice %arg6[%dma_start3A_711, %dma_start3A_712, %dma_start3A_718] : memref<8x2x80xi32, #tpu.memory_space<vmem>> -> memref<1x1x80xi32, #tpu.memory_space<vmem>>
      %dma_start3A_720 = tpu.memref_squeeze %dma_start3A_719 : memref<1x1x80xi32, #tpu.memory_space<vmem>> -> memref<80xi32, #tpu.memory_space<vmem>>
      %dma_start3A_721 = arith.constant 0 : i32
      %dma_start3A_722 = arith.constant 0 : i32
      %dma_start3A_723 = tpu.memref_slice %arg2[%dma_start3A_721, %dma_start3A_722] : memref<10240x128xf32, #tpu.memory_space<hbm>> -> memref<10240x128xf32, #tpu.memory_space<hbm>>
      tpu.enqueue_indirect_dma source(%dma_start3A_723 : memref<10240x128xf32, #tpu.memory_space<hbm>>) target(%dma_start3A_717 : memref<80x128xf32, #tpu.memory_space<vmem>>) offsets(%dma_start3A_720 : memref<80xi32, #tpu.memory_space<vmem>>) semaphore(%arg17 : memref<!tpu.dma_semaphore, #tpu.memory_space<semaphore_mem>>)
      %add3A_724 = arith.constant 4 : i32
      %add3A_725 = arith.addi %add3A_650, %add3A_724 : i32
      %dma_start3A_726 = arith.constant 6 : i32
      %dma_start3A_727 = arith.constant 0 : i32
      %dma_start3A_728 = arith.constant 0 : i32
      %dma_start3A_729 = tpu.memref_slice %arg6[%dma_start3A_726, %dma_start3A_727, %dma_start3A_728] : memref<8x2x80xi32, #tpu.memory_space<vmem>> -> memref<1x2x80xi32, #tpu.memory_space<vmem>>
      %dma_start3A_730 = tpu.memref_squeeze %dma_start3A_729 : memref<1x2x80xi32, #tpu.memory_space<vmem>> -> memref<2x80xi32, #tpu.memory_space<vmem>>
      %dma_start3A_731 = arith.constant 0 : i32
      %dma_start3A_732 = arith.constant 0 : i32
      %dma_start3A_733 = tpu.memref_slice %arg3[%add3A, %add3A_725, %dma_start3A_731, %dma_start3A_732] : memref<32x125x2x80xi32, #tpu.memory_space<hbm>> -> memref<1x1x2x80xi32, #tpu.memory_space<hbm>>
      %dma_start3A_734 = tpu.memref_squeeze %dma_start3A_733 : memref<1x1x2x80xi32, #tpu.memory_space<hbm>> -> memref<2x80xi32, #tpu.memory_space<hbm>>
      %dma_start3A_735 = arith.constant 0 : i32
      %dma_start3A_736 = arith.constant 0 : i32
      %dma_start3A_737 = tpu.memref_slice %arg6[%dma_start3A_726, %dma_start3A_735, %dma_start3A_736] : memref<8x2x80xi32, #tpu.memory_space<vmem>> -> memref<1x2x80xi32, #tpu.memory_space<vmem>>
      %dma_start3A_738 = tpu.memref_squeeze %dma_start3A_737 : memref<1x2x80xi32, #tpu.memory_space<vmem>> -> memref<2x80xi32, #tpu.memory_space<vmem>>
      %dma_start3A_739 = arith.constant 0 : i32
      %dma_start3A_740 = arith.constant 0 : i32
      %dma_start3A_741 = tpu.memref_slice %arg3[%add3A, %add3A_725, %dma_start3A_739, %dma_start3A_740] : memref<32x125x2x80xi32, #tpu.memory_space<hbm>> -> memref<1x1x2x80xi32, #tpu.memory_space<hbm>>
      %dma_start3A_742 = tpu.memref_squeeze %dma_start3A_741 : memref<1x1x2x80xi32, #tpu.memory_space<hbm>> -> memref<2x80xi32, #tpu.memory_space<hbm>>
      tpu.enqueue_dma source(%dma_start3A_742 : memref<2x80xi32, #tpu.memory_space<hbm>>) target(%dma_start3A_738 : memref<2x80xi32, #tpu.memory_space<vmem>>) target_semaphore(%arg15 : memref<!tpu.dma_semaphore, #tpu.memory_space<semaphore_mem>>)
      %add3A_743 = arith.constant 3 : i32
      %add3A_744 = arith.addi %mul3A_479, %add3A_743 : i32
      %dma_wait3A_745 = arith.constant 3 : i32
      %dma_wait3A_746 = arith.constant 0 : i32
      %dma_wait3A_747 = arith.constant 3 : i32
      %dma_wait3A_748 = arith.constant 0 : i32
      %dma_wait3A_749 = arith.constant 0 : i32
      %dma_wait3A_750 = tpu.memref_slice %arg7[%dma_wait3A_747, %dma_wait3A_748, %dma_wait3A_749] : memref<4x80x128xf32, #tpu.memory_space<vmem>> -> memref<1x80x128xf32, #tpu.memory_space<vmem>>
      %dma_wait3A_751 = tpu.memref_squeeze %dma_wait3A_750 : memref<1x80x128xf32, #tpu.memory_space<vmem>> -> memref<80x128xf32, #tpu.memory_space<vmem>>
      %dma_wait3A_752 = arith.constant 0 : i32
      %dma_wait3A_753 = tpu.memref_slice %arg6[%dma_wait3A_745, %dma_wait3A_746, %dma_wait3A_752] : memref<8x2x80xi32, #tpu.memory_space<vmem>> -> memref<1x1x80xi32, #tpu.memory_space<vmem>>
      %dma_wait3A_754 = tpu.memref_squeeze %dma_wait3A_753 : memref<1x1x80xi32, #tpu.memory_space<vmem>> -> memref<80xi32, #tpu.memory_space<vmem>>
      %dma_wait3A_755 = arith.constant 0 : i32
      %dma_wait3A_756 = arith.constant 0 : i32
      %dma_wait3A_757 = tpu.memref_slice %arg2[%dma_wait3A_755, %dma_wait3A_756] : memref<10240x128xf32, #tpu.memory_space<hbm>> -> memref<10240x128xf32, #tpu.memory_space<hbm>>
      tpu.wait_indirect_dma semaphore(%arg20 : memref<!tpu.dma_semaphore, #tpu.memory_space<semaphore_mem>>) src(%dma_wait3A_757 : memref<10240x128xf32, #tpu.memory_space<hbm>>) dst(%dma_wait3A_751 : memref<80x128xf32, #tpu.memory_space<vmem>>)
      %dma_start3A_758 = arith.constant 3 : i32
      %dma_start3A_759 = arith.constant 3 : i32
      %dma_start3A_760 = arith.constant 1 : i32
      %dma_start3A_761 = arith.constant 0 : i32
      %dma_start3A_762 = arith.constant 0 : i32
      %dma_start3A_763 = tpu.memref_slice %arg7[%dma_start3A_758, %dma_start3A_761, %dma_start3A_762] : memref<4x80x128xf32, #tpu.memory_space<vmem>> -> memref<1x80x128xf32, #tpu.memory_space<vmem>>
      %dma_start3A_764 = tpu.memref_squeeze %dma_start3A_763 : memref<1x80x128xf32, #tpu.memory_space<vmem>> -> memref<80x128xf32, #tpu.memory_space<vmem>>
      %dma_start3A_765 = arith.constant 0 : i32
      %dma_start3A_766 = tpu.memref_slice %arg6[%dma_start3A_759, %dma_start3A_760, %dma_start3A_765] : memref<8x2x80xi32, #tpu.memory_space<vmem>> -> memref<1x1x80xi32, #tpu.memory_space<vmem>>
      %dma_start3A_767 = tpu.memref_squeeze %dma_start3A_766 : memref<1x1x80xi32, #tpu.memory_space<vmem>> -> memref<80xi32, #tpu.memory_space<vmem>>
      %dma_start3A_768 = arith.constant 0 : i32
      %dma_start3A_769 = arith.constant 0 : i32
      %dma_start3A_770 = tpu.memref_slice %arg8[%dma_start3A_768, %dma_start3A_769] : memref<10240x128xf32, #tpu.memory_space<vmem_shared>> -> memref<10240x128xf32, #tpu.memory_space<vmem_shared>>
      tpu.enqueue_indirect_dma source(%dma_start3A_764 : memref<80x128xf32, #tpu.memory_space<vmem>>) target(%dma_start3A_770 : memref<10240x128xf32, #tpu.memory_space<vmem_shared>>) offsets(%dma_start3A_767 : memref<80xi32, #tpu.memory_space<vmem>>) semaphore(%arg24 : memref<!tpu.dma_semaphore, #tpu.memory_space<semaphore_mem>>) {add = true}
      %dma_wait3A_771 = arith.constant 1 : i32
      %dma_wait3A_772 = arith.constant 0 : i32
      %dma_wait3A_773 = arith.constant 1 : i32
      %dma_wait3A_774 = arith.constant 0 : i32
      %dma_wait3A_775 = arith.constant 0 : i32
      %dma_wait3A_776 = tpu.memref_slice %arg7[%dma_wait3A_771, %dma_wait3A_774, %dma_wait3A_775] : memref<4x80x128xf32, #tpu.memory_space<vmem>> -> memref<1x80x128xf32, #tpu.memory_space<vmem>>
      %dma_wait3A_777 = tpu.memref_squeeze %dma_wait3A_776 : memref<1x80x128xf32, #tpu.memory_space<vmem>> -> memref<80x128xf32, #tpu.memory_space<vmem>>
      %dma_wait3A_778 = arith.constant 0 : i32
      %dma_wait3A_779 = tpu.memref_slice %arg6[%dma_wait3A_772, %dma_wait3A_773, %dma_wait3A_778] : memref<8x2x80xi32, #tpu.memory_space<vmem>> -> memref<1x1x80xi32, #tpu.memory_space<vmem>>
      %dma_wait3A_780 = tpu.memref_squeeze %dma_wait3A_779 : memref<1x1x80xi32, #tpu.memory_space<vmem>> -> memref<80xi32, #tpu.memory_space<vmem>>
      %dma_wait3A_781 = arith.constant 0 : i32
      %dma_wait3A_782 = arith.constant 0 : i32
      %dma_wait3A_783 = tpu.memref_slice %arg8[%dma_wait3A_781, %dma_wait3A_782] : memref<10240x128xf32, #tpu.memory_space<vmem_shared>> -> memref<10240x128xf32, #tpu.memory_space<vmem_shared>>
      tpu.wait_indirect_dma semaphore(%arg22 : memref<!tpu.dma_semaphore, #tpu.memory_space<semaphore_mem>>) src(%dma_wait3A_777 : memref<80x128xf32, #tpu.memory_space<vmem>>) dst(%dma_wait3A_783 : memref<10240x128xf32, #tpu.memory_space<vmem_shared>>)
      %add3A_784 = arith.constant 2 : i32
      %add3A_785 = arith.addi %add3A_744, %add3A_784 : i32
      %dma_wait3A_786 = arith.constant 5 : i32
      %dma_wait3A_787 = arith.constant 0 : i32
      %dma_wait3A_788 = arith.constant 0 : i32
      %dma_wait3A_789 = tpu.memref_slice %arg6[%dma_wait3A_786, %dma_wait3A_787, %dma_wait3A_788] : memref<8x2x80xi32, #tpu.memory_space<vmem>> -> memref<1x2x80xi32, #tpu.memory_space<vmem>>
      %dma_wait3A_790 = tpu.memref_squeeze %dma_wait3A_789 : memref<1x2x80xi32, #tpu.memory_space<vmem>> -> memref<2x80xi32, #tpu.memory_space<vmem>>
      %dma_wait3A_791 = arith.constant 0 : i32
      %dma_wait3A_792 = arith.constant 0 : i32
      %dma_wait3A_793 = tpu.memref_slice %arg3[%add3A, %add3A_785, %dma_wait3A_791, %dma_wait3A_792] : memref<32x125x2x80xi32, #tpu.memory_space<hbm>> -> memref<1x1x2x80xi32, #tpu.memory_space<hbm>>
      %dma_wait3A_794 = tpu.memref_squeeze %dma_wait3A_793 : memref<1x1x2x80xi32, #tpu.memory_space<hbm>> -> memref<2x80xi32, #tpu.memory_space<hbm>>
      %dma_wait3A_795 = arith.constant 0 : i32
      %dma_wait3A_796 = arith.constant 0 : i32
      %dma_wait3A_797 = tpu.memref_slice %arg6[%dma_wait3A_786, %dma_wait3A_795, %dma_wait3A_796] : memref<8x2x80xi32, #tpu.memory_space<vmem>> -> memref<1x2x80xi32, #tpu.memory_space<vmem>>
      %dma_wait3A_798 = tpu.memref_squeeze %dma_wait3A_797 : memref<1x2x80xi32, #tpu.memory_space<vmem>> -> memref<2x80xi32, #tpu.memory_space<vmem>>
      %dma_wait3A_799 = arith.constant 0 : i32
      %dma_wait3A_800 = arith.constant 0 : i32
      %dma_wait3A_801 = tpu.memref_slice %arg3[%add3A, %add3A_785, %dma_wait3A_799, %dma_wait3A_800] : memref<32x125x2x80xi32, #tpu.memory_space<hbm>> -> memref<1x1x2x80xi32, #tpu.memory_space<hbm>>
      %dma_wait3A_802 = tpu.memref_squeeze %dma_wait3A_801 : memref<1x1x2x80xi32, #tpu.memory_space<hbm>> -> memref<2x80xi32, #tpu.memory_space<hbm>>
      tpu.wait_dma2 semaphore(%arg14 : memref<!tpu.dma_semaphore, #tpu.memory_space<semaphore_mem>>) src(%dma_wait3A_802 : memref<2x80xi32, #tpu.memory_space<hbm>>) dst(%dma_wait3A_798 : memref<2x80xi32, #tpu.memory_space<vmem>>)
      %add3A_803 = arith.constant 2 : i32
      %add3A_804 = arith.addi %add3A_744, %add3A_803 : i32
      %dma_start3A_805 = arith.constant 5 : i32
      %dma_start3A_806 = arith.constant 0 : i32
      %dma_start3A_807 = arith.constant 1 : i32
      %dma_start3A_808 = arith.constant 0 : i32
      %dma_start3A_809 = arith.constant 0 : i32
      %dma_start3A_810 = tpu.memref_slice %arg7[%dma_start3A_807, %dma_start3A_808, %dma_start3A_809] : memref<4x80x128xf32, #tpu.memory_space<vmem>> -> memref<1x80x128xf32, #tpu.memory_space<vmem>>
      %dma_start3A_811 = tpu.memref_squeeze %dma_start3A_810 : memref<1x80x128xf32, #tpu.memory_space<vmem>> -> memref<80x128xf32, #tpu.memory_space<vmem>>
      %dma_start3A_812 = arith.constant 0 : i32
      %dma_start3A_813 = tpu.memref_slice %arg6[%dma_start3A_805, %dma_start3A_806, %dma_start3A_812] : memref<8x2x80xi32, #tpu.memory_space<vmem>> -> memref<1x1x80xi32, #tpu.memory_space<vmem>>
      %dma_start3A_814 = tpu.memref_squeeze %dma_start3A_813 : memref<1x1x80xi32, #tpu.memory_space<vmem>> -> memref<80xi32, #tpu.memory_space<vmem>>
      %dma_start3A_815 = arith.constant 0 : i32
      %dma_start3A_816 = arith.constant 0 : i32
      %dma_start3A_817 = tpu.memref_slice %arg2[%dma_start3A_815, %dma_start3A_816] : memref<10240x128xf32, #tpu.memory_space<hbm>> -> memref<10240x128xf32, #tpu.memory_space<hbm>>
      tpu.enqueue_indirect_dma source(%dma_start3A_817 : memref<10240x128xf32, #tpu.memory_space<hbm>>) target(%dma_start3A_811 : memref<80x128xf32, #tpu.memory_space<vmem>>) offsets(%dma_start3A_814 : memref<80xi32, #tpu.memory_space<vmem>>) semaphore(%arg18 : memref<!tpu.dma_semaphore, #tpu.memory_space<semaphore_mem>>)
      %add3A_818 = arith.constant 4 : i32
      %add3A_819 = arith.addi %add3A_744, %add3A_818 : i32
      %dma_start3A_820 = arith.constant 7 : i32
      %dma_start3A_821 = arith.constant 0 : i32
      %dma_start3A_822 = arith.constant 0 : i32
      %dma_start3A_823 = tpu.memref_slice %arg6[%dma_start3A_820, %dma_start3A_821, %dma_start3A_822] : memref<8x2x80xi32, #tpu.memory_space<vmem>> -> memref<1x2x80xi32, #tpu.memory_space<vmem>>
      %dma_start3A_824 = tpu.memref_squeeze %dma_start3A_823 : memref<1x2x80xi32, #tpu.memory_space<vmem>> -> memref<2x80xi32, #tpu.memory_space<vmem>>
      %dma_start3A_825 = arith.constant 0 : i32
      %dma_start3A_826 = arith.constant 0 : i32
      %dma_start3A_827 = tpu.memref_slice %arg3[%add3A, %add3A_819, %dma_start3A_825, %dma_start3A_826] : memref<32x125x2x80xi32, #tpu.memory_space<hbm>> -> memref<1x1x2x80xi32, #tpu.memory_space<hbm>>
      %dma_start3A_828 = tpu.memref_squeeze %dma_start3A_827 : memref<1x1x2x80xi32, #tpu.memory_space<hbm>> -> memref<2x80xi32, #tpu.memory_space<hbm>>
      %dma_start3A_829 = arith.constant 0 : i32
      %dma_start3A_830 = arith.constant 0 : i32
      %dma_start3A_831 = tpu.memref_slice %arg6[%dma_start3A_820, %dma_start3A_829, %dma_start3A_830] : memref<8x2x80xi32, #tpu.memory_space<vmem>> -> memref<1x2x80xi32, #tpu.memory_space<vmem>>
      %dma_start3A_832 = tpu.memref_squeeze %dma_start3A_831 : memref<1x2x80xi32, #tpu.memory_space<vmem>> -> memref<2x80xi32, #tpu.memory_space<vmem>>
      %dma_start3A_833 = arith.constant 0 : i32
      %dma_start3A_834 = arith.constant 0 : i32
      %dma_start3A_835 = tpu.memref_slice %arg3[%add3A, %add3A_819, %dma_start3A_833, %dma_start3A_834] : memref<32x125x2x80xi32, #tpu.memory_space<hbm>> -> memref<1x1x2x80xi32, #tpu.memory_space<hbm>>
      %dma_start3A_836 = tpu.memref_squeeze %dma_start3A_835 : memref<1x1x2x80xi32, #tpu.memory_space<hbm>> -> memref<2x80xi32, #tpu.memory_space<hbm>>
      tpu.enqueue_dma source(%dma_start3A_836 : memref<2x80xi32, #tpu.memory_space<hbm>>) target(%dma_start3A_832 : memref<2x80xi32, #tpu.memory_space<vmem>>) target_semaphore(%arg16 : memref<!tpu.dma_semaphore, #tpu.memory_space<semaphore_mem>>)
      %add3A_837 = arith.constant 4 : i32
      %add3A_838 = arith.addi %mul3A_479, %add3A_837 : i32
      %dma_wait3A_839 = arith.constant 4 : i32
      %dma_wait3A_840 = arith.constant 0 : i32
      %dma_wait3A_841 = arith.constant 0 : i32
      %dma_wait3A_842 = arith.constant 0 : i32
      %dma_wait3A_843 = arith.constant 0 : i32
      %dma_wait3A_844 = tpu.memref_slice %arg7[%dma_wait3A_841, %dma_wait3A_842, %dma_wait3A_843] : memref<4x80x128xf32, #tpu.memory_space<vmem>> -> memref<1x80x128xf32, #tpu.memory_space<vmem>>
      %dma_wait3A_845 = tpu.memref_squeeze %dma_wait3A_844 : memref<1x80x128xf32, #tpu.memory_space<vmem>> -> memref<80x128xf32, #tpu.memory_space<vmem>>
      %dma_wait3A_846 = arith.constant 0 : i32
      %dma_wait3A_847 = tpu.memref_slice %arg6[%dma_wait3A_839, %dma_wait3A_840, %dma_wait3A_846] : memref<8x2x80xi32, #tpu.memory_space<vmem>> -> memref<1x1x80xi32, #tpu.memory_space<vmem>>
      %dma_wait3A_848 = tpu.memref_squeeze %dma_wait3A_847 : memref<1x1x80xi32, #tpu.memory_space<vmem>> -> memref<80xi32, #tpu.memory_space<vmem>>
      %dma_wait3A_849 = arith.constant 0 : i32
      %dma_wait3A_850 = arith.constant 0 : i32
      %dma_wait3A_851 = tpu.memref_slice %arg2[%dma_wait3A_849, %dma_wait3A_850] : memref<10240x128xf32, #tpu.memory_space<hbm>> -> memref<10240x128xf32, #tpu.memory_space<hbm>>
      tpu.wait_indirect_dma semaphore(%arg17 : memref<!tpu.dma_semaphore, #tpu.memory_space<semaphore_mem>>) src(%dma_wait3A_851 : memref<10240x128xf32, #tpu.memory_space<hbm>>) dst(%dma_wait3A_845 : memref<80x128xf32, #tpu.memory_space<vmem>>)
      %dma_start3A_852 = arith.constant 0 : i32
      %dma_start3A_853 = arith.constant 4 : i32
      %dma_start3A_854 = arith.constant 1 : i32
      %dma_start3A_855 = arith.constant 0 : i32
      %dma_start3A_856 = arith.constant 0 : i32
      %dma_start3A_857 = tpu.memref_slice %arg7[%dma_start3A_852, %dma_start3A_855, %dma_start3A_856] : memref<4x80x128xf32, #tpu.memory_space<vmem>> -> memref<1x80x128xf32, #tpu.memory_space<vmem>>
      %dma_start3A_858 = tpu.memref_squeeze %dma_start3A_857 : memref<1x80x128xf32, #tpu.memory_space<vmem>> -> memref<80x128xf32, #tpu.memory_space<vmem>>
      %dma_start3A_859 = arith.constant 0 : i32
      %dma_start3A_860 = tpu.memref_slice %arg6[%dma_start3A_853, %dma_start3A_854, %dma_start3A_859] : memref<8x2x80xi32, #tpu.memory_space<vmem>> -> memref<1x1x80xi32, #tpu.memory_space<vmem>>
      %dma_start3A_861 = tpu.memref_squeeze %dma_start3A_860 : memref<1x1x80xi32, #tpu.memory_space<vmem>> -> memref<80xi32, #tpu.memory_space<vmem>>
      %dma_start3A_862 = arith.constant 0 : i32
      %dma_start3A_863 = arith.constant 0 : i32
      %dma_start3A_864 = tpu.memref_slice %arg8[%dma_start3A_862, %dma_start3A_863] : memref<10240x128xf32, #tpu.memory_space<vmem_shared>> -> memref<10240x128xf32, #tpu.memory_space<vmem_shared>>
      tpu.enqueue_indirect_dma source(%dma_start3A_858 : memref<80x128xf32, #tpu.memory_space<vmem>>) target(%dma_start3A_864 : memref<10240x128xf32, #tpu.memory_space<vmem_shared>>) offsets(%dma_start3A_861 : memref<80xi32, #tpu.memory_space<vmem>>) semaphore(%arg21 : memref<!tpu.dma_semaphore, #tpu.memory_space<semaphore_mem>>) {add = true}
      %dma_wait3A_865 = arith.constant 2 : i32
      %dma_wait3A_866 = arith.constant 0 : i32
      %dma_wait3A_867 = arith.constant 1 : i32
      %dma_wait3A_868 = arith.constant 0 : i32
      %dma_wait3A_869 = arith.constant 0 : i32
      %dma_wait3A_870 = tpu.memref_slice %arg7[%dma_wait3A_865, %dma_wait3A_868, %dma_wait3A_869] : memref<4x80x128xf32, #tpu.memory_space<vmem>> -> memref<1x80x128xf32, #tpu.memory_space<vmem>>
      %dma_wait3A_871 = tpu.memref_squeeze %dma_wait3A_870 : memref<1x80x128xf32, #tpu.memory_space<vmem>> -> memref<80x128xf32, #tpu.memory_space<vmem>>
      %dma_wait3A_872 = arith.constant 0 : i32
      %dma_wait3A_873 = tpu.memref_slice %arg6[%dma_wait3A_866, %dma_wait3A_867, %dma_wait3A_872] : memref<8x2x80xi32, #tpu.memory_space<vmem>> -> memref<1x1x80xi32, #tpu.memory_space<vmem>>
      %dma_wait3A_874 = tpu.memref_squeeze %dma_wait3A_873 : memref<1x1x80xi32, #tpu.memory_space<vmem>> -> memref<80xi32, #tpu.memory_space<vmem>>
      %dma_wait3A_875 = arith.constant 0 : i32
      %dma_wait3A_876 = arith.constant 0 : i32
      %dma_wait3A_877 = tpu.memref_slice %arg8[%dma_wait3A_875, %dma_wait3A_876] : memref<10240x128xf32, #tpu.memory_space<vmem_shared>> -> memref<10240x128xf32, #tpu.memory_space<vmem_shared>>
      tpu.wait_indirect_dma semaphore(%arg23 : memref<!tpu.dma_semaphore, #tpu.memory_space<semaphore_mem>>) src(%dma_wait3A_871 : memref<80x128xf32, #tpu.memory_space<vmem>>) dst(%dma_wait3A_877 : memref<10240x128xf32, #tpu.memory_space<vmem_shared>>)
      %add3A_878 = arith.constant 2 : i32
      %add3A_879 = arith.addi %add3A_838, %add3A_878 : i32
      %dma_wait3A_880 = arith.constant 6 : i32
      %dma_wait3A_881 = arith.constant 0 : i32
      %dma_wait3A_882 = arith.constant 0 : i32
      %dma_wait3A_883 = tpu.memref_slice %arg6[%dma_wait3A_880, %dma_wait3A_881, %dma_wait3A_882] : memref<8x2x80xi32, #tpu.memory_space<vmem>> -> memref<1x2x80xi32, #tpu.memory_space<vmem>>
      %dma_wait3A_884 = tpu.memref_squeeze %dma_wait3A_883 : memref<1x2x80xi32, #tpu.memory_space<vmem>> -> memref<2x80xi32, #tpu.memory_space<vmem>>
      %dma_wait3A_885 = arith.constant 0 : i32
      %dma_wait3A_886 = arith.constant 0 : i32
      %dma_wait3A_887 = tpu.memref_slice %arg3[%add3A, %add3A_879, %dma_wait3A_885, %dma_wait3A_886] : memref<32x125x2x80xi32, #tpu.memory_space<hbm>> -> memref<1x1x2x80xi32, #tpu.memory_space<hbm>>
      %dma_wait3A_888 = tpu.memref_squeeze %dma_wait3A_887 : memref<1x1x2x80xi32, #tpu.memory_space<hbm>> -> memref<2x80xi32, #tpu.memory_space<hbm>>
      %dma_wait3A_889 = arith.constant 0 : i32
      %dma_wait3A_890 = arith.constant 0 : i32
      %dma_wait3A_891 = tpu.memref_slice %arg6[%dma_wait3A_880, %dma_wait3A_889, %dma_wait3A_890] : memref<8x2x80xi32, #tpu.memory_space<vmem>> -> memref<1x2x80xi32, #tpu.memory_space<vmem>>
      %dma_wait3A_892 = tpu.memref_squeeze %dma_wait3A_891 : memref<1x2x80xi32, #tpu.memory_space<vmem>> -> memref<2x80xi32, #tpu.memory_space<vmem>>
      %dma_wait3A_893 = arith.constant 0 : i32
      %dma_wait3A_894 = arith.constant 0 : i32
      %dma_wait3A_895 = tpu.memref_slice %arg3[%add3A, %add3A_879, %dma_wait3A_893, %dma_wait3A_894] : memref<32x125x2x80xi32, #tpu.memory_space<hbm>> -> memref<1x1x2x80xi32, #tpu.memory_space<hbm>>
      %dma_wait3A_896 = tpu.memref_squeeze %dma_wait3A_895 : memref<1x1x2x80xi32, #tpu.memory_space<hbm>> -> memref<2x80xi32, #tpu.memory_space<hbm>>
      tpu.wait_dma2 semaphore(%arg15 : memref<!tpu.dma_semaphore, #tpu.memory_space<semaphore_mem>>) src(%dma_wait3A_896 : memref<2x80xi32, #tpu.memory_space<hbm>>) dst(%dma_wait3A_892 : memref<2x80xi32, #tpu.memory_space<vmem>>)
      %add3A_897 = arith.constant 2 : i32
      %add3A_898 = arith.addi %add3A_838, %add3A_897 : i32
      %dma_start3A_899 = arith.constant 6 : i32
      %dma_start3A_900 = arith.constant 0 : i32
      %dma_start3A_901 = arith.constant 2 : i32
      %dma_start3A_902 = arith.constant 0 : i32
      %dma_start3A_903 = arith.constant 0 : i32
      %dma_start3A_904 = tpu.memref_slice %arg7[%dma_start3A_901, %dma_start3A_902, %dma_start3A_903] : memref<4x80x128xf32, #tpu.memory_space<vmem>> -> memref<1x80x128xf32, #tpu.memory_space<vmem>>
      %dma_start3A_905 = tpu.memref_squeeze %dma_start3A_904 : memref<1x80x128xf32, #tpu.memory_space<vmem>> -> memref<80x128xf32, #tpu.memory_space<vmem>>
      %dma_start3A_906 = arith.constant 0 : i32
      %dma_start3A_907 = tpu.memref_slice %arg6[%dma_start3A_899, %dma_start3A_900, %dma_start3A_906] : memref<8x2x80xi32, #tpu.memory_space<vmem>> -> memref<1x1x80xi32, #tpu.memory_space<vmem>>
      %dma_start3A_908 = tpu.memref_squeeze %dma_start3A_907 : memref<1x1x80xi32, #tpu.memory_space<vmem>> -> memref<80xi32, #tpu.memory_space<vmem>>
      %dma_start3A_909 = arith.constant 0 : i32
      %dma_start3A_910 = arith.constant 0 : i32
      %dma_start3A_911 = tpu.memref_slice %arg2[%dma_start3A_909, %dma_start3A_910] : memref<10240x128xf32, #tpu.memory_space<hbm>> -> memref<10240x128xf32, #tpu.memory_space<hbm>>
      tpu.enqueue_indirect_dma source(%dma_start3A_911 : memref<10240x128xf32, #tpu.memory_space<hbm>>) target(%dma_start3A_905 : memref<80x128xf32, #tpu.memory_space<vmem>>) offsets(%dma_start3A_908 : memref<80xi32, #tpu.memory_space<vmem>>) semaphore(%arg19 : memref<!tpu.dma_semaphore, #tpu.memory_space<semaphore_mem>>)
      %add3A_912 = arith.constant 4 : i32
      %add3A_913 = arith.addi %add3A_838, %add3A_912 : i32
      %dma_start3A_914 = arith.constant 0 : i32
      %dma_start3A_915 = arith.constant 0 : i32
      %dma_start3A_916 = arith.constant 0 : i32
      %dma_start3A_917 = tpu.memref_slice %arg6[%dma_start3A_914, %dma_start3A_915, %dma_start3A_916] : memref<8x2x80xi32, #tpu.memory_space<vmem>> -> memref<1x2x80xi32, #tpu.memory_space<vmem>>
      %dma_start3A_918 = tpu.memref_squeeze %dma_start3A_917 : memref<1x2x80xi32, #tpu.memory_space<vmem>> -> memref<2x80xi32, #tpu.memory_space<vmem>>
      %dma_start3A_919 = arith.constant 0 : i32
      %dma_start3A_920 = arith.constant 0 : i32
      %dma_start3A_921 = tpu.memref_slice %arg3[%add3A, %add3A_913, %dma_start3A_919, %dma_start3A_920] : memref<32x125x2x80xi32, #tpu.memory_space<hbm>> -> memref<1x1x2x80xi32, #tpu.memory_space<hbm>>
      %dma_start3A_922 = tpu.memref_squeeze %dma_start3A_921 : memref<1x1x2x80xi32, #tpu.memory_space<hbm>> -> memref<2x80xi32, #tpu.memory_space<hbm>>
      %dma_start3A_923 = arith.constant 0 : i32
      %dma_start3A_924 = arith.constant 0 : i32
      %dma_start3A_925 = tpu.memref_slice %arg6[%dma_start3A_914, %dma_start3A_923, %dma_start3A_924] : memref<8x2x80xi32, #tpu.memory_space<vmem>> -> memref<1x2x80xi32, #tpu.memory_space<vmem>>
      %dma_start3A_926 = tpu.memref_squeeze %dma_start3A_925 : memref<1x2x80xi32, #tpu.memory_space<vmem>> -> memref<2x80xi32, #tpu.memory_space<vmem>>
      %dma_start3A_927 = arith.constant 0 : i32
      %dma_start3A_928 = arith.constant 0 : i32
      %dma_start3A_929 = tpu.memref_slice %arg3[%add3A, %add3A_913, %dma_start3A_927, %dma_start3A_928] : memref<32x125x2x80xi32, #tpu.memory_space<hbm>> -> memref<1x1x2x80xi32, #tpu.memory_space<hbm>>
      %dma_start3A_930 = tpu.memref_squeeze %dma_start3A_929 : memref<1x1x2x80xi32, #tpu.memory_space<hbm>> -> memref<2x80xi32, #tpu.memory_space<hbm>>
      tpu.enqueue_dma source(%dma_start3A_930 : memref<2x80xi32, #tpu.memory_space<hbm>>) target(%dma_start3A_926 : memref<2x80xi32, #tpu.memory_space<vmem>>) target_semaphore(%arg9 : memref<!tpu.dma_semaphore, #tpu.memory_space<semaphore_mem>>)
      %add3A_931 = arith.constant 5 : i32
      %add3A_932 = arith.addi %mul3A_479, %add3A_931 : i32
      %dma_wait3A_933 = arith.constant 5 : i32
      %dma_wait3A_934 = arith.constant 0 : i32
      %dma_wait3A_935 = arith.constant 1 : i32
      %dma_wait3A_936 = arith.constant 0 : i32
      %dma_wait3A_937 = arith.constant 0 : i32
      %dma_wait3A_938 = tpu.memref_slice %arg7[%dma_wait3A_935, %dma_wait3A_936, %dma_wait3A_937] : memref<4x80x128xf32, #tpu.memory_space<vmem>> -> memref<1x80x128xf32, #tpu.memory_space<vmem>>
      %dma_wait3A_939 = tpu.memref_squeeze %dma_wait3A_938 : memref<1x80x128xf32, #tpu.memory_space<vmem>> -> memref<80x128xf32, #tpu.memory_space<vmem>>
      %dma_wait3A_940 = arith.constant 0 : i32
      %dma_wait3A_941 = tpu.memref_slice %arg6[%dma_wait3A_933, %dma_wait3A_934, %dma_wait3A_940] : memref<8x2x80xi32, #tpu.memory_space<vmem>> -> memref<1x1x80xi32, #tpu.memory_space<vmem>>
      %dma_wait3A_942 = tpu.memref_squeeze %dma_wait3A_941 : memref<1x1x80xi32, #tpu.memory_space<vmem>> -> memref<80xi32, #tpu.memory_space<vmem>>
      %dma_wait3A_943 = arith.constant 0 : i32
      %dma_wait3A_944 = arith.constant 0 : i32
      %dma_wait3A_945 = tpu.memref_slice %arg2[%dma_wait3A_943, %dma_wait3A_944] : memref<10240x128xf32, #tpu.memory_space<hbm>> -> memref<10240x128xf32, #tpu.memory_space<hbm>>
      tpu.wait_indirect_dma semaphore(%arg18 : memref<!tpu.dma_semaphore, #tpu.memory_space<semaphore_mem>>) src(%dma_wait3A_945 : memref<10240x128xf32, #tpu.memory_space<hbm>>) dst(%dma_wait3A_939 : memref<80x128xf32, #tpu.memory_space<vmem>>)
      %dma_start3A_946 = arith.constant 1 : i32
      %dma_start3A_947 = arith.constant 5 : i32
      %dma_start3A_948 = arith.constant 1 : i32
      %dma_start3A_949 = arith.constant 0 : i32
      %dma_start3A_950 = arith.constant 0 : i32
      %dma_start3A_951 = tpu.memref_slice %arg7[%dma_start3A_946, %dma_start3A_949, %dma_start3A_950] : memref<4x80x128xf32, #tpu.memory_space<vmem>> -> memref<1x80x128xf32, #tpu.memory_space<vmem>>
      %dma_start3A_952 = tpu.memref_squeeze %dma_start3A_951 : memref<1x80x128xf32, #tpu.memory_space<vmem>> -> memref<80x128xf32, #tpu.memory_space<vmem>>
      %dma_start3A_953 = arith.constant 0 : i32
      %dma_start3A_954 = tpu.memref_slice %arg6[%dma_start3A_947, %dma_start3A_948, %dma_start3A_953] : memref<8x2x80xi32, #tpu.memory_space<vmem>> -> memref<1x1x80xi32, #tpu.memory_space<vmem>>
      %dma_start3A_955 = tpu.memref_squeeze %dma_start3A_954 : memref<1x1x80xi32, #tpu.memory_space<vmem>> -> memref<80xi32, #tpu.memory_space<vmem>>
      %dma_start3A_956 = arith.constant 0 : i32
      %dma_start3A_957 = arith.constant 0 : i32
      %dma_start3A_958 = tpu.memref_slice %arg8[%dma_start3A_956, %dma_start3A_957] : memref<10240x128xf32, #tpu.memory_space<vmem_shared>> -> memref<10240x128xf32, #tpu.memory_space<vmem_shared>>
      tpu.enqueue_indirect_dma source(%dma_start3A_952 : memref<80x128xf32, #tpu.memory_space<vmem>>) target(%dma_start3A_958 : memref<10240x128xf32, #tpu.memory_space<vmem_shared>>) offsets(%dma_start3A_955 : memref<80xi32, #tpu.memory_space<vmem>>) semaphore(%arg22 : memref<!tpu.dma_semaphore, #tpu.memory_space<semaphore_mem>>) {add = true}
      %dma_wait3A_959 = arith.constant 3 : i32
      %dma_wait3A_960 = arith.constant 0 : i32
      %dma_wait3A_961 = arith.constant 1 : i32
      %dma_wait3A_962 = arith.constant 0 : i32
      %dma_wait3A_963 = arith.constant 0 : i32
      %dma_wait3A_964 = tpu.memref_slice %arg7[%dma_wait3A_959, %dma_wait3A_962, %dma_wait3A_963] : memref<4x80x128xf32, #tpu.memory_space<vmem>> -> memref<1x80x128xf32, #tpu.memory_space<vmem>>
      %dma_wait3A_965 = tpu.memref_squeeze %dma_wait3A_964 : memref<1x80x128xf32, #tpu.memory_space<vmem>> -> memref<80x128xf32, #tpu.memory_space<vmem>>
      %dma_wait3A_966 = arith.constant 0 : i32
      %dma_wait3A_967 = tpu.memref_slice %arg6[%dma_wait3A_960, %dma_wait3A_961, %dma_wait3A_966] : memref<8x2x80xi32, #tpu.memory_space<vmem>> -> memref<1x1x80xi32, #tpu.memory_space<vmem>>
      %dma_wait3A_968 = tpu.memref_squeeze %dma_wait3A_967 : memref<1x1x80xi32, #tpu.memory_space<vmem>> -> memref<80xi32, #tpu.memory_space<vmem>>
      %dma_wait3A_969 = arith.constant 0 : i32
      %dma_wait3A_970 = arith.constant 0 : i32
      %dma_wait3A_971 = tpu.memref_slice %arg8[%dma_wait3A_969, %dma_wait3A_970] : memref<10240x128xf32, #tpu.memory_space<vmem_shared>> -> memref<10240x128xf32, #tpu.memory_space<vmem_shared>>
      tpu.wait_indirect_dma semaphore(%arg24 : memref<!tpu.dma_semaphore, #tpu.memory_space<semaphore_mem>>) src(%dma_wait3A_965 : memref<80x128xf32, #tpu.memory_space<vmem>>) dst(%dma_wait3A_971 : memref<10240x128xf32, #tpu.memory_space<vmem_shared>>)
      %add3A_972 = arith.constant 2 : i32
      %add3A_973 = arith.addi %add3A_932, %add3A_972 : i32
      %dma_wait3A_974 = arith.constant 7 : i32
      %dma_wait3A_975 = arith.constant 0 : i32
      %dma_wait3A_976 = arith.constant 0 : i32
      %dma_wait3A_977 = tpu.memref_slice %arg6[%dma_wait3A_974, %dma_wait3A_975, %dma_wait3A_976] : memref<8x2x80xi32, #tpu.memory_space<vmem>> -> memref<1x2x80xi32, #tpu.memory_space<vmem>>
      %dma_wait3A_978 = tpu.memref_squeeze %dma_wait3A_977 : memref<1x2x80xi32, #tpu.memory_space<vmem>> -> memref<2x80xi32, #tpu.memory_space<vmem>>
      %dma_wait3A_979 = arith.constant 0 : i32
      %dma_wait3A_980 = arith.constant 0 : i32
      %dma_wait3A_981 = tpu.memref_slice %arg3[%add3A, %add3A_973, %dma_wait3A_979, %dma_wait3A_980] : memref<32x125x2x80xi32, #tpu.memory_space<hbm>> -> memref<1x1x2x80xi32, #tpu.memory_space<hbm>>
      %dma_wait3A_982 = tpu.memref_squeeze %dma_wait3A_981 : memref<1x1x2x80xi32, #tpu.memory_space<hbm>> -> memref<2x80xi32, #tpu.memory_space<hbm>>
      %dma_wait3A_983 = arith.constant 0 : i32
      %dma_wait3A_984 = arith.constant 0 : i32
      %dma_wait3A_985 = tpu.memref_slice %arg6[%dma_wait3A_974, %dma_wait3A_983, %dma_wait3A_984] : memref<8x2x80xi32, #tpu.memory_space<vmem>> -> memref<1x2x80xi32, #tpu.memory_space<vmem>>
      %dma_wait3A_986 = tpu.memref_squeeze %dma_wait3A_985 : memref<1x2x80xi32, #tpu.memory_space<vmem>> -> memref<2x80xi32, #tpu.memory_space<vmem>>
      %dma_wait3A_987 = arith.constant 0 : i32
      %dma_wait3A_988 = arith.constant 0 : i32
      %dma_wait3A_989 = tpu.memref_slice %arg3[%add3A, %add3A_973, %dma_wait3A_987, %dma_wait3A_988] : memref<32x125x2x80xi32, #tpu.memory_space<hbm>> -> memref<1x1x2x80xi32, #tpu.memory_space<hbm>>
      %dma_wait3A_990 = tpu.memref_squeeze %dma_wait3A_989 : memref<1x1x2x80xi32, #tpu.memory_space<hbm>> -> memref<2x80xi32, #tpu.memory_space<hbm>>
      tpu.wait_dma2 semaphore(%arg16 : memref<!tpu.dma_semaphore, #tpu.memory_space<semaphore_mem>>) src(%dma_wait3A_990 : memref<2x80xi32, #tpu.memory_space<hbm>>) dst(%dma_wait3A_986 : memref<2x80xi32, #tpu.memory_space<vmem>>)
      %add3A_991 = arith.constant 2 : i32
      %add3A_992 = arith.addi %add3A_932, %add3A_991 : i32
      %dma_start3A_993 = arith.constant 7 : i32
      %dma_start3A_994 = arith.constant 0 : i32
      %dma_start3A_995 = arith.constant 3 : i32
      %dma_start3A_996 = arith.constant 0 : i32
      %dma_start3A_997 = arith.constant 0 : i32
      %dma_start3A_998 = tpu.memref_slice %arg7[%dma_start3A_995, %dma_start3A_996, %dma_start3A_997] : memref<4x80x128xf32, #tpu.memory_space<vmem>> -> memref<1x80x128xf32, #tpu.memory_space<vmem>>
      %dma_start3A_999 = tpu.memref_squeeze %dma_start3A_998 : memref<1x80x128xf32, #tpu.memory_space<vmem>> -> memref<80x128xf32, #tpu.memory_space<vmem>>
      %dma_start3A_1000 = arith.constant 0 : i32
      %dma_start3A_1001 = tpu.memref_slice %arg6[%dma_start3A_993, %dma_start3A_994, %dma_start3A_1000] : memref<8x2x80xi32, #tpu.memory_space<vmem>> -> memref<1x1x80xi32, #tpu.memory_space<vmem>>
      %dma_start3A_1002 = tpu.memref_squeeze %dma_start3A_1001 : memref<1x1x80xi32, #tpu.memory_space<vmem>> -> memref<80xi32, #tpu.memory_space<vmem>>
      %dma_start3A_1003 = arith.constant 0 : i32
      %dma_start3A_1004 = arith.constant 0 : i32
      %dma_start3A_1005 = tpu.memref_slice %arg2[%dma_start3A_1003, %dma_start3A_1004] : memref<10240x128xf32, #tpu.memory_space<hbm>> -> memref<10240x128xf32, #tpu.memory_space<hbm>>
      tpu.enqueue_indirect_dma source(%dma_start3A_1005 : memref<10240x128xf32, #tpu.memory_space<hbm>>) target(%dma_start3A_999 : memref<80x128xf32, #tpu.memory_space<vmem>>) offsets(%dma_start3A_1002 : memref<80xi32, #tpu.memory_space<vmem>>) semaphore(%arg20 : memref<!tpu.dma_semaphore, #tpu.memory_space<semaphore_mem>>)
      %add3A_1006 = arith.constant 4 : i32
      %add3A_1007 = arith.addi %add3A_932, %add3A_1006 : i32
      %dma_start3A_1008 = arith.constant 1 : i32
      %dma_start3A_1009 = arith.constant 0 : i32
      %dma_start3A_1010 = arith.constant 0 : i32
      %dma_start3A_1011 = tpu.memref_slice %arg6[%dma_start3A_1008, %dma_start3A_1009, %dma_start3A_1010] : memref<8x2x80xi32, #tpu.memory_space<vmem>> -> memref<1x2x80xi32, #tpu.memory_space<vmem>>
      %dma_start3A_1012 = tpu.memref_squeeze %dma_start3A_1011 : memref<1x2x80xi32, #tpu.memory_space<vmem>> -> memref<2x80xi32, #tpu.memory_space<vmem>>
      %dma_start3A_1013 = arith.constant 0 : i32
      %dma_start3A_1014 = arith.constant 0 : i32
      %dma_start3A_1015 = tpu.memref_slice %arg3[%add3A, %add3A_1007, %dma_start3A_1013, %dma_start3A_1014] : memref<32x125x2x80xi32, #tpu.memory_space<hbm>> -> memref<1x1x2x80xi32, #tpu.memory_space<hbm>>
      %dma_start3A_1016 = tpu.memref_squeeze %dma_start3A_1015 : memref<1x1x2x80xi32, #tpu.memory_space<hbm>> -> memref<2x80xi32, #tpu.memory_space<hbm>>
      %dma_start3A_1017 = arith.constant 0 : i32
      %dma_start3A_1018 = arith.constant 0 : i32
      %dma_start3A_1019 = tpu.memref_slice %arg6[%dma_start3A_1008, %dma_start3A_1017, %dma_start3A_1018] : memref<8x2x80xi32, #tpu.memory_space<vmem>> -> memref<1x2x80xi32, #tpu.memory_space<vmem>>
      %dma_start3A_1020 = tpu.memref_squeeze %dma_start3A_1019 : memref<1x2x80xi32, #tpu.memory_space<vmem>> -> memref<2x80xi32, #tpu.memory_space<vmem>>
      %dma_start3A_1021 = arith.constant 0 : i32
      %dma_start3A_1022 = arith.constant 0 : i32
      %dma_start3A_1023 = tpu.memref_slice %arg3[%add3A, %add3A_1007, %dma_start3A_1021, %dma_start3A_1022] : memref<32x125x2x80xi32, #tpu.memory_space<hbm>> -> memref<1x1x2x80xi32, #tpu.memory_space<hbm>>
      %dma_start3A_1024 = tpu.memref_squeeze %dma_start3A_1023 : memref<1x1x2x80xi32, #tpu.memory_space<hbm>> -> memref<2x80xi32, #tpu.memory_space<hbm>>
      tpu.enqueue_dma source(%dma_start3A_1024 : memref<2x80xi32, #tpu.memory_space<hbm>>) target(%dma_start3A_1020 : memref<2x80xi32, #tpu.memory_space<vmem>>) target_semaphore(%arg10 : memref<!tpu.dma_semaphore, #tpu.memory_space<semaphore_mem>>)
      %add3A_1025 = arith.constant 6 : i32
      %add3A_1026 = arith.addi %mul3A_479, %add3A_1025 : i32
      %dma_wait3A_1027 = arith.constant 6 : i32
      %dma_wait3A_1028 = arith.constant 0 : i32
      %dma_wait3A_1029 = arith.constant 2 : i32
      %dma_wait3A_1030 = arith.constant 0 : i32
      %dma_wait3A_1031 = arith.constant 0 : i32
      %dma_wait3A_1032 = tpu.memref_slice %arg7[%dma_wait3A_1029, %dma_wait3A_1030, %dma_wait3A_1031] : memref<4x80x128xf32, #tpu.memory_space<vmem>> -> memref<1x80x128xf32, #tpu.memory_space<vmem>>
      %dma_wait3A_1033 = tpu.memref_squeeze %dma_wait3A_1032 : memref<1x80x128xf32, #tpu.memory_space<vmem>> -> memref<80x128xf32, #tpu.memory_space<vmem>>
      %dma_wait3A_1034 = arith.constant 0 : i32
      %dma_wait3A_1035 = tpu.memref_slice %arg6[%dma_wait3A_1027, %dma_wait3A_1028, %dma_wait3A_1034] : memref<8x2x80xi32, #tpu.memory_space<vmem>> -> memref<1x1x80xi32, #tpu.memory_space<vmem>>
      %dma_wait3A_1036 = tpu.memref_squeeze %dma_wait3A_1035 : memref<1x1x80xi32, #tpu.memory_space<vmem>> -> memref<80xi32, #tpu.memory_space<vmem>>
      %dma_wait3A_1037 = arith.constant 0 : i32
      %dma_wait3A_1038 = arith.constant 0 : i32
      %dma_wait3A_1039 = tpu.memref_slice %arg2[%dma_wait3A_1037, %dma_wait3A_1038] : memref<10240x128xf32, #tpu.memory_space<hbm>> -> memref<10240x128xf32, #tpu.memory_space<hbm>>
      tpu.wait_indirect_dma semaphore(%arg19 : memref<!tpu.dma_semaphore, #tpu.memory_space<semaphore_mem>>) src(%dma_wait3A_1039 : memref<10240x128xf32, #tpu.memory_space<hbm>>) dst(%dma_wait3A_1033 : memref<80x128xf32, #tpu.memory_space<vmem>>)
      %dma_start3A_1040 = arith.constant 2 : i32
      %dma_start3A_1041 = arith.constant 6 : i32
      %dma_start3A_1042 = arith.constant 1 : i32
      %dma_start3A_1043 = arith.constant 0 : i32
      %dma_start3A_1044 = arith.constant 0 : i32
      %dma_start3A_1045 = tpu.memref_slice %arg7[%dma_start3A_1040, %dma_start3A_1043, %dma_start3A_1044] : memref<4x80x128xf32, #tpu.memory_space<vmem>> -> memref<1x80x128xf32, #tpu.memory_space<vmem>>
      %dma_start3A_1046 = tpu.memref_squeeze %dma_start3A_1045 : memref<1x80x128xf32, #tpu.memory_space<vmem>> -> memref<80x128xf32, #tpu.memory_space<vmem>>
      %dma_start3A_1047 = arith.constant 0 : i32
      %dma_start3A_1048 = tpu.memref_slice %arg6[%dma_start3A_1041, %dma_start3A_1042, %dma_start3A_1047] : memref<8x2x80xi32, #tpu.memory_space<vmem>> -> memref<1x1x80xi32, #tpu.memory_space<vmem>>
      %dma_start3A_1049 = tpu.memref_squeeze %dma_start3A_1048 : memref<1x1x80xi32, #tpu.memory_space<vmem>> -> memref<80xi32, #tpu.memory_space<vmem>>
      %dma_start3A_1050 = arith.constant 0 : i32
      %dma_start3A_1051 = arith.constant 0 : i32
      %dma_start3A_1052 = tpu.memref_slice %arg8[%dma_start3A_1050, %dma_start3A_1051] : memref<10240x128xf32, #tpu.memory_space<vmem_shared>> -> memref<10240x128xf32, #tpu.memory_space<vmem_shared>>
      tpu.enqueue_indirect_dma source(%dma_start3A_1046 : memref<80x128xf32, #tpu.memory_space<vmem>>) target(%dma_start3A_1052 : memref<10240x128xf32, #tpu.memory_space<vmem_shared>>) offsets(%dma_start3A_1049 : memref<80xi32, #tpu.memory_space<vmem>>) semaphore(%arg23 : memref<!tpu.dma_semaphore, #tpu.memory_space<semaphore_mem>>) {add = true}
      %dma_wait3A_1053 = arith.constant 0 : i32
      %dma_wait3A_1054 = arith.constant 0 : i32
      %dma_wait3A_1055 = arith.constant 1 : i32
      %dma_wait3A_1056 = arith.constant 0 : i32
      %dma_wait3A_1057 = arith.constant 0 : i32
      %dma_wait3A_1058 = tpu.memref_slice %arg7[%dma_wait3A_1053, %dma_wait3A_1056, %dma_wait3A_1057] : memref<4x80x128xf32, #tpu.memory_space<vmem>> -> memref<1x80x128xf32, #tpu.memory_space<vmem>>
      %dma_wait3A_1059 = tpu.memref_squeeze %dma_wait3A_1058 : memref<1x80x128xf32, #tpu.memory_space<vmem>> -> memref<80x128xf32, #tpu.memory_space<vmem>>
      %dma_wait3A_1060 = arith.constant 0 : i32
      %dma_wait3A_1061 = tpu.memref_slice %arg6[%dma_wait3A_1054, %dma_wait3A_1055, %dma_wait3A_1060] : memref<8x2x80xi32, #tpu.memory_space<vmem>> -> memref<1x1x80xi32, #tpu.memory_space<vmem>>
      %dma_wait3A_1062 = tpu.memref_squeeze %dma_wait3A_1061 : memref<1x1x80xi32, #tpu.memory_space<vmem>> -> memref<80xi32, #tpu.memory_space<vmem>>
      %dma_wait3A_1063 = arith.constant 0 : i32
      %dma_wait3A_1064 = arith.constant 0 : i32
      %dma_wait3A_1065 = tpu.memref_slice %arg8[%dma_wait3A_1063, %dma_wait3A_1064] : memref<10240x128xf32, #tpu.memory_space<vmem_shared>> -> memref<10240x128xf32, #tpu.memory_space<vmem_shared>>
      tpu.wait_indirect_dma semaphore(%arg21 : memref<!tpu.dma_semaphore, #tpu.memory_space<semaphore_mem>>) src(%dma_wait3A_1059 : memref<80x128xf32, #tpu.memory_space<vmem>>) dst(%dma_wait3A_1065 : memref<10240x128xf32, #tpu.memory_space<vmem_shared>>)
      %add3A_1066 = arith.constant 2 : i32
      %add3A_1067 = arith.addi %add3A_1026, %add3A_1066 : i32
      %dma_wait3A_1068 = arith.constant 0 : i32
      %dma_wait3A_1069 = arith.constant 0 : i32
      %dma_wait3A_1070 = arith.constant 0 : i32
      %dma_wait3A_1071 = tpu.memref_slice %arg6[%dma_wait3A_1068, %dma_wait3A_1069, %dma_wait3A_1070] : memref<8x2x80xi32, #tpu.memory_space<vmem>> -> memref<1x2x80xi32, #tpu.memory_space<vmem>>
      %dma_wait3A_1072 = tpu.memref_squeeze %dma_wait3A_1071 : memref<1x2x80xi32, #tpu.memory_space<vmem>> -> memref<2x80xi32, #tpu.memory_space<vmem>>
      %dma_wait3A_1073 = arith.constant 0 : i32
      %dma_wait3A_1074 = arith.constant 0 : i32
      %dma_wait3A_1075 = tpu.memref_slice %arg3[%add3A, %add3A_1067, %dma_wait3A_1073, %dma_wait3A_1074] : memref<32x125x2x80xi32, #tpu.memory_space<hbm>> -> memref<1x1x2x80xi32, #tpu.memory_space<hbm>>
      %dma_wait3A_1076 = tpu.memref_squeeze %dma_wait3A_1075 : memref<1x1x2x80xi32, #tpu.memory_space<hbm>> -> memref<2x80xi32, #tpu.memory_space<hbm>>
      %dma_wait3A_1077 = arith.constant 0 : i32
      %dma_wait3A_1078 = arith.constant 0 : i32
      %dma_wait3A_1079 = tpu.memref_slice %arg6[%dma_wait3A_1068, %dma_wait3A_1077, %dma_wait3A_1078] : memref<8x2x80xi32, #tpu.memory_space<vmem>> -> memref<1x2x80xi32, #tpu.memory_space<vmem>>
      %dma_wait3A_1080 = tpu.memref_squeeze %dma_wait3A_1079 : memref<1x2x80xi32, #tpu.memory_space<vmem>> -> memref<2x80xi32, #tpu.memory_space<vmem>>
      %dma_wait3A_1081 = arith.constant 0 : i32
      %dma_wait3A_1082 = arith.constant 0 : i32
      %dma_wait3A_1083 = tpu.memref_slice %arg3[%add3A, %add3A_1067, %dma_wait3A_1081, %dma_wait3A_1082] : memref<32x125x2x80xi32, #tpu.memory_space<hbm>> -> memref<1x1x2x80xi32, #tpu.memory_space<hbm>>
      %dma_wait3A_1084 = tpu.memref_squeeze %dma_wait3A_1083 : memref<1x1x2x80xi32, #tpu.memory_space<hbm>> -> memref<2x80xi32, #tpu.memory_space<hbm>>
      tpu.wait_dma2 semaphore(%arg9 : memref<!tpu.dma_semaphore, #tpu.memory_space<semaphore_mem>>) src(%dma_wait3A_1084 : memref<2x80xi32, #tpu.memory_space<hbm>>) dst(%dma_wait3A_1080 : memref<2x80xi32, #tpu.memory_space<vmem>>)
      %add3A_1085 = arith.constant 2 : i32
      %add3A_1086 = arith.addi %add3A_1026, %add3A_1085 : i32
      %dma_start3A_1087 = arith.constant 0 : i32
      %dma_start3A_1088 = arith.constant 0 : i32
      %dma_start3A_1089 = arith.constant 0 : i32
      %dma_start3A_1090 = arith.constant 0 : i32
      %dma_start3A_1091 = arith.constant 0 : i32
      %dma_start3A_1092 = tpu.memref_slice %arg7[%dma_start3A_1089, %dma_start3A_1090, %dma_start3A_1091] : memref<4x80x128xf32, #tpu.memory_space<vmem>> -> memref<1x80x128xf32, #tpu.memory_space<vmem>>
      %dma_start3A_1093 = tpu.memref_squeeze %dma_start3A_1092 : memref<1x80x128xf32, #tpu.memory_space<vmem>> -> memref<80x128xf32, #tpu.memory_space<vmem>>
      %dma_start3A_1094 = arith.constant 0 : i32
      %dma_start3A_1095 = tpu.memref_slice %arg6[%dma_start3A_1087, %dma_start3A_1088, %dma_start3A_1094] : memref<8x2x80xi32, #tpu.memory_space<vmem>> -> memref<1x1x80xi32, #tpu.memory_space<vmem>>
      %dma_start3A_1096 = tpu.memref_squeeze %dma_start3A_1095 : memref<1x1x80xi32, #tpu.memory_space<vmem>> -> memref<80xi32, #tpu.memory_space<vmem>>
      %dma_start3A_1097 = arith.constant 0 : i32
      %dma_start3A_1098 = arith.constant 0 : i32
      %dma_start3A_1099 = tpu.memref_slice %arg2[%dma_start3A_1097, %dma_start3A_1098] : memref<10240x128xf32, #tpu.memory_space<hbm>> -> memref<10240x128xf32, #tpu.memory_space<hbm>>
      tpu.enqueue_indirect_dma source(%dma_start3A_1099 : memref<10240x128xf32, #tpu.memory_space<hbm>>) target(%dma_start3A_1093 : memref<80x128xf32, #tpu.memory_space<vmem>>) offsets(%dma_start3A_1096 : memref<80xi32, #tpu.memory_space<vmem>>) semaphore(%arg17 : memref<!tpu.dma_semaphore, #tpu.memory_space<semaphore_mem>>)
      %add3A_1100 = arith.constant 4 : i32
      %add3A_1101 = arith.addi %add3A_1026, %add3A_1100 : i32
      %dma_start3A_1102 = arith.constant 2 : i32
      %dma_start3A_1103 = arith.constant 0 : i32
      %dma_start3A_1104 = arith.constant 0 : i32
      %dma_start3A_1105 = tpu.memref_slice %arg6[%dma_start3A_1102, %dma_start3A_1103, %dma_start3A_1104] : memref<8x2x80xi32, #tpu.memory_space<vmem>> -> memref<1x2x80xi32, #tpu.memory_space<vmem>>
      %dma_start3A_1106 = tpu.memref_squeeze %dma_start3A_1105 : memref<1x2x80xi32, #tpu.memory_space<vmem>> -> memref<2x80xi32, #tpu.memory_space<vmem>>
      %dma_start3A_1107 = arith.constant 0 : i32
      %dma_start3A_1108 = arith.constant 0 : i32
      %dma_start3A_1109 = tpu.memref_slice %arg3[%add3A, %add3A_1101, %dma_start3A_1107, %dma_start3A_1108] : memref<32x125x2x80xi32, #tpu.memory_space<hbm>> -> memref<1x1x2x80xi32, #tpu.memory_space<hbm>>
      %dma_start3A_1110 = tpu.memref_squeeze %dma_start3A_1109 : memref<1x1x2x80xi32, #tpu.memory_space<hbm>> -> memref<2x80xi32, #tpu.memory_space<hbm>>
      %dma_start3A_1111 = arith.constant 0 : i32
      %dma_start3A_1112 = arith.constant 0 : i32
      %dma_start3A_1113 = tpu.memref_slice %arg6[%dma_start3A_1102, %dma_start3A_1111, %dma_start3A_1112] : memref<8x2x80xi32, #tpu.memory_space<vmem>> -> memref<1x2x80xi32, #tpu.memory_space<vmem>>
      %dma_start3A_1114 = tpu.memref_squeeze %dma_start3A_1113 : memref<1x2x80xi32, #tpu.memory_space<vmem>> -> memref<2x80xi32, #tpu.memory_space<vmem>>
      %dma_start3A_1115 = arith.constant 0 : i32
      %dma_start3A_1116 = arith.constant 0 : i32
      %dma_start3A_1117 = tpu.memref_slice %arg3[%add3A, %add3A_1101, %dma_start3A_1115, %dma_start3A_1116] : memref<32x125x2x80xi32, #tpu.memory_space<hbm>> -> memref<1x1x2x80xi32, #tpu.memory_space<hbm>>
      %dma_start3A_1118 = tpu.memref_squeeze %dma_start3A_1117 : memref<1x1x2x80xi32, #tpu.memory_space<hbm>> -> memref<2x80xi32, #tpu.memory_space<hbm>>
      tpu.enqueue_dma source(%dma_start3A_1118 : memref<2x80xi32, #tpu.memory_space<hbm>>) target(%dma_start3A_1114 : memref<2x80xi32, #tpu.memory_space<vmem>>) target_semaphore(%arg11 : memref<!tpu.dma_semaphore, #tpu.memory_space<semaphore_mem>>)
      %add3A_1119 = arith.constant 7 : i32
      %add3A_1120 = arith.addi %mul3A_479, %add3A_1119 : i32
      %dma_wait3A_1121 = arith.constant 7 : i32
      %dma_wait3A_1122 = arith.constant 0 : i32
      %dma_wait3A_1123 = arith.constant 3 : i32
      %dma_wait3A_1124 = arith.constant 0 : i32
      %dma_wait3A_1125 = arith.constant 0 : i32
      %dma_wait3A_1126 = tpu.memref_slice %arg7[%dma_wait3A_1123, %dma_wait3A_1124, %dma_wait3A_1125] : memref<4x80x128xf32, #tpu.memory_space<vmem>> -> memref<1x80x128xf32, #tpu.memory_space<vmem>>
      %dma_wait3A_1127 = tpu.memref_squeeze %dma_wait3A_1126 : memref<1x80x128xf32, #tpu.memory_space<vmem>> -> memref<80x128xf32, #tpu.memory_space<vmem>>
      %dma_wait3A_1128 = arith.constant 0 : i32
      %dma_wait3A_1129 = tpu.memref_slice %arg6[%dma_wait3A_1121, %dma_wait3A_1122, %dma_wait3A_1128] : memref<8x2x80xi32, #tpu.memory_space<vmem>> -> memref<1x1x80xi32, #tpu.memory_space<vmem>>
      %dma_wait3A_1130 = tpu.memref_squeeze %dma_wait3A_1129 : memref<1x1x80xi32, #tpu.memory_space<vmem>> -> memref<80xi32, #tpu.memory_space<vmem>>
      %dma_wait3A_1131 = arith.constant 0 : i32
      %dma_wait3A_1132 = arith.constant 0 : i32
      %dma_wait3A_1133 = tpu.memref_slice %arg2[%dma_wait3A_1131, %dma_wait3A_1132] : memref<10240x128xf32, #tpu.memory_space<hbm>> -> memref<10240x128xf32, #tpu.memory_space<hbm>>
      tpu.wait_indirect_dma semaphore(%arg20 : memref<!tpu.dma_semaphore, #tpu.memory_space<semaphore_mem>>) src(%dma_wait3A_1133 : memref<10240x128xf32, #tpu.memory_space<hbm>>) dst(%dma_wait3A_1127 : memref<80x128xf32, #tpu.memory_space<vmem>>)
      %dma_start3A_1134 = arith.constant 3 : i32
      %dma_start3A_1135 = arith.constant 7 : i32
      %dma_start3A_1136 = arith.constant 1 : i32
      %dma_start3A_1137 = arith.constant 0 : i32
      %dma_start3A_1138 = arith.constant 0 : i32
      %dma_start3A_1139 = tpu.memref_slice %arg7[%dma_start3A_1134, %dma_start3A_1137, %dma_start3A_1138] : memref<4x80x128xf32, #tpu.memory_space<vmem>> -> memref<1x80x128xf32, #tpu.memory_space<vmem>>
      %dma_start3A_1140 = tpu.memref_squeeze %dma_start3A_1139 : memref<1x80x128xf32, #tpu.memory_space<vmem>> -> memref<80x128xf32, #tpu.memory_space<vmem>>
      %dma_start3A_1141 = arith.constant 0 : i32
      %dma_start3A_1142 = tpu.memref_slice %arg6[%dma_start3A_1135, %dma_start3A_1136, %dma_start3A_1141] : memref<8x2x80xi32, #tpu.memory_space<vmem>> -> memref<1x1x80xi32, #tpu.memory_space<vmem>>
      %dma_start3A_1143 = tpu.memref_squeeze %dma_start3A_1142 : memref<1x1x80xi32, #tpu.memory_space<vmem>> -> memref<80xi32, #tpu.memory_space<vmem>>
      %dma_start3A_1144 = arith.constant 0 : i32
      %dma_start3A_1145 = arith.constant 0 : i32
      %dma_start3A_1146 = tpu.memref_slice %arg8[%dma_start3A_1144, %dma_start3A_1145] : memref<10240x128xf32, #tpu.memory_space<vmem_shared>> -> memref<10240x128xf32, #tpu.memory_space<vmem_shared>>
      tpu.enqueue_indirect_dma source(%dma_start3A_1140 : memref<80x128xf32, #tpu.memory_space<vmem>>) target(%dma_start3A_1146 : memref<10240x128xf32, #tpu.memory_space<vmem_shared>>) offsets(%dma_start3A_1143 : memref<80xi32, #tpu.memory_space<vmem>>) semaphore(%arg24 : memref<!tpu.dma_semaphore, #tpu.memory_space<semaphore_mem>>) {add = true}
      %dma_wait3A_1147 = arith.constant 1 : i32
      %dma_wait3A_1148 = arith.constant 0 : i32
      %dma_wait3A_1149 = arith.constant 1 : i32
      %dma_wait3A_1150 = arith.constant 0 : i32
      %dma_wait3A_1151 = arith.constant 0 : i32
      %dma_wait3A_1152 = tpu.memref_slice %arg7[%dma_wait3A_1147, %dma_wait3A_1150, %dma_wait3A_1151] : memref<4x80x128xf32, #tpu.memory_space<vmem>> -> memref<1x80x128xf32, #tpu.memory_space<vmem>>
      %dma_wait3A_1153 = tpu.memref_squeeze %dma_wait3A_1152 : memref<1x80x128xf32, #tpu.memory_space<vmem>> -> memref<80x128xf32, #tpu.memory_space<vmem>>
      %dma_wait3A_1154 = arith.constant 0 : i32
      %dma_wait3A_1155 = tpu.memref_slice %arg6[%dma_wait3A_1148, %dma_wait3A_1149, %dma_wait3A_1154] : memref<8x2x80xi32, #tpu.memory_space<vmem>> -> memref<1x1x80xi32, #tpu.memory_space<vmem>>
      %dma_wait3A_1156 = tpu.memref_squeeze %dma_wait3A_1155 : memref<1x1x80xi32, #tpu.memory_space<vmem>> -> memref<80xi32, #tpu.memory_space<vmem>>
      %dma_wait3A_1157 = arith.constant 0 : i32
      %dma_wait3A_1158 = arith.constant 0 : i32
      %dma_wait3A_1159 = tpu.memref_slice %arg8[%dma_wait3A_1157, %dma_wait3A_1158] : memref<10240x128xf32, #tpu.memory_space<vmem_shared>> -> memref<10240x128xf32, #tpu.memory_space<vmem_shared>>
      tpu.wait_indirect_dma semaphore(%arg22 : memref<!tpu.dma_semaphore, #tpu.memory_space<semaphore_mem>>) src(%dma_wait3A_1153 : memref<80x128xf32, #tpu.memory_space<vmem>>) dst(%dma_wait3A_1159 : memref<10240x128xf32, #tpu.memory_space<vmem_shared>>)
      %add3A_1160 = arith.constant 2 : i32
      %add3A_1161 = arith.addi %add3A_1120, %add3A_1160 : i32
      %dma_wait3A_1162 = arith.constant 1 : i32
      %dma_wait3A_1163 = arith.constant 0 : i32
      %dma_wait3A_1164 = arith.constant 0 : i32
      %dma_wait3A_1165 = tpu.memref_slice %arg6[%dma_wait3A_1162, %dma_wait3A_1163, %dma_wait3A_1164] : memref<8x2x80xi32, #tpu.memory_space<vmem>> -> memref<1x2x80xi32, #tpu.memory_space<vmem>>
      %dma_wait3A_1166 = tpu.memref_squeeze %dma_wait3A_1165 : memref<1x2x80xi32, #tpu.memory_space<vmem>> -> memref<2x80xi32, #tpu.memory_space<vmem>>
      %dma_wait3A_1167 = arith.constant 0 : i32
      %dma_wait3A_1168 = arith.constant 0 : i32
      %dma_wait3A_1169 = tpu.memref_slice %arg3[%add3A, %add3A_1161, %dma_wait3A_1167, %dma_wait3A_1168] : memref<32x125x2x80xi32, #tpu.memory_space<hbm>> -> memref<1x1x2x80xi32, #tpu.memory_space<hbm>>
      %dma_wait3A_1170 = tpu.memref_squeeze %dma_wait3A_1169 : memref<1x1x2x80xi32, #tpu.memory_space<hbm>> -> memref<2x80xi32, #tpu.memory_space<hbm>>
      %dma_wait3A_1171 = arith.constant 0 : i32
      %dma_wait3A_1172 = arith.constant 0 : i32
      %dma_wait3A_1173 = tpu.memref_slice %arg6[%dma_wait3A_1162, %dma_wait3A_1171, %dma_wait3A_1172] : memref<8x2x80xi32, #tpu.memory_space<vmem>> -> memref<1x2x80xi32, #tpu.memory_space<vmem>>
      %dma_wait3A_1174 = tpu.memref_squeeze %dma_wait3A_1173 : memref<1x2x80xi32, #tpu.memory_space<vmem>> -> memref<2x80xi32, #tpu.memory_space<vmem>>
      %dma_wait3A_1175 = arith.constant 0 : i32
      %dma_wait3A_1176 = arith.constant 0 : i32
      %dma_wait3A_1177 = tpu.memref_slice %arg3[%add3A, %add3A_1161, %dma_wait3A_1175, %dma_wait3A_1176] : memref<32x125x2x80xi32, #tpu.memory_space<hbm>> -> memref<1x1x2x80xi32, #tpu.memory_space<hbm>>
      %dma_wait3A_1178 = tpu.memref_squeeze %dma_wait3A_1177 : memref<1x1x2x80xi32, #tpu.memory_space<hbm>> -> memref<2x80xi32, #tpu.memory_space<hbm>>
      tpu.wait_dma2 semaphore(%arg10 : memref<!tpu.dma_semaphore, #tpu.memory_space<semaphore_mem>>) src(%dma_wait3A_1178 : memref<2x80xi32, #tpu.memory_space<hbm>>) dst(%dma_wait3A_1174 : memref<2x80xi32, #tpu.memory_space<vmem>>)
      %add3A_1179 = arith.constant 2 : i32
      %add3A_1180 = arith.addi %add3A_1120, %add3A_1179 : i32
      %dma_start3A_1181 = arith.constant 1 : i32
      %dma_start3A_1182 = arith.constant 0 : i32
      %dma_start3A_1183 = arith.constant 1 : i32
      %dma_start3A_1184 = arith.constant 0 : i32
      %dma_start3A_1185 = arith.constant 0 : i32
      %dma_start3A_1186 = tpu.memref_slice %arg7[%dma_start3A_1183, %dma_start3A_1184, %dma_start3A_1185] : memref<4x80x128xf32, #tpu.memory_space<vmem>> -> memref<1x80x128xf32, #tpu.memory_space<vmem>>
      %dma_start3A_1187 = tpu.memref_squeeze %dma_start3A_1186 : memref<1x80x128xf32, #tpu.memory_space<vmem>> -> memref<80x128xf32, #tpu.memory_space<vmem>>
      %dma_start3A_1188 = arith.constant 0 : i32
      %dma_start3A_1189 = tpu.memref_slice %arg6[%dma_start3A_1181, %dma_start3A_1182, %dma_start3A_1188] : memref<8x2x80xi32, #tpu.memory_space<vmem>> -> memref<1x1x80xi32, #tpu.memory_space<vmem>>
      %dma_start3A_1190 = tpu.memref_squeeze %dma_start3A_1189 : memref<1x1x80xi32, #tpu.memory_space<vmem>> -> memref<80xi32, #tpu.memory_space<vmem>>
      %dma_start3A_1191 = arith.constant 0 : i32
      %dma_start3A_1192 = arith.constant 0 : i32
      %dma_start3A_1193 = tpu.memref_slice %arg2[%dma_start3A_1191, %dma_start3A_1192] : memref<10240x128xf32, #tpu.memory_space<hbm>> -> memref<10240x128xf32, #tpu.memory_space<hbm>>
      tpu.enqueue_indirect_dma source(%dma_start3A_1193 : memref<10240x128xf32, #tpu.memory_space<hbm>>) target(%dma_start3A_1187 : memref<80x128xf32, #tpu.memory_space<vmem>>) offsets(%dma_start3A_1190 : memref<80xi32, #tpu.memory_space<vmem>>) semaphore(%arg18 : memref<!tpu.dma_semaphore, #tpu.memory_space<semaphore_mem>>)
      %add3A_1194 = arith.constant 4 : i32
      %add3A_1195 = arith.addi %add3A_1120, %add3A_1194 : i32
      %dma_start3A_1196 = arith.constant 3 : i32
      %dma_start3A_1197 = arith.constant 0 : i32
      %dma_start3A_1198 = arith.constant 0 : i32
      %dma_start3A_1199 = tpu.memref_slice %arg6[%dma_start3A_1196, %dma_start3A_1197, %dma_start3A_1198] : memref<8x2x80xi32, #tpu.memory_space<vmem>> -> memref<1x2x80xi32, #tpu.memory_space<vmem>>
      %dma_start3A_1200 = tpu.memref_squeeze %dma_start3A_1199 : memref<1x2x80xi32, #tpu.memory_space<vmem>> -> memref<2x80xi32, #tpu.memory_space<vmem>>
      %dma_start3A_1201 = arith.constant 0 : i32
      %dma_start3A_1202 = arith.constant 0 : i32
      %dma_start3A_1203 = tpu.memref_slice %arg3[%add3A, %add3A_1195, %dma_start3A_1201, %dma_start3A_1202] : memref<32x125x2x80xi32, #tpu.memory_space<hbm>> -> memref<1x1x2x80xi32, #tpu.memory_space<hbm>>
      %dma_start3A_1204 = tpu.memref_squeeze %dma_start3A_1203 : memref<1x1x2x80xi32, #tpu.memory_space<hbm>> -> memref<2x80xi32, #tpu.memory_space<hbm>>
      %dma_start3A_1205 = arith.constant 0 : i32
      %dma_start3A_1206 = arith.constant 0 : i32
      %dma_start3A_1207 = tpu.memref_slice %arg6[%dma_start3A_1196, %dma_start3A_1205, %dma_start3A_1206] : memref<8x2x80xi32, #tpu.memory_space<vmem>> -> memref<1x2x80xi32, #tpu.memory_space<vmem>>
      %dma_start3A_1208 = tpu.memref_squeeze %dma_start3A_1207 : memref<1x2x80xi32, #tpu.memory_space<vmem>> -> memref<2x80xi32, #tpu.memory_space<vmem>>
      %dma_start3A_1209 = arith.constant 0 : i32
      %dma_start3A_1210 = arith.constant 0 : i32
      %dma_start3A_1211 = tpu.memref_slice %arg3[%add3A, %add3A_1195, %dma_start3A_1209, %dma_start3A_1210] : memref<32x125x2x80xi32, #tpu.memory_space<hbm>> -> memref<1x1x2x80xi32, #tpu.memory_space<hbm>>
      %dma_start3A_1212 = tpu.memref_squeeze %dma_start3A_1211 : memref<1x1x2x80xi32, #tpu.memory_space<hbm>> -> memref<2x80xi32, #tpu.memory_space<hbm>>
      tpu.enqueue_dma source(%dma_start3A_1212 : memref<2x80xi32, #tpu.memory_space<hbm>>) target(%dma_start3A_1208 : memref<2x80xi32, #tpu.memory_space<vmem>>) target_semaphore(%arg12 : memref<!tpu.dma_semaphore, #tpu.memory_space<semaphore_mem>>)
    }
    %scan3A_139 = arith.constant 15 : i32
    %dma_wait3A_140 = arith.constant 0 : i32
    %dma_wait3A_141 = arith.constant 0 : i32
    %dma_wait3A_142 = arith.constant 0 : i32
    %dma_wait3A_143 = arith.constant 0 : i32
    %dma_wait3A_144 = arith.constant 0 : i32
    %dma_wait3A_145 = tpu.memref_slice %arg7[%dma_wait3A_142, %dma_wait3A_143, %dma_wait3A_144] : memref<4x80x128xf32, #tpu.memory_space<vmem>> -> memref<1x80x128xf32, #tpu.memory_space<vmem>>
    %dma_wait3A_146 = tpu.memref_squeeze %dma_wait3A_145 : memref<1x80x128xf32, #tpu.memory_space<vmem>> -> memref<80x128xf32, #tpu.memory_space<vmem>>
    %dma_wait3A_147 = arith.constant 0 : i32
    %dma_wait3A_148 = tpu.memref_slice %arg6[%dma_wait3A_140, %dma_wait3A_141, %dma_wait3A_147] : memref<8x2x80xi32, #tpu.memory_space<vmem>> -> memref<1x1x80xi32, #tpu.memory_space<vmem>>
    %dma_wait3A_149 = tpu.memref_squeeze %dma_wait3A_148 : memref<1x1x80xi32, #tpu.memory_space<vmem>> -> memref<80xi32, #tpu.memory_space<vmem>>
    %dma_wait3A_150 = arith.constant 0 : i32
    %dma_wait3A_151 = arith.constant 0 : i32
    %dma_wait3A_152 = tpu.memref_slice %arg2[%dma_wait3A_150, %dma_wait3A_151] : memref<10240x128xf32, #tpu.memory_space<hbm>> -> memref<10240x128xf32, #tpu.memory_space<hbm>>
    tpu.wait_indirect_dma semaphore(%arg17 : memref<!tpu.dma_semaphore, #tpu.memory_space<semaphore_mem>>) src(%dma_wait3A_152 : memref<10240x128xf32, #tpu.memory_space<hbm>>) dst(%dma_wait3A_146 : memref<80x128xf32, #tpu.memory_space<vmem>>)
    %dma_start3A_153 = arith.constant 0 : i32
    %dma_start3A_154 = arith.constant 0 : i32
    %dma_start3A_155 = arith.constant 1 : i32
    %dma_start3A_156 = arith.constant 0 : i32
    %dma_start3A_157 = arith.constant 0 : i32
    %dma_start3A_158 = tpu.memref_slice %arg7[%dma_start3A_153, %dma_start3A_156, %dma_start3A_157] : memref<4x80x128xf32, #tpu.memory_space<vmem>> -> memref<1x80x128xf32, #tpu.memory_space<vmem>>
    %dma_start3A_159 = tpu.memref_squeeze %dma_start3A_158 : memref<1x80x128xf32, #tpu.memory_space<vmem>> -> memref<80x128xf32, #tpu.memory_space<vmem>>
    %dma_start3A_160 = arith.constant 0 : i32
    %dma_start3A_161 = tpu.memref_slice %arg6[%dma_start3A_154, %dma_start3A_155, %dma_start3A_160] : memref<8x2x80xi32, #tpu.memory_space<vmem>> -> memref<1x1x80xi32, #tpu.memory_space<vmem>>
    %dma_start3A_162 = tpu.memref_squeeze %dma_start3A_161 : memref<1x1x80xi32, #tpu.memory_space<vmem>> -> memref<80xi32, #tpu.memory_space<vmem>>
    %dma_start3A_163 = arith.constant 0 : i32
    %dma_start3A_164 = arith.constant 0 : i32
    %dma_start3A_165 = tpu.memref_slice %arg8[%dma_start3A_163, %dma_start3A_164] : memref<10240x128xf32, #tpu.memory_space<vmem_shared>> -> memref<10240x128xf32, #tpu.memory_space<vmem_shared>>
    tpu.enqueue_indirect_dma source(%dma_start3A_159 : memref<80x128xf32, #tpu.memory_space<vmem>>) target(%dma_start3A_165 : memref<10240x128xf32, #tpu.memory_space<vmem_shared>>) offsets(%dma_start3A_162 : memref<80xi32, #tpu.memory_space<vmem>>) semaphore(%arg21 : memref<!tpu.dma_semaphore, #tpu.memory_space<semaphore_mem>>) {add = true}
    %dma_wait3A_166 = arith.constant 2 : i32
    %dma_wait3A_167 = arith.constant 0 : i32
    %dma_wait3A_168 = arith.constant 1 : i32
    %dma_wait3A_169 = arith.constant 0 : i32
    %dma_wait3A_170 = arith.constant 0 : i32
    %dma_wait3A_171 = tpu.memref_slice %arg7[%dma_wait3A_166, %dma_wait3A_169, %dma_wait3A_170] : memref<4x80x128xf32, #tpu.memory_space<vmem>> -> memref<1x80x128xf32, #tpu.memory_space<vmem>>
    %dma_wait3A_172 = tpu.memref_squeeze %dma_wait3A_171 : memref<1x80x128xf32, #tpu.memory_space<vmem>> -> memref<80x128xf32, #tpu.memory_space<vmem>>
    %dma_wait3A_173 = arith.constant 0 : i32
    %dma_wait3A_174 = tpu.memref_slice %arg6[%dma_wait3A_167, %dma_wait3A_168, %dma_wait3A_173] : memref<8x2x80xi32, #tpu.memory_space<vmem>> -> memref<1x1x80xi32, #tpu.memory_space<vmem>>
    %dma_wait3A_175 = tpu.memref_squeeze %dma_wait3A_174 : memref<1x1x80xi32, #tpu.memory_space<vmem>> -> memref<80xi32, #tpu.memory_space<vmem>>
    %dma_wait3A_176 = arith.constant 0 : i32
    %dma_wait3A_177 = arith.constant 0 : i32
    %dma_wait3A_178 = tpu.memref_slice %arg8[%dma_wait3A_176, %dma_wait3A_177] : memref<10240x128xf32, #tpu.memory_space<vmem_shared>> -> memref<10240x128xf32, #tpu.memory_space<vmem_shared>>
    tpu.wait_indirect_dma semaphore(%arg23 : memref<!tpu.dma_semaphore, #tpu.memory_space<semaphore_mem>>) src(%dma_wait3A_172 : memref<80x128xf32, #tpu.memory_space<vmem>>) dst(%dma_wait3A_178 : memref<10240x128xf32, #tpu.memory_space<vmem_shared>>)
    %dma_wait3A_179 = arith.constant 122 : i32
    %dma_wait3A_180 = arith.constant 2 : i32
    %dma_wait3A_181 = arith.constant 0 : i32
    %dma_wait3A_182 = arith.constant 0 : i32
    %dma_wait3A_183 = tpu.memref_slice %arg6[%dma_wait3A_180, %dma_wait3A_181, %dma_wait3A_182] : memref<8x2x80xi32, #tpu.memory_space<vmem>> -> memref<1x2x80xi32, #tpu.memory_space<vmem>>
    %dma_wait3A_184 = tpu.memref_squeeze %dma_wait3A_183 : memref<1x2x80xi32, #tpu.memory_space<vmem>> -> memref<2x80xi32, #tpu.memory_space<vmem>>
    %dma_wait3A_185 = arith.constant 0 : i32
    %dma_wait3A_186 = arith.constant 0 : i32
    %dma_wait3A_187 = tpu.memref_slice %arg3[%add3A, %dma_wait3A_179, %dma_wait3A_185, %dma_wait3A_186] : memref<32x125x2x80xi32, #tpu.memory_space<hbm>> -> memref<1x1x2x80xi32, #tpu.memory_space<hbm>>
    %dma_wait3A_188 = tpu.memref_squeeze %dma_wait3A_187 : memref<1x1x2x80xi32, #tpu.memory_space<hbm>> -> memref<2x80xi32, #tpu.memory_space<hbm>>
    %dma_wait3A_189 = arith.constant 0 : i32
    %dma_wait3A_190 = arith.constant 0 : i32
    %dma_wait3A_191 = tpu.memref_slice %arg6[%dma_wait3A_180, %dma_wait3A_189, %dma_wait3A_190] : memref<8x2x80xi32, #tpu.memory_space<vmem>> -> memref<1x2x80xi32, #tpu.memory_space<vmem>>
    %dma_wait3A_192 = tpu.memref_squeeze %dma_wait3A_191 : memref<1x2x80xi32, #tpu.memory_space<vmem>> -> memref<2x80xi32, #tpu.memory_space<vmem>>
    %dma_wait3A_193 = arith.constant 0 : i32
    %dma_wait3A_194 = arith.constant 0 : i32
    %dma_wait3A_195 = tpu.memref_slice %arg3[%add3A, %dma_wait3A_179, %dma_wait3A_193, %dma_wait3A_194] : memref<32x125x2x80xi32, #tpu.memory_space<hbm>> -> memref<1x1x2x80xi32, #tpu.memory_space<hbm>>
    %dma_wait3A_196 = tpu.memref_squeeze %dma_wait3A_195 : memref<1x1x2x80xi32, #tpu.memory_space<hbm>> -> memref<2x80xi32, #tpu.memory_space<hbm>>
    tpu.wait_dma2 semaphore(%arg11 : memref<!tpu.dma_semaphore, #tpu.memory_space<semaphore_mem>>) src(%dma_wait3A_196 : memref<2x80xi32, #tpu.memory_space<hbm>>) dst(%dma_wait3A_192 : memref<2x80xi32, #tpu.memory_space<vmem>>)
    %dma_start3A_197 = arith.constant 2 : i32
    %dma_start3A_198 = arith.constant 0 : i32
    %dma_start3A_199 = arith.constant 2 : i32
    %dma_start3A_200 = arith.constant 0 : i32
    %dma_start3A_201 = arith.constant 0 : i32
    %dma_start3A_202 = tpu.memref_slice %arg7[%dma_start3A_199, %dma_start3A_200, %dma_start3A_201] : memref<4x80x128xf32, #tpu.memory_space<vmem>> -> memref<1x80x128xf32, #tpu.memory_space<vmem>>
    %dma_start3A_203 = tpu.memref_squeeze %dma_start3A_202 : memref<1x80x128xf32, #tpu.memory_space<vmem>> -> memref<80x128xf32, #tpu.memory_space<vmem>>
    %dma_start3A_204 = arith.constant 0 : i32
    %dma_start3A_205 = tpu.memref_slice %arg6[%dma_start3A_197, %dma_start3A_198, %dma_start3A_204] : memref<8x2x80xi32, #tpu.memory_space<vmem>> -> memref<1x1x80xi32, #tpu.memory_space<vmem>>
    %dma_start3A_206 = tpu.memref_squeeze %dma_start3A_205 : memref<1x1x80xi32, #tpu.memory_space<vmem>> -> memref<80xi32, #tpu.memory_space<vmem>>
    %dma_start3A_207 = arith.constant 0 : i32
    %dma_start3A_208 = arith.constant 0 : i32
    %dma_start3A_209 = tpu.memref_slice %arg2[%dma_start3A_207, %dma_start3A_208] : memref<10240x128xf32, #tpu.memory_space<hbm>> -> memref<10240x128xf32, #tpu.memory_space<hbm>>
    tpu.enqueue_indirect_dma source(%dma_start3A_209 : memref<10240x128xf32, #tpu.memory_space<hbm>>) target(%dma_start3A_203 : memref<80x128xf32, #tpu.memory_space<vmem>>) offsets(%dma_start3A_206 : memref<80xi32, #tpu.memory_space<vmem>>) semaphore(%arg19 : memref<!tpu.dma_semaphore, #tpu.memory_space<semaphore_mem>>)
    %dma_start3A_210 = arith.constant 124 : i32
    %dma_start3A_211 = arith.constant 4 : i32
    %dma_start3A_212 = arith.constant 0 : i32
    %dma_start3A_213 = arith.constant 0 : i32
    %dma_start3A_214 = tpu.memref_slice %arg6[%dma_start3A_211, %dma_start3A_212, %dma_start3A_213] : memref<8x2x80xi32, #tpu.memory_space<vmem>> -> memref<1x2x80xi32, #tpu.memory_space<vmem>>
    %dma_start3A_215 = tpu.memref_squeeze %dma_start3A_214 : memref<1x2x80xi32, #tpu.memory_space<vmem>> -> memref<2x80xi32, #tpu.memory_space<vmem>>
    %dma_start3A_216 = arith.constant 0 : i32
    %dma_start3A_217 = arith.constant 0 : i32
    %dma_start3A_218 = tpu.memref_slice %arg3[%add3A, %dma_start3A_210, %dma_start3A_216, %dma_start3A_217] : memref<32x125x2x80xi32, #tpu.memory_space<hbm>> -> memref<1x1x2x80xi32, #tpu.memory_space<hbm>>
    %dma_start3A_219 = tpu.memref_squeeze %dma_start3A_218 : memref<1x1x2x80xi32, #tpu.memory_space<hbm>> -> memref<2x80xi32, #tpu.memory_space<hbm>>
    %dma_start3A_220 = arith.constant 0 : i32
    %dma_start3A_221 = arith.constant 0 : i32
    %dma_start3A_222 = tpu.memref_slice %arg6[%dma_start3A_211, %dma_start3A_220, %dma_start3A_221] : memref<8x2x80xi32, #tpu.memory_space<vmem>> -> memref<1x2x80xi32, #tpu.memory_space<vmem>>
    %dma_start3A_223 = tpu.memref_squeeze %dma_start3A_222 : memref<1x2x80xi32, #tpu.memory_space<vmem>> -> memref<2x80xi32, #tpu.memory_space<vmem>>
    %dma_start3A_224 = arith.constant 0 : i32
    %dma_start3A_225 = arith.constant 0 : i32
    %dma_start3A_226 = tpu.memref_slice %arg3[%add3A, %dma_start3A_210, %dma_start3A_224, %dma_start3A_225] : memref<32x125x2x80xi32, #tpu.memory_space<hbm>> -> memref<1x1x2x80xi32, #tpu.memory_space<hbm>>
    %dma_start3A_227 = tpu.memref_squeeze %dma_start3A_226 : memref<1x1x2x80xi32, #tpu.memory_space<hbm>> -> memref<2x80xi32, #tpu.memory_space<hbm>>
    tpu.enqueue_dma source(%dma_start3A_227 : memref<2x80xi32, #tpu.memory_space<hbm>>) target(%dma_start3A_223 : memref<2x80xi32, #tpu.memory_space<vmem>>) target_semaphore(%arg13 : memref<!tpu.dma_semaphore, #tpu.memory_space<semaphore_mem>>)
    %dma_wait3A_228 = arith.constant 1 : i32
    %dma_wait3A_229 = arith.constant 0 : i32
    %dma_wait3A_230 = arith.constant 1 : i32
    %dma_wait3A_231 = arith.constant 0 : i32
    %dma_wait3A_232 = arith.constant 0 : i32
    %dma_wait3A_233 = tpu.memref_slice %arg7[%dma_wait3A_230, %dma_wait3A_231, %dma_wait3A_232] : memref<4x80x128xf32, #tpu.memory_space<vmem>> -> memref<1x80x128xf32, #tpu.memory_space<vmem>>
    %dma_wait3A_234 = tpu.memref_squeeze %dma_wait3A_233 : memref<1x80x128xf32, #tpu.memory_space<vmem>> -> memref<80x128xf32, #tpu.memory_space<vmem>>
    %dma_wait3A_235 = arith.constant 0 : i32
    %dma_wait3A_236 = tpu.memref_slice %arg6[%dma_wait3A_228, %dma_wait3A_229, %dma_wait3A_235] : memref<8x2x80xi32, #tpu.memory_space<vmem>> -> memref<1x1x80xi32, #tpu.memory_space<vmem>>
    %dma_wait3A_237 = tpu.memref_squeeze %dma_wait3A_236 : memref<1x1x80xi32, #tpu.memory_space<vmem>> -> memref<80xi32, #tpu.memory_space<vmem>>
    %dma_wait3A_238 = arith.constant 0 : i32
    %dma_wait3A_239 = arith.constant 0 : i32
    %dma_wait3A_240 = tpu.memref_slice %arg2[%dma_wait3A_238, %dma_wait3A_239] : memref<10240x128xf32, #tpu.memory_space<hbm>> -> memref<10240x128xf32, #tpu.memory_space<hbm>>
    tpu.wait_indirect_dma semaphore(%arg18 : memref<!tpu.dma_semaphore, #tpu.memory_space<semaphore_mem>>) src(%dma_wait3A_240 : memref<10240x128xf32, #tpu.memory_space<hbm>>) dst(%dma_wait3A_234 : memref<80x128xf32, #tpu.memory_space<vmem>>)
    %dma_start3A_241 = arith.constant 1 : i32
    %dma_start3A_242 = arith.constant 1 : i32
    %dma_start3A_243 = arith.constant 1 : i32
    %dma_start3A_244 = arith.constant 0 : i32
    %dma_start3A_245 = arith.constant 0 : i32
    %dma_start3A_246 = tpu.memref_slice %arg7[%dma_start3A_241, %dma_start3A_244, %dma_start3A_245] : memref<4x80x128xf32, #tpu.memory_space<vmem>> -> memref<1x80x128xf32, #tpu.memory_space<vmem>>
    %dma_start3A_247 = tpu.memref_squeeze %dma_start3A_246 : memref<1x80x128xf32, #tpu.memory_space<vmem>> -> memref<80x128xf32, #tpu.memory_space<vmem>>
    %dma_start3A_248 = arith.constant 0 : i32
    %dma_start3A_249 = tpu.memref_slice %arg6[%dma_start3A_242, %dma_start3A_243, %dma_start3A_248] : memref<8x2x80xi32, #tpu.memory_space<vmem>> -> memref<1x1x80xi32, #tpu.memory_space<vmem>>
    %dma_start3A_250 = tpu.memref_squeeze %dma_start3A_249 : memref<1x1x80xi32, #tpu.memory_space<vmem>> -> memref<80xi32, #tpu.memory_space<vmem>>
    %dma_start3A_251 = arith.constant 0 : i32
    %dma_start3A_252 = arith.constant 0 : i32
    %dma_start3A_253 = tpu.memref_slice %arg8[%dma_start3A_251, %dma_start3A_252] : memref<10240x128xf32, #tpu.memory_space<vmem_shared>> -> memref<10240x128xf32, #tpu.memory_space<vmem_shared>>
    tpu.enqueue_indirect_dma source(%dma_start3A_247 : memref<80x128xf32, #tpu.memory_space<vmem>>) target(%dma_start3A_253 : memref<10240x128xf32, #tpu.memory_space<vmem_shared>>) offsets(%dma_start3A_250 : memref<80xi32, #tpu.memory_space<vmem>>) semaphore(%arg22 : memref<!tpu.dma_semaphore, #tpu.memory_space<semaphore_mem>>) {add = true}
    %dma_wait3A_254 = arith.constant 3 : i32
    %dma_wait3A_255 = arith.constant 0 : i32
    %dma_wait3A_256 = arith.constant 1 : i32
    %dma_wait3A_257 = arith.constant 0 : i32
    %dma_wait3A_258 = arith.constant 0 : i32
    %dma_wait3A_259 = tpu.memref_slice %arg7[%dma_wait3A_254, %dma_wait3A_257, %dma_wait3A_258] : memref<4x80x128xf32, #tpu.memory_space<vmem>> -> memref<1x80x128xf32, #tpu.memory_space<vmem>>
    %dma_wait3A_260 = tpu.memref_squeeze %dma_wait3A_259 : memref<1x80x128xf32, #tpu.memory_space<vmem>> -> memref<80x128xf32, #tpu.memory_space<vmem>>
    %dma_wait3A_261 = arith.constant 0 : i32
    %dma_wait3A_262 = tpu.memref_slice %arg6[%dma_wait3A_255, %dma_wait3A_256, %dma_wait3A_261] : memref<8x2x80xi32, #tpu.memory_space<vmem>> -> memref<1x1x80xi32, #tpu.memory_space<vmem>>
    %dma_wait3A_263 = tpu.memref_squeeze %dma_wait3A_262 : memref<1x1x80xi32, #tpu.memory_space<vmem>> -> memref<80xi32, #tpu.memory_space<vmem>>
    %dma_wait3A_264 = arith.constant 0 : i32
    %dma_wait3A_265 = arith.constant 0 : i32
    %dma_wait3A_266 = tpu.memref_slice %arg8[%dma_wait3A_264, %dma_wait3A_265] : memref<10240x128xf32, #tpu.memory_space<vmem_shared>> -> memref<10240x128xf32, #tpu.memory_space<vmem_shared>>
    tpu.wait_indirect_dma semaphore(%arg24 : memref<!tpu.dma_semaphore, #tpu.memory_space<semaphore_mem>>) src(%dma_wait3A_260 : memref<80x128xf32, #tpu.memory_space<vmem>>) dst(%dma_wait3A_266 : memref<10240x128xf32, #tpu.memory_space<vmem_shared>>)
    %dma_wait3A_267 = arith.constant 123 : i32
    %dma_wait3A_268 = arith.constant 3 : i32
    %dma_wait3A_269 = arith.constant 0 : i32
    %dma_wait3A_270 = arith.constant 0 : i32
    %dma_wait3A_271 = tpu.memref_slice %arg6[%dma_wait3A_268, %dma_wait3A_269, %dma_wait3A_270] : memref<8x2x80xi32, #tpu.memory_space<vmem>> -> memref<1x2x80xi32, #tpu.memory_space<vmem>>
    %dma_wait3A_272 = tpu.memref_squeeze %dma_wait3A_271 : memref<1x2x80xi32, #tpu.memory_space<vmem>> -> memref<2x80xi32, #tpu.memory_space<vmem>>
    %dma_wait3A_273 = arith.constant 0 : i32
    %dma_wait3A_274 = arith.constant 0 : i32
    %dma_wait3A_275 = tpu.memref_slice %arg3[%add3A, %dma_wait3A_267, %dma_wait3A_273, %dma_wait3A_274] : memref<32x125x2x80xi32, #tpu.memory_space<hbm>> -> memref<1x1x2x80xi32, #tpu.memory_space<hbm>>
    %dma_wait3A_276 = tpu.memref_squeeze %dma_wait3A_275 : memref<1x1x2x80xi32, #tpu.memory_space<hbm>> -> memref<2x80xi32, #tpu.memory_space<hbm>>
    %dma_wait3A_277 = arith.constant 0 : i32
    %dma_wait3A_278 = arith.constant 0 : i32
    %dma_wait3A_279 = tpu.memref_slice %arg6[%dma_wait3A_268, %dma_wait3A_277, %dma_wait3A_278] : memref<8x2x80xi32, #tpu.memory_space<vmem>> -> memref<1x2x80xi32, #tpu.memory_space<vmem>>
    %dma_wait3A_280 = tpu.memref_squeeze %dma_wait3A_279 : memref<1x2x80xi32, #tpu.memory_space<vmem>> -> memref<2x80xi32, #tpu.memory_space<vmem>>
    %dma_wait3A_281 = arith.constant 0 : i32
    %dma_wait3A_282 = arith.constant 0 : i32
    %dma_wait3A_283 = tpu.memref_slice %arg3[%add3A, %dma_wait3A_267, %dma_wait3A_281, %dma_wait3A_282] : memref<32x125x2x80xi32, #tpu.memory_space<hbm>> -> memref<1x1x2x80xi32, #tpu.memory_space<hbm>>
    %dma_wait3A_284 = tpu.memref_squeeze %dma_wait3A_283 : memref<1x1x2x80xi32, #tpu.memory_space<hbm>> -> memref<2x80xi32, #tpu.memory_space<hbm>>
    tpu.wait_dma2 semaphore(%arg12 : memref<!tpu.dma_semaphore, #tpu.memory_space<semaphore_mem>>) src(%dma_wait3A_284 : memref<2x80xi32, #tpu.memory_space<hbm>>) dst(%dma_wait3A_280 : memref<2x80xi32, #tpu.memory_space<vmem>>)
    %dma_start3A_285 = arith.constant 3 : i32
    %dma_start3A_286 = arith.constant 0 : i32
    %dma_start3A_287 = arith.constant 3 : i32
    %dma_start3A_288 = arith.constant 0 : i32
    %dma_start3A_289 = arith.constant 0 : i32
    %dma_start3A_290 = tpu.memref_slice %arg7[%dma_start3A_287, %dma_start3A_288, %dma_start3A_289] : memref<4x80x128xf32, #tpu.memory_space<vmem>> -> memref<1x80x128xf32, #tpu.memory_space<vmem>>
    %dma_start3A_291 = tpu.memref_squeeze %dma_start3A_290 : memref<1x80x128xf32, #tpu.memory_space<vmem>> -> memref<80x128xf32, #tpu.memory_space<vmem>>
    %dma_start3A_292 = arith.constant 0 : i32
    %dma_start3A_293 = tpu.memref_slice %arg6[%dma_start3A_285, %dma_start3A_286, %dma_start3A_292] : memref<8x2x80xi32, #tpu.memory_space<vmem>> -> memref<1x1x80xi32, #tpu.memory_space<vmem>>
    %dma_start3A_294 = tpu.memref_squeeze %dma_start3A_293 : memref<1x1x80xi32, #tpu.memory_space<vmem>> -> memref<80xi32, #tpu.memory_space<vmem>>
    %dma_start3A_295 = arith.constant 0 : i32
    %dma_start3A_296 = arith.constant 0 : i32
    %dma_start3A_297 = tpu.memref_slice %arg2[%dma_start3A_295, %dma_start3A_296] : memref<10240x128xf32, #tpu.memory_space<hbm>> -> memref<10240x128xf32, #tpu.memory_space<hbm>>
    tpu.enqueue_indirect_dma source(%dma_start3A_297 : memref<10240x128xf32, #tpu.memory_space<hbm>>) target(%dma_start3A_291 : memref<80x128xf32, #tpu.memory_space<vmem>>) offsets(%dma_start3A_294 : memref<80xi32, #tpu.memory_space<vmem>>) semaphore(%arg20 : memref<!tpu.dma_semaphore, #tpu.memory_space<semaphore_mem>>)
    %dma_wait3A_298 = arith.constant 2 : i32
    %dma_wait3A_299 = arith.constant 0 : i32
    %dma_wait3A_300 = arith.constant 2 : i32
    %dma_wait3A_301 = arith.constant 0 : i32
    %dma_wait3A_302 = arith.constant 0 : i32
    %dma_wait3A_303 = tpu.memref_slice %arg7[%dma_wait3A_300, %dma_wait3A_301, %dma_wait3A_302] : memref<4x80x128xf32, #tpu.memory_space<vmem>> -> memref<1x80x128xf32, #tpu.memory_space<vmem>>
    %dma_wait3A_304 = tpu.memref_squeeze %dma_wait3A_303 : memref<1x80x128xf32, #tpu.memory_space<vmem>> -> memref<80x128xf32, #tpu.memory_space<vmem>>
    %dma_wait3A_305 = arith.constant 0 : i32
    %dma_wait3A_306 = tpu.memref_slice %arg6[%dma_wait3A_298, %dma_wait3A_299, %dma_wait3A_305] : memref<8x2x80xi32, #tpu.memory_space<vmem>> -> memref<1x1x80xi32, #tpu.memory_space<vmem>>
    %dma_wait3A_307 = tpu.memref_squeeze %dma_wait3A_306 : memref<1x1x80xi32, #tpu.memory_space<vmem>> -> memref<80xi32, #tpu.memory_space<vmem>>
    %dma_wait3A_308 = arith.constant 0 : i32
    %dma_wait3A_309 = arith.constant 0 : i32
    %dma_wait3A_310 = tpu.memref_slice %arg2[%dma_wait3A_308, %dma_wait3A_309] : memref<10240x128xf32, #tpu.memory_space<hbm>> -> memref<10240x128xf32, #tpu.memory_space<hbm>>
    tpu.wait_indirect_dma semaphore(%arg19 : memref<!tpu.dma_semaphore, #tpu.memory_space<semaphore_mem>>) src(%dma_wait3A_310 : memref<10240x128xf32, #tpu.memory_space<hbm>>) dst(%dma_wait3A_304 : memref<80x128xf32, #tpu.memory_space<vmem>>)
    %dma_start3A_311 = arith.constant 2 : i32
    %dma_start3A_312 = arith.constant 2 : i32
    %dma_start3A_313 = arith.constant 1 : i32
    %dma_start3A_314 = arith.constant 0 : i32
    %dma_start3A_315 = arith.constant 0 : i32
    %dma_start3A_316 = tpu.memref_slice %arg7[%dma_start3A_311, %dma_start3A_314, %dma_start3A_315] : memref<4x80x128xf32, #tpu.memory_space<vmem>> -> memref<1x80x128xf32, #tpu.memory_space<vmem>>
    %dma_start3A_317 = tpu.memref_squeeze %dma_start3A_316 : memref<1x80x128xf32, #tpu.memory_space<vmem>> -> memref<80x128xf32, #tpu.memory_space<vmem>>
    %dma_start3A_318 = arith.constant 0 : i32
    %dma_start3A_319 = tpu.memref_slice %arg6[%dma_start3A_312, %dma_start3A_313, %dma_start3A_318] : memref<8x2x80xi32, #tpu.memory_space<vmem>> -> memref<1x1x80xi32, #tpu.memory_space<vmem>>
    %dma_start3A_320 = tpu.memref_squeeze %dma_start3A_319 : memref<1x1x80xi32, #tpu.memory_space<vmem>> -> memref<80xi32, #tpu.memory_space<vmem>>
    %dma_start3A_321 = arith.constant 0 : i32
    %dma_start3A_322 = arith.constant 0 : i32
    %dma_start3A_323 = tpu.memref_slice %arg8[%dma_start3A_321, %dma_start3A_322] : memref<10240x128xf32, #tpu.memory_space<vmem_shared>> -> memref<10240x128xf32, #tpu.memory_space<vmem_shared>>
    tpu.enqueue_indirect_dma source(%dma_start3A_317 : memref<80x128xf32, #tpu.memory_space<vmem>>) target(%dma_start3A_323 : memref<10240x128xf32, #tpu.memory_space<vmem_shared>>) offsets(%dma_start3A_320 : memref<80xi32, #tpu.memory_space<vmem>>) semaphore(%arg23 : memref<!tpu.dma_semaphore, #tpu.memory_space<semaphore_mem>>) {add = true}
    %dma_wait3A_324 = arith.constant 0 : i32
    %dma_wait3A_325 = arith.constant 0 : i32
    %dma_wait3A_326 = arith.constant 1 : i32
    %dma_wait3A_327 = arith.constant 0 : i32
    %dma_wait3A_328 = arith.constant 0 : i32
    %dma_wait3A_329 = tpu.memref_slice %arg7[%dma_wait3A_324, %dma_wait3A_327, %dma_wait3A_328] : memref<4x80x128xf32, #tpu.memory_space<vmem>> -> memref<1x80x128xf32, #tpu.memory_space<vmem>>
    %dma_wait3A_330 = tpu.memref_squeeze %dma_wait3A_329 : memref<1x80x128xf32, #tpu.memory_space<vmem>> -> memref<80x128xf32, #tpu.memory_space<vmem>>
    %dma_wait3A_331 = arith.constant 0 : i32
    %dma_wait3A_332 = tpu.memref_slice %arg6[%dma_wait3A_325, %dma_wait3A_326, %dma_wait3A_331] : memref<8x2x80xi32, #tpu.memory_space<vmem>> -> memref<1x1x80xi32, #tpu.memory_space<vmem>>
    %dma_wait3A_333 = tpu.memref_squeeze %dma_wait3A_332 : memref<1x1x80xi32, #tpu.memory_space<vmem>> -> memref<80xi32, #tpu.memory_space<vmem>>
    %dma_wait3A_334 = arith.constant 0 : i32
    %dma_wait3A_335 = arith.constant 0 : i32
    %dma_wait3A_336 = tpu.memref_slice %arg8[%dma_wait3A_334, %dma_wait3A_335] : memref<10240x128xf32, #tpu.memory_space<vmem_shared>> -> memref<10240x128xf32, #tpu.memory_space<vmem_shared>>
    tpu.wait_indirect_dma semaphore(%arg21 : memref<!tpu.dma_semaphore, #tpu.memory_space<semaphore_mem>>) src(%dma_wait3A_330 : memref<80x128xf32, #tpu.memory_space<vmem>>) dst(%dma_wait3A_336 : memref<10240x128xf32, #tpu.memory_space<vmem_shared>>)
    %dma_wait3A_337 = arith.constant 124 : i32
    %dma_wait3A_338 = arith.constant 4 : i32
    %dma_wait3A_339 = arith.constant 0 : i32
    %dma_wait3A_340 = arith.constant 0 : i32
    %dma_wait3A_341 = tpu.memref_slice %arg6[%dma_wait3A_338, %dma_wait3A_339, %dma_wait3A_340] : memref<8x2x80xi32, #tpu.memory_space<vmem>> -> memref<1x2x80xi32, #tpu.memory_space<vmem>>
    %dma_wait3A_342 = tpu.memref_squeeze %dma_wait3A_341 : memref<1x2x80xi32, #tpu.memory_space<vmem>> -> memref<2x80xi32, #tpu.memory_space<vmem>>
    %dma_wait3A_343 = arith.constant 0 : i32
    %dma_wait3A_344 = arith.constant 0 : i32
    %dma_wait3A_345 = tpu.memref_slice %arg3[%add3A, %dma_wait3A_337, %dma_wait3A_343, %dma_wait3A_344] : memref<32x125x2x80xi32, #tpu.memory_space<hbm>> -> memref<1x1x2x80xi32, #tpu.memory_space<hbm>>
    %dma_wait3A_346 = tpu.memref_squeeze %dma_wait3A_345 : memref<1x1x2x80xi32, #tpu.memory_space<hbm>> -> memref<2x80xi32, #tpu.memory_space<hbm>>
    %dma_wait3A_347 = arith.constant 0 : i32
    %dma_wait3A_348 = arith.constant 0 : i32
    %dma_wait3A_349 = tpu.memref_slice %arg6[%dma_wait3A_338, %dma_wait3A_347, %dma_wait3A_348] : memref<8x2x80xi32, #tpu.memory_space<vmem>> -> memref<1x2x80xi32, #tpu.memory_space<vmem>>
    %dma_wait3A_350 = tpu.memref_squeeze %dma_wait3A_349 : memref<1x2x80xi32, #tpu.memory_space<vmem>> -> memref<2x80xi32, #tpu.memory_space<vmem>>
    %dma_wait3A_351 = arith.constant 0 : i32
    %dma_wait3A_352 = arith.constant 0 : i32
    %dma_wait3A_353 = tpu.memref_slice %arg3[%add3A, %dma_wait3A_337, %dma_wait3A_351, %dma_wait3A_352] : memref<32x125x2x80xi32, #tpu.memory_space<hbm>> -> memref<1x1x2x80xi32, #tpu.memory_space<hbm>>
    %dma_wait3A_354 = tpu.memref_squeeze %dma_wait3A_353 : memref<1x1x2x80xi32, #tpu.memory_space<hbm>> -> memref<2x80xi32, #tpu.memory_space<hbm>>
    tpu.wait_dma2 semaphore(%arg13 : memref<!tpu.dma_semaphore, #tpu.memory_space<semaphore_mem>>) src(%dma_wait3A_354 : memref<2x80xi32, #tpu.memory_space<hbm>>) dst(%dma_wait3A_350 : memref<2x80xi32, #tpu.memory_space<vmem>>)
    %dma_start3A_355 = arith.constant 4 : i32
    %dma_start3A_356 = arith.constant 0 : i32
    %dma_start3A_357 = arith.constant 0 : i32
    %dma_start3A_358 = arith.constant 0 : i32
    %dma_start3A_359 = arith.constant 0 : i32
    %dma_start3A_360 = tpu.memref_slice %arg7[%dma_start3A_357, %dma_start3A_358, %dma_start3A_359] : memref<4x80x128xf32, #tpu.memory_space<vmem>> -> memref<1x80x128xf32, #tpu.memory_space<vmem>>
    %dma_start3A_361 = tpu.memref_squeeze %dma_start3A_360 : memref<1x80x128xf32, #tpu.memory_space<vmem>> -> memref<80x128xf32, #tpu.memory_space<vmem>>
    %dma_start3A_362 = arith.constant 0 : i32
    %dma_start3A_363 = tpu.memref_slice %arg6[%dma_start3A_355, %dma_start3A_356, %dma_start3A_362] : memref<8x2x80xi32, #tpu.memory_space<vmem>> -> memref<1x1x80xi32, #tpu.memory_space<vmem>>
    %dma_start3A_364 = tpu.memref_squeeze %dma_start3A_363 : memref<1x1x80xi32, #tpu.memory_space<vmem>> -> memref<80xi32, #tpu.memory_space<vmem>>
    %dma_start3A_365 = arith.constant 0 : i32
    %dma_start3A_366 = arith.constant 0 : i32
    %dma_start3A_367 = tpu.memref_slice %arg2[%dma_start3A_365, %dma_start3A_366] : memref<10240x128xf32, #tpu.memory_space<hbm>> -> memref<10240x128xf32, #tpu.memory_space<hbm>>
    tpu.enqueue_indirect_dma source(%dma_start3A_367 : memref<10240x128xf32, #tpu.memory_space<hbm>>) target(%dma_start3A_361 : memref<80x128xf32, #tpu.memory_space<vmem>>) offsets(%dma_start3A_364 : memref<80xi32, #tpu.memory_space<vmem>>) semaphore(%arg17 : memref<!tpu.dma_semaphore, #tpu.memory_space<semaphore_mem>>)
    %dma_wait3A_368 = arith.constant 3 : i32
    %dma_wait3A_369 = arith.constant 0 : i32
    %dma_wait3A_370 = arith.constant 3 : i32
    %dma_wait3A_371 = arith.constant 0 : i32
    %dma_wait3A_372 = arith.constant 0 : i32
    %dma_wait3A_373 = tpu.memref_slice %arg7[%dma_wait3A_370, %dma_wait3A_371, %dma_wait3A_372] : memref<4x80x128xf32, #tpu.memory_space<vmem>> -> memref<1x80x128xf32, #tpu.memory_space<vmem>>
    %dma_wait3A_374 = tpu.memref_squeeze %dma_wait3A_373 : memref<1x80x128xf32, #tpu.memory_space<vmem>> -> memref<80x128xf32, #tpu.memory_space<vmem>>
    %dma_wait3A_375 = arith.constant 0 : i32
    %dma_wait3A_376 = tpu.memref_slice %arg6[%dma_wait3A_368, %dma_wait3A_369, %dma_wait3A_375] : memref<8x2x80xi32, #tpu.memory_space<vmem>> -> memref<1x1x80xi32, #tpu.memory_space<vmem>>
    %dma_wait3A_377 = tpu.memref_squeeze %dma_wait3A_376 : memref<1x1x80xi32, #tpu.memory_space<vmem>> -> memref<80xi32, #tpu.memory_space<vmem>>
    %dma_wait3A_378 = arith.constant 0 : i32
    %dma_wait3A_379 = arith.constant 0 : i32
    %dma_wait3A_380 = tpu.memref_slice %arg2[%dma_wait3A_378, %dma_wait3A_379] : memref<10240x128xf32, #tpu.memory_space<hbm>> -> memref<10240x128xf32, #tpu.memory_space<hbm>>
    tpu.wait_indirect_dma semaphore(%arg20 : memref<!tpu.dma_semaphore, #tpu.memory_space<semaphore_mem>>) src(%dma_wait3A_380 : memref<10240x128xf32, #tpu.memory_space<hbm>>) dst(%dma_wait3A_374 : memref<80x128xf32, #tpu.memory_space<vmem>>)
    %dma_start3A_381 = arith.constant 3 : i32
    %dma_start3A_382 = arith.constant 3 : i32
    %dma_start3A_383 = arith.constant 1 : i32
    %dma_start3A_384 = arith.constant 0 : i32
    %dma_start3A_385 = arith.constant 0 : i32
    %dma_start3A_386 = tpu.memref_slice %arg7[%dma_start3A_381, %dma_start3A_384, %dma_start3A_385] : memref<4x80x128xf32, #tpu.memory_space<vmem>> -> memref<1x80x128xf32, #tpu.memory_space<vmem>>
    %dma_start3A_387 = tpu.memref_squeeze %dma_start3A_386 : memref<1x80x128xf32, #tpu.memory_space<vmem>> -> memref<80x128xf32, #tpu.memory_space<vmem>>
    %dma_start3A_388 = arith.constant 0 : i32
    %dma_start3A_389 = tpu.memref_slice %arg6[%dma_start3A_382, %dma_start3A_383, %dma_start3A_388] : memref<8x2x80xi32, #tpu.memory_space<vmem>> -> memref<1x1x80xi32, #tpu.memory_space<vmem>>
    %dma_start3A_390 = tpu.memref_squeeze %dma_start3A_389 : memref<1x1x80xi32, #tpu.memory_space<vmem>> -> memref<80xi32, #tpu.memory_space<vmem>>
    %dma_start3A_391 = arith.constant 0 : i32
    %dma_start3A_392 = arith.constant 0 : i32
    %dma_start3A_393 = tpu.memref_slice %arg8[%dma_start3A_391, %dma_start3A_392] : memref<10240x128xf32, #tpu.memory_space<vmem_shared>> -> memref<10240x128xf32, #tpu.memory_space<vmem_shared>>
    tpu.enqueue_indirect_dma source(%dma_start3A_387 : memref<80x128xf32, #tpu.memory_space<vmem>>) target(%dma_start3A_393 : memref<10240x128xf32, #tpu.memory_space<vmem_shared>>) offsets(%dma_start3A_390 : memref<80xi32, #tpu.memory_space<vmem>>) semaphore(%arg24 : memref<!tpu.dma_semaphore, #tpu.memory_space<semaphore_mem>>) {add = true}
    %dma_wait3A_394 = arith.constant 1 : i32
    %dma_wait3A_395 = arith.constant 0 : i32
    %dma_wait3A_396 = arith.constant 1 : i32
    %dma_wait3A_397 = arith.constant 0 : i32
    %dma_wait3A_398 = arith.constant 0 : i32
    %dma_wait3A_399 = tpu.memref_slice %arg7[%dma_wait3A_394, %dma_wait3A_397, %dma_wait3A_398] : memref<4x80x128xf32, #tpu.memory_space<vmem>> -> memref<1x80x128xf32, #tpu.memory_space<vmem>>
    %dma_wait3A_400 = tpu.memref_squeeze %dma_wait3A_399 : memref<1x80x128xf32, #tpu.memory_space<vmem>> -> memref<80x128xf32, #tpu.memory_space<vmem>>
    %dma_wait3A_401 = arith.constant 0 : i32
    %dma_wait3A_402 = tpu.memref_slice %arg6[%dma_wait3A_395, %dma_wait3A_396, %dma_wait3A_401] : memref<8x2x80xi32, #tpu.memory_space<vmem>> -> memref<1x1x80xi32, #tpu.memory_space<vmem>>
    %dma_wait3A_403 = tpu.memref_squeeze %dma_wait3A_402 : memref<1x1x80xi32, #tpu.memory_space<vmem>> -> memref<80xi32, #tpu.memory_space<vmem>>
    %dma_wait3A_404 = arith.constant 0 : i32
    %dma_wait3A_405 = arith.constant 0 : i32
    %dma_wait3A_406 = tpu.memref_slice %arg8[%dma_wait3A_404, %dma_wait3A_405] : memref<10240x128xf32, #tpu.memory_space<vmem_shared>> -> memref<10240x128xf32, #tpu.memory_space<vmem_shared>>
    tpu.wait_indirect_dma semaphore(%arg22 : memref<!tpu.dma_semaphore, #tpu.memory_space<semaphore_mem>>) src(%dma_wait3A_400 : memref<80x128xf32, #tpu.memory_space<vmem>>) dst(%dma_wait3A_406 : memref<10240x128xf32, #tpu.memory_space<vmem_shared>>)
    %dma_wait3A_407 = arith.constant 4 : i32
    %dma_wait3A_408 = arith.constant 0 : i32
    %dma_wait3A_409 = arith.constant 0 : i32
    %dma_wait3A_410 = arith.constant 0 : i32
    %dma_wait3A_411 = arith.constant 0 : i32
    %dma_wait3A_412 = tpu.memref_slice %arg7[%dma_wait3A_409, %dma_wait3A_410, %dma_wait3A_411] : memref<4x80x128xf32, #tpu.memory_space<vmem>> -> memref<1x80x128xf32, #tpu.memory_space<vmem>>
    %dma_wait3A_413 = tpu.memref_squeeze %dma_wait3A_412 : memref<1x80x128xf32, #tpu.memory_space<vmem>> -> memref<80x128xf32, #tpu.memory_space<vmem>>
    %dma_wait3A_414 = arith.constant 0 : i32
    %dma_wait3A_415 = tpu.memref_slice %arg6[%dma_wait3A_407, %dma_wait3A_408, %dma_wait3A_414] : memref<8x2x80xi32, #tpu.memory_space<vmem>> -> memref<1x1x80xi32, #tpu.memory_space<vmem>>
    %dma_wait3A_416 = tpu.memref_squeeze %dma_wait3A_415 : memref<1x1x80xi32, #tpu.memory_space<vmem>> -> memref<80xi32, #tpu.memory_space<vmem>>
    %dma_wait3A_417 = arith.constant 0 : i32
    %dma_wait3A_418 = arith.constant 0 : i32
    %dma_wait3A_419 = tpu.memref_slice %arg2[%dma_wait3A_417, %dma_wait3A_418] : memref<10240x128xf32, #tpu.memory_space<hbm>> -> memref<10240x128xf32, #tpu.memory_space<hbm>>
    tpu.wait_indirect_dma semaphore(%arg17 : memref<!tpu.dma_semaphore, #tpu.memory_space<semaphore_mem>>) src(%dma_wait3A_419 : memref<10240x128xf32, #tpu.memory_space<hbm>>) dst(%dma_wait3A_413 : memref<80x128xf32, #tpu.memory_space<vmem>>)
    %dma_start3A_420 = arith.constant 0 : i32
    %dma_start3A_421 = arith.constant 4 : i32
    %dma_start3A_422 = arith.constant 1 : i32
    %dma_start3A_423 = arith.constant 0 : i32
    %dma_start3A_424 = arith.constant 0 : i32
    %dma_start3A_425 = tpu.memref_slice %arg7[%dma_start3A_420, %dma_start3A_423, %dma_start3A_424] : memref<4x80x128xf32, #tpu.memory_space<vmem>> -> memref<1x80x128xf32, #tpu.memory_space<vmem>>
    %dma_start3A_426 = tpu.memref_squeeze %dma_start3A_425 : memref<1x80x128xf32, #tpu.memory_space<vmem>> -> memref<80x128xf32, #tpu.memory_space<vmem>>
    %dma_start3A_427 = arith.constant 0 : i32
    %dma_start3A_428 = tpu.memref_slice %arg6[%dma_start3A_421, %dma_start3A_422, %dma_start3A_427] : memref<8x2x80xi32, #tpu.memory_space<vmem>> -> memref<1x1x80xi32, #tpu.memory_space<vmem>>
    %dma_start3A_429 = tpu.memref_squeeze %dma_start3A_428 : memref<1x1x80xi32, #tpu.memory_space<vmem>> -> memref<80xi32, #tpu.memory_space<vmem>>
    %dma_start3A_430 = arith.constant 0 : i32
    %dma_start3A_431 = arith.constant 0 : i32
    %dma_start3A_432 = tpu.memref_slice %arg8[%dma_start3A_430, %dma_start3A_431] : memref<10240x128xf32, #tpu.memory_space<vmem_shared>> -> memref<10240x128xf32, #tpu.memory_space<vmem_shared>>
    tpu.enqueue_indirect_dma source(%dma_start3A_426 : memref<80x128xf32, #tpu.memory_space<vmem>>) target(%dma_start3A_432 : memref<10240x128xf32, #tpu.memory_space<vmem_shared>>) offsets(%dma_start3A_429 : memref<80xi32, #tpu.memory_space<vmem>>) semaphore(%arg21 : memref<!tpu.dma_semaphore, #tpu.memory_space<semaphore_mem>>) {add = true}
    %dma_wait3A_433 = arith.constant 2 : i32
    %dma_wait3A_434 = arith.constant 0 : i32
    %dma_wait3A_435 = arith.constant 1 : i32
    %dma_wait3A_436 = arith.constant 0 : i32
    %dma_wait3A_437 = arith.constant 0 : i32
    %dma_wait3A_438 = tpu.memref_slice %arg7[%dma_wait3A_433, %dma_wait3A_436, %dma_wait3A_437] : memref<4x80x128xf32, #tpu.memory_space<vmem>> -> memref<1x80x128xf32, #tpu.memory_space<vmem>>
    %dma_wait3A_439 = tpu.memref_squeeze %dma_wait3A_438 : memref<1x80x128xf32, #tpu.memory_space<vmem>> -> memref<80x128xf32, #tpu.memory_space<vmem>>
    %dma_wait3A_440 = arith.constant 0 : i32
    %dma_wait3A_441 = tpu.memref_slice %arg6[%dma_wait3A_434, %dma_wait3A_435, %dma_wait3A_440] : memref<8x2x80xi32, #tpu.memory_space<vmem>> -> memref<1x1x80xi32, #tpu.memory_space<vmem>>
    %dma_wait3A_442 = tpu.memref_squeeze %dma_wait3A_441 : memref<1x1x80xi32, #tpu.memory_space<vmem>> -> memref<80xi32, #tpu.memory_space<vmem>>
    %dma_wait3A_443 = arith.constant 0 : i32
    %dma_wait3A_444 = arith.constant 0 : i32
    %dma_wait3A_445 = tpu.memref_slice %arg8[%dma_wait3A_443, %dma_wait3A_444] : memref<10240x128xf32, #tpu.memory_space<vmem_shared>> -> memref<10240x128xf32, #tpu.memory_space<vmem_shared>>
    tpu.wait_indirect_dma semaphore(%arg23 : memref<!tpu.dma_semaphore, #tpu.memory_space<semaphore_mem>>) src(%dma_wait3A_439 : memref<80x128xf32, #tpu.memory_space<vmem>>) dst(%dma_wait3A_445 : memref<10240x128xf32, #tpu.memory_space<vmem_shared>>)
    %dma_wait3A_446 = arith.constant 0 : i32
    %dma_wait3A_447 = arith.constant 0 : i32
    %dma_wait3A_448 = arith.constant 1 : i32
    %dma_wait3A_449 = arith.constant 0 : i32
    %dma_wait3A_450 = arith.constant 0 : i32
    %dma_wait3A_451 = tpu.memref_slice %arg7[%dma_wait3A_446, %dma_wait3A_449, %dma_wait3A_450] : memref<4x80x128xf32, #tpu.memory_space<vmem>> -> memref<1x80x128xf32, #tpu.memory_space<vmem>>
    %dma_wait3A_452 = tpu.memref_squeeze %dma_wait3A_451 : memref<1x80x128xf32, #tpu.memory_space<vmem>> -> memref<80x128xf32, #tpu.memory_space<vmem>>
    %dma_wait3A_453 = arith.constant 0 : i32
    %dma_wait3A_454 = tpu.memref_slice %arg6[%dma_wait3A_447, %dma_wait3A_448, %dma_wait3A_453] : memref<8x2x80xi32, #tpu.memory_space<vmem>> -> memref<1x1x80xi32, #tpu.memory_space<vmem>>
    %dma_wait3A_455 = tpu.memref_squeeze %dma_wait3A_454 : memref<1x1x80xi32, #tpu.memory_space<vmem>> -> memref<80xi32, #tpu.memory_space<vmem>>
    %dma_wait3A_456 = arith.constant 0 : i32
    %dma_wait3A_457 = arith.constant 0 : i32
    %dma_wait3A_458 = tpu.memref_slice %arg8[%dma_wait3A_456, %dma_wait3A_457] : memref<10240x128xf32, #tpu.memory_space<vmem_shared>> -> memref<10240x128xf32, #tpu.memory_space<vmem_shared>>
    tpu.wait_indirect_dma semaphore(%arg21 : memref<!tpu.dma_semaphore, #tpu.memory_space<semaphore_mem>>) src(%dma_wait3A_452 : memref<80x128xf32, #tpu.memory_space<vmem>>) dst(%dma_wait3A_458 : memref<10240x128xf32, #tpu.memory_space<vmem_shared>>)
    %dma_wait3A_459 = arith.constant 3 : i32
    %dma_wait3A_460 = arith.constant 0 : i32
    %dma_wait3A_461 = arith.constant 1 : i32
    %dma_wait3A_462 = arith.constant 0 : i32
    %dma_wait3A_463 = arith.constant 0 : i32
    %dma_wait3A_464 = tpu.memref_slice %arg7[%dma_wait3A_459, %dma_wait3A_462, %dma_wait3A_463] : memref<4x80x128xf32, #tpu.memory_space<vmem>> -> memref<1x80x128xf32, #tpu.memory_space<vmem>>
    %dma_wait3A_465 = tpu.memref_squeeze %dma_wait3A_464 : memref<1x80x128xf32, #tpu.memory_space<vmem>> -> memref<80x128xf32, #tpu.memory_space<vmem>>
    %dma_wait3A_466 = arith.constant 0 : i32
    %dma_wait3A_467 = tpu.memref_slice %arg6[%dma_wait3A_460, %dma_wait3A_461, %dma_wait3A_466] : memref<8x2x80xi32, #tpu.memory_space<vmem>> -> memref<1x1x80xi32, #tpu.memory_space<vmem>>
    %dma_wait3A_468 = tpu.memref_squeeze %dma_wait3A_467 : memref<1x1x80xi32, #tpu.memory_space<vmem>> -> memref<80xi32, #tpu.memory_space<vmem>>
    %dma_wait3A_469 = arith.constant 0 : i32
    %dma_wait3A_470 = arith.constant 0 : i32
    %dma_wait3A_471 = tpu.memref_slice %arg8[%dma_wait3A_469, %dma_wait3A_470] : memref<10240x128xf32, #tpu.memory_space<vmem_shared>> -> memref<10240x128xf32, #tpu.memory_space<vmem_shared>>
    tpu.wait_indirect_dma semaphore(%arg24 : memref<!tpu.dma_semaphore, #tpu.memory_space<semaphore_mem>>) src(%dma_wait3A_465 : memref<80x128xf32, #tpu.memory_space<vmem>>) dst(%dma_wait3A_471 : memref<10240x128xf32, #tpu.memory_space<vmem_shared>>)
    %barrier3A_472 = arith.constant 0 : index
    tpu.barrier barrier_id(%barrier3A_472)
    %mul3A_473 = arith.constant 640 : i32
    %mul3A_474 = arith.muli %arg1, %mul3A_473 : i32
    %mul3A_475 = arith.constant 640 : i32
    %mul3A_476 = arith.muli %arg1, %mul3A_475 : i32
    "tpu.region"() ({
      %run_scoped3A = tpu.sem_alloc : memref<!tpu.dma_semaphore, #tpu.memory_space<semaphore_mem>>
      %dma_start3A_477 = arith.constant 0 : i32
      %dma_start3A_478 = tpu.memref_slice %arg5[%arg0, %mul3A_476, %dma_start3A_477] : memref<2x10240x128xf32, #tpu.memory_space<hbm>> -> memref<1x640x128xf32, #tpu.memory_space<hbm>>
      %dma_start3A_479 = tpu.memref_squeeze %dma_start3A_478 : memref<1x640x128xf32, #tpu.memory_space<hbm>> -> memref<640x128xf32, #tpu.memory_space<hbm>>
      %dma_start3A_480 = arith.constant 0 : i32
      %dma_start3A_481 = tpu.memref_slice %arg8[%mul3A_474, %dma_start3A_480] : memref<10240x128xf32, #tpu.memory_space<vmem_shared>> -> memref<640x128xf32, #tpu.memory_space<vmem_shared>>
      tpu.enqueue_dma source(%dma_start3A_481 : memref<640x128xf32, #tpu.memory_space<vmem_shared>>) target(%dma_start3A_479 : memref<640x128xf32, #tpu.memory_space<hbm>>) target_semaphore(%run_scoped3A : memref<!tpu.dma_semaphore, #tpu.memory_space<semaphore_mem>>)
      %dma_wait3A_482 = arith.constant 0 : i32
      %dma_wait3A_483 = tpu.memref_slice %arg5[%arg0, %mul3A_476, %dma_wait3A_482] : memref<2x10240x128xf32, #tpu.memory_space<hbm>> -> memref<1x640x128xf32, #tpu.memory_space<hbm>>
      %dma_wait3A_484 = tpu.memref_squeeze %dma_wait3A_483 : memref<1x640x128xf32, #tpu.memory_space<hbm>> -> memref<640x128xf32, #tpu.memory_space<hbm>>
      %dma_wait3A_485 = arith.constant 0 : i32
      %dma_wait3A_486 = tpu.memref_slice %arg8[%mul3A_474, %dma_wait3A_485] : memref<10240x128xf32, #tpu.memory_space<vmem_shared>> -> memref<640x128xf32, #tpu.memory_space<vmem_shared>>
      tpu.wait_dma2 semaphore(%run_scoped3A : memref<!tpu.dma_semaphore, #tpu.memory_space<semaphore_mem>>) src(%dma_wait3A_486 : memref<640x128xf32, #tpu.memory_space<vmem_shared>>) dst(%dma_wait3A_484 : memref<640x128xf32, #tpu.memory_space<hbm>>)
      tpu.yield
    }) : () -> ()
    return
  }
}

module attributes {stable_mosaic.version = 14 : i64} {
  func.func @_mm1_body(%arg0: i32, %arg1: memref<1024x128xf32, #tpu.memory_space<vmem>>, %arg2: memref<128x128xf32, #tpu.memory_space<vmem>>, %arg3: memref<2x1024xf32, #tpu.memory_space<vmem>>, %arg4: memref<1024x128xf32, #tpu.memory_space<vmem>>) attributes {dimension_semantics = [#tpu.dimension_semantics<arbitrary>], iteration_bounds = array<i64: 10>, scalar_prefetch = 0 : i64, scratch_operands = 0 : i64, tpu.core_type = #tpu.core_type<tc>, window_params = [{transform_indices = @transform_0, window_bounds = array<i64: 1024, 128>}, {pipeline_mode = #tpu.pipeline_mode<synchronous>, transform_indices = @transform_1, window_bounds = array<i64: 128, 128>}, {transform_indices = @transform_2, window_bounds = array<i64: 2, 1024>}, {transform_indices = @transform_3, window_bounds = array<i64: 1024, 128>}]} {
    %get3A = arith.constant 0 : index
    %get3A_0 = arith.constant 0 : index
    %get3A_1 = vector.load %arg1[%get3A, %get3A_0] : memref<1024x128xf32, #tpu.memory_space<vmem>>, vector<1024x128xf32>
    %get3A_2 = arith.constant 0 : index
    %get3A_3 = arith.constant 0 : index
    %get3A_4 = vector.load %arg2[%get3A_2, %get3A_3] : memref<128x128xf32, #tpu.memory_space<vmem>>, vector<128x128xf32>
    %dot_general3A = arith.constant dense<0.000000e+00> : vector<1024x128xf32>
    %dot_general3A_5 = tpu.matmul %get3A_1, %get3A_4, %dot_general3A {dimension_numbers = #tpu.dot_dimension_numbers<[1], [0], [0], [1], [0, 0, 1, 1], [], []>, transpose_lhs_hint = false} : vector<1024x128xf32>, vector<128x128xf32>, vector<1024x128xf32> -> vector<1024x128xf32>
    %get3A_6 = arith.constant 0 : index
    %get3A_7 = arith.constant 0 : index
    %get3A_8 = vector.load %arg3[%get3A_6, %get3A_7] : memref<2x1024xf32, #tpu.memory_space<vmem>>, vector<1x1024xf32>
    %get3A_9 = vector.shape_cast %get3A_8 : vector<1x1024xf32> to vector<1024xf32>
    %max3A = arith.constant 1.000000e+00 : f32
    %max3A_10 = vector.broadcast %max3A : f32 to vector<1024xf32>
    %max3A_11 = arith.maximumf %get3A_9, %max3A_10 : vector<1024xf32>
    %rsqrt3A = math.rsqrt %max3A_11 : vector<1024xf32>
    %broadcast_in_dim3A = vector.shape_cast %rsqrt3A : vector<1024xf32> to vector<1024x1xf32>
    %mul3A = vector.broadcast %broadcast_in_dim3A : vector<1024x1xf32> to vector<1024x128xf32>
    %mul3A_12 = arith.mulf %dot_general3A_5, %mul3A : vector<1024x128xf32>
    %swap3A = arith.constant 0 : index
    %swap3A_13 = arith.constant 0 : index
    %swap3A_14 = vector.load %arg4[%swap3A, %swap3A_13] : memref<1024x128xf32, #tpu.memory_space<vmem>>, vector<1024x128xf32>
    tpu.vector_store %arg4[%swap3A, %swap3A_13], %mul3A_12 {strides = array<i32>} : memref<1024x128xf32, #tpu.memory_space<vmem>>, vector<1024x128xf32>,
    return
  }
  func.func @transform_0(%arg0: i32) -> (i32, i32) {
    %c0_i32 = arith.constant 0 : i32
    %c0_i32_0 = arith.constant 0 : i32
    return %arg0, %c0_i32 : i32, i32
  }
  func.func @transform_1(%arg0: i32) -> (i32, i32) {
    %c0_i32 = arith.constant 0 : i32
    %c0_i32_0 = arith.constant 0 : i32
    %c0_i32_1 = arith.constant 0 : i32
    return %c0_i32, %c0_i32_0 : i32, i32
  }
  func.func @transform_2(%arg0: i32) -> (i32, i32) {
    %c0_i32 = arith.constant 0 : i32
    %c0_i32_0 = arith.constant 0 : i32
    return %c0_i32, %arg0 : i32, i32
  }
  func.func @transform_3(%arg0: i32) -> (i32, i32) {
    %c0_i32 = arith.constant 0 : i32
    %c0_i32_0 = arith.constant 0 : i32
    return %arg0, %c0_i32 : i32, i32
  }
}

module attributes {stable_mosaic.version = 14 : i64} {
  func.func @_layer2_body(%arg0: i32, %arg1: memref<2x1024x128xf32, #tpu.memory_space<vmem>>, %arg2: memref<2x1024xf32, #tpu.memory_space<vmem>>, %arg3: memref<1x128xf32, #tpu.memory_space<vmem>>, %arg4: memref<128x128xf32, #tpu.memory_space<vmem>>, %arg5: memref<1024x128xf32, #tpu.memory_space<vmem>>) attributes {dimension_semantics = [#tpu.dimension_semantics<arbitrary>], iteration_bounds = array<i64: 10>, scalar_prefetch = 0 : i64, scratch_operands = 0 : i64, tpu.core_type = #tpu.core_type<tc>, window_params = [{transform_indices = @transform_0, window_bounds = array<i64: 2, 1024, 128>}, {transform_indices = @transform_1, window_bounds = array<i64: 2, 1024>}, {pipeline_mode = #tpu.pipeline_mode<synchronous>, transform_indices = @transform_2, window_bounds = array<i64: 1, 128>}, {pipeline_mode = #tpu.pipeline_mode<synchronous>, transform_indices = @transform_3, window_bounds = array<i64: 128, 128>}, {transform_indices = @transform_4, window_bounds = array<i64: 1024, 128>}]} {
    %get3A = arith.constant 0 : index
    %get3A_0 = arith.constant 0 : index
    %get3A_1 = arith.constant 0 : index
    %get3A_2 = vector.load %arg1[%get3A, %get3A_0, %get3A_1] : memref<2x1024x128xf32, #tpu.memory_space<vmem>>, vector<1x1024x128xf32>
    %get3A_3 = vector.shape_cast %get3A_2 : vector<1x1024x128xf32> to vector<1024x128xf32>
    %get3A_4 = arith.constant 1 : index
    %get3A_5 = arith.constant 0 : index
    %get3A_6 = arith.constant 0 : index
    %get3A_7 = vector.load %arg1[%get3A_4, %get3A_5, %get3A_6] : memref<2x1024x128xf32, #tpu.memory_space<vmem>>, vector<1x1024x128xf32>
    %get3A_8 = vector.shape_cast %get3A_7 : vector<1x1024x128xf32> to vector<1024x128xf32>
    %add3A = arith.addf %get3A_3, %get3A_8 : vector<1024x128xf32>
    %get3A_9 = arith.constant 0 : index
    %get3A_10 = arith.constant 0 : index
    %get3A_11 = vector.load %arg2[%get3A_9, %get3A_10] : memref<2x1024xf32, #tpu.memory_space<vmem>>, vector<1x1024xf32>
    %get3A_12 = vector.shape_cast %get3A_11 : vector<1x1024xf32> to vector<1024xf32>
    %max3A = arith.constant 1.000000e+00 : f32
    %max3A_13 = vector.broadcast %max3A : f32 to vector<1024xf32>
    %max3A_14 = arith.maximumf %get3A_12, %max3A_13 : vector<1024xf32>
    %rsqrt3A = math.rsqrt %max3A_14 : vector<1024xf32>
    %get3A_15 = arith.constant 1 : index
    %get3A_16 = arith.constant 0 : index
    %get3A_17 = vector.load %arg2[%get3A_15, %get3A_16] : memref<2x1024xf32, #tpu.memory_space<vmem>>, vector<1x1024xf32>
    %get3A_18 = vector.shape_cast %get3A_17 : vector<1x1024xf32> to vector<1024xf32>
    %max3A_19 = arith.constant 1.000000e+00 : f32
    %max3A_20 = vector.broadcast %max3A_19 : f32 to vector<1024xf32>
    %max3A_21 = arith.maximumf %get3A_18, %max3A_20 : vector<1024xf32>
    %rsqrt3A_22 = math.rsqrt %max3A_21 : vector<1024xf32>
    %broadcast_in_dim3A = vector.shape_cast %rsqrt3A_22 : vector<1024xf32> to vector<1024x1xf32>
    %mul3A = vector.broadcast %broadcast_in_dim3A : vector<1024x1xf32> to vector<1024x128xf32>
    %mul3A_23 = arith.mulf %add3A, %mul3A : vector<1024x128xf32>
    %get3A_24 = arith.constant 0 : index
    %get3A_25 = arith.constant 0 : index
    %get3A_26 = vector.load %arg3[%get3A_24, %get3A_25] : memref<1x128xf32, #tpu.memory_space<vmem>>, vector<1x128xf32>
    %add3A_27 = vector.broadcast %get3A_26 : vector<1x128xf32> to vector<1024x128xf32>
    %add3A_28 = arith.addf %mul3A_23, %add3A_27 : vector<1024x128xf32>
    %max3A_29 = arith.constant 0.000000e+00 : f32
    %max3A_30 = vector.broadcast %max3A_29 : f32 to vector<1024x128xf32>
    %max3A_31 = arith.maximumf %add3A_28, %max3A_30 : vector<1024x128xf32>
    %get3A_32 = arith.constant 0 : index
    %get3A_33 = arith.constant 0 : index
    %get3A_34 = vector.load %arg4[%get3A_32, %get3A_33] : memref<128x128xf32, #tpu.memory_space<vmem>>, vector<128x128xf32>
    %dot_general3A = arith.constant dense<0.000000e+00> : vector<1024x128xf32>
    %dot_general3A_35 = tpu.matmul %max3A_31, %get3A_34, %dot_general3A {dimension_numbers = #tpu.dot_dimension_numbers<[1], [0], [0], [1], [0, 0, 1, 1], [], []>, transpose_lhs_hint = false} : vector<1024x128xf32>, vector<128x128xf32>, vector<1024x128xf32> -> vector<1024x128xf32>
    %broadcast_in_dim3A_36 = vector.shape_cast %rsqrt3A : vector<1024xf32> to vector<1024x1xf32>
    %mul3A_37 = vector.broadcast %broadcast_in_dim3A_36 : vector<1024x1xf32> to vector<1024x128xf32>
    %mul3A_38 = arith.mulf %dot_general3A_35, %mul3A_37 : vector<1024x128xf32>
    %swap3A = arith.constant 0 : index
    %swap3A_39 = arith.constant 0 : index
    %swap3A_40 = vector.load %arg5[%swap3A, %swap3A_39] : memref<1024x128xf32, #tpu.memory_space<vmem>>, vector<1024x128xf32>
    tpu.vector_store %arg5[%swap3A, %swap3A_39], %mul3A_38 {strides = array<i32>} : memref<1024x128xf32, #tpu.memory_space<vmem>>, vector<1024x128xf32>,
    return
  }
  func.func @transform_0(%arg0: i32) -> (i32, i32, i32) {
    %c0_i32 = arith.constant 0 : i32
    %c0_i32_0 = arith.constant 0 : i32
    %c0_i32_1 = arith.constant 0 : i32
    return %c0_i32, %arg0, %c0_i32_0 : i32, i32, i32
  }
  func.func @transform_1(%arg0: i32) -> (i32, i32) {
    %c0_i32 = arith.constant 0 : i32
    %c0_i32_0 = arith.constant 0 : i32
    return %c0_i32, %arg0 : i32, i32
  }
  func.func @transform_2(%arg0: i32) -> (i32, i32) {
    %c0_i32 = arith.constant 0 : i32
    %c0_i32_0 = arith.constant 0 : i32
    %c0_i32_1 = arith.constant 0 : i32
    return %c0_i32, %c0_i32_0 : i32, i32
  }
  func.func @transform_3(%arg0: i32) -> (i32, i32) {
    %c0_i32 = arith.constant 0 : i32
    %c0_i32_0 = arith.constant 0 : i32
    %c0_i32_1 = arith.constant 0 : i32
    return %c0_i32, %c0_i32_0 : i32, i32
  }
  func.func @transform_4(%arg0: i32) -> (i32, i32) {
    %c0_i32 = arith.constant 0 : i32
    %c0_i32_0 = arith.constant 0 : i32
    return %arg0, %c0_i32 : i32, i32
  }
}

module attributes {stable_mosaic.version = 14 : i64} {
  func.func @_final_body(%arg0: i32, %arg1: memref<2x1024x128xf32, #tpu.memory_space<vmem>>, %arg2: memref<2x1024xf32, #tpu.memory_space<vmem>>, %arg3: memref<1x128xf32, #tpu.memory_space<vmem>>, %arg4: memref<128x40xf32, #tpu.memory_space<vmem>>, %arg5: memref<1x40xf32, #tpu.memory_space<vmem>>, %arg6: memref<1x40xf32, #tpu.memory_space<vmem>>, %arg7: memref<1x128xf32, #tpu.memory_space<vmem>>) attributes {dimension_semantics = [#tpu.dimension_semantics<arbitrary>], iteration_bounds = array<i64: 10>, scalar_prefetch = 0 : i64, scratch_operands = 1 : i64, tpu.core_type = #tpu.core_type<tc>, window_params = [{transform_indices = @transform_0, window_bounds = array<i64: 2, 1024, 128>}, {transform_indices = @transform_1, window_bounds = array<i64: 2, 1024>}, {pipeline_mode = #tpu.pipeline_mode<synchronous>, transform_indices = @transform_2, window_bounds = array<i64: 1, 128>}, {pipeline_mode = #tpu.pipeline_mode<synchronous>, transform_indices = @transform_3, window_bounds = array<i64: 128, 40>}, {pipeline_mode = #tpu.pipeline_mode<synchronous>, transform_indices = @transform_4, window_bounds = array<i64: 1, 40>}, {pipeline_mode = #tpu.pipeline_mode<synchronous>, transform_indices = @transform_5, window_bounds = array<i64: 1, 40>}]} {
    %get3A = arith.constant 0 : index
    %get3A_0 = arith.constant 0 : index
    %get3A_1 = arith.constant 0 : index
    %get3A_2 = vector.load %arg1[%get3A, %get3A_0, %get3A_1] : memref<2x1024x128xf32, #tpu.memory_space<vmem>>, vector<1x1024x128xf32>
    %get3A_3 = vector.shape_cast %get3A_2 : vector<1x1024x128xf32> to vector<1024x128xf32>
    %get3A_4 = arith.constant 1 : index
    %get3A_5 = arith.constant 0 : index
    %get3A_6 = arith.constant 0 : index
    %get3A_7 = vector.load %arg1[%get3A_4, %get3A_5, %get3A_6] : memref<2x1024x128xf32, #tpu.memory_space<vmem>>, vector<1x1024x128xf32>
    %get3A_8 = vector.shape_cast %get3A_7 : vector<1x1024x128xf32> to vector<1024x128xf32>
    %add3A = arith.addf %get3A_3, %get3A_8 : vector<1024x128xf32>
    %get3A_9 = arith.constant 1 : index
    %get3A_10 = arith.constant 0 : index
    %get3A_11 = vector.load %arg2[%get3A_9, %get3A_10] : memref<2x1024xf32, #tpu.memory_space<vmem>>, vector<1x1024xf32>
    %get3A_12 = vector.shape_cast %get3A_11 : vector<1x1024xf32> to vector<1024xf32>
    %max3A = arith.constant 1.000000e+00 : f32
    %max3A_13 = vector.broadcast %max3A : f32 to vector<1024xf32>
    %max3A_14 = arith.maximumf %get3A_12, %max3A_13 : vector<1024xf32>
    %rsqrt3A = math.rsqrt %max3A_14 : vector<1024xf32>
    %broadcast_in_dim3A = vector.shape_cast %rsqrt3A : vector<1024xf32> to vector<1024x1xf32>
    %mul3A = vector.broadcast %broadcast_in_dim3A : vector<1024x1xf32> to vector<1024x128xf32>
    %mul3A_15 = arith.mulf %add3A, %mul3A : vector<1024x128xf32>
    %get3A_16 = arith.constant 0 : index
    %get3A_17 = arith.constant 0 : index
    %get3A_18 = vector.load %arg3[%get3A_16, %get3A_17] : memref<1x128xf32, #tpu.memory_space<vmem>>, vector<1x128xf32>
    %add3A_19 = vector.broadcast %get3A_18 : vector<1x128xf32> to vector<1024x128xf32>
    %add3A_20 = arith.addf %mul3A_15, %add3A_19 : vector<1024x128xf32>
    %max3A_21 = arith.constant 0.000000e+00 : f32
    %max3A_22 = vector.broadcast %max3A_21 : f32 to vector<1024x128xf32>
    %max3A_23 = arith.maximumf %add3A_20, %max3A_22 : vector<1024x128xf32>
    %mul3A_24 = arith.constant 1024 : i32
    %mul3A_25 = arith.muli %arg0, %mul3A_24 : i32
    %iota3A = tpu.iota {dimensions = array<i32: 0>} : vector<1024x1xi32>
    %add3A_26 = vector.broadcast %mul3A_25 : i32 to vector<1024x1xi32>
    %add3A_27 = arith.addi %add3A_26, %iota3A : vector<1024x1xi32>
    %lt3A = arith.constant 10000 : i32
    %lt3A_28 = vector.broadcast %lt3A : i32 to vector<1024x1xi32>
    %lt3A_29 = arith.cmpi slt, %add3A_27, %lt3A_28 : vector<1024x1xi32>
    %jit3A = arith.constant 0.000000e+00 : f32
    %broadcast_in_dim3A_30 = vector.shape_cast %lt3A_29 : vector<1024x1xi1> to vector<1024x1xi1>
    %broadcast_in_dim3A_31 = vector.broadcast %broadcast_in_dim3A_30 : vector<1024x1xi1> to vector<1024x128xi1>
    %broadcast_in_dim3A_32 = vector.broadcast %jit3A : f32 to vector<1024x128xf32>
    %select_n3A = arith.select %broadcast_in_dim3A_31, %max3A_23, %broadcast_in_dim3A_32 : vector<1024x128xi1>, vector<1024x128xf32>
    %reduce_sum3A = arith.constant dense<0.000000e+00> : vector<128xf32>
    %reduce_sum3A_33 = vector.multi_reduction <add>, %select_n3A, %reduce_sum3A [0] : vector<1024x128xf32> to vector<128xf32>
    %broadcast_in_dim3A_34 = vector.shape_cast %reduce_sum3A_33 : vector<128xf32> to vector<1x128xf32>
    %eq3A = arith.constant 0 : i32
    %eq3A_35 = arith.cmpi eq, %arg0, %eq3A : i32
    %convert_element_type3A = arith.extui %eq3A_35 : i1 to i32
    %cond3A = arith.constant 0 : i32
    %cond3A_36 = arith.cmpi ne, %convert_element_type3A, %cond3A : i32
    scf.if %cond3A_36 {
      %swap3A = arith.constant 0 : index
      %swap3A_46 = arith.constant 0 : index
      %swap3A_47 = vector.load %arg7[%swap3A, %swap3A_46] : memref<1x128xf32, #tpu.memory_space<vmem>>, vector<1x128xf32>
      tpu.vector_store %arg7[%swap3A, %swap3A_46], %broadcast_in_dim3A_34 {strides = array<i32>} : memref<1x128xf32, #tpu.memory_space<vmem>>, vector<1x128xf32>,
    } else {
    }
    %gt3A = arith.constant 0 : i32
    %gt3A_37 = arith.cmpi sgt, %arg0, %gt3A : i32
    %convert_element_type3A_38 = arith.extui %gt3A_37 : i1 to i32
    %cond3A_39 = arith.constant 0 : i32
    %cond3A_40 = arith.cmpi ne, %convert_element_type3A_38, %cond3A_39 : i32
    scf.if %cond3A_40 {
      %get3A_46 = arith.constant 0 : index
      %get3A_47 = arith.constant 0 : index
      %get3A_48 = vector.load %arg7[%get3A_46, %get3A_47] : memref<1x128xf32, #tpu.memory_space<vmem>>, vector<1x128xf32>
      %add3A_49 = arith.addf %get3A_48, %broadcast_in_dim3A_34 : vector<1x128xf32>
      %swap3A = arith.constant 0 : index
      %swap3A_50 = arith.constant 0 : index
      %swap3A_51 = vector.load %arg7[%swap3A, %swap3A_50] : memref<1x128xf32, #tpu.memory_space<vmem>>, vector<1x128xf32>
      tpu.vector_store %arg7[%swap3A, %swap3A_50], %add3A_49 {strides = array<i32>} : memref<1x128xf32, #tpu.memory_space<vmem>>, vector<1x128xf32>,
    } else {
    }
    %eq3A_41 = arith.constant 9 : i32
    %eq3A_42 = arith.cmpi eq, %arg0, %eq3A_41 : i32
    %convert_element_type3A_43 = arith.extui %eq3A_42 : i1 to i32
    %cond3A_44 = arith.constant 0 : i32
    %cond3A_45 = arith.cmpi ne, %convert_element_type3A_43, %cond3A_44 : i32
    scf.if %cond3A_45 {
      %get3A_46 = arith.constant 0 : index
      %get3A_47 = arith.constant 0 : index
      %get3A_48 = vector.load %arg7[%get3A_46, %get3A_47] : memref<1x128xf32, #tpu.memory_space<vmem>>, vector<1x128xf32>
      %mul3A_49 = arith.constant 9.99999974E-5 : f32
      %mul3A_50 = vector.broadcast %mul3A_49 : f32 to vector<1x128xf32>
      %mul3A_51 = arith.mulf %get3A_48, %mul3A_50 : vector<1x128xf32>
      %get3A_52 = arith.constant 0 : index
      %get3A_53 = arith.constant 0 : index
      %get3A_54 = vector.load %arg4[%get3A_52, %get3A_53] : memref<128x40xf32, #tpu.memory_space<vmem>>, vector<128x40xf32>
      %dot_general3A = arith.constant dense<0.000000e+00> : vector<1x40xf32>
      %dot_general3A_55 = tpu.matmul %mul3A_51, %get3A_54, %dot_general3A {dimension_numbers = #tpu.dot_dimension_numbers<[1], [0], [0], [1], [0, 0, 1, 1], [], []>, transpose_lhs_hint = false} : vector<1x128xf32>, vector<128x40xf32>, vector<1x40xf32> -> vector<1x40xf32>
      %get3A_56 = arith.constant 0 : index
      %get3A_57 = arith.constant 0 : index
      %get3A_58 = vector.load %arg5[%get3A_56, %get3A_57] : memref<1x40xf32, #tpu.memory_space<vmem>>, vector<1x40xf32>
      %add3A_59 = arith.addf %dot_general3A_55, %get3A_58 : vector<1x40xf32>
      %swap3A = arith.constant 0 : index
      %swap3A_60 = arith.constant 0 : index
      %swap3A_61 = vector.load %arg6[%swap3A, %swap3A_60] : memref<1x40xf32, #tpu.memory_space<vmem>>, vector<1x40xf32>
      tpu.vector_store %arg6[%swap3A, %swap3A_60], %add3A_59 {strides = array<i32>} : memref<1x40xf32, #tpu.memory_space<vmem>>, vector<1x40xf32>,
    } else {
    }
    return
  }
  func.func @transform_0(%arg0: i32) -> (i32, i32, i32) {
    %c0_i32 = arith.constant 0 : i32
    %c0_i32_0 = arith.constant 0 : i32
    %c0_i32_1 = arith.constant 0 : i32
    return %c0_i32, %arg0, %c0_i32_0 : i32, i32, i32
  }
  func.func @transform_1(%arg0: i32) -> (i32, i32) {
    %c0_i32 = arith.constant 0 : i32
    %c0_i32_0 = arith.constant 0 : i32
    return %c0_i32, %arg0 : i32, i32
  }
  func.func @transform_2(%arg0: i32) -> (i32, i32) {
    %c0_i32 = arith.constant 0 : i32
    %c0_i32_0 = arith.constant 0 : i32
    %c0_i32_1 = arith.constant 0 : i32
    return %c0_i32, %c0_i32_0 : i32, i32
  }
  func.func @transform_3(%arg0: i32) -> (i32, i32) {
    %c0_i32 = arith.constant 0 : i32
    %c0_i32_0 = arith.constant 0 : i32
    %c0_i32_1 = arith.constant 0 : i32
    return %c0_i32, %c0_i32_0 : i32, i32
  }
  func.func @transform_4(%arg0: i32) -> (i32, i32) {
    %c0_i32 = arith.constant 0 : i32
    %c0_i32_0 = arith.constant 0 : i32
    %c0_i32_1 = arith.constant 0 : i32
    return %c0_i32, %c0_i32_0 : i32, i32
  }
  func.func @transform_5(%arg0: i32) -> (i32, i32) {
    %c0_i32 = arith.constant 0 : i32
    %c0_i32_0 = arith.constant 0 : i32
    %c0_i32_1 = arith.constant 0 : i32
    return %c0_i32, %c0_i32_0 : i32, i32
  }
}

</mosaic_0001>

<sc_bundles>
// kernel: kernel.11.cloned.1.call-start
scs
__scs_entry_jumppad:
0x0: {  	(pc) =	sbr.rel $0x88, $3  }
0x1: {  	(tag) =	ssettag $0x0;
	lr =	simm.s32 $0x1  }
0x2: {  	[smem:$0x3F99] =	sst lr;
	_ =	strace $0xD0000000  }
0x3: {  	_ = 	snop  }
0x4: {  	_ = 	snop  }
0x5: {  	_ = 	snop  }
0x6: {  	_ = 	snop  }
0x7: {  	_ = 	snop  }
__scs_overlays_trampoline_lowered:
0x8: {  	[smem:$0x3FA8] =	sst s0  }
0x9: {  	[smem:$0x3FA9] =	sst s1  }
0xa: {  	[smem:$0x3FAA] =	sst s2  }
0xb: {  	[smem:$0x3FAB] =	sst s3  }
0xc: {  	[smem:$0x3FAC] =	sst s4  }
0xd: {  	[smem:$0x3FAD] =	sst s5  }
0xe: {  	[smem:$0x3FAE] =	sst s6  }
0xf: {  	[smem:$0x3FAF] =	sst s7  }
0x10: {  	[smem:$0x3FB0] =	sst s8  }
0x11: {  	[smem:$0x3FB1] =	sst s9;
	s0 =	simm.s32 @!p0 $0x0  }
0x12: {  	s1 =	sld [smem:$0x3F97];
	s0 =	simm.s32 @p0 $0x1  }
0x13: {  	[smem:$0x3FB2] =	sst s0;
	s0 =	simm.s32 @!p1 $0x0  }
0x14: {  	s2 =	sld [smem:$0x3F96];
	s0 =	simm.s32 @p1 $0x1  }
0x15: {  	[smem:$0x3FB3] =	sst s0;
	s0 =	simm.s32 @!p2 $0x0  }
0x16: {  	s3 =	sld [smem:$0x3FDB];
	s0 =	simm.s32 @p2 $0x1  }
0x17: {  	s4 =	simm.s32 $0x1BF5;
	[smem:$0x3FB5] =	sst s0  }
0x18: {  	s0 =	sld [smem:$0x3F98];
	_ =	swait.ge [sflag:s4], $0x0  }
0x19: {  	s7 =	sld [smem:$0x3F99]  }
0x1a: {  	s8 =	sadd.s32 $0xFFFFE003, lr  }
0x1b: {  	s9 =	sadd.s32 $0xFFFFFEF7, lr;
	s5 =	simm.s32 $0xFFFFFFFF;
	p2 =	slt.u32 s8, $0xFFFFF086  }
0x1c: {  	p1 =	slt.u32 s9, $0xF7A;
	s5 =	simm.s32 @!p2 $0x0  }
0x1d: {  	s5 =	simm.s32 @p1 $0x1;
	p0 =	seq.s32 s7, s2  }
0x1e: {  	s7 =	smul.u32 @!p0 $0xF7A, s2;
	p2 =	seq.s32 @!p0 s5, $0x0  }
0x1f: {  	s9 =	smul.u32 $0xF7A, s1;
	s8 =	simm.s32 @!p0 $0x1BF5;
	p2 =	por !p2, p0  }
0x20: {  	[sflag:s8] =	ssyncset.s32 @!p0 $0xFFFFF086;
	s6 =	sadd.s32 @!p0 s3, s7;
	s7 =	simm.s32 @!p0 $0x108  }
0x21: {  	s3 =	sadd.s32 s3, s9;
	s6 =	sadd.s32 @!p0 $0x88, s6;
	s7 =	simm.s32 @p2 $0x1082  }
0x22: {  	[simem:s7], [sflag:s8] =	dma.local @!p0 [hbm:s6], $0xF7A  }
0x23: {  	s9 =	sor.u32 $0xD0000000, s2;
	s6 =	simm.s32 $0x108;
	_ =	swait.ge @!p0 [sflag:s8], $0x0  }
0x24: {  	s3 =	sadd.s32 $0x88, s3;
	s6 =	simm.s32 @!p1 $0x1082;
	[sflag:s4] =	ssyncset.s32 $0xFFFFF086  }
0x25: {  	[simem:s6], [sflag:s4] =	dma.local [hbm:s3], $0xF7A  }
0x26: {  	[smem:$0x3F99] =	sst s1;
	(tag) =	ssettag s2;
	_ =	strace s9  }
0x27: {  	s1 =	sld [smem:$0x3FA9]  }
0x28: {  	s2 =	sld [smem:$0x3FAA]  }
0x29: {  	s4 =	sld [smem:$0x3FAC]  }
0x2a: {  	p0 =	seq.s32 s5, $0x0;
	s5 =	sld [smem:$0x3FAD]  }
0x2b: {  	s6 =	sld [smem:$0x3FAE]  }
0x2c: {  	s7 =	sld [smem:$0x3FAF]  }
0x2d: {  	s3 =	simm.s32 $0x108;
	s8 =	sld [smem:$0x3FB0]  }
0x2e: {  	s3 =	simm.s32 @!p0 $0x1082;
	s9 =	sld [smem:$0x3FB1]  }
0x2f: {  	lr =	sadd.s32 s0, s3;
	s0 =	sld [smem:$0x3FA8]  }
0x30: {  	s3 =	sld [smem:$0x3FAB]  }
0x31: {  	[smem:$0x3FB4] =	sst s10  }
0x32: {  	s10 =	sld [smem:$0x3FB2];
	_ =	sdelay $0x3  }
0x33: {  	p0 =	seq.s32 s10, $0x1;
	s10 =	sld [smem:$0x3FB4];
	_ =	sdelay $0x3  }
0x34: {  	[smem:$0x3FB4] =	sst s10  }
0x35: {  	s10 =	sld [smem:$0x3FB3];
	_ =	sdelay $0x3  }
0x36: {  	p1 =	seq.s32 s10, $0x1;
	s10 =	sld [smem:$0x3FB4];
	_ =	sdelay $0x3  }
0x37: {  	[smem:$0x3FB4] =	sst s10  }
0x38: {  	s10 =	sld [smem:$0x3FB5]  }
0x39: {  	_ = 	snop;
	(pc) =	sbr.ind lr, $3  }
0x3a: {  	_ = 	snop  }
0x3b: {  	_ = 	snop  }
0x3c: {  	p2 =	seq.s32 s10, $0x1;
	s10 =	sld [smem:$0x3FB4]  }
0x3d: {  	_ =	shalt  }
0x3e: {  	_ =	shalt  }
0x3f: {  	_ =	shalt  }
0x40: {  	_ =	shalt  }
0x41: {  	_ =	shalt  }
0x42: {  	_ =	shalt  }
0x43: {  	_ =	shalt  }
0x44: {  	_ =	shalt  }
0x45: {  	_ =	shalt  }
0x46: {  	_ =	shalt  }
0x47: {  	_ =	shalt  }
0x48: {  	_ =	shalt  }
0x49: {  	_ =	shalt  }
0x4a: {  	_ =	shalt  }
0x4b: {  	_ =	shalt  }
0x4c: {  	_ =	shalt  }
0x4d: {  	_ =	shalt  }
0x4e: {  	_ =	shalt  }
0x4f: {  	_ =	shalt  }
0x50: {  	_ =	shalt  }
0x51: {  	_ =	shalt  }
0x52: {  	_ =	shalt  }
0x53: {  	_ =	shalt  }
0x54: {  	_ =	shalt  }
0x55: {  	_ =	shalt  }
0x56: {  	_ =	shalt  }
0x57: {  	_ =	shalt  }
0x58: {  	_ =	shalt  }
0x59: {  	_ =	shalt  }
0x5a: {  	_ =	shalt  }
0x5b: {  	_ =	shalt  }
0x5c: {  	_ =	shalt  }
0x5d: {  	_ =	shalt  }
0x5e: {  	_ =	shalt  }
0x5f: {  	_ =	shalt  }
0x60: {  	_ =	shalt  }
0x61: {  	_ =	shalt  }
0x62: {  	_ =	shalt  }
0x63: {  	_ =	shalt  }
0x64: {  	_ =	shalt  }
0x65: {  	_ =	shalt  }
0x66: {  	_ =	shalt  }
0x67: {  	_ =	shalt  }
0x68: {  	_ =	shalt  }
0x69: {  	_ =	shalt  }
0x6a: {  	_ =	shalt  }
0x6b: {  	_ =	shalt  }
0x6c: {  	_ =	shalt  }
0x6d: {  	_ =	shalt  }
0x6e: {  	_ =	shalt  }
0x6f: {  	_ =	shalt  }
0x70: {  	_ =	shalt  }
0x71: {  	_ =	shalt  }
0x72: {  	_ =	shalt  }
0x73: {  	_ =	shalt  }
0x74: {  	_ =	shalt  }
0x75: {  	_ =	shalt  }
0x76: {  	_ =	shalt  }
0x77: {  	_ =	shalt  }
0x78: {  	_ =	shalt  }
0x79: {  	_ =	shalt  }
0x7a: {  	_ =	shalt  }
0x7b: {  	_ =	shalt  }
0x7c: {  	_ =	shalt  }
0x7d: {  	_ =	shalt  }
0x7e: {  	_ =	shalt  }
0x7f: {  	_ =	shalt  }
0x80: {  	_ =	shalt  }
0x81: {  	_ =	shalt  }
0x82: {  	_ =	shalt  }
0x83: {  	_ =	shalt  }
0x84: {  	_ =	shalt  }
0x85: {  	_ =	shalt  }
0x86: {  	_ =	shalt  }
0x87: {  	_ =	shalt  }
.Lfunc_end0:
.L_simem_size_0:
called_computation.1_lowered:
.L_overlay_start_0:
0x88: {  	s2 =	sld [smem:$0x3FD9]  }
0x89: {  	s3 =	sld [smem:$0x3FFE];
	_ =	sdelay $0x1  }
0x8a: {  	s1 =	srdreg.scid  }
0x8b: {  	s0 =	sand.u32 $0x1, s1  }
0x8c: {  	s16 =	sshll.u32 s0, $0xA;
	s2 =	sadd.s32 s3, s2  }
0x8d: {  	s2 =	sadd.s32 s2, s16  }
0x8e: {  	[smem:$0x3FC0] =	sst s2  }
0x8f: {  	_ = 	snop  }
0x90: {  	(tm) =	ssettm $0x1  }
0x91: {  	s17 =	sld [smem:$0x3FFB];
	_ =	sdelay $0x3  }
0x92: {  	_ =	strace s17  }
0x93: {  	s2 =	sld [smem:$0x3FFC];
	_ =	sdelay $0x3  }
0x94: {  	_ =	strace s2  }
0x95: {  	s2 =	sld [smem:$0x3FFD];
	_ =	sdelay $0x3  }
0x96: {  	_ =	strace s2  }
0x97: {  	_ =	strace $0x8FFFFFFF  }
0x98: {  	s18 =	sld [smem:$0x3FDB];
	_ =	sdelay $0x1  }
0x99: {  	s19 =	simm.s32 $_scs_section_size  }
0x9a: {  	s4 =	simm.s32 $_size__tile_overlayer_lowered;
	s5 =	simm.s32 $_tile_overlayer_lowered  }
0x9b: {  	s22 =	simm.s32 $0x1BFF;
	s21 =	sshll.u32 s5, $0x1;
	s2 =	sadd.s32 s19, s18  }
0x9c: {  	s6 =	simm.s32 $0x0;
	s20 =	sshll.u32 s4, $0x1;
	s4 =	sadd.s32 s21, s2  }
0x9d: {  	[timem:s6], [sflag:s22] =	dma.local [hbm:s4], s20  }
0x9e: {  	_ =	swait.ge [sflag:s22], s20  }
0x9f: {  	s3 =	ssub.s32 $0x0, s20;
	[sflag:s22] =	ssyncset.done $0x0  }
0xa0: {  	[sflag:s22] =	ssyncadd.s32 s3;
	_ =	sdelay $0x1  }
0xa1: {  	s23 =	simm.s32 $0x1B8B  }
0xa2: {  	_ =	swait.ge [sflag:s23], $0x1  }
0xa3: {  	[sflag:s23] =	ssyncset.done $0x0  }
0xa4: {  	s25 =	simm.s32 $0x1B8E;
	s24 =	sld [smem:$0x3FFE];
	[sflag:s23] =	ssyncadd.s32 $0xFFFFFFFF  }
0xa5: {  	s26 =	simm.s32 $execute0_lowered;
	[smem:$0x3FD2] =	sst s25  }
0xa6: {  	s4 =	sshll.u32 s26, $0x1;
	_ =	strace $0x80000049;
	[dreg:$0x1] =	wrdreg $0xFFFFFFFF  }
0xa7: {  	s28 =	simm.s32 $_size_execute0_lowered;
	s2 =	sadd.s32 s2, s4;
	[dreg:$0x0] =	wrdreg $0x0  }
0xa8: {  	s4 =	sshll.u32 s28, $0x1;
	[dreg:$0x2] =	wrdreg s2  }
0xa9: {  	[dreg:$0x3] =	wrdreg s4  }
0xaa: {  	[dreg:$0x4] =	wrdreg $0xC0  }
0xab: {  	_ =	task [dreg:s6], $0x5FFFF  }
0xac: {  	[dreg:$0x1] =	wrdreg $0xFFFFFFFF  }
0xad: {  	[dreg:$0x0] =	wrdreg $0x60  }
0xae: {  	[dreg:$0x2] =	wrdreg s24  }
0xaf: {  	[dreg:$0x3] =	wrdreg $0xA8000  }
0xb0: {  	[dreg:$0x4] =	wrdreg $0x9  }
0xb1: {  	_ =	task.clear_ibuf [dreg:s6], $0x5FFFF;
	_ =	strace $0x90000049  }
0xb2: {  	s29 =	simm.s32 $0x9;
	_ =	strace $0x8000004B  }
0xb3: {  	_ =	swait.ge [sflag:s29], $0x1  }
0xb4: {  	[sflag:s29] =	ssyncadd.s32 $0xFFFFFFFF  }
0xb5: {  	_ =	strace $0x9000004B  }
0xb6: {  	_ =	sfence  }
0xb7: {  	s30 =	sld [smem:$0x0];
	_ =	sdelay $0x2  }
0xb8: {  	s31 =	sshll.u32 s1, $0xD;
	s1 =	sshrl.u32 s1, $0x2  }
0xb9: {  	s3 =	sand.u32 $0x4000, s31;
	s1 =	sadd.s32 s1, s30  }
0xba: {  	s0 =	sor.u32 s3, s0;
	s1 =	sshll.u32 s1, $0x11  }
0xbb: {  	s0 =	sor.u32 s1, s0  }
0xbc: {  	s0 =	sadd.s32 $0x8F2B, s0  }
0xbd: {  	[sflag:s0] =	ssyncadd.remote.s32 $0x1  }
0xbe: {  	_ =	sfence.sel $0xFFFF  }
0xbf: {  	[dreg:$0x0] =	wrdreg $0xFFFFFFFF;
	(pc) =	sbr.abs _section_cstart, $3  }
0xc0: {  	[dreg:$0x1] =	wrdreg $0xFFFFFFFF  }
0xc1: {  	_ =	task.clear_ibuf [dreg:s6], $0x2FFFF;
	_ =	strace $0x9FFFFFFF  }
0xc2: {  	(tm) =	ssettm $0x7FFFFFFF  }
0xc3: {  	_ =	shalt  }
tec
execute0_lowered:
.L_overlay_start_1:
0x0: {  	(tag) =	ssettag $0x1  }
0x1: {  	s0 =	rddreg [dreg:$0x0]  }
0x2: {  	s1 =	rddreg [dreg:$0x1];
	s3 =	simm.s32 $0x0  }
0x3: {  	s2 =	srdreg.scid;
	s10 =	stileid.u32;
	s31 =	simm.s32 $0x11  }
0x4: {  	s30 =	simm.s32 $0x5800;
	s29 =	simm.s32 $0x700;
	s6 =	smul.u32 $0x14000, s10  }
0x5: {  	[smem:$0x7FF] =	sst s3;
	s2 =	sand.u32 $0x1, s2;
	s20 =	smul.u32 $0x50000, s10  }
0x6: {  	s4 =	sadd.s32 $0x36200, s0;
	s19 =	sadd.s32 $0x16E00, s0;
	s9 =	smul.u32 $0x7D00, s10  }
0x7: {  	s8 =	sadd.s32 $0x2400, s0;
	s23 =	sshll.u32 s10, $0x6;
	s5 =	smul.u32 $0x140000, s2  }
0x8: {  	_ =	strace $0x8000004A;
	s7 =	sshll.u32 s2, $0x4;
	[dreg:$0xe] =	wrdreg s8  }
0x9: {  	s21 =	ssub.s32 $0x2, s2;
	s2 =	smul.u32 $0x7D000, s2;
	[dreg:$0xd] =	wrdreg s19  }
0xa: {  	s18 =	sor.u32 s10, s7;
	s22 =	sshrl.u32 s21, $0x1;
	s7 =	sshrl.u32 s20, $0x2  }
0xb: {  	s5 =	sadd.s32 s6, s5;
	s6 =	smul.u32 $0x7D00, s18;
	s7 =	sadd.s32 s7, s1  }
0xc: {  	s2 =	sadd.s32 s9, s2;
	s18 =	sor.u32 $0x1C11, s23;
	s5 =	sshrl.u32 s5, $0x3  }
0xd: {  	s25 =	sadd.s32 $0xB00, s2;
	s10 =	sadd.s32 $0xA00, s2;
	s12 =	sadd.s32 $0x900, s2  }
0xe: {  	s16 =	sadd.s32 $0x600, s2;
	s20 =	sadd.s32 $0x500, s2;
	[dreg:$0x10] =	wrdreg s18  }
0xf: {  	s0 =	sadd.s32 s5, s0;
	s5 =	ssub.s32 s21, s22;
	s6 =	sshrl.u32 s6, $0x3  }
0x10: {  	s11 =	sshrl.u32 s10, $0x3;
	s8 =	sshrl.u32 s12, $0x3;
	s17 =	sshrl.u32 s16, $0x3  }
0x11: {  	s21 =	sadd.s32 $0x400, s2;
	s12 =	simm.s32 $0xF;
	s24 =	sadd.s32 s19, s6  }
0x12: {  	s16 =	simm.s32 $0x7;
	s13 =	sadd.s32 s8, s19;
	[dreg:$0xf] =	wrdreg s24  }
0x13: {  	s8 =	sshrl.u32 s20, $0x3;
	s0 =	sadd.s32 $0x5E200, s0;
	[dreg:$0x5] =	wrdreg s13  }
0x14: {  	s23 =	sshrl.u32 s21, $0x3;
	s5 =	smax.u32 s5, $0x1;
	[dreg:$0x15] =	wrdreg s0  }
0x15: {  	s20 =	sshrl.u32 s7, $0x3;
	s21 =	simm.s32 $0x1;
	[dreg:$0x16] =	wrdreg s5  }
0x16: {  	s7 =	simm.s32 $0x0;
	s6 =	sadd.s32 $0x20, s24;
	[dreg:$0x18] =	wrdreg s20  }
0x17: {  	s26 =	sadd.s32 $0x40, s24;
	s28 =	sadd.s32 $0x60, s24;
	[dreg:$0x11] =	wrdreg s6  }
0x18: {  	s9 =	sadd.s32 $0xF80, s24;
	s22 =	sadd.s32 s8, s19;
	[dreg:$0x12] =	wrdreg s26  }
0x19: {  	s24 =	sadd.s32 s23, s19;
	s23 =	simm.s32 $0x800;
	[dreg:$0x13] =	wrdreg s28  }
0x1a: {  	s0 =	simm.s32 $0xA;
	s13 =	simm.s32 $0xD;
	[dreg:$0x14] =	wrdreg s9  }
0x1b: {  	s8 =	simm.s32 $0xC;
	s5 =	simm.s32 $0x8;
	[dreg:$0x8] =	wrdreg s22  }
0x1c: {  	s9 =	sadd.s32 $0x700, s2;
	s2 =	sadd.s32 $0x800, s2;
	[dreg:$0x9] =	wrdreg s24  }
0x1d: {  	s6 =	sshrl.u32 s25, $0x3;
	s25 =	simm.s32 $0x580;
	[dreg:$0x17] =	wrdreg s2  }
0x1e: {  	s26 =	simm.s32 $0x680;
	s22 =	simm.s32 $0x50;
	[dreg:$0xa] =	wrdreg s25  }
0x1f: {  	s28 =	simm.s32 $0x780;
	s24 =	simm.s32 $0x2;
	[dreg:$0xb] =	wrdreg s26  }
0x20: {  	s6 =	sadd.s32 s6, s19;
	s14 =	sshrl.u32 s9, $0x3;
	[dreg:$0xc] =	wrdreg s28  }
0x21: {  	s25 =	simm.s32 $0x3000;
	s26 =	simm.s32 $0x9;
	s9 =	simm.s32 $0x8000  }
0x22: {  	s2 =	simm.s32 $0x10;
	[dreg:$0x3] =	wrdreg s6;
	s6 =	sadd.s32 s11, s19  }
0x23: {  	s15 =	sadd.s32 s14, s19;
	s11 =	simm.s32 $0xB;
	[dreg:$0x4] =	wrdreg s6  }
0x24: {  	s14 =	simm.s32 $0x5;
	[dreg:$0x6] =	wrdreg s15;
	s6 =	sadd.s32 s17, s19  }
0x25: {  	s15 =	simm.s32 $0xE;
	s17 =	simm.s32 $0x6;
	[dreg:$0x7] =	wrdreg s6  }
.LBB2_1:
0x26: {  	[dreg:$0x19] =	wrdreg s7  }
0x27: {  	s10 =	rddreg [dreg:$0xe]  }
0x28: {  	[spmem:s20], [sflag:s18] =	dma.local [hbm:s10], $0x2800  }
0x29: {  	_ =	swait.ge [sflag:s31], $0x2800  }
0x2a: {  	[sflag:s31] =	ssyncset.done $0x0  }
0x2b: {  	[sflag:s31] =	ssyncadd.s32 $0xFFFFD800  }
0x2c: {  	[bflag:$0x0] =	sbarrier.arrive $0xFFFF  }
0x2d: {  	s6 =	rddreg [dreg:$0xf]  }
0x2e: {  	[tilespmem:s3], [sflag:$0x1] =	stream.linear.gather [hbm4b:s6+s3], $0x100, $0x38;
	[tilespmem:$0x1E800] =	vst v63  }
0x2f: {  	s31 =	simm.s32 $0x100;
	s7 =	rddreg [dreg:$0x11]  }
0x30: {  	[tilespmem:s31], [sflag:$0x2] =	stream.linear.gather [hbm4b:s7+s3], $0x100, $0x38;
	[tilespmem:$0x1E800] =	vst v63  }
0x31: {  	s28 =	simm.s32 $0x200;
	s18 =	rddreg [dreg:$0x12]  }
0x32: {  	[tilespmem:s28], [sflag:$0x3] =	stream.linear.gather [hbm4b:s18+s3], $0x100, $0x38;
	[tilespmem:$0x1E800] =	vst v63  }
0x33: {  	s20 =	rddreg [dreg:$0x13];
	s7 =	simm.s32 $0x300  }
0x34: {  	[tilespmem:s7], [sflag:$0x4] =	stream.linear.gather [hbm4b:s20+s3], $0x100, $0x38;
	[tilespmem:$0x1E800] =	vst v63  }
0x35: {  	_ =	swait.ge [sflag:s21], $0x100  }
0x36: {  	[sflag:s21] =	ssyncset.done $0x0  }
0x37: {  	[sflag:s21] =	ssyncadd.s32 $0xFFFFFF00  }
0x38: {  	[tilespmem:s23], [sflag:$0x9] =	stream.indirect.gather [hbm4b:s4+s22], $0x80, s3, s22, $0xb8;
	[tilespmem:$0x1E800] =	vst v63  }
0x39: {  	_ =	swait.ge [sflag:s24], $0x100  }
0x3a: {  	[sflag:s24] =	ssyncset.done $0x0  }
0x3b: {  	[sflag:s24] =	ssyncadd.s32 $0xFFFFFF00  }
0x3c: {  	[tilespmem:s25], [sflag:$0xA] =	stream.indirect.gather [hbm4b:s4+s22], $0x80, s31, s22, $0xb8;
	[tilespmem:$0x1E800] =	vst v63  }
0x3d: {  	_ =	swait.ge [sflag:s26], $0x2800  }
0x3e: {  	p0 =	por $0x1, $0x1;
	[sflag:s26] =	ssyncset.done $0x0  }
0x3f: {  	s6 =	simm.s32 $0x80;
	s18 =	simm.s32 @!p0 $0xF;
	[sflag:s26] =	ssyncadd.s32 $0xFFFFD800  }
0x40: {  	[spmem:s1] =	stream.indirect.scatter.add.f32 [tilespmem:s23], [sflag:$0xD], $0x80, s6, s22, $0xb8;
	[tilespmem:$0x1E800] =	vst v63  }
0x41: {  	_ =	swait.ge @!p0 [sflag:s18], $0x2800  }
0x42: {  	[sflag:s18] =	ssyncset.done @!p0 $0x0  }
0x43: {  	[sflag:s18] =	ssyncadd.s32 @!p0 $0xFFFFD800;
	s18 =	simm.s32 $0x3  }
0x44: {  	_ =	swait.ge [sflag:s18], $0x100  }
0x45: {  	[sflag:s18] =	ssyncset.done $0x0  }
0x46: {  	s20 =	rddreg [dreg:$0x9];
	[sflag:s18] =	ssyncadd.s32 $0xFFFFFF00  }
0x47: {  	[tilespmem:s30], [sflag:$0xB] =	stream.indirect.gather [hbm4b:s4+s22], $0x80, s28, s22, $0xb8;
	[tilespmem:$0x1E800] =	vst v63  }
0x48: {  	s10 =	simm.s32 $0x400;
	s18 =	sadd.s32 $0x0, s20  }
0x49: {  	[tilespmem:s10], [sflag:$0x5] =	stream.linear.gather [hbm4b:s18+s3], $0x100, $0x38;
	[tilespmem:$0x1E800] =	vst v63  }
0x4a: {  	_ =	swait.ge [sflag:s0], $0x2800  }
0x4b: {  	[sflag:s0] =	ssyncset.done $0x0  }
0x4c: {  	s6 =	simm.s32 $0x180;
	s18 =	simm.s32 @!p0 $0x10;
	[sflag:s0] =	ssyncadd.s32 $0xFFFFD800  }
0x4d: {  	[spmem:s1] =	stream.indirect.scatter.add.f32 [tilespmem:s25], [sflag:$0xE], $0x80, s6, s22, $0xb8;
	[tilespmem:$0x1E800] =	vst v63  }
0x4e: {  	_ =	swait.ge @!p0 [sflag:s18], $0x2800  }
0x4f: {  	[sflag:s18] =	ssyncset.done @!p0 $0x0  }
0x50: {  	s6 =	simm.s32 $0x4;
	[sflag:s18] =	ssyncadd.s32 @!p0 $0xFFFFD800  }
0x51: {  	_ =	swait.ge [sflag:s6], $0x100  }
0x52: {  	[sflag:s6] =	ssyncset.done $0x0  }
0x53: {  	s20 =	rddreg [dreg:$0x8];
	[sflag:s6] =	ssyncadd.s32 $0xFFFFFF00  }
0x54: {  	[tilespmem:s9], [sflag:$0xC] =	stream.indirect.gather [hbm4b:s4+s22], $0x80, s7, s22, $0xb8;
	[tilespmem:$0x1E800] =	vst v63  }
0x55: {  	s18 =	sadd.s32 $0x0, s20;
	s20 =	simm.s32 $0x500  }
0x56: {  	[tilespmem:s20], [sflag:$0x6] =	stream.linear.gather [hbm4b:s18+s3], $0x100, $0x38;
	[tilespmem:$0x1E800] =	vst v63  }
0x57: {  	_ =	swait.ge [sflag:s11], $0x2800  }
0x58: {  	[sflag:s11] =	ssyncset.done $0x0  }
0x59: {  	s6 =	simm.s32 $0x280;
	[sflag:s11] =	ssyncadd.s32 $0xFFFFD800  }
0x5a: {  	[spmem:s1] =	stream.indirect.scatter.add.f32 [tilespmem:s30], [sflag:$0xF], $0x80, s6, s22, $0xb8;
	[tilespmem:$0x1E800] =	vst v63  }
0x5b: {  	_ =	swait.ge [sflag:s13], $0x2800  }
0x5c: {  	[sflag:s13] =	ssyncset.done $0x0  }
0x5d: {  	[sflag:s13] =	ssyncadd.s32 $0xFFFFD800  }
0x5e: {  	_ =	swait.ge [sflag:s14], $0x100  }
0x5f: {  	[sflag:s14] =	ssyncset.done $0x0  }
0x60: {  	s7 =	rddreg [dreg:$0x7];
	[sflag:s14] =	ssyncadd.s32 $0xFFFFFF00  }
0x61: {  	[tilespmem:s23], [sflag:$0x9] =	stream.indirect.gather [hbm4b:s4+s22], $0x80, s10, s22, $0xb8;
	[tilespmem:$0x1E800] =	vst v63  }
0x62: {  	s18 =	sadd.s32 $0x0, s7;
	s10 =	simm.s32 $0x600  }
0x63: {  	[tilespmem:s10], [sflag:$0x7] =	stream.linear.gather [hbm4b:s18+s3], $0x100, $0x38;
	[tilespmem:$0x1E800] =	vst v63  }
0x64: {  	_ =	swait.ge [sflag:s8], $0x2800  }
0x65: {  	[sflag:s8] =	ssyncset.done $0x0  }
0x66: {  	s6 =	simm.s32 $0x380;
	[sflag:s8] =	ssyncadd.s32 $0xFFFFD800  }
0x67: {  	[spmem:s1] =	stream.indirect.scatter.add.f32 [tilespmem:s9], [sflag:$0x10], $0x80, s6, s22, $0xb8;
	[tilespmem:$0x1E800] =	vst v63  }
0x68: {  	_ =	swait.ge [sflag:s15], $0x2800  }
0x69: {  	[sflag:s15] =	ssyncset.done $0x0  }
0x6a: {  	[sflag:s15] =	ssyncadd.s32 $0xFFFFD800  }
0x6b: {  	_ =	swait.ge [sflag:s17], $0x100  }
0x6c: {  	[sflag:s17] =	ssyncset.done $0x0  }
0x6d: {  	s7 =	rddreg [dreg:$0x6];
	[sflag:s17] =	ssyncadd.s32 $0xFFFFFF00  }
0x6e: {  	[tilespmem:s25], [sflag:$0xA] =	stream.indirect.gather [hbm4b:s4+s22], $0x80, s20, s22, $0xb8;
	[tilespmem:$0x1E800] =	vst v63  }
0x6f: {  	s18 =	sadd.s32 $0x0, s7  }
0x70: {  	[tilespmem:s29], [sflag:$0x8] =	stream.linear.gather [hbm4b:s18+s3], $0x100, $0x38;
	[tilespmem:$0x1E800] =	vst v63  }
0x71: {  	_ =	swait.ge [sflag:s26], $0x2800  }
0x72: {  	[sflag:s26] =	ssyncset.done $0x0  }
0x73: {  	s6 =	simm.s32 $0x480;
	[sflag:s26] =	ssyncadd.s32 $0xFFFFD800  }
0x74: {  	[spmem:s1] =	stream.indirect.scatter.add.f32 [tilespmem:s23], [sflag:$0xD], $0x80, s6, s22, $0xb8;
	[tilespmem:$0x1E800] =	vst v63  }
0x75: {  	_ =	swait.ge [sflag:s12], $0x2800  }
0x76: {  	[sflag:s12] =	ssyncset.done $0x0  }
0x77: {  	[sflag:s12] =	ssyncadd.s32 $0xFFFFD800  }
0x78: {  	_ =	swait.ge [sflag:s16], $0x100  }
0x79: {  	[sflag:s16] =	ssyncset.done $0x0;
	s20 =	rddreg [dreg:$0x17]  }
0x7a: {  	[sflag:s16] =	ssyncadd.s32 $0xFFFFFF00;
	s7 =	sshrl.u32 s20, $0x3  }
0x7b: {  	[tilespmem:s30], [sflag:$0xB] =	stream.indirect.gather [hbm4b:s4+s22], $0x80, s10, s22, $0xb8;
	[tilespmem:$0x1E800] =	vst v63  }
0x7c: {  	s18 =	sadd.s32 s19, s7  }
0x7d: {  	[tilespmem:s3], [sflag:$0x1] =	stream.linear.gather [hbm4b:s18+s3], $0x100, $0x38;
	[tilespmem:$0x1E800] =	vst v63  }
0x7e: {  	_ =	swait.ge [sflag:s0], $0x2800  }
0x7f: {  	[sflag:s0] =	ssyncset.done $0x0  }
0x80: {  	s6 =	rddreg [dreg:$0xa];
	[sflag:s0] =	ssyncadd.s32 $0xFFFFD800  }
0x81: {  	[spmem:s1] =	stream.indirect.scatter.add.f32 [tilespmem:s25], [sflag:$0xE], $0x80, s6, s22, $0xb8;
	[tilespmem:$0x1E800] =	vst v63  }
0x82: {  	_ =	swait.ge [sflag:s2], $0x2800  }
0x83: {  	[sflag:s2] =	ssyncset.done $0x0  }
0x84: {  	[sflag:s2] =	ssyncadd.s32 $0xFFFFD800  }
0x85: {  	_ =	swait.ge [sflag:s5], $0x100  }
0x86: {  	[sflag:s5] =	ssyncset.done $0x0  }
0x87: {  	s7 =	rddreg [dreg:$0x5];
	[sflag:s5] =	ssyncadd.s32 $0xFFFFFF00  }
0x88: {  	[tilespmem:s9], [sflag:$0xC] =	stream.indirect.gather [hbm4b:s4+s22], $0x80, s29, s22, $0xb8;
	[tilespmem:$0x1E800] =	vst v63  }
0x89: {  	s18 =	sadd.s32 $0x0, s7  }
0x8a: {  	[tilespmem:s31], [sflag:$0x2] =	stream.linear.gather [hbm4b:s18+s3], $0x100, $0x38;
	[tilespmem:$0x1E800] =	vst v63  }
0x8b: {  	_ =	swait.ge [sflag:s11], $0x2800  }
0x8c: {  	[sflag:s11] =	ssyncset.done $0x0  }
0x8d: {  	s10 =	rddreg [dreg:$0xb];
	[sflag:s11] =	ssyncadd.s32 $0xFFFFD800  }
0x8e: {  	[spmem:s1] =	stream.indirect.scatter.add.f32 [tilespmem:s30], [sflag:$0xF], $0x80, s10, s22, $0xb8;
	[tilespmem:$0x1E800] =	vst v63  }
0x8f: {  	_ =	swait.ge [sflag:s13], $0x2800  }
0x90: {  	[sflag:s13] =	ssyncset.done $0x0  }
0x91: {  	[sflag:s13] =	ssyncadd.s32 $0xFFFFD800  }
0x92: {  	_ =	swait.ge [sflag:s21], $0x100  }
0x93: {  	[sflag:s21] =	ssyncset.done $0x0  }
0x94: {  	s19 =	rddreg [dreg:$0x4];
	[sflag:s21] =	ssyncadd.s32 $0xFFFFFF00  }
0x95: {  	[tilespmem:s23], [sflag:$0x9] =	stream.indirect.gather [hbm4b:s4+s22], $0x80, s3, s22, $0xb8;
	[tilespmem:$0x1E800] =	vst v63  }
0x96: {  	s18 =	sadd.s32 $0x0, s19  }
0x97: {  	[tilespmem:s28], [sflag:$0x3] =	stream.linear.gather [hbm4b:s18+s3], $0x100, $0x38;
	[tilespmem:$0x1E800] =	vst v63  }
0x98: {  	_ =	swait.ge [sflag:s8], $0x2800  }
0x99: {  	[sflag:s8] =	ssyncset.done $0x0  }
0x9a: {  	s28 =	rddreg [dreg:$0xc];
	[sflag:s8] =	ssyncadd.s32 $0xFFFFD800  }
0x9b: {  	[spmem:s1] =	stream.indirect.scatter.add.f32 [tilespmem:s9], [sflag:$0x10], $0x80, s28, s22, $0xb8;
	[tilespmem:$0x1E800] =	vst v63  }
0x9c: {  	_ =	swait.ge [sflag:s15], $0x2800  }
0x9d: {  	[sflag:s15] =	ssyncset.done $0x0  }
0x9e: {  	[sflag:s15] =	ssyncadd.s32 $0xFFFFD800  }
0x9f: {  	_ =	swait.ge [sflag:s24], $0x100  }
0xa0: {  	[sflag:s24] =	ssyncset.done $0x0  }
0xa1: {  	[sflag:s24] =	ssyncadd.s32 $0xFFFFFF00  }
0xa2: {  	[tilespmem:s25], [sflag:$0xA] =	stream.indirect.gather [hbm4b:s4+s22], $0x80, s31, s22, $0xb8;
	[tilespmem:$0x1E800] =	vst v63  }
0xa3: {  	s19 =	simm.s32 $0x0;
	s18 =	simm.s32 $0x100;
	s31 =	rddreg [dreg:$0x3]  }
.LBB2_2:
0xa4: {  	s31 =	sadd.s32 s19, s31;
	s7 =	simm.s32 $0x300  }
0xa5: {  	[tilespmem:s7], [sflag:$0x4] =	stream.linear.gather [hbm4b:s31+s3], $0x100, $0x38;
	[tilespmem:$0x1E800] =	vst v63  }
0xa6: {  	s19 =	smov.u32 s18;
	_ =	swait.ge [sflag:s26], $0x2800  }
0xa7: {  	p1 =	seq.s32 s19, $0x0;
	[sflag:s26] =	ssyncset.done $0x0  }
0xa8: {  	s28 =	simm.s32 $0x80;
	s31 =	simm.s32 @!p1 $0xF;
	[sflag:s26] =	ssyncadd.s32 $0xFFFFD800  }
0xa9: {  	[spmem:s1] =	stream.indirect.scatter.add.f32 [tilespmem:s23], [sflag:$0xD], $0x80, s28, s22, $0xb8;
	[tilespmem:$0x1E800] =	vst v63  }
0xaa: {  	_ =	swait.ge @!p1 [sflag:s31], $0x2800  }
0xab: {  	[sflag:s31] =	ssyncset.done @!p1 $0x0  }
0xac: {  	s21 =	simm.s32 $0x3;
	[sflag:s31] =	ssyncadd.s32 @!p1 $0xFFFFD800  }
0xad: {  	_ =	swait.ge [sflag:s21], $0x100  }
0xae: {  	[sflag:s21] =	ssyncset.done $0x0  }
0xaf: {  	s28 =	simm.s32 $0x200;
	s31 =	rddreg [dreg:$0x9];
	[sflag:s21] =	ssyncadd.s32 $0xFFFFFF00  }
0xb0: {  	[tilespmem:s30], [sflag:$0xB] =	stream.indirect.gather [hbm4b:s4+s22], $0x80, s28, s22, $0xb8;
	[tilespmem:$0x1E800] =	vst v63  }
0xb1: {  	s31 =	sadd.s32 s19, s31;
	s21 =	simm.s32 $0x400  }
0xb2: {  	[tilespmem:s21], [sflag:$0x5] =	stream.linear.gather [hbm4b:s31+s3], $0x100, $0x38;
	[tilespmem:$0x1E800] =	vst v63  }
0xb3: {  	_ =	swait.ge [sflag:s0], $0x2800  }
0xb4: {  	[sflag:s0] =	ssyncset.done $0x0  }
0xb5: {  	s24 =	simm.s32 $0x180;
	s31 =	simm.s32 @!p1 $0x10;
	[sflag:s0] =	ssyncadd.s32 $0xFFFFD800  }
0xb6: {  	[spmem:s1] =	stream.indirect.scatter.add.f32 [tilespmem:s25], [sflag:$0xE], $0x80, s24, s22, $0xb8;
	[tilespmem:$0x1E800] =	vst v63  }
0xb7: {  	_ =	swait.ge @!p1 [sflag:s31], $0x2800  }
0xb8: {  	[sflag:s31] =	ssyncset.done @!p1 $0x0  }
0xb9: {  	s6 =	simm.s32 $0x4;
	[sflag:s31] =	ssyncadd.s32 @!p1 $0xFFFFD800  }
0xba: {  	_ =	swait.ge [sflag:s6], $0x100  }
0xbb: {  	[sflag:s6] =	ssyncset.done $0x0  }
0xbc: {  	s31 =	rddreg [dreg:$0x8];
	[sflag:s6] =	ssyncadd.s32 $0xFFFFFF00  }
0xbd: {  	[tilespmem:s9], [sflag:$0xC] =	stream.indirect.gather [hbm4b:s4+s22], $0x80, s7, s22, $0xb8;
	[tilespmem:$0x1E800] =	vst v63  }
0xbe: {  	s10 =	simm.s32 $0x500;
	s31 =	sadd.s32 s19, s31  }
0xbf: {  	[tilespmem:s10], [sflag:$0x6] =	stream.linear.gather [hbm4b:s31+s3], $0x100, $0x38;
	[tilespmem:$0x1E800] =	vst v63  }
0xc0: {  	_ =	swait.ge [sflag:s11], $0x2800  }
0xc1: {  	[sflag:s11] =	ssyncset.done $0x0  }
0xc2: {  	s6 =	simm.s32 $0x280;
	[sflag:s11] =	ssyncadd.s32 $0xFFFFD800  }
0xc3: {  	[spmem:s1] =	stream.indirect.scatter.add.f32 [tilespmem:s30], [sflag:$0xF], $0x80, s6, s22, $0xb8;
	[tilespmem:$0x1E800] =	vst v63  }
0xc4: {  	_ =	swait.ge [sflag:s13], $0x2800  }
0xc5: {  	[sflag:s13] =	ssyncset.done $0x0  }
0xc6: {  	[sflag:s13] =	ssyncadd.s32 $0xFFFFD800  }
0xc7: {  	_ =	swait.ge [sflag:s14], $0x100  }
0xc8: {  	[sflag:s14] =	ssyncset.done $0x0  }
0xc9: {  	s31 =	rddreg [dreg:$0x7];
	[sflag:s14] =	ssyncadd.s32 $0xFFFFFF00  }
0xca: {  	[tilespmem:s23], [sflag:$0x9] =	stream.indirect.gather [hbm4b:s4+s22], $0x80, s21, s22, $0xb8;
	[tilespmem:$0x1E800] =	vst v63  }
0xcb: {  	s6 =	simm.s32 $0x600;
	s31 =	sadd.s32 s19, s31  }
0xcc: {  	[tilespmem:s6], [sflag:$0x7] =	stream.linear.gather [hbm4b:s31+s3], $0x100, $0x38;
	[tilespmem:$0x1E800] =	vst v63  }
0xcd: {  	_ =	swait.ge [sflag:s8], $0x2800  }
0xce: {  	[sflag:s8] =	ssyncset.done $0x0  }
0xcf: {  	s7 =	simm.s32 $0x380;
	[sflag:s8] =	ssyncadd.s32 $0xFFFFD800  }
0xd0: {  	[spmem:s1] =	stream.indirect.scatter.add.f32 [tilespmem:s9], [sflag:$0x10], $0x80, s7, s22, $0xb8;
	[tilespmem:$0x1E800] =	vst v63  }
0xd1: {  	_ =	swait.ge [sflag:s15], $0x2800  }
0xd2: {  	[sflag:s15] =	ssyncset.done $0x0  }
0xd3: {  	[sflag:s15] =	ssyncadd.s32 $0xFFFFD800  }
0xd4: {  	_ =	swait.ge [sflag:s17], $0x100  }
0xd5: {  	[sflag:s17] =	ssyncset.done $0x0  }
0xd6: {  	s31 =	rddreg [dreg:$0x6];
	[sflag:s17] =	ssyncadd.s32 $0xFFFFFF00  }
0xd7: {  	[tilespmem:s25], [sflag:$0xA] =	stream.indirect.gather [hbm4b:s4+s22], $0x80, s10, s22, $0xb8;
	[tilespmem:$0x1E800] =	vst v63  }
0xd8: {  	s31 =	sadd.s32 s19, s31  }
0xd9: {  	[tilespmem:s29], [sflag:$0x8] =	stream.linear.gather [hbm4b:s31+s3], $0x100, $0x38;
	[tilespmem:$0x1E800] =	vst v63  }
0xda: {  	_ =	swait.ge [sflag:s26], $0x2800  }
0xdb: {  	[sflag:s26] =	ssyncset.done $0x0  }
0xdc: {  	s10 =	simm.s32 $0x480;
	[sflag:s26] =	ssyncadd.s32 $0xFFFFD800  }
0xdd: {  	[spmem:s1] =	stream.indirect.scatter.add.f32 [tilespmem:s23], [sflag:$0xD], $0x80, s10, s22, $0xb8;
	[tilespmem:$0x1E800] =	vst v63  }
0xde: {  	_ =	swait.ge [sflag:s12], $0x2800  }
0xdf: {  	[sflag:s12] =	ssyncset.done $0x0  }
0xe0: {  	[sflag:s12] =	ssyncadd.s32 $0xFFFFD800  }
0xe1: {  	_ =	swait.ge [sflag:s16], $0x100  }
0xe2: {  	s20 =	sadd.s32 $0x800, s20;
	[sflag:s16] =	ssyncset.done $0x0  }
0xe3: {  	s31 =	sshrl.u32 s20, $0x3;
	s10 =	rddreg [dreg:$0xd];
	[sflag:s16] =	ssyncadd.s32 $0xFFFFFF00  }
0xe4: {  	[tilespmem:s30], [sflag:$0xB] =	stream.indirect.gather [hbm4b:s4+s22], $0x80, s6, s22, $0xb8;
	[tilespmem:$0x1E800] =	vst v63  }
0xe5: {  	s31 =	sadd.s32 s10, s31  }
0xe6: {  	[tilespmem:s3], [sflag:$0x1] =	stream.linear.gather [hbm4b:s31+s3], $0x100, $0x38;
	[tilespmem:$0x1E800] =	vst v63  }
0xe7: {  	_ =	swait.ge [sflag:s0], $0x2800  }
0xe8: {  	[sflag:s0] =	ssyncset.done $0x0  }
0xe9: {  	s31 =	rddreg [dreg:$0xa];
	[sflag:s0] =	ssyncadd.s32 $0xFFFFD800  }
0xea: {  	[spmem:s1] =	stream.indirect.scatter.add.f32 [tilespmem:s25], [sflag:$0xE], $0x80, s31, s22, $0xb8;
	[tilespmem:$0x1E800] =	vst v63  }
0xeb: {  	_ =	swait.ge [sflag:s2], $0x2800  }
0xec: {  	[sflag:s2] =	ssyncset.done $0x0  }
0xed: {  	[sflag:s2] =	ssyncadd.s32 $0xFFFFD800  }
0xee: {  	_ =	swait.ge [sflag:s5], $0x100  }
0xef: {  	[sflag:s5] =	ssyncset.done $0x0  }
0xf0: {  	s31 =	rddreg [dreg:$0x5];
	[sflag:s5] =	ssyncadd.s32 $0xFFFFFF00  }
0xf1: {  	[tilespmem:s9], [sflag:$0xC] =	stream.indirect.gather [hbm4b:s4+s22], $0x80, s29, s22, $0xb8;
	[tilespmem:$0x1E800] =	vst v63  }
0xf2: {  	s6 =	simm.s32 $0x100;
	s31 =	sadd.s32 s19, s31  }
0xf3: {  	[tilespmem:s6], [sflag:$0x2] =	stream.linear.gather [hbm4b:s31+s3], $0x100, $0x38;
	[tilespmem:$0x1E800] =	vst v63  }
0xf4: {  	_ =	swait.ge [sflag:s11], $0x2800  }
0xf5: {  	[sflag:s11] =	ssyncset.done $0x0  }
0xf6: {  	s31 =	rddreg [dreg:$0xb];
	[sflag:s11] =	ssyncadd.s32 $0xFFFFD800  }
0xf7: {  	[spmem:s1] =	stream.indirect.scatter.add.f32 [tilespmem:s30], [sflag:$0xF], $0x80, s31, s22, $0xb8;
	[tilespmem:$0x1E800] =	vst v63  }
0xf8: {  	_ =	swait.ge [sflag:s13], $0x2800  }
0xf9: {  	[sflag:s13] =	ssyncset.done $0x0  }
0xfa: {  	s21 =	simm.s32 $0x1;
	[sflag:s13] =	ssyncadd.s32 $0xFFFFD800  }
0xfb: {  	_ =	swait.ge [sflag:s21], $0x100  }
0xfc: {  	[sflag:s21] =	ssyncset.done $0x0  }
0xfd: {  	s31 =	rddreg [dreg:$0x4];
	[sflag:s21] =	ssyncadd.s32 $0xFFFFFF00  }
0xfe: {  	[tilespmem:s23], [sflag:$0x9] =	stream.indirect.gather [hbm4b:s4+s22], $0x80, s3, s22, $0xb8;
	[tilespmem:$0x1E800] =	vst v63  }
0xff: {  	s31 =	sadd.s32 s19, s31  }
0x100: {  	[tilespmem:s28], [sflag:$0x3] =	stream.linear.gather [hbm4b:s31+s3], $0x100, $0x38;
	[tilespmem:$0x1E800] =	vst v63  }
0x101: {  	_ =	swait.ge [sflag:s8], $0x2800  }
0x102: {  	[sflag:s8] =	ssyncset.done $0x0  }
0x103: {  	s31 =	rddreg [dreg:$0xc];
	[sflag:s8] =	ssyncadd.s32 $0xFFFFD800  }
0x104: {  	[spmem:s1] =	stream.indirect.scatter.add.f32 [tilespmem:s9], [sflag:$0x10], $0x80, s31, s22, $0xb8;
	[tilespmem:$0x1E800] =	vst v63  }
0x105: {  	s18 =	sadd.s32 $0x100, s18;
	_ =	swait.ge [sflag:s15], $0x2800  }
0x106: {  	p0 =	sne.s32 s18, $0xF00;
	[sflag:s15] =	ssyncset.done $0x0  }
.Ltmp0:
0x107: {  	s24 =	simm.s32 $0x2;
	[sflag:s15] =	ssyncadd.s32 $0xFFFFD800;
	(pc) =	sbr.rel @p0 .LBB2_2-.Ltmp0, $4  }
0x108: {  	_ =	swait.ge [sflag:s24], $0x100  }
0x109: {  	[sflag:s24] =	ssyncset.done $0x0  }
0x10a: {  	s7 =	simm.s32 $0x200;
	s31 =	rddreg [dreg:$0x3];
	[sflag:s24] =	ssyncadd.s32 $0xFFFFFF00  }
0x10b: {  	[tilespmem:s25], [sflag:$0xA] =	stream.indirect.gather [hbm4b:s4+s22], $0x80, s6, s22, $0xb8;
	[tilespmem:$0x1E800] =	vst v63  }
0x10c: {  	s18 =	sadd.s32 s19, s31;
	s19 =	simm.s32 $0x300  }
0x10d: {  	[tilespmem:s19], [sflag:$0x4] =	stream.linear.gather [hbm4b:s18+s3], $0x100, $0x38;
	[tilespmem:$0x1E800] =	vst v63  }
0x10e: {  	_ =	swait.ge [sflag:s26], $0x2800  }
0x10f: {  	[sflag:s26] =	ssyncset.done $0x0  }
0x110: {  	s6 =	simm.s32 $0x80;
	[sflag:s26] =	ssyncadd.s32 $0xFFFFD800  }
0x111: {  	[spmem:s1] =	stream.indirect.scatter.add.f32 [tilespmem:s23], [sflag:$0xD], $0x80, s6, s22, $0xb8;
	[tilespmem:$0x1E800] =	vst v63  }
0x112: {  	_ =	swait.ge [sflag:s12], $0x2800  }
0x113: {  	[sflag:s12] =	ssyncset.done $0x0  }
0x114: {  	s10 =	simm.s32 $0x3;
	[sflag:s12] =	ssyncadd.s32 $0xFFFFD800  }
0x115: {  	_ =	swait.ge [sflag:s10], $0x100  }
0x116: {  	[sflag:s10] =	ssyncset.done $0x0  }
0x117: {  	[sflag:s10] =	ssyncadd.s32 $0xFFFFFF00  }
0x118: {  	[tilespmem:s30], [sflag:$0xB] =	stream.indirect.gather [hbm4b:s4+s22], $0x80, s7, s22, $0xb8;
	[tilespmem:$0x1E800] =	vst v63  }
0x119: {  	s28 =	simm.s32 $0x400;
	s20 =	rddreg [dreg:$0x14]  }
0x11a: {  	[tilespmem:s28], [sflag:$0x5] =	stream.linear.gather [hbm4b:s20+s3], $0x100, $0x38;
	[tilespmem:$0x1E800] =	vst v63  }
0x11b: {  	_ =	swait.ge [sflag:s0], $0x2800  }
0x11c: {  	[sflag:s0] =	ssyncset.done $0x0  }
0x11d: {  	s10 =	simm.s32 $0x180;
	[sflag:s0] =	ssyncadd.s32 $0xFFFFD800  }
0x11e: {  	[spmem:s1] =	stream.indirect.scatter.add.f32 [tilespmem:s25], [sflag:$0xE], $0x80, s10, s22, $0xb8;
	[tilespmem:$0x1E800] =	vst v63  }
0x11f: {  	_ =	swait.ge [sflag:s2], $0x2800  }
0x120: {  	[sflag:s2] =	ssyncset.done $0x0  }
0x121: {  	s6 =	simm.s32 $0x4;
	[sflag:s2] =	ssyncadd.s32 $0xFFFFD800  }
0x122: {  	_ =	swait.ge [sflag:s6], $0x100  }
0x123: {  	[sflag:s6] =	ssyncset.done $0x0  }
0x124: {  	[sflag:s6] =	ssyncadd.s32 $0xFFFFFF00  }
0x125: {  	[tilespmem:s9], [sflag:$0xC] =	stream.indirect.gather [hbm4b:s4+s22], $0x80, s19, s22, $0xb8;
	[tilespmem:$0x1E800] =	vst v63  }
0x126: {  	_ =	swait.ge [sflag:s11], $0x2800  }
0x127: {  	[sflag:s11] =	ssyncset.done $0x0  }
0x128: {  	s20 =	simm.s32 $0x280;
	[sflag:s11] =	ssyncadd.s32 $0xFFFFD800  }
0x129: {  	[spmem:s1] =	stream.indirect.scatter.add.f32 [tilespmem:s30], [sflag:$0xF], $0x80, s20, s22, $0xb8;
	[tilespmem:$0x1E800] =	vst v63  }
0x12a: {  	_ =	swait.ge [sflag:s13], $0x2800  }
0x12b: {  	[sflag:s13] =	ssyncset.done $0x0  }
0x12c: {  	[sflag:s13] =	ssyncadd.s32 $0xFFFFD800  }
0x12d: {  	_ =	swait.ge [sflag:s14], $0x100  }
0x12e: {  	[sflag:s14] =	ssyncset.done $0x0  }
0x12f: {  	[sflag:s14] =	ssyncadd.s32 $0xFFFFFF00  }
0x130: {  	[tilespmem:s23], [sflag:$0x9] =	stream.indirect.gather [hbm4b:s4+s22], $0x80, s28, s22, $0xb8;
	[tilespmem:$0x1E800] =	vst v63  }
0x131: {  	_ =	swait.ge [sflag:s8], $0x2800  }
0x132: {  	[sflag:s8] =	ssyncset.done $0x0  }
0x133: {  	s28 =	simm.s32 $0x380;
	[sflag:s8] =	ssyncadd.s32 $0xFFFFD800  }
0x134: {  	[spmem:s1] =	stream.indirect.scatter.add.f32 [tilespmem:s9], [sflag:$0x10], $0x80, s28, s22, $0xb8;
	[tilespmem:$0x1E800] =	vst v63  }
0x135: {  	_ =	swait.ge [sflag:s15], $0x2800  }
0x136: {  	[sflag:s15] =	ssyncset.done $0x0  }
0x137: {  	[sflag:s15] =	ssyncadd.s32 $0xFFFFD800  }
0x138: {  	_ =	swait.ge [sflag:s26], $0x2800  }
0x139: {  	[sflag:s26] =	ssyncset.done $0x0  }
0x13a: {  	s6 =	simm.s32 $0x480;
	[sflag:s26] =	ssyncadd.s32 $0xFFFFD800  }
0x13b: {  	[spmem:s1] =	stream.indirect.scatter.add.f32 [tilespmem:s23], [sflag:$0xD], $0x80, s6, s22, $0xb8;
	[tilespmem:$0x1E800] =	vst v63  }
0x13c: {  	_ =	swait.ge [sflag:s12], $0x2800  }
0x13d: {  	[sflag:s12] =	ssyncset.done $0x0  }
0x13e: {  	[sflag:s12] =	ssyncadd.s32 $0xFFFFD800  }
0x13f: {  	_ =	swait.ge [sflag:s13], $0x2800  }
0x140: {  	[sflag:s13] =	ssyncset.done $0x0  }
0x141: {  	[sflag:s13] =	ssyncadd.s32 $0xFFFFD800  }
0x142: {  	_ =	swait.ge [sflag:s2], $0x2800  }
0x143: {  	[sflag:s2] =	ssyncset.done $0x0  }
0x144: {  	[sflag:s2] =	ssyncadd.s32 $0xFFFFD800  }
0x145: {  	[bflag:$0x0] =	sbarrier.arrive $0xFFFF  }
0x146: {  	s18 =	rddreg [dreg:$0x10]  }
0x147: {  	s10 =	rddreg [dreg:$0x15]  }
0x148: {  	s31 =	simm.s32 $0x11;
	s20 =	rddreg [dreg:$0x18]  }
0x149: {  	[hbm:s10], [sflag:s18] =	dma.local [spmem:s20], $0x2800  }
0x14a: {  	_ =	swait.ge [sflag:s31], $0x2800  }
0x14b: {  	s19 =	rddreg [dreg:$0x19]  }
0x14c: {  	s28 =	rddreg [dreg:$0x16];
	s7 =	sadd.s32 $0x1, s19  }
0x14d: {  	p0 =	sne.s32 s7, s28  }
.Ltmp1:
0x14e: {  	_ = 	snop;
	(pc) =	sbr.rel @p0 .LBB2_1-.Ltmp1, $3  }
0x14f: {  	_ =	sdelay $0x1  }
0x150: {  	[sflag:s31] =	ssyncset.done $0x0  }
0x151: {  	[sflag:s31] =	ssyncadd.s32 $0xFFFFD800;
	s19 =	rddreg [dreg:$0xd]  }
0x152: {  	_ =	sfence.sel $0x180000  }
0x153: {  	[bflag:$0x0] =	sbarrier.arrive $0xFFFF  }
0x154: {  	_ =	strace $0x9000004A  }
0x155: {  	s0 =	stileid.u32;
	[bflag:$0x2] =	sbarrier.arrive $0xFFFF  }
0x156: {  	p0 =	sne.s32 s0, $0x0;
	s0 =	rddreg [dreg:$0x2]  }
0x157: {  	s0 =	sadd.s32 @!p0 $0x100000, s0  }
0x158: {  	[sflag:s0] =	ssyncadd.tile.s32 @!p0 $0x1;
	_ =	shalt  }
.Lfunc_end2:
_tile_overlayer_lowered:
.L_overlay_start_2:
0x159: {  	(tag) =	ssettag $0x2  }
0x15a: {  	s0 =	rddreg [dreg:$0x0];
	s2 =	stileid.u32  }
0x15b: {  	s1 =	rddreg [dreg:$0x1];
	p0 =	sne.s32 s2, $0x0  }
0x15c: {  	s3 =	rddreg [dreg:$0x2];
	[bflag:$0x3] =	sbarrier.arrive $0xFFFF;
	s2 =	simm.s32 @!p0 $0x1C11  }
0x15d: {  	[timem:s3], [sflag:s2] =	dma.local @!p0 [hbm:s0], s1  }
0x15e: {  	s0 =	simm.s32 @!p0 $0x11  }
0x15f: {  	_ =	swait.ge @!p0 [sflag:s0], s1  }
0x160: {  	s1 =	ssub.s32 @!p0 $0x0, s1;
	[sflag:s0] =	ssyncset.done @!p0 $0x0  }
0x161: {  	[sflag:s0] =	ssyncadd.s32 @!p0 s1  }
0x162: {  	[bflag:$0x3] =	sbarrier.arrive $0xFFFF  }
0x163: {  	_ =	shalt  }

// kernel: kernel.14.cloned.1.call-start
scs
__scs_entry_jumppad:
0x0: {  	(pc) =	sbr.rel $0x88, $3  }
0x1: {  	(tag) =	ssettag $0x0;
	lr =	simm.s32 $0x1  }
0x2: {  	[smem:$0x3F99] =	sst lr;
	_ =	strace $0xD0000000  }
0x3: {  	_ = 	snop  }
0x4: {  	_ = 	snop  }
0x5: {  	_ = 	snop  }
0x6: {  	_ = 	snop  }
0x7: {  	_ = 	snop  }
__scs_overlays_trampoline_lowered:
0x8: {  	[smem:$0x3FA8] =	sst s0  }
0x9: {  	[smem:$0x3FA9] =	sst s1  }
0xa: {  	[smem:$0x3FAA] =	sst s2  }
0xb: {  	[smem:$0x3FAB] =	sst s3  }
0xc: {  	[smem:$0x3FAC] =	sst s4  }
0xd: {  	[smem:$0x3FAD] =	sst s5  }
0xe: {  	[smem:$0x3FAE] =	sst s6  }
0xf: {  	[smem:$0x3FAF] =	sst s7  }
0x10: {  	[smem:$0x3FB0] =	sst s8  }
0x11: {  	[smem:$0x3FB1] =	sst s9;
	s0 =	simm.s32 @!p0 $0x0  }
0x12: {  	s1 =	sld [smem:$0x3F97];
	s0 =	simm.s32 @p0 $0x1  }
0x13: {  	[smem:$0x3FB2] =	sst s0;
	s0 =	simm.s32 @!p1 $0x0  }
0x14: {  	s2 =	sld [smem:$0x3F96];
	s0 =	simm.s32 @p1 $0x1  }
0x15: {  	[smem:$0x3FB3] =	sst s0;
	s0 =	simm.s32 @!p2 $0x0  }
0x16: {  	s3 =	sld [smem:$0x3FDB];
	s0 =	simm.s32 @p2 $0x1  }
0x17: {  	s4 =	simm.s32 $0x1BF5;
	[smem:$0x3FB5] =	sst s0  }
0x18: {  	s0 =	sld [smem:$0x3F98];
	_ =	swait.ge [sflag:s4], $0x0  }
0x19: {  	s7 =	sld [smem:$0x3F99]  }
0x1a: {  	s8 =	sadd.s32 $0xFFFFE003, lr  }
0x1b: {  	s9 =	sadd.s32 $0xFFFFFEF7, lr;
	s5 =	simm.s32 $0xFFFFFFFF;
	p2 =	slt.u32 s8, $0xFFFFF086  }
0x1c: {  	p1 =	slt.u32 s9, $0xF7A;
	s5 =	simm.s32 @!p2 $0x0  }
0x1d: {  	s5 =	simm.s32 @p1 $0x1;
	p0 =	seq.s32 s7, s2  }
0x1e: {  	s7 =	smul.u32 @!p0 $0xF7A, s2;
	p2 =	seq.s32 @!p0 s5, $0x0  }
0x1f: {  	s9 =	smul.u32 $0xF7A, s1;
	s8 =	simm.s32 @!p0 $0x1BF5;
	p2 =	por !p2, p0  }
0x20: {  	[sflag:s8] =	ssyncset.s32 @!p0 $0xFFFFF086;
	s6 =	sadd.s32 @!p0 s3, s7;
	s7 =	simm.s32 @!p0 $0x108  }
0x21: {  	s3 =	sadd.s32 s3, s9;
	s6 =	sadd.s32 @!p0 $0x88, s6;
	s7 =	simm.s32 @p2 $0x1082  }
0x22: {  	[simem:s7], [sflag:s8] =	dma.local @!p0 [hbm:s6], $0xF7A  }
0x23: {  	s9 =	sor.u32 $0xD0000000, s2;
	s6 =	simm.s32 $0x108;
	_ =	swait.ge @!p0 [sflag:s8], $0x0  }
0x24: {  	s3 =	sadd.s32 $0x88, s3;
	s6 =	simm.s32 @!p1 $0x1082;
	[sflag:s4] =	ssyncset.s32 $0xFFFFF086  }
0x25: {  	[simem:s6], [sflag:s4] =	dma.local [hbm:s3], $0xF7A  }
0x26: {  	[smem:$0x3F99] =	sst s1;
	(tag) =	ssettag s2;
	_ =	strace s9  }
0x27: {  	s1 =	sld [smem:$0x3FA9]  }
0x28: {  	s2 =	sld [smem:$0x3FAA]  }
0x29: {  	s4 =	sld [smem:$0x3FAC]  }
0x2a: {  	p0 =	seq.s32 s5, $0x0;
	s5 =	sld [smem:$0x3FAD]  }
0x2b: {  	s6 =	sld [smem:$0x3FAE]  }
0x2c: {  	s7 =	sld [smem:$0x3FAF]  }
0x2d: {  	s3 =	simm.s32 $0x108;
	s8 =	sld [smem:$0x3FB0]  }
0x2e: {  	s3 =	simm.s32 @!p0 $0x1082;
	s9 =	sld [smem:$0x3FB1]  }
0x2f: {  	lr =	sadd.s32 s0, s3;
	s0 =	sld [smem:$0x3FA8]  }
0x30: {  	s3 =	sld [smem:$0x3FAB]  }
0x31: {  	[smem:$0x3FB4] =	sst s10  }
0x32: {  	s10 =	sld [smem:$0x3FB2];
	_ =	sdelay $0x3  }
0x33: {  	p0 =	seq.s32 s10, $0x1;
	s10 =	sld [smem:$0x3FB4];
	_ =	sdelay $0x3  }
0x34: {  	[smem:$0x3FB4] =	sst s10  }
0x35: {  	s10 =	sld [smem:$0x3FB3];
	_ =	sdelay $0x3  }
0x36: {  	p1 =	seq.s32 s10, $0x1;
	s10 =	sld [smem:$0x3FB4];
	_ =	sdelay $0x3  }
0x37: {  	[smem:$0x3FB4] =	sst s10  }
0x38: {  	s10 =	sld [smem:$0x3FB5]  }
0x39: {  	_ = 	snop;
	(pc) =	sbr.ind lr, $3  }
0x3a: {  	_ = 	snop  }
0x3b: {  	_ = 	snop  }
0x3c: {  	p2 =	seq.s32 s10, $0x1;
	s10 =	sld [smem:$0x3FB4]  }
0x3d: {  	_ =	shalt  }
0x3e: {  	_ =	shalt  }
0x3f: {  	_ =	shalt  }
0x40: {  	_ =	shalt  }
0x41: {  	_ =	shalt  }
0x42: {  	_ =	shalt  }
0x43: {  	_ =	shalt  }
0x44: {  	_ =	shalt  }
0x45: {  	_ =	shalt  }
0x46: {  	_ =	shalt  }
0x47: {  	_ =	shalt  }
0x48: {  	_ =	shalt  }
0x49: {  	_ =	shalt  }
0x4a: {  	_ =	shalt  }
0x4b: {  	_ =	shalt  }
0x4c: {  	_ =	shalt  }
0x4d: {  	_ =	shalt  }
0x4e: {  	_ =	shalt  }
0x4f: {  	_ =	shalt  }
0x50: {  	_ =	shalt  }
0x51: {  	_ =	shalt  }
0x52: {  	_ =	shalt  }
0x53: {  	_ =	shalt  }
0x54: {  	_ =	shalt  }
0x55: {  	_ =	shalt  }
0x56: {  	_ =	shalt  }
0x57: {  	_ =	shalt  }
0x58: {  	_ =	shalt  }
0x59: {  	_ =	shalt  }
0x5a: {  	_ =	shalt  }
0x5b: {  	_ =	shalt  }
0x5c: {  	_ =	shalt  }
0x5d: {  	_ =	shalt  }
0x5e: {  	_ =	shalt  }
0x5f: {  	_ =	shalt  }
0x60: {  	_ =	shalt  }
0x61: {  	_ =	shalt  }
0x62: {  	_ =	shalt  }
0x63: {  	_ =	shalt  }
0x64: {  	_ =	shalt  }
0x65: {  	_ =	shalt  }
0x66: {  	_ =	shalt  }
0x67: {  	_ =	shalt  }
0x68: {  	_ =	shalt  }
0x69: {  	_ =	shalt  }
0x6a: {  	_ =	shalt  }
0x6b: {  	_ =	shalt  }
0x6c: {  	_ =	shalt  }
0x6d: {  	_ =	shalt  }
0x6e: {  	_ =	shalt  }
0x6f: {  	_ =	shalt  }
0x70: {  	_ =	shalt  }
0x71: {  	_ =	shalt  }
0x72: {  	_ =	shalt  }
0x73: {  	_ =	shalt  }
0x74: {  	_ =	shalt  }
0x75: {  	_ =	shalt  }
0x76: {  	_ =	shalt  }
0x77: {  	_ =	shalt  }
0x78: {  	_ =	shalt  }
0x79: {  	_ =	shalt  }
0x7a: {  	_ =	shalt  }
0x7b: {  	_ =	shalt  }
0x7c: {  	_ =	shalt  }
0x7d: {  	_ =	shalt  }
0x7e: {  	_ =	shalt  }
0x7f: {  	_ =	shalt  }
0x80: {  	_ =	shalt  }
0x81: {  	_ =	shalt  }
0x82: {  	_ =	shalt  }
0x83: {  	_ =	shalt  }
0x84: {  	_ =	shalt  }
0x85: {  	_ =	shalt  }
0x86: {  	_ =	shalt  }
0x87: {  	_ =	shalt  }
.Lfunc_end0:
.L_simem_size_0:
called_computation.2_lowered:
.L_overlay_start_0:
0x88: {  	s2 =	sld [smem:$0x3FD9]  }
0x89: {  	s3 =	sld [smem:$0x3FFE];
	_ =	sdelay $0x1  }
0x8a: {  	s1 =	srdreg.scid  }
0x8b: {  	s0 =	sand.u32 $0x1, s1  }
0x8c: {  	s16 =	sshll.u32 s0, $0xA;
	s2 =	sadd.s32 s3, s2  }
0x8d: {  	s2 =	sadd.s32 s2, s16  }
0x8e: {  	[smem:$0x3FC0] =	sst s2  }
0x8f: {  	_ = 	snop  }
0x90: {  	(tm) =	ssettm $0x1  }
0x91: {  	s17 =	sld [smem:$0x3FFB];
	_ =	sdelay $0x3  }
0x92: {  	_ =	strace s17  }
0x93: {  	s2 =	sld [smem:$0x3FFC];
	_ =	sdelay $0x3  }
0x94: {  	_ =	strace s2  }
0x95: {  	s2 =	sld [smem:$0x3FFD];
	_ =	sdelay $0x3  }
0x96: {  	_ =	strace s2  }
0x97: {  	_ =	strace $0x8FFFFFFF  }
0x98: {  	s18 =	sld [smem:$0x3FDB];
	_ =	sdelay $0x1  }
0x99: {  	s19 =	simm.s32 $_scs_section_size  }
0x9a: {  	s4 =	simm.s32 $_size__tile_overlayer_lowered;
	s5 =	simm.s32 $_tile_overlayer_lowered  }
0x9b: {  	s22 =	simm.s32 $0x1BFF;
	s21 =	sshll.u32 s5, $0x1;
	s2 =	sadd.s32 s19, s18  }
0x9c: {  	s6 =	simm.s32 $0x0;
	s20 =	sshll.u32 s4, $0x1;
	s4 =	sadd.s32 s21, s2  }
0x9d: {  	[timem:s6], [sflag:s22] =	dma.local [hbm:s4], s20  }
0x9e: {  	_ =	swait.ge [sflag:s22], s20  }
0x9f: {  	s3 =	ssub.s32 $0x0, s20;
	[sflag:s22] =	ssyncset.done $0x0  }
0xa0: {  	[sflag:s22] =	ssyncadd.s32 s3;
	_ =	sdelay $0x1  }
0xa1: {  	s23 =	simm.s32 $0x1B8B  }
0xa2: {  	_ =	swait.ge [sflag:s23], $0x1  }
0xa3: {  	[sflag:s23] =	ssyncset.done $0x0  }
0xa4: {  	s25 =	simm.s32 $0x1B8E;
	s24 =	sld [smem:$0x3FFE];
	[sflag:s23] =	ssyncadd.s32 $0xFFFFFFFF  }
0xa5: {  	s26 =	simm.s32 $execute0_lowered;
	[smem:$0x3FD2] =	sst s25  }
0xa6: {  	s4 =	sshll.u32 s26, $0x1;
	_ =	strace $0x8000004C;
	[dreg:$0x1] =	wrdreg $0xFFFFFFFF  }
0xa7: {  	s28 =	simm.s32 $_size_execute0_lowered;
	s2 =	sadd.s32 s2, s4;
	[dreg:$0x0] =	wrdreg $0x0  }
0xa8: {  	s4 =	sshll.u32 s28, $0x1;
	[dreg:$0x2] =	wrdreg s2  }
0xa9: {  	[dreg:$0x3] =	wrdreg s4  }
0xaa: {  	[dreg:$0x4] =	wrdreg $0xC0  }
0xab: {  	_ =	task [dreg:s6], $0x5FFFF  }
0xac: {  	[dreg:$0x1] =	wrdreg $0xFFFFFFFF  }
0xad: {  	[dreg:$0x0] =	wrdreg $0x60  }
0xae: {  	[dreg:$0x2] =	wrdreg s24  }
0xaf: {  	[dreg:$0x3] =	wrdreg $0xA8000  }
0xb0: {  	[dreg:$0x4] =	wrdreg $0x9  }
0xb1: {  	_ =	task.clear_ibuf [dreg:s6], $0x5FFFF;
	_ =	strace $0x9000004C  }
0xb2: {  	s29 =	simm.s32 $0x9;
	_ =	strace $0x8000004E  }
0xb3: {  	_ =	swait.ge [sflag:s29], $0x1  }
0xb4: {  	[sflag:s29] =	ssyncadd.s32 $0xFFFFFFFF  }
0xb5: {  	_ =	strace $0x9000004E  }
0xb6: {  	_ =	sfence  }
0xb7: {  	s30 =	sld [smem:$0x0];
	_ =	sdelay $0x2  }
0xb8: {  	s31 =	sshll.u32 s1, $0xD;
	s1 =	sshrl.u32 s1, $0x2  }
0xb9: {  	s3 =	sand.u32 $0x4000, s31;
	s1 =	sadd.s32 s1, s30  }
0xba: {  	s0 =	sor.u32 s3, s0;
	s1 =	sshll.u32 s1, $0x11  }
0xbb: {  	s0 =	sor.u32 s1, s0  }
0xbc: {  	s0 =	sadd.s32 $0x8F2B, s0  }
0xbd: {  	[sflag:s0] =	ssyncadd.remote.s32 $0x1  }
0xbe: {  	_ =	sfence.sel $0xFFFF  }
0xbf: {  	[dreg:$0x0] =	wrdreg $0xFFFFFFFF;
	(pc) =	sbr.abs _section_cstart, $3  }
0xc0: {  	[dreg:$0x1] =	wrdreg $0xFFFFFFFF  }
0xc1: {  	_ =	task.clear_ibuf [dreg:s6], $0x2FFFF;
	_ =	strace $0x9FFFFFFF  }
0xc2: {  	(tm) =	ssettm $0x7FFFFFFF  }
0xc3: {  	_ =	shalt  }
tec
execute0_lowered:
.L_overlay_start_1:
0x0: {  	(tag) =	ssettag $0x1  }
0x1: {  	s0 =	rddreg [dreg:$0x0]  }
0x2: {  	s1 =	rddreg [dreg:$0x1];
	s3 =	simm.s32 $0x0  }
0x3: {  	s2 =	srdreg.scid;
	s10 =	stileid.u32;
	s31 =	simm.s32 $0x11  }
0x4: {  	s30 =	simm.s32 $0x5800;
	s29 =	simm.s32 $0x700;
	s6 =	smul.u32 $0x14000, s10  }
0x5: {  	[smem:$0x7FF] =	sst s3;
	s2 =	sand.u32 $0x1, s2;
	s20 =	smul.u32 $0x50000, s10  }
0x6: {  	s4 =	sadd.s32 $0x36200, s0;
	s19 =	sadd.s32 $0x16E00, s0;
	s9 =	smul.u32 $0x7D00, s10  }
0x7: {  	s8 =	sadd.s32 $0x2400, s0;
	s23 =	sshll.u32 s10, $0x6;
	s5 =	smul.u32 $0x140000, s2  }
0x8: {  	_ =	strace $0x8000004D;
	s7 =	sshll.u32 s2, $0x4;
	[dreg:$0xe] =	wrdreg s8  }
0x9: {  	s21 =	ssub.s32 $0x2, s2;
	s2 =	smul.u32 $0x7D000, s2;
	[dreg:$0xd] =	wrdreg s19  }
0xa: {  	s18 =	sor.u32 s10, s7;
	s22 =	sshrl.u32 s21, $0x1;
	s7 =	sshrl.u32 s20, $0x2  }
0xb: {  	s5 =	sadd.s32 s6, s5;
	s6 =	smul.u32 $0x7D00, s18;
	s7 =	sadd.s32 s7, s1  }
0xc: {  	s2 =	sadd.s32 s9, s2;
	s18 =	sor.u32 $0x1C11, s23;
	s5 =	sshrl.u32 s5, $0x3  }
0xd: {  	s25 =	sadd.s32 $0xB00, s2;
	s10 =	sadd.s32 $0xA00, s2;
	s12 =	sadd.s32 $0x900, s2  }
0xe: {  	s16 =	sadd.s32 $0x600, s2;
	s20 =	sadd.s32 $0x500, s2;
	[dreg:$0x10] =	wrdreg s18  }
0xf: {  	s0 =	sadd.s32 s5, s0;
	s5 =	ssub.s32 s21, s22;
	s6 =	sshrl.u32 s6, $0x3  }
0x10: {  	s11 =	sshrl.u32 s10, $0x3;
	s8 =	sshrl.u32 s12, $0x3;
	s17 =	sshrl.u32 s16, $0x3  }
0x11: {  	s21 =	sadd.s32 $0x400, s2;
	s12 =	simm.s32 $0xF;
	s24 =	sadd.s32 s19, s6  }
0x12: {  	s16 =	simm.s32 $0x7;
	s13 =	sadd.s32 s8, s19;
	[dreg:$0xf] =	wrdreg s24  }
0x13: {  	s8 =	sshrl.u32 s20, $0x3;
	s0 =	sadd.s32 $0x5E200, s0;
	[dreg:$0x5] =	wrdreg s13  }
0x14: {  	s23 =	sshrl.u32 s21, $0x3;
	s5 =	smax.u32 s5, $0x1;
	[dreg:$0x15] =	wrdreg s0  }
0x15: {  	s20 =	sshrl.u32 s7, $0x3;
	s21 =	simm.s32 $0x1;
	[dreg:$0x16] =	wrdreg s5  }
0x16: {  	s7 =	simm.s32 $0x0;
	s6 =	sadd.s32 $0x20, s24;
	[dreg:$0x18] =	wrdreg s20  }
0x17: {  	s26 =	sadd.s32 $0x40, s24;
	s28 =	sadd.s32 $0x60, s24;
	[dreg:$0x11] =	wrdreg s6  }
0x18: {  	s9 =	sadd.s32 $0xF80, s24;
	s22 =	sadd.s32 s8, s19;
	[dreg:$0x12] =	wrdreg s26  }
0x19: {  	s24 =	sadd.s32 s23, s19;
	s23 =	simm.s32 $0x800;
	[dreg:$0x13] =	wrdreg s28  }
0x1a: {  	s0 =	simm.s32 $0xA;
	s13 =	simm.s32 $0xD;
	[dreg:$0x14] =	wrdreg s9  }
0x1b: {  	s8 =	simm.s32 $0xC;
	s5 =	simm.s32 $0x8;
	[dreg:$0x8] =	wrdreg s22  }
0x1c: {  	s9 =	sadd.s32 $0x700, s2;
	s2 =	sadd.s32 $0x800, s2;
	[dreg:$0x9] =	wrdreg s24  }
0x1d: {  	s6 =	sshrl.u32 s25, $0x3;
	s25 =	simm.s32 $0x580;
	[dreg:$0x17] =	wrdreg s2  }
0x1e: {  	s26 =	simm.s32 $0x680;
	s22 =	simm.s32 $0x50;
	[dreg:$0xa] =	wrdreg s25  }
0x1f: {  	s28 =	simm.s32 $0x780;
	s24 =	simm.s32 $0x2;
	[dreg:$0xb] =	wrdreg s26  }
0x20: {  	s6 =	sadd.s32 s6, s19;
	s14 =	sshrl.u32 s9, $0x3;
	[dreg:$0xc] =	wrdreg s28  }
0x21: {  	s25 =	simm.s32 $0x3000;
	s26 =	simm.s32 $0x9;
	s9 =	simm.s32 $0x8000  }
0x22: {  	s2 =	simm.s32 $0x10;
	[dreg:$0x3] =	wrdreg s6;
	s6 =	sadd.s32 s11, s19  }
0x23: {  	s15 =	sadd.s32 s14, s19;
	s11 =	simm.s32 $0xB;
	[dreg:$0x4] =	wrdreg s6  }
0x24: {  	s14 =	simm.s32 $0x5;
	[dreg:$0x6] =	wrdreg s15;
	s6 =	sadd.s32 s17, s19  }
0x25: {  	s15 =	simm.s32 $0xE;
	s17 =	simm.s32 $0x6;
	[dreg:$0x7] =	wrdreg s6  }
.LBB2_1:
0x26: {  	[dreg:$0x19] =	wrdreg s7  }
0x27: {  	s10 =	rddreg [dreg:$0xe]  }
0x28: {  	[spmem:s20], [sflag:s18] =	dma.local [hbm:s10], $0x2800  }
0x29: {  	_ =	swait.ge [sflag:s31], $0x2800  }
0x2a: {  	[sflag:s31] =	ssyncset.done $0x0  }
0x2b: {  	[sflag:s31] =	ssyncadd.s32 $0xFFFFD800  }
0x2c: {  	[bflag:$0x0] =	sbarrier.arrive $0xFFFF  }
0x2d: {  	s6 =	rddreg [dreg:$0xf]  }
0x2e: {  	[tilespmem:s3], [sflag:$0x1] =	stream.linear.gather [hbm4b:s6+s3], $0x100, $0x38;
	[tilespmem:$0x1E800] =	vst v63  }
0x2f: {  	s31 =	simm.s32 $0x100;
	s7 =	rddreg [dreg:$0x11]  }
0x30: {  	[tilespmem:s31], [sflag:$0x2] =	stream.linear.gather [hbm4b:s7+s3], $0x100, $0x38;
	[tilespmem:$0x1E800] =	vst v63  }
0x31: {  	s28 =	simm.s32 $0x200;
	s18 =	rddreg [dreg:$0x12]  }
0x32: {  	[tilespmem:s28], [sflag:$0x3] =	stream.linear.gather [hbm4b:s18+s3], $0x100, $0x38;
	[tilespmem:$0x1E800] =	vst v63  }
0x33: {  	s20 =	rddreg [dreg:$0x13];
	s7 =	simm.s32 $0x300  }
0x34: {  	[tilespmem:s7], [sflag:$0x4] =	stream.linear.gather [hbm4b:s20+s3], $0x100, $0x38;
	[tilespmem:$0x1E800] =	vst v63  }
0x35: {  	_ =	swait.ge [sflag:s21], $0x100  }
0x36: {  	[sflag:s21] =	ssyncset.done $0x0  }
0x37: {  	[sflag:s21] =	ssyncadd.s32 $0xFFFFFF00  }
0x38: {  	[tilespmem:s23], [sflag:$0x9] =	stream.indirect.gather [hbm4b:s4+s22], $0x80, s3, s22, $0xb8;
	[tilespmem:$0x1E800] =	vst v63  }
0x39: {  	_ =	swait.ge [sflag:s24], $0x100  }
0x3a: {  	[sflag:s24] =	ssyncset.done $0x0  }
0x3b: {  	[sflag:s24] =	ssyncadd.s32 $0xFFFFFF00  }
0x3c: {  	[tilespmem:s25], [sflag:$0xA] =	stream.indirect.gather [hbm4b:s4+s22], $0x80, s31, s22, $0xb8;
	[tilespmem:$0x1E800] =	vst v63  }
0x3d: {  	_ =	swait.ge [sflag:s26], $0x2800  }
0x3e: {  	p0 =	por $0x1, $0x1;
	[sflag:s26] =	ssyncset.done $0x0  }
0x3f: {  	s6 =	simm.s32 $0x80;
	s18 =	simm.s32 @!p0 $0xF;
	[sflag:s26] =	ssyncadd.s32 $0xFFFFD800  }
0x40: {  	[spmem:s1] =	stream.indirect.scatter.add.f32 [tilespmem:s23], [sflag:$0xD], $0x80, s6, s22, $0xb8;
	[tilespmem:$0x1E800] =	vst v63  }
0x41: {  	_ =	swait.ge @!p0 [sflag:s18], $0x2800  }
0x42: {  	[sflag:s18] =	ssyncset.done @!p0 $0x0  }
0x43: {  	[sflag:s18] =	ssyncadd.s32 @!p0 $0xFFFFD800;
	s18 =	simm.s32 $0x3  }
0x44: {  	_ =	swait.ge [sflag:s18], $0x100  }
0x45: {  	[sflag:s18] =	ssyncset.done $0x0  }
0x46: {  	s20 =	rddreg [dreg:$0x9];
	[sflag:s18] =	ssyncadd.s32 $0xFFFFFF00  }
0x47: {  	[tilespmem:s30], [sflag:$0xB] =	stream.indirect.gather [hbm4b:s4+s22], $0x80, s28, s22, $0xb8;
	[tilespmem:$0x1E800] =	vst v63  }
0x48: {  	s10 =	simm.s32 $0x400;
	s18 =	sadd.s32 $0x0, s20  }
0x49: {  	[tilespmem:s10], [sflag:$0x5] =	stream.linear.gather [hbm4b:s18+s3], $0x100, $0x38;
	[tilespmem:$0x1E800] =	vst v63  }
0x4a: {  	_ =	swait.ge [sflag:s0], $0x2800  }
0x4b: {  	[sflag:s0] =	ssyncset.done $0x0  }
0x4c: {  	s6 =	simm.s32 $0x180;
	s18 =	simm.s32 @!p0 $0x10;
	[sflag:s0] =	ssyncadd.s32 $0xFFFFD800  }
0x4d: {  	[spmem:s1] =	stream.indirect.scatter.add.f32 [tilespmem:s25], [sflag:$0xE], $0x80, s6, s22, $0xb8;
	[tilespmem:$0x1E800] =	vst v63  }
0x4e: {  	_ =	swait.ge @!p0 [sflag:s18], $0x2800  }
0x4f: {  	[sflag:s18] =	ssyncset.done @!p0 $0x0  }
0x50: {  	s6 =	simm.s32 $0x4;
	[sflag:s18] =	ssyncadd.s32 @!p0 $0xFFFFD800  }
0x51: {  	_ =	swait.ge [sflag:s6], $0x100  }
0x52: {  	[sflag:s6] =	ssyncset.done $0x0  }
0x53: {  	s20 =	rddreg [dreg:$0x8];
	[sflag:s6] =	ssyncadd.s32 $0xFFFFFF00  }
0x54: {  	[tilespmem:s9], [sflag:$0xC] =	stream.indirect.gather [hbm4b:s4+s22], $0x80, s7, s22, $0xb8;
	[tilespmem:$0x1E800] =	vst v63  }
0x55: {  	s18 =	sadd.s32 $0x0, s20;
	s20 =	simm.s32 $0x500  }
0x56: {  	[tilespmem:s20], [sflag:$0x6] =	stream.linear.gather [hbm4b:s18+s3], $0x100, $0x38;
	[tilespmem:$0x1E800] =	vst v63  }
0x57: {  	_ =	swait.ge [sflag:s11], $0x2800  }
0x58: {  	[sflag:s11] =	ssyncset.done $0x0  }
0x59: {  	s6 =	simm.s32 $0x280;
	[sflag:s11] =	ssyncadd.s32 $0xFFFFD800  }
0x5a: {  	[spmem:s1] =	stream.indirect.scatter.add.f32 [tilespmem:s30], [sflag:$0xF], $0x80, s6, s22, $0xb8;
	[tilespmem:$0x1E800] =	vst v63  }
0x5b: {  	_ =	swait.ge [sflag:s13], $0x2800  }
0x5c: {  	[sflag:s13] =	ssyncset.done $0x0  }
0x5d: {  	[sflag:s13] =	ssyncadd.s32 $0xFFFFD800  }
0x5e: {  	_ =	swait.ge [sflag:s14], $0x100  }
0x5f: {  	[sflag:s14] =	ssyncset.done $0x0  }
0x60: {  	s7 =	rddreg [dreg:$0x7];
	[sflag:s14] =	ssyncadd.s32 $0xFFFFFF00  }
0x61: {  	[tilespmem:s23], [sflag:$0x9] =	stream.indirect.gather [hbm4b:s4+s22], $0x80, s10, s22, $0xb8;
	[tilespmem:$0x1E800] =	vst v63  }
0x62: {  	s18 =	sadd.s32 $0x0, s7;
	s10 =	simm.s32 $0x600  }
0x63: {  	[tilespmem:s10], [sflag:$0x7] =	stream.linear.gather [hbm4b:s18+s3], $0x100, $0x38;
	[tilespmem:$0x1E800] =	vst v63  }
0x64: {  	_ =	swait.ge [sflag:s8], $0x2800  }
0x65: {  	[sflag:s8] =	ssyncset.done $0x0  }
0x66: {  	s6 =	simm.s32 $0x380;
	[sflag:s8] =	ssyncadd.s32 $0xFFFFD800  }
0x67: {  	[spmem:s1] =	stream.indirect.scatter.add.f32 [tilespmem:s9], [sflag:$0x10], $0x80, s6, s22, $0xb8;
	[tilespmem:$0x1E800] =	vst v63  }
0x68: {  	_ =	swait.ge [sflag:s15], $0x2800  }
0x69: {  	[sflag:s15] =	ssyncset.done $0x0  }
0x6a: {  	[sflag:s15] =	ssyncadd.s32 $0xFFFFD800  }
0x6b: {  	_ =	swait.ge [sflag:s17], $0x100  }
0x6c: {  	[sflag:s17] =	ssyncset.done $0x0  }
0x6d: {  	s7 =	rddreg [dreg:$0x6];
	[sflag:s17] =	ssyncadd.s32 $0xFFFFFF00  }
0x6e: {  	[tilespmem:s25], [sflag:$0xA] =	stream.indirect.gather [hbm4b:s4+s22], $0x80, s20, s22, $0xb8;
	[tilespmem:$0x1E800] =	vst v63  }
0x6f: {  	s18 =	sadd.s32 $0x0, s7  }
0x70: {  	[tilespmem:s29], [sflag:$0x8] =	stream.linear.gather [hbm4b:s18+s3], $0x100, $0x38;
	[tilespmem:$0x1E800] =	vst v63  }
0x71: {  	_ =	swait.ge [sflag:s26], $0x2800  }
0x72: {  	[sflag:s26] =	ssyncset.done $0x0  }
0x73: {  	s6 =	simm.s32 $0x480;
	[sflag:s26] =	ssyncadd.s32 $0xFFFFD800  }
0x74: {  	[spmem:s1] =	stream.indirect.scatter.add.f32 [tilespmem:s23], [sflag:$0xD], $0x80, s6, s22, $0xb8;
	[tilespmem:$0x1E800] =	vst v63  }
0x75: {  	_ =	swait.ge [sflag:s12], $0x2800  }
0x76: {  	[sflag:s12] =	ssyncset.done $0x0  }
0x77: {  	[sflag:s12] =	ssyncadd.s32 $0xFFFFD800  }
0x78: {  	_ =	swait.ge [sflag:s16], $0x100  }
0x79: {  	[sflag:s16] =	ssyncset.done $0x0;
	s20 =	rddreg [dreg:$0x17]  }
0x7a: {  	[sflag:s16] =	ssyncadd.s32 $0xFFFFFF00;
	s7 =	sshrl.u32 s20, $0x3  }
0x7b: {  	[tilespmem:s30], [sflag:$0xB] =	stream.indirect.gather [hbm4b:s4+s22], $0x80, s10, s22, $0xb8;
	[tilespmem:$0x1E800] =	vst v63  }
0x7c: {  	s18 =	sadd.s32 s19, s7  }
0x7d: {  	[tilespmem:s3], [sflag:$0x1] =	stream.linear.gather [hbm4b:s18+s3], $0x100, $0x38;
	[tilespmem:$0x1E800] =	vst v63  }
0x7e: {  	_ =	swait.ge [sflag:s0], $0x2800  }
0x7f: {  	[sflag:s0] =	ssyncset.done $0x0  }
0x80: {  	s6 =	rddreg [dreg:$0xa];
	[sflag:s0] =	ssyncadd.s32 $0xFFFFD800  }
0x81: {  	[spmem:s1] =	stream.indirect.scatter.add.f32 [tilespmem:s25], [sflag:$0xE], $0x80, s6, s22, $0xb8;
	[tilespmem:$0x1E800] =	vst v63  }
0x82: {  	_ =	swait.ge [sflag:s2], $0x2800  }
0x83: {  	[sflag:s2] =	ssyncset.done $0x0  }
0x84: {  	[sflag:s2] =	ssyncadd.s32 $0xFFFFD800  }
0x85: {  	_ =	swait.ge [sflag:s5], $0x100  }
0x86: {  	[sflag:s5] =	ssyncset.done $0x0  }
0x87: {  	s7 =	rddreg [dreg:$0x5];
	[sflag:s5] =	ssyncadd.s32 $0xFFFFFF00  }
0x88: {  	[tilespmem:s9], [sflag:$0xC] =	stream.indirect.gather [hbm4b:s4+s22], $0x80, s29, s22, $0xb8;
	[tilespmem:$0x1E800] =	vst v63  }
0x89: {  	s18 =	sadd.s32 $0x0, s7  }
0x8a: {  	[tilespmem:s31], [sflag:$0x2] =	stream.linear.gather [hbm4b:s18+s3], $0x100, $0x38;
	[tilespmem:$0x1E800] =	vst v63  }
0x8b: {  	_ =	swait.ge [sflag:s11], $0x2800  }
0x8c: {  	[sflag:s11] =	ssyncset.done $0x0  }
0x8d: {  	s10 =	rddreg [dreg:$0xb];
	[sflag:s11] =	ssyncadd.s32 $0xFFFFD800  }
0x8e: {  	[spmem:s1] =	stream.indirect.scatter.add.f32 [tilespmem:s30], [sflag:$0xF], $0x80, s10, s22, $0xb8;
	[tilespmem:$0x1E800] =	vst v63  }
0x8f: {  	_ =	swait.ge [sflag:s13], $0x2800  }
0x90: {  	[sflag:s13] =	ssyncset.done $0x0  }
0x91: {  	[sflag:s13] =	ssyncadd.s32 $0xFFFFD800  }
0x92: {  	_ =	swait.ge [sflag:s21], $0x100  }
0x93: {  	[sflag:s21] =	ssyncset.done $0x0  }
0x94: {  	s19 =	rddreg [dreg:$0x4];
	[sflag:s21] =	ssyncadd.s32 $0xFFFFFF00  }
0x95: {  	[tilespmem:s23], [sflag:$0x9] =	stream.indirect.gather [hbm4b:s4+s22], $0x80, s3, s22, $0xb8;
	[tilespmem:$0x1E800] =	vst v63  }
0x96: {  	s18 =	sadd.s32 $0x0, s19  }
0x97: {  	[tilespmem:s28], [sflag:$0x3] =	stream.linear.gather [hbm4b:s18+s3], $0x100, $0x38;
	[tilespmem:$0x1E800] =	vst v63  }
0x98: {  	_ =	swait.ge [sflag:s8], $0x2800  }
0x99: {  	[sflag:s8] =	ssyncset.done $0x0  }
0x9a: {  	s28 =	rddreg [dreg:$0xc];
	[sflag:s8] =	ssyncadd.s32 $0xFFFFD800  }
0x9b: {  	[spmem:s1] =	stream.indirect.scatter.add.f32 [tilespmem:s9], [sflag:$0x10], $0x80, s28, s22, $0xb8;
	[tilespmem:$0x1E800] =	vst v63  }
0x9c: {  	_ =	swait.ge [sflag:s15], $0x2800  }
0x9d: {  	[sflag:s15] =	ssyncset.done $0x0  }
0x9e: {  	[sflag:s15] =	ssyncadd.s32 $0xFFFFD800  }
0x9f: {  	_ =	swait.ge [sflag:s24], $0x100  }
0xa0: {  	[sflag:s24] =	ssyncset.done $0x0  }
0xa1: {  	[sflag:s24] =	ssyncadd.s32 $0xFFFFFF00  }
0xa2: {  	[tilespmem:s25], [sflag:$0xA] =	stream.indirect.gather [hbm4b:s4+s22], $0x80, s31, s22, $0xb8;
	[tilespmem:$0x1E800] =	vst v63  }
0xa3: {  	s19 =	simm.s32 $0x0;
	s18 =	simm.s32 $0x100;
	s31 =	rddreg [dreg:$0x3]  }
.LBB2_2:
0xa4: {  	s31 =	sadd.s32 s19, s31;
	s7 =	simm.s32 $0x300  }
0xa5: {  	[tilespmem:s7], [sflag:$0x4] =	stream.linear.gather [hbm4b:s31+s3], $0x100, $0x38;
	[tilespmem:$0x1E800] =	vst v63  }
0xa6: {  	s19 =	smov.u32 s18;
	_ =	swait.ge [sflag:s26], $0x2800  }
0xa7: {  	p1 =	seq.s32 s19, $0x0;
	[sflag:s26] =	ssyncset.done $0x0  }
0xa8: {  	s28 =	simm.s32 $0x80;
	s31 =	simm.s32 @!p1 $0xF;
	[sflag:s26] =	ssyncadd.s32 $0xFFFFD800  }
0xa9: {  	[spmem:s1] =	stream.indirect.scatter.add.f32 [tilespmem:s23], [sflag:$0xD], $0x80, s28, s22, $0xb8;
	[tilespmem:$0x1E800] =	vst v63  }
0xaa: {  	_ =	swait.ge @!p1 [sflag:s31], $0x2800  }
0xab: {  	[sflag:s31] =	ssyncset.done @!p1 $0x0  }
0xac: {  	s21 =	simm.s32 $0x3;
	[sflag:s31] =	ssyncadd.s32 @!p1 $0xFFFFD800  }
0xad: {  	_ =	swait.ge [sflag:s21], $0x100  }
0xae: {  	[sflag:s21] =	ssyncset.done $0x0  }
0xaf: {  	s28 =	simm.s32 $0x200;
	s31 =	rddreg [dreg:$0x9];
	[sflag:s21] =	ssyncadd.s32 $0xFFFFFF00  }
0xb0: {  	[tilespmem:s30], [sflag:$0xB] =	stream.indirect.gather [hbm4b:s4+s22], $0x80, s28, s22, $0xb8;
	[tilespmem:$0x1E800] =	vst v63  }
0xb1: {  	s31 =	sadd.s32 s19, s31;
	s21 =	simm.s32 $0x400  }
0xb2: {  	[tilespmem:s21], [sflag:$0x5] =	stream.linear.gather [hbm4b:s31+s3], $0x100, $0x38;
	[tilespmem:$0x1E800] =	vst v63  }
0xb3: {  	_ =	swait.ge [sflag:s0], $0x2800  }
0xb4: {  	[sflag:s0] =	ssyncset.done $0x0  }
0xb5: {  	s24 =	simm.s32 $0x180;
	s31 =	simm.s32 @!p1 $0x10;
	[sflag:s0] =	ssyncadd.s32 $0xFFFFD800  }
0xb6: {  	[spmem:s1] =	stream.indirect.scatter.add.f32 [tilespmem:s25], [sflag:$0xE], $0x80, s24, s22, $0xb8;
	[tilespmem:$0x1E800] =	vst v63  }
0xb7: {  	_ =	swait.ge @!p1 [sflag:s31], $0x2800  }
0xb8: {  	[sflag:s31] =	ssyncset.done @!p1 $0x0  }
0xb9: {  	s6 =	simm.s32 $0x4;
	[sflag:s31] =	ssyncadd.s32 @!p1 $0xFFFFD800  }
0xba: {  	_ =	swait.ge [sflag:s6], $0x100  }
0xbb: {  	[sflag:s6] =	ssyncset.done $0x0  }
0xbc: {  	s31 =	rddreg [dreg:$0x8];
	[sflag:s6] =	ssyncadd.s32 $0xFFFFFF00  }
0xbd: {  	[tilespmem:s9], [sflag:$0xC] =	stream.indirect.gather [hbm4b:s4+s22], $0x80, s7, s22, $0xb8;
	[tilespmem:$0x1E800] =	vst v63  }
0xbe: {  	s10 =	simm.s32 $0x500;
	s31 =	sadd.s32 s19, s31  }
0xbf: {  	[tilespmem:s10], [sflag:$0x6] =	stream.linear.gather [hbm4b:s31+s3], $0x100, $0x38;
	[tilespmem:$0x1E800] =	vst v63  }
0xc0: {  	_ =	swait.ge [sflag:s11], $0x2800  }
0xc1: {  	[sflag:s11] =	ssyncset.done $0x0  }
0xc2: {  	s6 =	simm.s32 $0x280;
	[sflag:s11] =	ssyncadd.s32 $0xFFFFD800  }
0xc3: {  	[spmem:s1] =	stream.indirect.scatter.add.f32 [tilespmem:s30], [sflag:$0xF], $0x80, s6, s22, $0xb8;
	[tilespmem:$0x1E800] =	vst v63  }
0xc4: {  	_ =	swait.ge [sflag:s13], $0x2800  }
0xc5: {  	[sflag:s13] =	ssyncset.done $0x0  }
0xc6: {  	[sflag:s13] =	ssyncadd.s32 $0xFFFFD800  }
0xc7: {  	_ =	swait.ge [sflag:s14], $0x100  }
0xc8: {  	[sflag:s14] =	ssyncset.done $0x0  }
0xc9: {  	s31 =	rddreg [dreg:$0x7];
	[sflag:s14] =	ssyncadd.s32 $0xFFFFFF00  }
0xca: {  	[tilespmem:s23], [sflag:$0x9] =	stream.indirect.gather [hbm4b:s4+s22], $0x80, s21, s22, $0xb8;
	[tilespmem:$0x1E800] =	vst v63  }
0xcb: {  	s6 =	simm.s32 $0x600;
	s31 =	sadd.s32 s19, s31  }
0xcc: {  	[tilespmem:s6], [sflag:$0x7] =	stream.linear.gather [hbm4b:s31+s3], $0x100, $0x38;
	[tilespmem:$0x1E800] =	vst v63  }
0xcd: {  	_ =	swait.ge [sflag:s8], $0x2800  }
0xce: {  	[sflag:s8] =	ssyncset.done $0x0  }
0xcf: {  	s7 =	simm.s32 $0x380;
	[sflag:s8] =	ssyncadd.s32 $0xFFFFD800  }
0xd0: {  	[spmem:s1] =	stream.indirect.scatter.add.f32 [tilespmem:s9], [sflag:$0x10], $0x80, s7, s22, $0xb8;
	[tilespmem:$0x1E800] =	vst v63  }
0xd1: {  	_ =	swait.ge [sflag:s15], $0x2800  }
0xd2: {  	[sflag:s15] =	ssyncset.done $0x0  }
0xd3: {  	[sflag:s15] =	ssyncadd.s32 $0xFFFFD800  }
0xd4: {  	_ =	swait.ge [sflag:s17], $0x100  }
0xd5: {  	[sflag:s17] =	ssyncset.done $0x0  }
0xd6: {  	s31 =	rddreg [dreg:$0x6];
	[sflag:s17] =	ssyncadd.s32 $0xFFFFFF00  }
0xd7: {  	[tilespmem:s25], [sflag:$0xA] =	stream.indirect.gather [hbm4b:s4+s22], $0x80, s10, s22, $0xb8;
	[tilespmem:$0x1E800] =	vst v63  }
0xd8: {  	s31 =	sadd.s32 s19, s31  }
0xd9: {  	[tilespmem:s29], [sflag:$0x8] =	stream.linear.gather [hbm4b:s31+s3], $0x100, $0x38;
	[tilespmem:$0x1E800] =	vst v63  }
0xda: {  	_ =	swait.ge [sflag:s26], $0x2800  }
0xdb: {  	[sflag:s26] =	ssyncset.done $0x0  }
0xdc: {  	s10 =	simm.s32 $0x480;
	[sflag:s26] =	ssyncadd.s32 $0xFFFFD800  }
0xdd: {  	[spmem:s1] =	stream.indirect.scatter.add.f32 [tilespmem:s23], [sflag:$0xD], $0x80, s10, s22, $0xb8;
	[tilespmem:$0x1E800] =	vst v63  }
0xde: {  	_ =	swait.ge [sflag:s12], $0x2800  }
0xdf: {  	[sflag:s12] =	ssyncset.done $0x0  }
0xe0: {  	[sflag:s12] =	ssyncadd.s32 $0xFFFFD800  }
0xe1: {  	_ =	swait.ge [sflag:s16], $0x100  }
0xe2: {  	s20 =	sadd.s32 $0x800, s20;
	[sflag:s16] =	ssyncset.done $0x0  }
0xe3: {  	s31 =	sshrl.u32 s20, $0x3;
	s10 =	rddreg [dreg:$0xd];
	[sflag:s16] =	ssyncadd.s32 $0xFFFFFF00  }
0xe4: {  	[tilespmem:s30], [sflag:$0xB] =	stream.indirect.gather [hbm4b:s4+s22], $0x80, s6, s22, $0xb8;
	[tilespmem:$0x1E800] =	vst v63  }
0xe5: {  	s31 =	sadd.s32 s10, s31  }
0xe6: {  	[tilespmem:s3], [sflag:$0x1] =	stream.linear.gather [hbm4b:s31+s3], $0x100, $0x38;
	[tilespmem:$0x1E800] =	vst v63  }
0xe7: {  	_ =	swait.ge [sflag:s0], $0x2800  }
0xe8: {  	[sflag:s0] =	ssyncset.done $0x0  }
0xe9: {  	s31 =	rddreg [dreg:$0xa];
	[sflag:s0] =	ssyncadd.s32 $0xFFFFD800  }
0xea: {  	[spmem:s1] =	stream.indirect.scatter.add.f32 [tilespmem:s25], [sflag:$0xE], $0x80, s31, s22, $0xb8;
	[tilespmem:$0x1E800] =	vst v63  }
0xeb: {  	_ =	swait.ge [sflag:s2], $0x2800  }
0xec: {  	[sflag:s2] =	ssyncset.done $0x0  }
0xed: {  	[sflag:s2] =	ssyncadd.s32 $0xFFFFD800  }
0xee: {  	_ =	swait.ge [sflag:s5], $0x100  }
0xef: {  	[sflag:s5] =	ssyncset.done $0x0  }
0xf0: {  	s31 =	rddreg [dreg:$0x5];
	[sflag:s5] =	ssyncadd.s32 $0xFFFFFF00  }
0xf1: {  	[tilespmem:s9], [sflag:$0xC] =	stream.indirect.gather [hbm4b:s4+s22], $0x80, s29, s22, $0xb8;
	[tilespmem:$0x1E800] =	vst v63  }
0xf2: {  	s6 =	simm.s32 $0x100;
	s31 =	sadd.s32 s19, s31  }
0xf3: {  	[tilespmem:s6], [sflag:$0x2] =	stream.linear.gather [hbm4b:s31+s3], $0x100, $0x38;
	[tilespmem:$0x1E800] =	vst v63  }
0xf4: {  	_ =	swait.ge [sflag:s11], $0x2800  }
0xf5: {  	[sflag:s11] =	ssyncset.done $0x0  }
0xf6: {  	s31 =	rddreg [dreg:$0xb];
	[sflag:s11] =	ssyncadd.s32 $0xFFFFD800  }
0xf7: {  	[spmem:s1] =	stream.indirect.scatter.add.f32 [tilespmem:s30], [sflag:$0xF], $0x80, s31, s22, $0xb8;
	[tilespmem:$0x1E800] =	vst v63  }
0xf8: {  	_ =	swait.ge [sflag:s13], $0x2800  }
0xf9: {  	[sflag:s13] =	ssyncset.done $0x0  }
0xfa: {  	s21 =	simm.s32 $0x1;
	[sflag:s13] =	ssyncadd.s32 $0xFFFFD800  }
0xfb: {  	_ =	swait.ge [sflag:s21], $0x100  }
0xfc: {  	[sflag:s21] =	ssyncset.done $0x0  }
0xfd: {  	s31 =	rddreg [dreg:$0x4];
	[sflag:s21] =	ssyncadd.s32 $0xFFFFFF00  }
0xfe: {  	[tilespmem:s23], [sflag:$0x9] =	stream.indirect.gather [hbm4b:s4+s22], $0x80, s3, s22, $0xb8;
	[tilespmem:$0x1E800] =	vst v63  }
0xff: {  	s31 =	sadd.s32 s19, s31  }
0x100: {  	[tilespmem:s28], [sflag:$0x3] =	stream.linear.gather [hbm4b:s31+s3], $0x100, $0x38;
	[tilespmem:$0x1E800] =	vst v63  }
0x101: {  	_ =	swait.ge [sflag:s8], $0x2800  }
0x102: {  	[sflag:s8] =	ssyncset.done $0x0  }
0x103: {  	s31 =	rddreg [dreg:$0xc];
	[sflag:s8] =	ssyncadd.s32 $0xFFFFD800  }
0x104: {  	[spmem:s1] =	stream.indirect.scatter.add.f32 [tilespmem:s9], [sflag:$0x10], $0x80, s31, s22, $0xb8;
	[tilespmem:$0x1E800] =	vst v63  }
0x105: {  	s18 =	sadd.s32 $0x100, s18;
	_ =	swait.ge [sflag:s15], $0x2800  }
0x106: {  	p0 =	sne.s32 s18, $0xF00;
	[sflag:s15] =	ssyncset.done $0x0  }
.Ltmp0:
0x107: {  	s24 =	simm.s32 $0x2;
	[sflag:s15] =	ssyncadd.s32 $0xFFFFD800;
	(pc) =	sbr.rel @p0 .LBB2_2-.Ltmp0, $4  }
0x108: {  	_ =	swait.ge [sflag:s24], $0x100  }
0x109: {  	[sflag:s24] =	ssyncset.done $0x0  }
0x10a: {  	s7 =	simm.s32 $0x200;
	s31 =	rddreg [dreg:$0x3];
	[sflag:s24] =	ssyncadd.s32 $0xFFFFFF00  }
0x10b: {  	[tilespmem:s25], [sflag:$0xA] =	stream.indirect.gather [hbm4b:s4+s22], $0x80, s6, s22, $0xb8;
	[tilespmem:$0x1E800] =	vst v63  }
0x10c: {  	s18 =	sadd.s32 s19, s31;
	s19 =	simm.s32 $0x300  }
0x10d: {  	[tilespmem:s19], [sflag:$0x4] =	stream.linear.gather [hbm4b:s18+s3], $0x100, $0x38;
	[tilespmem:$0x1E800] =	vst v63  }
0x10e: {  	_ =	swait.ge [sflag:s26], $0x2800  }
0x10f: {  	[sflag:s26] =	ssyncset.done $0x0  }
0x110: {  	s6 =	simm.s32 $0x80;
	[sflag:s26] =	ssyncadd.s32 $0xFFFFD800  }
0x111: {  	[spmem:s1] =	stream.indirect.scatter.add.f32 [tilespmem:s23], [sflag:$0xD], $0x80, s6, s22, $0xb8;
	[tilespmem:$0x1E800] =	vst v63  }
0x112: {  	_ =	swait.ge [sflag:s12], $0x2800  }
0x113: {  	[sflag:s12] =	ssyncset.done $0x0  }
0x114: {  	s10 =	simm.s32 $0x3;
	[sflag:s12] =	ssyncadd.s32 $0xFFFFD800  }
0x115: {  	_ =	swait.ge [sflag:s10], $0x100  }
0x116: {  	[sflag:s10] =	ssyncset.done $0x0  }
0x117: {  	[sflag:s10] =	ssyncadd.s32 $0xFFFFFF00  }
0x118: {  	[tilespmem:s30], [sflag:$0xB] =	stream.indirect.gather [hbm4b:s4+s22], $0x80, s7, s22, $0xb8;
	[tilespmem:$0x1E800] =	vst v63  }
0x119: {  	s28 =	simm.s32 $0x400;
	s20 =	rddreg [dreg:$0x14]  }
0x11a: {  	[tilespmem:s28], [sflag:$0x5] =	stream.linear.gather [hbm4b:s20+s3], $0x100, $0x38;
	[tilespmem:$0x1E800] =	vst v63  }
0x11b: {  	_ =	swait.ge [sflag:s0], $0x2800  }
0x11c: {  	[sflag:s0] =	ssyncset.done $0x0  }
0x11d: {  	s10 =	simm.s32 $0x180;
	[sflag:s0] =	ssyncadd.s32 $0xFFFFD800  }
0x11e: {  	[spmem:s1] =	stream.indirect.scatter.add.f32 [tilespmem:s25], [sflag:$0xE], $0x80, s10, s22, $0xb8;
	[tilespmem:$0x1E800] =	vst v63  }
0x11f: {  	_ =	swait.ge [sflag:s2], $0x2800  }
0x120: {  	[sflag:s2] =	ssyncset.done $0x0  }
0x121: {  	s6 =	simm.s32 $0x4;
	[sflag:s2] =	ssyncadd.s32 $0xFFFFD800  }
0x122: {  	_ =	swait.ge [sflag:s6], $0x100  }
0x123: {  	[sflag:s6] =	ssyncset.done $0x0  }
0x124: {  	[sflag:s6] =	ssyncadd.s32 $0xFFFFFF00  }
0x125: {  	[tilespmem:s9], [sflag:$0xC] =	stream.indirect.gather [hbm4b:s4+s22], $0x80, s19, s22, $0xb8;
	[tilespmem:$0x1E800] =	vst v63  }
0x126: {  	_ =	swait.ge [sflag:s11], $0x2800  }
0x127: {  	[sflag:s11] =	ssyncset.done $0x0  }
0x128: {  	s20 =	simm.s32 $0x280;
	[sflag:s11] =	ssyncadd.s32 $0xFFFFD800  }
0x129: {  	[spmem:s1] =	stream.indirect.scatter.add.f32 [tilespmem:s30], [sflag:$0xF], $0x80, s20, s22, $0xb8;
	[tilespmem:$0x1E800] =	vst v63  }
0x12a: {  	_ =	swait.ge [sflag:s13], $0x2800  }
0x12b: {  	[sflag:s13] =	ssyncset.done $0x0  }
0x12c: {  	[sflag:s13] =	ssyncadd.s32 $0xFFFFD800  }
0x12d: {  	_ =	swait.ge [sflag:s14], $0x100  }
0x12e: {  	[sflag:s14] =	ssyncset.done $0x0  }
0x12f: {  	[sflag:s14] =	ssyncadd.s32 $0xFFFFFF00  }
0x130: {  	[tilespmem:s23], [sflag:$0x9] =	stream.indirect.gather [hbm4b:s4+s22], $0x80, s28, s22, $0xb8;
	[tilespmem:$0x1E800] =	vst v63  }
0x131: {  	_ =	swait.ge [sflag:s8], $0x2800  }
0x132: {  	[sflag:s8] =	ssyncset.done $0x0  }
0x133: {  	s28 =	simm.s32 $0x380;
	[sflag:s8] =	ssyncadd.s32 $0xFFFFD800  }
0x134: {  	[spmem:s1] =	stream.indirect.scatter.add.f32 [tilespmem:s9], [sflag:$0x10], $0x80, s28, s22, $0xb8;
	[tilespmem:$0x1E800] =	vst v63  }
0x135: {  	_ =	swait.ge [sflag:s15], $0x2800  }
0x136: {  	[sflag:s15] =	ssyncset.done $0x0  }
0x137: {  	[sflag:s15] =	ssyncadd.s32 $0xFFFFD800  }
0x138: {  	_ =	swait.ge [sflag:s26], $0x2800  }
0x139: {  	[sflag:s26] =	ssyncset.done $0x0  }
0x13a: {  	s6 =	simm.s32 $0x480;
	[sflag:s26] =	ssyncadd.s32 $0xFFFFD800  }
0x13b: {  	[spmem:s1] =	stream.indirect.scatter.add.f32 [tilespmem:s23], [sflag:$0xD], $0x80, s6, s22, $0xb8;
	[tilespmem:$0x1E800] =	vst v63  }
0x13c: {  	_ =	swait.ge [sflag:s12], $0x2800  }
0x13d: {  	[sflag:s12] =	ssyncset.done $0x0  }
0x13e: {  	[sflag:s12] =	ssyncadd.s32 $0xFFFFD800  }
0x13f: {  	_ =	swait.ge [sflag:s13], $0x2800  }
0x140: {  	[sflag:s13] =	ssyncset.done $0x0  }
0x141: {  	[sflag:s13] =	ssyncadd.s32 $0xFFFFD800  }
0x142: {  	_ =	swait.ge [sflag:s2], $0x2800  }
0x143: {  	[sflag:s2] =	ssyncset.done $0x0  }
0x144: {  	[sflag:s2] =	ssyncadd.s32 $0xFFFFD800  }
0x145: {  	[bflag:$0x0] =	sbarrier.arrive $0xFFFF  }
0x146: {  	s18 =	rddreg [dreg:$0x10]  }
0x147: {  	s10 =	rddreg [dreg:$0x15]  }
0x148: {  	s31 =	simm.s32 $0x11;
	s20 =	rddreg [dreg:$0x18]  }
0x149: {  	[hbm:s10], [sflag:s18] =	dma.local [spmem:s20], $0x2800  }
0x14a: {  	_ =	swait.ge [sflag:s31], $0x2800  }
0x14b: {  	s19 =	rddreg [dreg:$0x19]  }
0x14c: {  	s28 =	rddreg [dreg:$0x16];
	s7 =	sadd.s32 $0x1, s19  }
0x14d: {  	p0 =	sne.s32 s7, s28  }
.Ltmp1:
0x14e: {  	_ = 	snop;
	(pc) =	sbr.rel @p0 .LBB2_1-.Ltmp1, $3  }
0x14f: {  	_ =	sdelay $0x1  }
0x150: {  	[sflag:s31] =	ssyncset.done $0x0  }
0x151: {  	[sflag:s31] =	ssyncadd.s32 $0xFFFFD800;
	s19 =	rddreg [dreg:$0xd]  }
0x152: {  	_ =	sfence.sel $0x180000  }
0x153: {  	[bflag:$0x0] =	sbarrier.arrive $0xFFFF  }
0x154: {  	_ =	strace $0x9000004D  }
0x155: {  	s0 =	stileid.u32;
	[bflag:$0x2] =	sbarrier.arrive $0xFFFF  }
0x156: {  	p0 =	sne.s32 s0, $0x0;
	s0 =	rddreg [dreg:$0x2]  }
0x157: {  	s0 =	sadd.s32 @!p0 $0x100000, s0  }
0x158: {  	[sflag:s0] =	ssyncadd.tile.s32 @!p0 $0x1;
	_ =	shalt  }
.Lfunc_end2:
_tile_overlayer_lowered:
.L_overlay_start_2:
0x159: {  	(tag) =	ssettag $0x2  }
0x15a: {  	s0 =	rddreg [dreg:$0x0];
	s2 =	stileid.u32  }
0x15b: {  	s1 =	rddreg [dreg:$0x1];
	p0 =	sne.s32 s2, $0x0  }
0x15c: {  	s3 =	rddreg [dreg:$0x2];
	[bflag:$0x3] =	sbarrier.arrive $0xFFFF;
	s2 =	simm.s32 @!p0 $0x1C11  }
0x15d: {  	[timem:s3], [sflag:s2] =	dma.local @!p0 [hbm:s0], s1  }
0x15e: {  	s0 =	simm.s32 @!p0 $0x11  }
0x15f: {  	_ =	swait.ge @!p0 [sflag:s0], s1  }
0x160: {  	s1 =	ssub.s32 @!p0 $0x0, s1;
	[sflag:s0] =	ssyncset.done @!p0 $0x0  }
0x161: {  	[sflag:s0] =	ssyncadd.s32 @!p0 s1  }
0x162: {  	[bflag:$0x3] =	sbarrier.arrive $0xFFFF  }
0x163: {  	_ =	shalt  }

// kernel: kernel.8.cloned.1.call-start
scs
__scs_entry_jumppad:
0x0: {  	(pc) =	sbr.rel $0x88, $3  }
0x1: {  	(tag) =	ssettag $0x0;
	lr =	simm.s32 $0x1  }
0x2: {  	[smem:$0x3F99] =	sst lr;
	_ =	strace $0xD0000000  }
0x3: {  	_ = 	snop  }
0x4: {  	_ = 	snop  }
0x5: {  	_ = 	snop  }
0x6: {  	_ = 	snop  }
0x7: {  	_ = 	snop  }
__scs_overlays_trampoline_lowered:
0x8: {  	[smem:$0x3FA8] =	sst s0  }
0x9: {  	[smem:$0x3FA9] =	sst s1  }
0xa: {  	[smem:$0x3FAA] =	sst s2  }
0xb: {  	[smem:$0x3FAB] =	sst s3  }
0xc: {  	[smem:$0x3FAC] =	sst s4  }
0xd: {  	[smem:$0x3FAD] =	sst s5  }
0xe: {  	[smem:$0x3FAE] =	sst s6  }
0xf: {  	[smem:$0x3FAF] =	sst s7  }
0x10: {  	[smem:$0x3FB0] =	sst s8  }
0x11: {  	[smem:$0x3FB1] =	sst s9;
	s0 =	simm.s32 @!p0 $0x0  }
0x12: {  	s1 =	sld [smem:$0x3F97];
	s0 =	simm.s32 @p0 $0x1  }
0x13: {  	[smem:$0x3FB2] =	sst s0;
	s0 =	simm.s32 @!p1 $0x0  }
0x14: {  	s2 =	sld [smem:$0x3F96];
	s0 =	simm.s32 @p1 $0x1  }
0x15: {  	[smem:$0x3FB3] =	sst s0;
	s0 =	simm.s32 @!p2 $0x0  }
0x16: {  	s3 =	sld [smem:$0x3FDB];
	s0 =	simm.s32 @p2 $0x1  }
0x17: {  	s4 =	simm.s32 $0x1BF5;
	[smem:$0x3FB5] =	sst s0  }
0x18: {  	s0 =	sld [smem:$0x3F98];
	_ =	swait.ge [sflag:s4], $0x0  }
0x19: {  	s7 =	sld [smem:$0x3F99]  }
0x1a: {  	s8 =	sadd.s32 $0xFFFFE003, lr  }
0x1b: {  	s9 =	sadd.s32 $0xFFFFFEF7, lr;
	s5 =	simm.s32 $0xFFFFFFFF;
	p2 =	slt.u32 s8, $0xFFFFF086  }
0x1c: {  	p1 =	slt.u32 s9, $0xF7A;
	s5 =	simm.s32 @!p2 $0x0  }
0x1d: {  	s5 =	simm.s32 @p1 $0x1;
	p0 =	seq.s32 s7, s2  }
0x1e: {  	s7 =	smul.u32 @!p0 $0xF7A, s2;
	p2 =	seq.s32 @!p0 s5, $0x0  }
0x1f: {  	s9 =	smul.u32 $0xF7A, s1;
	s8 =	simm.s32 @!p0 $0x1BF5;
	p2 =	por !p2, p0  }
0x20: {  	[sflag:s8] =	ssyncset.s32 @!p0 $0xFFFFF086;
	s6 =	sadd.s32 @!p0 s3, s7;
	s7 =	simm.s32 @!p0 $0x108  }
0x21: {  	s3 =	sadd.s32 s3, s9;
	s6 =	sadd.s32 @!p0 $0x88, s6;
	s7 =	simm.s32 @p2 $0x1082  }
0x22: {  	[simem:s7], [sflag:s8] =	dma.local @!p0 [hbm:s6], $0xF7A  }
0x23: {  	s9 =	sor.u32 $0xD0000000, s2;
	s6 =	simm.s32 $0x108;
	_ =	swait.ge @!p0 [sflag:s8], $0x0  }
0x24: {  	s3 =	sadd.s32 $0x88, s3;
	s6 =	simm.s32 @!p1 $0x1082;
	[sflag:s4] =	ssyncset.s32 $0xFFFFF086  }
0x25: {  	[simem:s6], [sflag:s4] =	dma.local [hbm:s3], $0xF7A  }
0x26: {  	[smem:$0x3F99] =	sst s1;
	(tag) =	ssettag s2;
	_ =	strace s9  }
0x27: {  	s1 =	sld [smem:$0x3FA9]  }
0x28: {  	s2 =	sld [smem:$0x3FAA]  }
0x29: {  	s4 =	sld [smem:$0x3FAC]  }
0x2a: {  	p0 =	seq.s32 s5, $0x0;
	s5 =	sld [smem:$0x3FAD]  }
0x2b: {  	s6 =	sld [smem:$0x3FAE]  }
0x2c: {  	s7 =	sld [smem:$0x3FAF]  }
0x2d: {  	s3 =	simm.s32 $0x108;
	s8 =	sld [smem:$0x3FB0]  }
0x2e: {  	s3 =	simm.s32 @!p0 $0x1082;
	s9 =	sld [smem:$0x3FB1]  }
0x2f: {  	lr =	sadd.s32 s0, s3;
	s0 =	sld [smem:$0x3FA8]  }
0x30: {  	s3 =	sld [smem:$0x3FAB]  }
0x31: {  	[smem:$0x3FB4] =	sst s10  }
0x32: {  	s10 =	sld [smem:$0x3FB2];
	_ =	sdelay $0x3  }
0x33: {  	p0 =	seq.s32 s10, $0x1;
	s10 =	sld [smem:$0x3FB4];
	_ =	sdelay $0x3  }
0x34: {  	[smem:$0x3FB4] =	sst s10  }
0x35: {  	s10 =	sld [smem:$0x3FB3];
	_ =	sdelay $0x3  }
0x36: {  	p1 =	seq.s32 s10, $0x1;
	s10 =	sld [smem:$0x3FB4];
	_ =	sdelay $0x3  }
0x37: {  	[smem:$0x3FB4] =	sst s10  }
0x38: {  	s10 =	sld [smem:$0x3FB5]  }
0x39: {  	_ = 	snop;
	(pc) =	sbr.ind lr, $3  }
0x3a: {  	_ = 	snop  }
0x3b: {  	_ = 	snop  }
0x3c: {  	p2 =	seq.s32 s10, $0x1;
	s10 =	sld [smem:$0x3FB4]  }
0x3d: {  	_ =	shalt  }
0x3e: {  	_ =	shalt  }
0x3f: {  	_ =	shalt  }
0x40: {  	_ =	shalt  }
0x41: {  	_ =	shalt  }
0x42: {  	_ =	shalt  }
0x43: {  	_ =	shalt  }
0x44: {  	_ =	shalt  }
0x45: {  	_ =	shalt  }
0x46: {  	_ =	shalt  }
0x47: {  	_ =	shalt  }
0x48: {  	_ =	shalt  }
0x49: {  	_ =	shalt  }
0x4a: {  	_ =	shalt  }
0x4b: {  	_ =	shalt  }
0x4c: {  	_ =	shalt  }
0x4d: {  	_ =	shalt  }
0x4e: {  	_ =	shalt  }
0x4f: {  	_ =	shalt  }
0x50: {  	_ =	shalt  }
0x51: {  	_ =	shalt  }
0x52: {  	_ =	shalt  }
0x53: {  	_ =	shalt  }
0x54: {  	_ =	shalt  }
0x55: {  	_ =	shalt  }
0x56: {  	_ =	shalt  }
0x57: {  	_ =	shalt  }
0x58: {  	_ =	shalt  }
0x59: {  	_ =	shalt  }
0x5a: {  	_ =	shalt  }
0x5b: {  	_ =	shalt  }
0x5c: {  	_ =	shalt  }
0x5d: {  	_ =	shalt  }
0x5e: {  	_ =	shalt  }
0x5f: {  	_ =	shalt  }
0x60: {  	_ =	shalt  }
0x61: {  	_ =	shalt  }
0x62: {  	_ =	shalt  }
0x63: {  	_ =	shalt  }
0x64: {  	_ =	shalt  }
0x65: {  	_ =	shalt  }
0x66: {  	_ =	shalt  }
0x67: {  	_ =	shalt  }
0x68: {  	_ =	shalt  }
0x69: {  	_ =	shalt  }
0x6a: {  	_ =	shalt  }
0x6b: {  	_ =	shalt  }
0x6c: {  	_ =	shalt  }
0x6d: {  	_ =	shalt  }
0x6e: {  	_ =	shalt  }
0x6f: {  	_ =	shalt  }
0x70: {  	_ =	shalt  }
0x71: {  	_ =	shalt  }
0x72: {  	_ =	shalt  }
0x73: {  	_ =	shalt  }
0x74: {  	_ =	shalt  }
0x75: {  	_ =	shalt  }
0x76: {  	_ =	shalt  }
0x77: {  	_ =	shalt  }
0x78: {  	_ =	shalt  }
0x79: {  	_ =	shalt  }
0x7a: {  	_ =	shalt  }
0x7b: {  	_ =	shalt  }
0x7c: {  	_ =	shalt  }
0x7d: {  	_ =	shalt  }
0x7e: {  	_ =	shalt  }
0x7f: {  	_ =	shalt  }
0x80: {  	_ =	shalt  }
0x81: {  	_ =	shalt  }
0x82: {  	_ =	shalt  }
0x83: {  	_ =	shalt  }
0x84: {  	_ =	shalt  }
0x85: {  	_ =	shalt  }
0x86: {  	_ =	shalt  }
0x87: {  	_ =	shalt  }
.Lfunc_end0:
.L_simem_size_0:
called_computation_lowered:
.L_overlay_start_0:
0x88: {  	s2 =	sld [smem:$0x3FD9]  }
0x89: {  	s3 =	sld [smem:$0x3FFE];
	_ =	sdelay $0x1  }
0x8a: {  	s1 =	srdreg.scid  }
0x8b: {  	s0 =	sand.u32 $0x1, s1  }
0x8c: {  	s16 =	sshll.u32 s0, $0xA;
	s2 =	sadd.s32 s3, s2  }
0x8d: {  	s2 =	sadd.s32 s2, s16  }
0x8e: {  	[smem:$0x3FC0] =	sst s2  }
0x8f: {  	_ = 	snop  }
0x90: {  	(tm) =	ssettm $0x1  }
0x91: {  	s17 =	sld [smem:$0x3FFB];
	_ =	sdelay $0x3  }
0x92: {  	_ =	strace s17  }
0x93: {  	s2 =	sld [smem:$0x3FFC];
	_ =	sdelay $0x3  }
0x94: {  	_ =	strace s2  }
0x95: {  	s2 =	sld [smem:$0x3FFD];
	_ =	sdelay $0x3  }
0x96: {  	_ =	strace s2  }
0x97: {  	_ =	strace $0x8FFFFFFF  }
0x98: {  	s18 =	sld [smem:$0x3FDB];
	_ =	sdelay $0x1  }
0x99: {  	s19 =	simm.s32 $_scs_section_size  }
0x9a: {  	s4 =	simm.s32 $_size__tile_overlayer_lowered;
	s5 =	simm.s32 $_tile_overlayer_lowered  }
0x9b: {  	s22 =	simm.s32 $0x1BFF;
	s21 =	sshll.u32 s5, $0x1;
	s2 =	sadd.s32 s19, s18  }
0x9c: {  	s6 =	simm.s32 $0x0;
	s20 =	sshll.u32 s4, $0x1;
	s4 =	sadd.s32 s21, s2  }
0x9d: {  	[timem:s6], [sflag:s22] =	dma.local [hbm:s4], s20  }
0x9e: {  	_ =	swait.ge [sflag:s22], s20  }
0x9f: {  	s3 =	ssub.s32 $0x0, s20;
	[sflag:s22] =	ssyncset.done $0x0  }
0xa0: {  	[sflag:s22] =	ssyncadd.s32 s3;
	_ =	sdelay $0x1  }
0xa1: {  	s23 =	simm.s32 $0x1B8B  }
0xa2: {  	_ =	swait.ge [sflag:s23], $0x1  }
0xa3: {  	[sflag:s23] =	ssyncset.done $0x0  }
0xa4: {  	s25 =	simm.s32 $0x1B8E;
	s24 =	sld [smem:$0x3FFE];
	[sflag:s23] =	ssyncadd.s32 $0xFFFFFFFF  }
0xa5: {  	s26 =	simm.s32 $execute0_lowered;
	[smem:$0x3FD2] =	sst s25  }
0xa6: {  	s4 =	sshll.u32 s26, $0x1;
	_ =	strace $0x80000046;
	[dreg:$0x1] =	wrdreg $0xFFFFFFFF  }
0xa7: {  	s28 =	simm.s32 $_size_execute0_lowered;
	s2 =	sadd.s32 s2, s4;
	[dreg:$0x0] =	wrdreg $0x0  }
0xa8: {  	s4 =	sshll.u32 s28, $0x1;
	[dreg:$0x2] =	wrdreg s2  }
0xa9: {  	[dreg:$0x3] =	wrdreg s4  }
0xaa: {  	[dreg:$0x4] =	wrdreg $0xC0  }
0xab: {  	_ =	task [dreg:s6], $0x5FFFF  }
0xac: {  	[dreg:$0x1] =	wrdreg $0xFFFFFFFF  }
0xad: {  	[dreg:$0x0] =	wrdreg $0x60  }
0xae: {  	[dreg:$0x2] =	wrdreg s24  }
0xaf: {  	[dreg:$0x3] =	wrdreg $0xA1000  }
0xb0: {  	[dreg:$0x4] =	wrdreg $0x9  }
0xb1: {  	_ =	task.clear_ibuf [dreg:s6], $0x5FFFF;
	_ =	strace $0x90000046  }
0xb2: {  	s29 =	simm.s32 $0x9;
	_ =	strace $0x80000048  }
0xb3: {  	_ =	swait.ge [sflag:s29], $0x1  }
0xb4: {  	[sflag:s29] =	ssyncadd.s32 $0xFFFFFFFF  }
0xb5: {  	_ =	strace $0x90000048  }
0xb6: {  	_ =	sfence  }
0xb7: {  	s30 =	sld [smem:$0x0];
	_ =	sdelay $0x2  }
0xb8: {  	s31 =	sshll.u32 s1, $0xD;
	s1 =	sshrl.u32 s1, $0x2  }
0xb9: {  	s3 =	sand.u32 $0x4000, s31;
	s1 =	sadd.s32 s1, s30  }
0xba: {  	s0 =	sor.u32 s3, s0;
	s1 =	sshll.u32 s1, $0x11  }
0xbb: {  	s0 =	sor.u32 s1, s0  }
0xbc: {  	s0 =	sadd.s32 $0x8F2B, s0  }
0xbd: {  	[sflag:s0] =	ssyncadd.remote.s32 $0x1  }
0xbe: {  	_ =	sfence.sel $0xFFFF  }
0xbf: {  	[dreg:$0x0] =	wrdreg $0xFFFFFFFF;
	(pc) =	sbr.abs _section_cstart, $3  }
0xc0: {  	[dreg:$0x1] =	wrdreg $0xFFFFFFFF  }
0xc1: {  	_ =	task.clear_ibuf [dreg:s6], $0x2FFFF;
	_ =	strace $0x9FFFFFFF  }
0xc2: {  	(tm) =	ssettm $0x7FFFFFFF  }
0xc3: {  	_ =	shalt  }
tec
execute0_lowered:
.L_overlay_start_1:
0x0: {  	(tag) =	ssettag $0x1  }
0x1: {  	s1 =	srdreg.scid;
	s6 =	rddreg [dreg:$0x0]  }
0x2: {  	s0 =	stileid.u32;
	s7 =	rddreg [dreg:$0x1];
	s13 =	simm.s32 $0x1400  }
0x3: {  	s14 =	simm.s32 $0x14000;
	s15 =	simm.s32 $0x7680;
	s9 =	smul.u32 $0x500, s0  }
0x4: {  	s16 =	simm.s32 $0x100;
	s4 =	sand.u32 $0x1, s1;
	s29 =	smul.u32 $0x5000, s0  }
0x5: {  	s17 =	simm.s32 $0x9E80;
	s5 =	sshrl.u32 s0, $0x3;
	s1 =	smul.u32 $0x4E800, s4  }
0x6: {  	s18 =	simm.s32 $0x0;
	s3 =	sshll.u32 s0, $0x7;
	s2 =	smul.u32 $0x27400, s5  }
0x7: {  	s8 =	sand.u32 $0x380, s3;
	s11 =	sshll.u32 s4, $0x7;
	s4 =	ssub.s32 $0x2, s4  }
0x8: {  	s5 =	smul.u32 $0x50000, s5;
	s9 =	sor.u32 s11, s9;
	s30 =	sshrl.u32 s4, $0x1  }
0x9: {  	s31 =	sshrl.u32 s29, $0x2;
	s11 =	simm.s32 $0x80;
	s28 =	sadd.s32 s1, s2  }
0xa: {  	s1 =	rddreg [dreg:$0x2];
	s2 =	simm.s32 $0x0;
	s9 =	sshrl.u32 s9, $0x3  }
0xb: {  	s5 =	sshrl.u32 s5, $0x2;
	s12 =	ssub.s32 s4, s30;
	s3 =	sor.u32 s8, s28  }
0xc: {  	[smem:$0x7FF] =	sst s2;
	s9 =	sadd.s32 s9, s6;
	s5 =	sadd.s32 s5, s7  }
0xd: {  	s3 =	sshrl.u32 s3, $0x3;
	_ =	strace $0x80000047;
	s5 =	sadd.s32 s8, s5  }
0xe: {  	s8 =	smax.u32 s12, $0x1;
	s12 =	simm.s32 $0x400;
	s10 =	sadd.s32 s3, s6  }
0xf: {  	s3 =	sadd.s32 $0x15E00, s6;
	s6 =	sadd.s32 s31, s7;
	s7 =	sadd.s32 $0x16400, s9  }
0x10: {  	v0 =	vimm.f32 $1.000000000e+00;
	s9 =	simm.s32 $0x4E80;
	s4 =	sadd.s32 $0x2400, s10;
	s10 =	simm.s32 $0x1  }
.LBB2_1:
0x11: {  	[tilespmem:s9], [sflag:$0x1] =	stream.linear.gather [hbm4b:s3+s2], $0x2800, $0x38;
	[tilespmem:$0xC900] =	vst v63  }
0x12: {  	_ =	swait.ge [sflag:s10], $0x2800  }
0x13: {  	[sflag:s10] =	ssyncset.done $0x0  }
0x14: {  	[sflag:s10] =	ssyncadd.s32 $0xFFFFD800  }
0x15: {  	[tilespmem:s2], [sflag:$0x1] =	stream.strided.gather [hbm4b:s4+s11], $0x4E80, s12, s11, $0x38;
	[tilespmem:$0xC900] =	vst v63  }
0x16: {  	_ =	swait.ge [sflag:s10], $0x4E80  }
0x17: {  	[sflag:s10] =	ssyncset.done $0x0  }
0x18: {  	s20 =	simm.s32 $0x0;
	s19 =	simm.s32 $0x40;
	[sflag:s10] =	ssyncadd.s32 $0xFFFFB180  }
.LBB2_2:
0x19: {  	p0 =	sne.s32 s19, $0x13840;
	v1 =	vld [tilespmem:s20+$0x0];
	_ =	sdelay $0x3  }
.Ltmp0:
0x1a: {  	(pc) =	sbr.rel @p0 .LBB2_2-.Ltmp0, $2  }
0x1b: {  	_ =	sdelay $0x2  }
0x1c: {  	s20 =	sshra.s32 s19, $0x2;
	s19 =	sadd.s32 $0x40, s19;
	[tilespmem:v1+s9+$0x0] =	vst.idx.add.f32.msk $0xffff, v0  }
0x1d: {  	v1 =	vld [tilespmem:s20+$0x0];
	_ =	sdelay $0x7  }
0x1e: {  	[tilespmem:v1+s9+$0x0] =	vst.idx.add.f32.msk $0xffff, v0  }
0x1f: {  	[spmem:s5] =	stream.strided.scatter [tilespmem:s9], [sflag:$0x1], $0x2800, s12, s11, $0x38;
	[tilespmem:$0xC900] =	vst v63  }
0x20: {  	_ =	swait.ge [sflag:s10], $0x2800  }
0x21: {  	[sflag:s10] =	ssyncset.done $0x0  }
0x22: {  	[sflag:s10] =	ssyncadd.s32 $0xFFFFD800  }
0x23: {  	[bflag:$0x0] =	sbarrier.arrive $0xFFFF  }
0x24: {  	[tilespmem:s15], [sflag:$0x1] =	stream.strided.gather [spmem:s6], $0x2800, s14, s13, $0x38;
	[tilespmem:$0xC900] =	vst v63  }
0x25: {  	s19 =	simm.s32 $0x0;
	_ =	swait.ge [sflag:s10], $0x2800  }
0x26: {  	s31 =	sand.u32 $0x70, s19;
	s19 =	sand.u32 $0x1C00, s19;
	[sflag:s10] =	ssyncset.done $0x0  }
0x27: {  	s19 =	sor.u32 s31, s19;
	[sflag:s10] =	ssyncadd.s32 $0xFFFFD800  }
0x28: {  	v1 =	vld [tilespmem:s19+$0x7680];
	_ =	sdelay $0x1  }
0x29: {  	v2 =	vld [tilespmem:s19+$0x7700];
	_ =	sdelay $0x1  }
0x2a: {  	v3 =	vld [tilespmem:s19+$0x7780]  }
0x2b: {  	v1 =	vadd.f32 $0.0e+00, v1  }
0x2c: {  	v4 =	vld [tilespmem:s19+$0x7800]  }
0x2d: {  	v1 =	vadd.f32 v2, v1  }
0x2e: {  	v2 =	vld [tilespmem:s19+$0x7880]  }
0x2f: {  	v1 =	vadd.f32 v3, v1  }
0x30: {  	v3 =	vld [tilespmem:s19+$0x7900]  }
0x31: {  	v1 =	vadd.f32 v4, v1  }
0x32: {  	v60 =	vld [tilespmem:s19+$0x7980]  }
0x33: {  	v1 =	vadd.f32 v2, v1  }
0x34: {  	v2 =	vld [tilespmem:s19+$0x7A00]  }
0x35: {  	v1 =	vadd.f32 v3, v1  }
0x36: {  	v3 =	vld [tilespmem:s19+$0x8A80]  }
0x37: {  	v1 =	vadd.f32 v60, v1  }
0x38: {  	v61 =	vld [tilespmem:s19+$0x8B00]  }
0x39: {  	v1 =	vadd.f32 v2, v1  }
0x3a: {  	v2 =	vld [tilespmem:s19+$0x8B80]  }
0x3b: {  	v1 =	vadd.f32 v3, v1  }
0x3c: {  	v3 =	vld [tilespmem:s19+$0x8C00]  }
0x3d: {  	v1 =	vadd.f32 v61, v1  }
0x3e: {  	v62 =	vld [tilespmem:s19+$0x8C80]  }
0x3f: {  	v1 =	vadd.f32 v2, v1  }
0x40: {  	v2 =	vld [tilespmem:s19+$0x8D00]  }
0x41: {  	v1 =	vadd.f32 v3, v1  }
0x42: {  	v3 =	vld [tilespmem:s19+$0x8D80]  }
0x43: {  	v1 =	vadd.f32 v62, v1  }
0x44: {  	v63 =	vld [tilespmem:s19+$0x8E00]  }
0x45: {  	v1 =	vadd.f32 v2, v1;
	_ =	sdelay $0x1  }
0x46: {  	v1 =	vadd.f32 v3, v1  }
0x47: {  	s21 =	simm.s32 $0x10  }
0x48: {  	s20 =	simm.s32 $0x80;
	s22 =	sand.u32 $0x70, s21;
	v1 =	vadd.f32 v63, v1  }
0x49: {  	s23 =	sand.u32 $0x1C00, s20;
	s21 =	simm.s32 $0x20;
	s19 =	simm.s32 $0x9E80  }
.LBB2_4:
0x4a: {  	p0 =	sne.s32 s21, $0x270;
	s22 =	sor.u32 s22, s23;
	[tilespmem:s19+$0x0] =	vst v1  }
0x4b: {  	v1 =	vld [tilespmem:s22+$0x7680];
	_ =	sdelay $0x1  }
0x4c: {  	v2 =	vld [tilespmem:s22+$0x7700];
	_ =	sdelay $0x1  }
0x4d: {  	v3 =	vld [tilespmem:s22+$0x7780]  }
0x4e: {  	v1 =	vadd.f32 $0.0e+00, v1  }
0x4f: {  	v4 =	vld [tilespmem:s22+$0x7800]  }
0x50: {  	v1 =	vadd.f32 v2, v1  }
0x51: {  	v2 =	vld [tilespmem:s22+$0x7880]  }
0x52: {  	v1 =	vadd.f32 v3, v1  }
0x53: {  	v3 =	vld [tilespmem:s22+$0x7900]  }
0x54: {  	v1 =	vadd.f32 v4, v1  }
0x55: {  	v4 =	vld [tilespmem:s22+$0x7980]  }
0x56: {  	v1 =	vadd.f32 v2, v1  }
0x57: {  	v2 =	vld [tilespmem:s22+$0x7A00]  }
0x58: {  	v1 =	vadd.f32 v3, v1  }
0x59: {  	v3 =	vld [tilespmem:s22+$0x8A80]  }
0x5a: {  	v1 =	vadd.f32 v4, v1  }
0x5b: {  	v4 =	vld [tilespmem:s22+$0x8B00]  }
0x5c: {  	v1 =	vadd.f32 v2, v1  }
0x5d: {  	v2 =	vld [tilespmem:s22+$0x8B80]  }
0x5e: {  	v1 =	vadd.f32 v3, v1  }
0x5f: {  	v3 =	vld [tilespmem:s22+$0x8C00]  }
0x60: {  	v1 =	vadd.f32 v4, v1  }
0x61: {  	v4 =	vld [tilespmem:s22+$0x8C80]  }
0x62: {  	v1 =	vadd.f32 v2, v1  }
0x63: {  	v2 =	vld [tilespmem:s22+$0x8D00]  }
0x64: {  	v1 =	vadd.f32 v3, v1  }
0x65: {  	v3 =	vld [tilespmem:s22+$0x8D80]  }
0x66: {  	v1 =	vadd.f32 v4, v1  }
0x67: {  	v4 =	vld [tilespmem:s22+$0x8E00]  }
0x68: {  	v1 =	vadd.f32 v2, v1  }
.Ltmp1:
0x69: {  	(pc) =	sbr.rel @p0 .LBB2_4-.Ltmp1, $3  }
0x6a: {  	v1 =	vadd.f32 v3, v1;
	_ =	sdelay $0x1  }
0x6b: {  	s20 =	sadd.s32 $0x80, s20;
	s19 =	sadd.s32 $0x10, s19;
	v1 =	vadd.f32 v4, v1  }
0x6c: {  	s23 =	sand.u32 $0x1C00, s20;
	s22 =	sand.u32 $0x70, s21;
	s21 =	sadd.s32 $0x10, s21  }
0x6d: {  	s20 =	sor.u32 s22, s23;
	[tilespmem:s19+$0x0] =	vst v1  }
0x6e: {  	v1 =	vld [tilespmem:s20+$0x7680];
	_ =	sdelay $0x1  }
0x6f: {  	v2 =	vld [tilespmem:s20+$0x7700];
	_ =	sdelay $0x1  }
0x70: {  	v3 =	vld [tilespmem:s20+$0x7780]  }
0x71: {  	v1 =	vadd.f32 $0.0e+00, v1  }
0x72: {  	v4 =	vld [tilespmem:s20+$0x7800]  }
0x73: {  	v1 =	vadd.f32 v2, v1  }
0x74: {  	v2 =	vld [tilespmem:s20+$0x7880]  }
0x75: {  	v1 =	vadd.f32 v3, v1  }
0x76: {  	v3 =	vld [tilespmem:s20+$0x7900]  }
0x77: {  	v1 =	vadd.f32 v4, v1  }
0x78: {  	v60 =	vld [tilespmem:s20+$0x7980]  }
0x79: {  	v1 =	vadd.f32 v2, v1  }
0x7a: {  	v2 =	vld [tilespmem:s20+$0x7A00]  }
0x7b: {  	v1 =	vadd.f32 v3, v1  }
0x7c: {  	v3 =	vld [tilespmem:s20+$0x8A80]  }
0x7d: {  	v1 =	vadd.f32 v60, v1  }
0x7e: {  	v61 =	vld [tilespmem:s20+$0x8B00]  }
0x7f: {  	v1 =	vadd.f32 v2, v1  }
0x80: {  	v2 =	vld [tilespmem:s20+$0x8B80]  }
0x81: {  	v1 =	vadd.f32 v3, v1  }
0x82: {  	v3 =	vld [tilespmem:s20+$0x8C00]  }
0x83: {  	v1 =	vadd.f32 v61, v1  }
0x84: {  	v62 =	vld [tilespmem:s20+$0x8C80]  }
0x85: {  	v1 =	vadd.f32 v2, v1  }
0x86: {  	v2 =	vld [tilespmem:s20+$0x8D00]  }
0x87: {  	v1 =	vadd.f32 v3, v1  }
0x88: {  	v3 =	vld [tilespmem:s20+$0x8D80]  }
0x89: {  	v1 =	vadd.f32 v62, v1  }
0x8a: {  	v63 =	vld [tilespmem:s20+$0x8E00]  }
0x8b: {  	v1 =	vadd.f32 v2, v1;
	_ =	sdelay $0x1  }
0x8c: {  	v1 =	vadd.f32 v3, v1;
	_ =	sdelay $0x1  }
0x8d: {  	s18 =	sadd.s32 $0x1, s18;
	v1 =	vadd.f32 v63, v1  }
0x8e: {  	s31 =	sadd.s32 $0x10, s19;
	p0 =	sne.s32 s18, s8  }
.Ltmp2:
0x8f: {  	[tilespmem:s31+$0x0] =	vst v1;
	(pc) =	sbr.rel @p0 .LBB2_1-.Ltmp2, $4  }
0x90: {  	[hbm4b:s7+s11] =	stream.strided.scatter [tilespmem:s17], [sflag:$0x1], $0x280, s16, s11, $0x38;
	[tilespmem:$0xC900] =	vst v63  }
0x91: {  	_ =	swait.ge [sflag:s10], $0x280  }
0x92: {  	[sflag:s10] =	ssyncset.done $0x0  }
0x93: {  	[sflag:s10] =	ssyncadd.s32 $0xFFFFFD80  }
0x94: {  	_ =	sfence.sel $0x180000  }
0x95: {  	[bflag:$0x0] =	sbarrier.arrive $0xFFFF  }
0x96: {  	p0 =	sne.s32 s0, $0x0;
	_ =	strace $0x90000047  }
0x97: {  	s0 =	sadd.s32 @!p0 $0x100000, s1;
	[bflag:$0x2] =	sbarrier.arrive $0xFFFF  }
0x98: {  	[sflag:s0] =	ssyncadd.tile.s32 @!p0 $0x1;
	_ =	shalt  }
.Lfunc_end2:
_tile_overlayer_lowered:
.L_overlay_start_2:
0x99: {  	(tag) =	ssettag $0x2  }
0x9a: {  	s0 =	rddreg [dreg:$0x0];
	s2 =	stileid.u32  }
0x9b: {  	s1 =	rddreg [dreg:$0x1];
	p0 =	sne.s32 s2, $0x0  }
0x9c: {  	s3 =	rddreg [dreg:$0x2];
	[bflag:$0x3] =	sbarrier.arrive $0xFFFF;
	s2 =	simm.s32 @!p0 $0x1C01  }
0x9d: {  	[timem:s3], [sflag:s2] =	dma.local @!p0 [hbm:s0], s1  }
0x9e: {  	s0 =	simm.s32 @!p0 $0x1  }
0x9f: {  	_ =	swait.ge @!p0 [sflag:s0], s1  }
0xa0: {  	s1 =	ssub.s32 @!p0 $0x0, s1;
	[sflag:s0] =	ssyncset.done @!p0 $0x0  }
0xa1: {  	[sflag:s0] =	ssyncadd.s32 @!p0 s1  }
0xa2: {  	[bflag:$0x3] =	sbarrier.arrive $0xFFFF  }
0xa3: {  	_ =	shalt  }

</sc_bundles>
